<compile_context>
chip_gen: v7x
topology: tpu7x:2x2x1
jax: 0.10.2.dev20260603
libtpu: 0.0.44.dev20260713+nightly
codegen_flags: <defaults>
</compile_context>

<pallas_src>
import functools

import jax
import jax.numpy as jnp
from jax import lax
from jax.experimental import pallas as pl
from jax.experimental.pallas import tpu as pltpu
from jax.experimental.pallas import tpu_sc as plsc

N = 100000
E = 1600000
NG = 512
DH = 32
HALF = 16
CH = 128
E_CHUNKS = E // CH
N_CHUNKS = N // CH
N_TAIL = N - N_CHUNKS * CH
ROWCH = 400
NRC = N // ROWCH
NT = 16
NSC = 2
NW = NT * NSC

_mesh = functools.partial(
    plsc.VectorSubcoreMesh, core_axis_name="c", subcore_axis_name="s")
_sc_params = pltpu.CompilerParams(use_tc_tiling_on_sc=False)


def _tile_row_loop(s, fn):
    count = (NRC - 1 - s) // NT + 1

    def body(i, _):
        fn((s + i * NT) * ROWCH)
        return 0

    lax.fori_loop(0, count, body, 0)


def _sc_degree(dst, zeros_n, ones_c):
    out_t = jax.ShapeDtypeStruct((N,), jnp.float32)

    @functools.partial(
        pl.kernel,
        out_type=(out_t, out_t),
        mesh=_mesh(),
        compiler_params=_sc_params,
        scratch_types=[
            pltpu.VMEM((IB * CH,), jnp.int32),
            pltpu.VMEM((IB * CH,), jnp.float32),
            pltpu.VMEM((ROWCH,), jnp.float32),
            pltpu.VMEM_SHARED((N,), jnp.float32),
            pltpu.SemaphoreType.DMA,
        ],
    )
    def k(dst_hbm, zn_hbm, ones_hbm, o0_hbm, o1_hbm, idx_v, ones_v, z_v, acc, sem):
        c = lax.axis_index("c")
        s = lax.axis_index("s")
        w = s * NSC + c
        pltpu.sync_copy(ones_hbm, ones_v)
        pltpu.sync_copy(zn_hbm.at[pl.ds(0, ROWCH)], z_v)
        _tile_row_loop(
            s, lambda off: pltpu.sync_copy(z_v, acc.at[pl.ds(off, ROWCH)]))
        plsc.subcore_barrier()

        count = (N_SUPER - 1 - w) // NW + 1

        def body(i, _):
            u = w + i * NW
            pltpu.sync_copy(dst_hbm.at[u], idx_v)
            pltpu.sync_copy(ones_v, acc.at[idx_v], add=True)
            return 0

        lax.fori_loop(0, count, body, 0)
        plsc.subcore_barrier()

        def wb(o_hbm):
            def cp(off):
                pltpu.sync_copy(acc.at[pl.ds(off, ROWCH)], z_v)
                pltpu.sync_copy(z_v, o_hbm.at[pl.ds(off, ROWCH)])
            _tile_row_loop(s, cp)

        @pl.when(c == 0)
        def _():
            wb(o0_hbm)

        @pl.when(c == 1)
        def _():
            wb(o1_hbm)

    return k(dst, zeros_n, ones_c)


IB = 10
N_SUPER = E_CHUNKS // IB


def _sc_edge_pass(g0, g1, esup):
    out_t = jax.ShapeDtypeStruct((N, HALF), jnp.float32)

    @functools.partial(
        pl.kernel,
        out_type=(out_t, out_t),
        mesh=_mesh(),
        compiler_params=_sc_params,
        scratch_types=[
            pltpu.VMEM((2, IB * CH), jnp.int32),
            pltpu.VMEM((IB * CH, HALF), jnp.float32),
            pltpu.VMEM((ROWCH, HALF), jnp.float32),
            pltpu.VMEM_SHARED((N, HALF), jnp.float32),
            pltpu.SemaphoreType.DMA,
        ],
    )
    def k(g0_hbm, g1_hbm, esup_hbm, o0_hbm, o1_hbm,
          ebuf, rows3, stage, acc, sem):
        c = lax.axis_index("c")
        s = lax.axis_index("s")

        def init(g_hbm):
            def cp(off):
                pltpu.sync_copy(g_hbm.at[pl.ds(off, ROWCH)], stage)
                pltpu.sync_copy(stage, acc.at[pl.ds(off, ROWCH)])
            _tile_row_loop(s, cp)

        @pl.when(c == 0)
        def _():
            init(g0_hbm)

        @pl.when(c == 1)
        def _():
            init(g1_hbm)

        plsc.subcore_barrier()

        count = (N_SUPER - 1 - s) // NT + 1

        def loop(g_hbm):
            def body(i, _):
                u = s + i * NT
                pltpu.sync_copy(esup_hbm.at[u], ebuf)
                pltpu.async_copy(g_hbm.at[ebuf.at[0]], rows3, sem).wait()
                pltpu.sync_copy(rows3, acc.at[ebuf.at[1]], add=True)
                return 0
            lax.fori_loop(0, count, body, 0)

        @pl.when(c == 0)
        def _():
            loop(g0_hbm)

        @pl.when(c == 1)
        def _():
            loop(g1_hbm)

        plsc.subcore_barrier()

        def wb(o_hbm):
            def cp(off):
                pltpu.sync_copy(acc.at[pl.ds(off, ROWCH)], stage)
                pltpu.sync_copy(stage, o_hbm.at[pl.ds(off, ROWCH)])
            _tile_row_loop(s, cp)

        @pl.when(c == 0)
        def _():
            wb(o0_hbm)

        @pl.when(c == 1)
        def _():
            wb(o1_hbm)

    return k(g0, g1, esup)


def _sc_pool(h3, batch, zeros_g, zeros_ng, ones_c):
    @functools.partial(
        pl.kernel,
        out_type=(jax.ShapeDtypeStruct((NG, DH), jnp.float32),
                  jax.ShapeDtypeStruct((NG, DH), jnp.float32),
                  jax.ShapeDtypeStruct((NG,), jnp.float32),
                  jax.ShapeDtypeStruct((NG,), jnp.float32)),
        mesh=_mesh(),
        compiler_params=_sc_params,
        scratch_types=[
            pltpu.VMEM((CH,), jnp.int32),
            pltpu.VMEM((CH, DH), jnp.float32),
            pltpu.VMEM((CH,), jnp.float32),
            pltpu.VMEM((N_TAIL,), jnp.int32),
            pltpu.VMEM((N_TAIL, DH), jnp.float32),
            pltpu.VMEM((N_TAIL,), jnp.float32),
            pltpu.VMEM((NG, DH), jnp.float32),
            pltpu.VMEM((NG,), jnp.float32),
            pltpu.VMEM_SHARED((NG, DH), jnp.float32),
            pltpu.VMEM_SHARED((NG,), jnp.float32),
            pltpu.SemaphoreType.DMA,
        ],
    )
    def k(h_hbm, b_hbm, zg_hbm, zng_hbm, ones_hbm,
          os0_hbm, os1_hbm, oc0_hbm, oc1_hbm,
          bidx, rows, ones_v, bidx_t, rows_t, ones_t, zg_v, zng_v,
          accs, accc, sem):
        c = lax.axis_index("c")
        s = lax.axis_index("s")
        w = s * NSC + c
        pltpu.sync_copy(ones_hbm, ones_v)
        pltpu.sync_copy(ones_hbm.at[pl.ds(0, N_TAIL)], ones_t)

        @pl.when(s == 0)
        def _():
            pltpu.sync_copy(zg_hbm, zg_v)
            pltpu.sync_copy(zng_hbm, zng_v)
            pltpu.sync_copy(zg_v, accs)
            pltpu.sync_copy(zng_v, accc)

        plsc.subcore_barrier()

        count = (N_CHUNKS - 1 - w) // NW + 1

        def body(i, _):
            j = w + i * NW
            pltpu.sync_copy(b_hbm.at[pl.ds(j * CH, CH)], bidx)
            pltpu.sync_copy(h_hbm.at[pl.ds(j * CH, CH)], rows)
            pltpu.sync_copy(rows, accs.at[bidx], add=True)
            pltpu.sync_copy(ones_v, accc.at[bidx], add=True)
            return 0

        lax.fori_loop(0, count, body, 0)

        @pl.when(w == 0)
        def _():
            t0 = N_CHUNKS * CH
            pltpu.sync_copy(b_hbm.at[pl.ds(t0, N_TAIL)], bidx_t)
            pltpu.sync_copy(h_hbm.at[pl.ds(t0, N_TAIL)], rows_t)
            pltpu.sync_copy(rows_t, accs.at[bidx_t], add=True)
            pltpu.sync_copy(ones_t, accc.at[bidx_t], add=True)

        plsc.subcore_barrier()

        @pl.when(s == 0)
        def _():
            pltpu.sync_copy(accs, zg_v)
            pltpu.sync_copy(accc, zng_v)

        @pl.when((s == 0) & (c == 0))
        def _():
            pltpu.sync_copy(zg_v, os0_hbm)
            pltpu.sync_copy(zng_v, oc0_hbm)

        @pl.when((s == 0) & (c == 1))
        def _():
            pltpu.sync_copy(zg_v, os1_hbm)
            pltpu.sync_copy(zng_v, oc1_hbm)

    return k(h3, batch, zeros_g, zeros_ng, ones_c)


_TCR = 2000


def _tc_pre(x, p0, p1, W1):
    def body(x_ref, p0_ref, p1_ref, w_ref, dv_ref, g0_ref, g1_ref):
        deg = p0_ref[...] + p1_ref[...] + 1.0
        dv = lax.rsqrt(deg)
        h = jnp.dot(x_ref[...], w_ref[...], preferred_element_type=jnp.float32)
        g = h * dv
        dv_ref[...] = dv
        g0_ref[...] = g[:, :HALF]
        g1_ref[...] = g[:, HALF:]

    return pl.pallas_call(
        body,
        grid=(N // _TCR,),
        in_specs=[
            pl.BlockSpec((_TCR, 6), lambda i: (i, 0)),
            pl.BlockSpec((_TCR, 1), lambda i: (i, 0)),
            pl.BlockSpec((_TCR, 1), lambda i: (i, 0)),
            pl.BlockSpec((6, DH), lambda i: (0, 0)),
        ],
        out_specs=[
            pl.BlockSpec((_TCR, 1), lambda i: (i, 0)),
            pl.BlockSpec((_TCR, HALF), lambda i: (i, 0)),
            pl.BlockSpec((_TCR, HALF), lambda i: (i, 0)),
        ],
        out_shape=[
            jax.ShapeDtypeStruct((N, 1), jnp.float32),
            jax.ShapeDtypeStruct((N, HALF), jnp.float32),
            jax.ShapeDtypeStruct((N, HALF), jnp.float32),
        ],
    )(x, p0, p1, W1)


def _tc_mid(s0, s1, dv, W, bias):
    def body(s0_ref, s1_ref, dv_ref, w_ref, b_ref, g0_ref, g1_ref):
        dvb = dv_ref[...]
        h = jnp.concatenate([s0_ref[...], s1_ref[...]], axis=1) * dvb + b_ref[...]
        h = jnp.maximum(h, 0.0)
        g = jnp.dot(h, w_ref[...], preferred_element_type=jnp.float32) * dvb
        g0_ref[...] = g[:, :HALF]
        g1_ref[...] = g[:, HALF:]

    return pl.pallas_call(
        body,
        grid=(N // _TCR,),
        in_specs=[
            pl.BlockSpec((_TCR, HALF), lambda i: (i, 0)),
            pl.BlockSpec((_TCR, HALF), lambda i: (i, 0)),
            pl.BlockSpec((_TCR, 1), lambda i: (i, 0)),
            pl.BlockSpec((DH, DH), lambda i: (0, 0)),
            pl.BlockSpec((1, DH), lambda i: (0, 0)),
        ],
        out_specs=[
            pl.BlockSpec((_TCR, HALF), lambda i: (i, 0)),
            pl.BlockSpec((_TCR, HALF), lambda i: (i, 0)),
        ],
        out_shape=[
            jax.ShapeDtypeStruct((N, HALF), jnp.float32),
            jax.ShapeDtypeStruct((N, HALF), jnp.float32),
        ],
    )(s0, s1, dv, W, bias)


def _tc_fin(s0, s1, dv, bias):
    def body(s0_ref, s1_ref, dv_ref, b_ref, h_ref):
        h_ref[...] = (jnp.concatenate([s0_ref[...], s1_ref[...]], axis=1)
                      * dv_ref[...] + b_ref[...])

    return pl.pallas_call(
        body,
        grid=(N // _TCR,),
        in_specs=[
            pl.BlockSpec((_TCR, HALF), lambda i: (i, 0)),
            pl.BlockSpec((_TCR, HALF), lambda i: (i, 0)),
            pl.BlockSpec((_TCR, 1), lambda i: (i, 0)),
            pl.BlockSpec((1, DH), lambda i: (0, 0)),
        ],
        out_specs=pl.BlockSpec((_TCR, DH), lambda i: (i, 0)),
        out_shape=jax.ShapeDtypeStruct((N, DH), jnp.float32),
    )(s0, s1, dv, bias)


def kernel(x, edge_index, batch, W1, b1, W2, b2, W3, b3):
    src = edge_index[0]
    dst = edge_index[1]
    src2d = src.reshape(E_CHUNKS, CH)
    dst2d = dst.reshape(E_CHUNKS, CH)
    esup = jnp.stack([src2d.reshape(N_SUPER, IB * CH),
                      dst2d.reshape(N_SUPER, IB * CH)], axis=1)

    zeros_n = jnp.zeros((N,), jnp.float32)
    ones_c = jnp.ones((CH,), jnp.float32)
    ones_big = jnp.ones((IB * CH,), jnp.float32)
    zeros_g = jnp.zeros((NG, DH), jnp.float32)
    zeros_ng = jnp.zeros((NG,), jnp.float32)

    p0, p1 = _sc_degree(dst.reshape(N_SUPER, IB * CH), zeros_n, ones_big)
    dv, g0, g1 = _tc_pre(x, p0[:, None], p1[:, None], W1)

    s0, s1 = _sc_edge_pass(g0, g1, esup)
    g0, g1 = _tc_mid(s0, s1, dv, W2, b1[None, :])
    s0, s1 = _sc_edge_pass(g0, g1, esup)
    g0, g1 = _tc_mid(s0, s1, dv, W3, b2[None, :])
    s0, s1 = _sc_edge_pass(g0, g1, esup)
    h3 = _tc_fin(s0, s1, dv, b3[None, :])

    sm0, sm1, ct0, ct1 = _sc_pool(h3, batch, zeros_g, zeros_ng, ones_c)
    tot = sm0 + sm1
    cnt = ct0 + ct1
    return tot / jnp.maximum(cnt, 1.0)[:, None]

# --- scband reference (transcript-rebuilt; emitter-appended) ---
"""Pipeline reference for scband-molecular-gnn-20392504721602 (READ-ONLY COPY).

The authoritative reference and input builder live on the scoring server;
editing this copy changes nothing except your own understanding.
"""

import jax, jax.numpy as jnp
import numpy as np

N = 100000
E = 1600000
B = 512
D_IN = 6
D_H = 32
D_OUT = 32


def setup_inputs(seed: int = 0) -> dict:
    key = jax.random.key(seed)
    ks = jax.random.split(key, 10)
    x = jax.random.normal(ks[0], (N, D_IN), dtype=jnp.float32)
    edge_index = jax.random.randint(ks[1], (2, E), 0, N, dtype=jnp.int32)
    batch = jnp.sort(jax.random.randint(ks[2], (N,), 0, B, dtype=jnp.int32))
    s1 = 1.0 / np.sqrt(D_IN)
    s2 = 1.0 / np.sqrt(D_H)
    W1 = jax.random.uniform(ks[3], (D_IN, D_H), jnp.float32, -s1, s1)
    b1 = jnp.zeros((D_H,), jnp.float32)
    W2 = jax.random.uniform(ks[4], (D_H, D_H), jnp.float32, -s2, s2)
    b2 = jnp.zeros((D_H,), jnp.float32)
    W3 = jax.random.uniform(ks[5], (D_H, D_OUT), jnp.float32, -s2, s2)
    b3 = jnp.zeros((D_OUT,), jnp.float32)
    return {"x": x, "edge_index": edge_index, "batch": batch,
            "W1": W1, "b1": b1, "W2": W2, "b2": b2, "W3": W3, "b3": b3}


def _gcn_conv(x, src, dst, norm, W, b):
    # PyG GCNConv: x' = D^{-1/2} (A+I) D^{-1/2} (X W) + b
    h = x @ W
    msg = h[src] * norm[:, None]
    out = jax.ops.segment_sum(msg, dst, num_segments=N)
    return out + b


def reference(x, edge_index, batch, W1, b1, W2, b2, W3, b3):
    loops = jnp.arange(N, dtype=edge_index.dtype)
    src = jnp.concatenate([edge_index[0], loops])
    dst = jnp.concatenate([edge_index[1], loops])
    deg = jax.ops.segment_sum(jnp.ones_like(dst, dtype=jnp.float32), dst, num_segments=N)
    dinv = jax.lax.rsqrt(jnp.maximum(deg, 1.0))
    norm = dinv[src] * dinv[dst]

    h = jax.nn.relu(_gcn_conv(x, src, dst, norm, W1, b1))
    # dropout is identity in eval mode
    h = jax.nn.relu(_gcn_conv(h, src, dst, norm, W2, b2))
    h = _gcn_conv(h, src, dst, norm, W3, b3)

    # global_mean_pool over graph ids
    sums = jax.ops.segment_sum(h, batch, num_segments=B)
    cnts = jax.ops.segment_sum(jnp.ones((N, 1), jnp.float32), batch, num_segments=B)
    return sums / jnp.maximum(cnts, 1.0)

if __name__ == "__main__":
    import jax
    _d = setup_inputs()
    print(jax.jit(kernel)(*tuple(_d.values())))

</pallas_src>

<mosaic_0001>
#map = affine_map<(d0, d1) -> (0, 0)>
#map1 = affine_map<(d0, d1) -> (0, 0, 0)>
module attributes {stable_mosaic.version = 14 : i64} {
  func.func @k(%arg0: i32, %arg1: i32, %arg2: memref<100000x16xf32, #tpu.memory_space<hbm>>, %arg3: memref<100000x16xf32, #tpu.memory_space<hbm>>, %arg4: memref<1250x2x1280xi32, #tpu.memory_space<hbm>>, %arg5: memref<100000x16xf32, #tpu.memory_space<hbm>>, %arg6: memref<100000x16xf32, #tpu.memory_space<hbm>>, %arg7: memref<2x1280xi32, #tpu.memory_space<vmem>>, %arg8: memref<1280x16xf32, #tpu.memory_space<vmem>>, %arg9: memref<400x16xf32, #tpu.memory_space<vmem>>, %arg10: memref<100000x16xf32, #tpu.memory_space<vmem_shared>>, %arg11: memref<!tpu.dma_semaphore, #tpu.memory_space<semaphore_mem>>) attributes {dimension_semantics = [#tpu.dimension_semantics<core_parallel>, #tpu.dimension_semantics<subcore_parallel>], iteration_bounds = array<i64: 2, 16>, scalar_prefetch = 0 : i64, scratch_operands = 5 : i64, tpu.core_type = #tpu.core_type<sc_vector_subcore>, window_params = [{transform_indices = #map}, {transform_indices = #map}, {transform_indices = #map1}, {transform_indices = #map}, {transform_indices = #map}]} {
    %eq3A = arith.constant 0 : i32
    %eq3A_0 = arith.cmpi eq, %arg0, %eq3A : i32
    %convert_element_type3A = arith.extui %eq3A_0 : i1 to i32
    %cond3A = arith.constant 0 : i32
    %cond3A_1 = arith.cmpi ne, %convert_element_type3A, %cond3A : i32
    scf.if %cond3A_1 {
      %sub3A_47 = arith.constant 249 : i32
      %sub3A_48 = arith.subi %sub3A_47, %arg1 : i32
      %jit3A_49 = arith.constant 16 : i32
      %div3A_50 = arith.divsi %sub3A_48, %jit3A_49 : i32
      %sign3A_51 = arith.constant 0 : i32
      %sign3A_52 = arith.cmpi sgt, %sub3A_48, %sign3A_51 : i32
      %sign3A_53 = arith.extui %sign3A_52 : i1 to i32
      %sign3A_54 = arith.constant 0 : i32
      %sign3A_55 = arith.cmpi slt, %sub3A_48, %sign3A_54 : i32
      %sign3A_56 = arith.extui %sign3A_55 : i1 to i32
      %sign3A_57 = arith.subi %sign3A_53, %sign3A_56 : i32
      %sign3A_58 = arith.constant 0 : i32
      %sign3A_59 = arith.cmpi sgt, %jit3A_49, %sign3A_58 : i32
      %sign3A_60 = arith.extui %sign3A_59 : i1 to i32
      %sign3A_61 = arith.constant 0 : i32
      %sign3A_62 = arith.cmpi slt, %jit3A_49, %sign3A_61 : i32
      %sign3A_63 = arith.extui %sign3A_62 : i1 to i32
      %sign3A_64 = arith.subi %sign3A_60, %sign3A_63 : i32
      %ne3A_65 = arith.cmpi ne, %sign3A_57, %sign3A_64 : i32
      %rem3A_66 = arith.remsi %sub3A_48, %jit3A_49 : i32
      %ne3A_67 = arith.constant 0 : i32
      %ne3A_68 = arith.cmpi ne, %rem3A_66, %ne3A_67 : i32
      %and3A_69 = arith.andi %ne3A_65, %ne3A_68 : i1
      %sub3A_70 = arith.constant 1 : i32
      %sub3A_71 = arith.subi %div3A_50, %sub3A_70 : i32
      %select_n3A_72 = arith.select %and3A_69, %sub3A_71, %div3A_50 : i32
      %add3A_73 = arith.constant 1 : i32
      %add3A_74 = arith.addi %select_n3A_72, %add3A_73 : i32
      %while3A = arith.constant 0 : i32
      %while3A_75 = arith.constant 0 : i32
      %while3A_76 = arith.subi %add3A_74, %while3A : i32
      %while3A_77 = arith.addi %while3A, %while3A_76 : i32
      %while3A_78 = arith.constant 1 : i32
      %while3A_79 = arith.divsi %while3A_76, %while3A_78 : i32
      %while3A_80 = arith.muli %while3A_79, %while3A_78 : i32
      %while3A_81 = arith.addi %while3A, %while3A_80 : i32
      %while3A_82 = arith.constant 1 : i32
      %while3A_83 = scf.for %while3A_86 = %while3A to %while3A_81 step %while3A_82 iter_args(%while3A_87 = %while3A_75) -> (i32)  : i32 {
        %mul3A = arith.constant 16 : i32
        %mul3A_88 = arith.muli %while3A_86, %mul3A : i32
        %add3A_89 = arith.addi %arg1, %mul3A_88 : i32
        %mul3A_90 = arith.constant 400 : i32
        %mul3A_91 = arith.muli %add3A_89, %mul3A_90 : i32
        "tpu.region"() ({
          %run_scoped3A = tpu.sem_alloc : memref<!tpu.dma_semaphore, #tpu.memory_space<semaphore_mem>>
          %dma_start3A = arith.constant 0 : i32
          %dma_start3A_93 = tpu.memref_slice %arg2[%mul3A_91, %dma_start3A] : memref<100000x16xf32, #tpu.memory_space<hbm>> -> memref<400x16xf32, #tpu.memory_space<hbm>>
          %dma_start3A_94 = arith.constant 0 : i32
          %dma_start3A_95 = tpu.memref_slice %arg2[%mul3A_91, %dma_start3A_94] : memref<100000x16xf32, #tpu.memory_space<hbm>> -> memref<400x16xf32, #tpu.memory_space<hbm>>
          tpu.enqueue_dma source(%dma_start3A_95 : memref<400x16xf32, #tpu.memory_space<hbm>>) target(%arg9 : memref<400x16xf32, #tpu.memory_space<vmem>>) target_semaphore(%run_scoped3A : memref<!tpu.dma_semaphore, #tpu.memory_space<semaphore_mem>>)
          %dma_wait3A = arith.constant 0 : i32
          %dma_wait3A_96 = tpu.memref_slice %arg2[%mul3A_91, %dma_wait3A] : memref<100000x16xf32, #tpu.memory_space<hbm>> -> memref<400x16xf32, #tpu.memory_space<hbm>>
          %dma_wait3A_97 = arith.constant 0 : i32
          %dma_wait3A_98 = tpu.memref_slice %arg2[%mul3A_91, %dma_wait3A_97] : memref<100000x16xf32, #tpu.memory_space<hbm>> -> memref<400x16xf32, #tpu.memory_space<hbm>>
          tpu.wait_dma2 semaphore(%run_scoped3A : memref<!tpu.dma_semaphore, #tpu.memory_space<semaphore_mem>>) src(%dma_wait3A_98 : memref<400x16xf32, #tpu.memory_space<hbm>>) dst(%arg9 : memref<400x16xf32, #tpu.memory_space<vmem>>)
          tpu.yield
        }) : () -> ()
        "tpu.region"() ({
          %run_scoped3A = tpu.sem_alloc : memref<!tpu.dma_semaphore, #tpu.memory_space<semaphore_mem>>
          %dma_start3A = arith.constant 0 : i32
          %dma_start3A_93 = tpu.memref_slice %arg10[%mul3A_91, %dma_start3A] : memref<100000x16xf32, #tpu.memory_space<vmem_shared>> -> memref<400x16xf32, #tpu.memory_space<vmem_shared>>
          %dma_start3A_94 = arith.constant 0 : i32
          %dma_start3A_95 = tpu.memref_slice %arg10[%mul3A_91, %dma_start3A_94] : memref<100000x16xf32, #tpu.memory_space<vmem_shared>> -> memref<400x16xf32, #tpu.memory_space<vmem_shared>>
          tpu.enqueue_dma source(%arg9 : memref<400x16xf32, #tpu.memory_space<vmem>>) target(%dma_start3A_95 : memref<400x16xf32, #tpu.memory_space<vmem_shared>>) target_semaphore(%run_scoped3A : memref<!tpu.dma_semaphore, #tpu.memory_space<semaphore_mem>>)
          %dma_wait3A = arith.constant 0 : i32
          %dma_wait3A_96 = tpu.memref_slice %arg10[%mul3A_91, %dma_wait3A] : memref<100000x16xf32, #tpu.memory_space<vmem_shared>> -> memref<400x16xf32, #tpu.memory_space<vmem_shared>>
          %dma_wait3A_97 = arith.constant 0 : i32
          %dma_wait3A_98 = tpu.memref_slice %arg10[%mul3A_91, %dma_wait3A_97] : memref<100000x16xf32, #tpu.memory_space<vmem_shared>> -> memref<400x16xf32, #tpu.memory_space<vmem_shared>>
          tpu.wait_dma2 semaphore(%run_scoped3A : memref<!tpu.dma_semaphore, #tpu.memory_space<semaphore_mem>>) src(%arg9 : memref<400x16xf32, #tpu.memory_space<vmem>>) dst(%dma_wait3A_98 : memref<400x16xf32, #tpu.memory_space<vmem_shared>>)
          tpu.yield
        }) : () -> ()
        %while3A_92 = arith.constant 0 : i32
        scf.yield %while3A_92 : i32
      }
      %while3A_84 = arith.constant 1 : i32
      %while3A_85 = scf.for %while3A_86 = %while3A_81 to %while3A_77 step %while3A_84 iter_args(%while3A_87 = %while3A_83) -> (i32)  : i32 {
        %mul3A = arith.constant 16 : i32
        %mul3A_88 = arith.muli %while3A_86, %mul3A : i32
        %add3A_89 = arith.addi %arg1, %mul3A_88 : i32
        %mul3A_90 = arith.constant 400 : i32
        %mul3A_91 = arith.muli %add3A_89, %mul3A_90 : i32
        "tpu.region"() ({
          %run_scoped3A = tpu.sem_alloc : memref<!tpu.dma_semaphore, #tpu.memory_space<semaphore_mem>>
          %dma_start3A = arith.constant 0 : i32
          %dma_start3A_93 = tpu.memref_slice %arg2[%mul3A_91, %dma_start3A] : memref<100000x16xf32, #tpu.memory_space<hbm>> -> memref<400x16xf32, #tpu.memory_space<hbm>>
          %dma_start3A_94 = arith.constant 0 : i32
          %dma_start3A_95 = tpu.memref_slice %arg2[%mul3A_91, %dma_start3A_94] : memref<100000x16xf32, #tpu.memory_space<hbm>> -> memref<400x16xf32, #tpu.memory_space<hbm>>
          tpu.enqueue_dma source(%dma_start3A_95 : memref<400x16xf32, #tpu.memory_space<hbm>>) target(%arg9 : memref<400x16xf32, #tpu.memory_space<vmem>>) target_semaphore(%run_scoped3A : memref<!tpu.dma_semaphore, #tpu.memory_space<semaphore_mem>>)
          %dma_wait3A = arith.constant 0 : i32
          %dma_wait3A_96 = tpu.memref_slice %arg2[%mul3A_91, %dma_wait3A] : memref<100000x16xf32, #tpu.memory_space<hbm>> -> memref<400x16xf32, #tpu.memory_space<hbm>>
          %dma_wait3A_97 = arith.constant 0 : i32
          %dma_wait3A_98 = tpu.memref_slice %arg2[%mul3A_91, %dma_wait3A_97] : memref<100000x16xf32, #tpu.memory_space<hbm>> -> memref<400x16xf32, #tpu.memory_space<hbm>>
          tpu.wait_dma2 semaphore(%run_scoped3A : memref<!tpu.dma_semaphore, #tpu.memory_space<semaphore_mem>>) src(%dma_wait3A_98 : memref<400x16xf32, #tpu.memory_space<hbm>>) dst(%arg9 : memref<400x16xf32, #tpu.memory_space<vmem>>)
          tpu.yield
        }) : () -> ()
        "tpu.region"() ({
          %run_scoped3A = tpu.sem_alloc : memref<!tpu.dma_semaphore, #tpu.memory_space<semaphore_mem>>
          %dma_start3A = arith.constant 0 : i32
          %dma_start3A_93 = tpu.memref_slice %arg10[%mul3A_91, %dma_start3A] : memref<100000x16xf32, #tpu.memory_space<vmem_shared>> -> memref<400x16xf32, #tpu.memory_space<vmem_shared>>
          %dma_start3A_94 = arith.constant 0 : i32
          %dma_start3A_95 = tpu.memref_slice %arg10[%mul3A_91, %dma_start3A_94] : memref<100000x16xf32, #tpu.memory_space<vmem_shared>> -> memref<400x16xf32, #tpu.memory_space<vmem_shared>>
          tpu.enqueue_dma source(%arg9 : memref<400x16xf32, #tpu.memory_space<vmem>>) target(%dma_start3A_95 : memref<400x16xf32, #tpu.memory_space<vmem_shared>>) target_semaphore(%run_scoped3A : memref<!tpu.dma_semaphore, #tpu.memory_space<semaphore_mem>>)
          %dma_wait3A = arith.constant 0 : i32
          %dma_wait3A_96 = tpu.memref_slice %arg10[%mul3A_91, %dma_wait3A] : memref<100000x16xf32, #tpu.memory_space<vmem_shared>> -> memref<400x16xf32, #tpu.memory_space<vmem_shared>>
          %dma_wait3A_97 = arith.constant 0 : i32
          %dma_wait3A_98 = tpu.memref_slice %arg10[%mul3A_91, %dma_wait3A_97] : memref<100000x16xf32, #tpu.memory_space<vmem_shared>> -> memref<400x16xf32, #tpu.memory_space<vmem_shared>>
          tpu.wait_dma2 semaphore(%run_scoped3A : memref<!tpu.dma_semaphore, #tpu.memory_space<semaphore_mem>>) src(%arg9 : memref<400x16xf32, #tpu.memory_space<vmem>>) dst(%dma_wait3A_98 : memref<400x16xf32, #tpu.memory_space<vmem_shared>>)
          tpu.yield
        }) : () -> ()
        %while3A_92 = arith.constant 0 : i32
        scf.yield %while3A_92 : i32
      }
    } else {
    }
    %eq3A_2 = arith.constant 1 : i32
    %eq3A_3 = arith.cmpi eq, %arg0, %eq3A_2 : i32
    %convert_element_type3A_4 = arith.extui %eq3A_3 : i1 to i32
    %cond3A_5 = arith.constant 0 : i32
    %cond3A_6 = arith.cmpi ne, %convert_element_type3A_4, %cond3A_5 : i32
    scf.if %cond3A_6 {
      %sub3A_47 = arith.constant 249 : i32
      %sub3A_48 = arith.subi %sub3A_47, %arg1 : i32
      %jit3A_49 = arith.constant 16 : i32
      %div3A_50 = arith.divsi %sub3A_48, %jit3A_49 : i32
      %sign3A_51 = arith.constant 0 : i32
      %sign3A_52 = arith.cmpi sgt, %sub3A_48, %sign3A_51 : i32
      %sign3A_53 = arith.extui %sign3A_52 : i1 to i32
      %sign3A_54 = arith.constant 0 : i32
      %sign3A_55 = arith.cmpi slt, %sub3A_48, %sign3A_54 : i32
      %sign3A_56 = arith.extui %sign3A_55 : i1 to i32
      %sign3A_57 = arith.subi %sign3A_53, %sign3A_56 : i32
      %sign3A_58 = arith.constant 0 : i32
      %sign3A_59 = arith.cmpi sgt, %jit3A_49, %sign3A_58 : i32
      %sign3A_60 = arith.extui %sign3A_59 : i1 to i32
      %sign3A_61 = arith.constant 0 : i32
      %sign3A_62 = arith.cmpi slt, %jit3A_49, %sign3A_61 : i32
      %sign3A_63 = arith.extui %sign3A_62 : i1 to i32
      %sign3A_64 = arith.subi %sign3A_60, %sign3A_63 : i32
      %ne3A_65 = arith.cmpi ne, %sign3A_57, %sign3A_64 : i32
      %rem3A_66 = arith.remsi %sub3A_48, %jit3A_49 : i32
      %ne3A_67 = arith.constant 0 : i32
      %ne3A_68 = arith.cmpi ne, %rem3A_66, %ne3A_67 : i32
      %and3A_69 = arith.andi %ne3A_65, %ne3A_68 : i1
      %sub3A_70 = arith.constant 1 : i32
      %sub3A_71 = arith.subi %div3A_50, %sub3A_70 : i32
      %select_n3A_72 = arith.select %and3A_69, %sub3A_71, %div3A_50 : i32
      %add3A_73 = arith.constant 1 : i32
      %add3A_74 = arith.addi %select_n3A_72, %add3A_73 : i32
      %while3A = arith.constant 0 : i32
      %while3A_75 = arith.constant 0 : i32
      %while3A_76 = arith.subi %add3A_74, %while3A : i32
      %while3A_77 = arith.addi %while3A, %while3A_76 : i32
      %while3A_78 = arith.constant 1 : i32
      %while3A_79 = arith.divsi %while3A_76, %while3A_78 : i32
      %while3A_80 = arith.muli %while3A_79, %while3A_78 : i32
      %while3A_81 = arith.addi %while3A, %while3A_80 : i32
      %while3A_82 = arith.constant 1 : i32
      %while3A_83 = scf.for %while3A_86 = %while3A to %while3A_81 step %while3A_82 iter_args(%while3A_87 = %while3A_75) -> (i32)  : i32 {
        %mul3A = arith.constant 16 : i32
        %mul3A_88 = arith.muli %while3A_86, %mul3A : i32
        %add3A_89 = arith.addi %arg1, %mul3A_88 : i32
        %mul3A_90 = arith.constant 400 : i32
        %mul3A_91 = arith.muli %add3A_89, %mul3A_90 : i32
        "tpu.region"() ({
          %run_scoped3A = tpu.sem_alloc : memref<!tpu.dma_semaphore, #tpu.memory_space<semaphore_mem>>
          %dma_start3A = arith.constant 0 : i32
          %dma_start3A_93 = tpu.memref_slice %arg3[%mul3A_91, %dma_start3A] : memref<100000x16xf32, #tpu.memory_space<hbm>> -> memref<400x16xf32, #tpu.memory_space<hbm>>
          %dma_start3A_94 = arith.constant 0 : i32
          %dma_start3A_95 = tpu.memref_slice %arg3[%mul3A_91, %dma_start3A_94] : memref<100000x16xf32, #tpu.memory_space<hbm>> -> memref<400x16xf32, #tpu.memory_space<hbm>>
          tpu.enqueue_dma source(%dma_start3A_95 : memref<400x16xf32, #tpu.memory_space<hbm>>) target(%arg9 : memref<400x16xf32, #tpu.memory_space<vmem>>) target_semaphore(%run_scoped3A : memref<!tpu.dma_semaphore, #tpu.memory_space<semaphore_mem>>)
          %dma_wait3A = arith.constant 0 : i32
          %dma_wait3A_96 = tpu.memref_slice %arg3[%mul3A_91, %dma_wait3A] : memref<100000x16xf32, #tpu.memory_space<hbm>> -> memref<400x16xf32, #tpu.memory_space<hbm>>
          %dma_wait3A_97 = arith.constant 0 : i32
          %dma_wait3A_98 = tpu.memref_slice %arg3[%mul3A_91, %dma_wait3A_97] : memref<100000x16xf32, #tpu.memory_space<hbm>> -> memref<400x16xf32, #tpu.memory_space<hbm>>
          tpu.wait_dma2 semaphore(%run_scoped3A : memref<!tpu.dma_semaphore, #tpu.memory_space<semaphore_mem>>) src(%dma_wait3A_98 : memref<400x16xf32, #tpu.memory_space<hbm>>) dst(%arg9 : memref<400x16xf32, #tpu.memory_space<vmem>>)
          tpu.yield
        }) : () -> ()
        "tpu.region"() ({
          %run_scoped3A = tpu.sem_alloc : memref<!tpu.dma_semaphore, #tpu.memory_space<semaphore_mem>>
          %dma_start3A = arith.constant 0 : i32
          %dma_start3A_93 = tpu.memref_slice %arg10[%mul3A_91, %dma_start3A] : memref<100000x16xf32, #tpu.memory_space<vmem_shared>> -> memref<400x16xf32, #tpu.memory_space<vmem_shared>>
          %dma_start3A_94 = arith.constant 0 : i32
          %dma_start3A_95 = tpu.memref_slice %arg10[%mul3A_91, %dma_start3A_94] : memref<100000x16xf32, #tpu.memory_space<vmem_shared>> -> memref<400x16xf32, #tpu.memory_space<vmem_shared>>
          tpu.enqueue_dma source(%arg9 : memref<400x16xf32, #tpu.memory_space<vmem>>) target(%dma_start3A_95 : memref<400x16xf32, #tpu.memory_space<vmem_shared>>) target_semaphore(%run_scoped3A : memref<!tpu.dma_semaphore, #tpu.memory_space<semaphore_mem>>)
          %dma_wait3A = arith.constant 0 : i32
          %dma_wait3A_96 = tpu.memref_slice %arg10[%mul3A_91, %dma_wait3A] : memref<100000x16xf32, #tpu.memory_space<vmem_shared>> -> memref<400x16xf32, #tpu.memory_space<vmem_shared>>
          %dma_wait3A_97 = arith.constant 0 : i32
          %dma_wait3A_98 = tpu.memref_slice %arg10[%mul3A_91, %dma_wait3A_97] : memref<100000x16xf32, #tpu.memory_space<vmem_shared>> -> memref<400x16xf32, #tpu.memory_space<vmem_shared>>
          tpu.wait_dma2 semaphore(%run_scoped3A : memref<!tpu.dma_semaphore, #tpu.memory_space<semaphore_mem>>) src(%arg9 : memref<400x16xf32, #tpu.memory_space<vmem>>) dst(%dma_wait3A_98 : memref<400x16xf32, #tpu.memory_space<vmem_shared>>)
          tpu.yield
        }) : () -> ()
        %while3A_92 = arith.constant 0 : i32
        scf.yield %while3A_92 : i32
      }
      %while3A_84 = arith.constant 1 : i32
      %while3A_85 = scf.for %while3A_86 = %while3A_81 to %while3A_77 step %while3A_84 iter_args(%while3A_87 = %while3A_83) -> (i32)  : i32 {
        %mul3A = arith.constant 16 : i32
        %mul3A_88 = arith.muli %while3A_86, %mul3A : i32
        %add3A_89 = arith.addi %arg1, %mul3A_88 : i32
        %mul3A_90 = arith.constant 400 : i32
        %mul3A_91 = arith.muli %add3A_89, %mul3A_90 : i32
        "tpu.region"() ({
          %run_scoped3A = tpu.sem_alloc : memref<!tpu.dma_semaphore, #tpu.memory_space<semaphore_mem>>
          %dma_start3A = arith.constant 0 : i32
          %dma_start3A_93 = tpu.memref_slice %arg3[%mul3A_91, %dma_start3A] : memref<100000x16xf32, #tpu.memory_space<hbm>> -> memref<400x16xf32, #tpu.memory_space<hbm>>
          %dma_start3A_94 = arith.constant 0 : i32
          %dma_start3A_95 = tpu.memref_slice %arg3[%mul3A_91, %dma_start3A_94] : memref<100000x16xf32, #tpu.memory_space<hbm>> -> memref<400x16xf32, #tpu.memory_space<hbm>>
          tpu.enqueue_dma source(%dma_start3A_95 : memref<400x16xf32, #tpu.memory_space<hbm>>) target(%arg9 : memref<400x16xf32, #tpu.memory_space<vmem>>) target_semaphore(%run_scoped3A : memref<!tpu.dma_semaphore, #tpu.memory_space<semaphore_mem>>)
          %dma_wait3A = arith.constant 0 : i32
          %dma_wait3A_96 = tpu.memref_slice %arg3[%mul3A_91, %dma_wait3A] : memref<100000x16xf32, #tpu.memory_space<hbm>> -> memref<400x16xf32, #tpu.memory_space<hbm>>
          %dma_wait3A_97 = arith.constant 0 : i32
          %dma_wait3A_98 = tpu.memref_slice %arg3[%mul3A_91, %dma_wait3A_97] : memref<100000x16xf32, #tpu.memory_space<hbm>> -> memref<400x16xf32, #tpu.memory_space<hbm>>
          tpu.wait_dma2 semaphore(%run_scoped3A : memref<!tpu.dma_semaphore, #tpu.memory_space<semaphore_mem>>) src(%dma_wait3A_98 : memref<400x16xf32, #tpu.memory_space<hbm>>) dst(%arg9 : memref<400x16xf32, #tpu.memory_space<vmem>>)
          tpu.yield
        }) : () -> ()
        "tpu.region"() ({
          %run_scoped3A = tpu.sem_alloc : memref<!tpu.dma_semaphore, #tpu.memory_space<semaphore_mem>>
          %dma_start3A = arith.constant 0 : i32
          %dma_start3A_93 = tpu.memref_slice %arg10[%mul3A_91, %dma_start3A] : memref<100000x16xf32, #tpu.memory_space<vmem_shared>> -> memref<400x16xf32, #tpu.memory_space<vmem_shared>>
          %dma_start3A_94 = arith.constant 0 : i32
          %dma_start3A_95 = tpu.memref_slice %arg10[%mul3A_91, %dma_start3A_94] : memref<100000x16xf32, #tpu.memory_space<vmem_shared>> -> memref<400x16xf32, #tpu.memory_space<vmem_shared>>
          tpu.enqueue_dma source(%arg9 : memref<400x16xf32, #tpu.memory_space<vmem>>) target(%dma_start3A_95 : memref<400x16xf32, #tpu.memory_space<vmem_shared>>) target_semaphore(%run_scoped3A : memref<!tpu.dma_semaphore, #tpu.memory_space<semaphore_mem>>)
          %dma_wait3A = arith.constant 0 : i32
          %dma_wait3A_96 = tpu.memref_slice %arg10[%mul3A_91, %dma_wait3A] : memref<100000x16xf32, #tpu.memory_space<vmem_shared>> -> memref<400x16xf32, #tpu.memory_space<vmem_shared>>
          %dma_wait3A_97 = arith.constant 0 : i32
          %dma_wait3A_98 = tpu.memref_slice %arg10[%mul3A_91, %dma_wait3A_97] : memref<100000x16xf32, #tpu.memory_space<vmem_shared>> -> memref<400x16xf32, #tpu.memory_space<vmem_shared>>
          tpu.wait_dma2 semaphore(%run_scoped3A : memref<!tpu.dma_semaphore, #tpu.memory_space<semaphore_mem>>) src(%arg9 : memref<400x16xf32, #tpu.memory_space<vmem>>) dst(%dma_wait3A_98 : memref<400x16xf32, #tpu.memory_space<vmem_shared>>)
          tpu.yield
        }) : () -> ()
        %while3A_92 = arith.constant 0 : i32
        scf.yield %while3A_92 : i32
      }
    } else {
    }
    %barrier3A = arith.constant 0 : index
    tpu.barrier barrier_id(%barrier3A)
    %sub3A = arith.constant 1249 : i32
    %sub3A_7 = arith.subi %sub3A, %arg1 : i32
    %jit3A = arith.constant 16 : i32
    %div3A = arith.divsi %sub3A_7, %jit3A : i32
    %sign3A = arith.constant 0 : i32
    %sign3A_8 = arith.cmpi sgt, %sub3A_7, %sign3A : i32
    %sign3A_9 = arith.extui %sign3A_8 : i1 to i32
    %sign3A_10 = arith.constant 0 : i32
    %sign3A_11 = arith.cmpi slt, %sub3A_7, %sign3A_10 : i32
    %sign3A_12 = arith.extui %sign3A_11 : i1 to i32
    %sign3A_13 = arith.subi %sign3A_9, %sign3A_12 : i32
    %sign3A_14 = arith.constant 0 : i32
    %sign3A_15 = arith.cmpi sgt, %jit3A, %sign3A_14 : i32
    %sign3A_16 = arith.extui %sign3A_15 : i1 to i32
    %sign3A_17 = arith.constant 0 : i32
    %sign3A_18 = arith.cmpi slt, %jit3A, %sign3A_17 : i32
    %sign3A_19 = arith.extui %sign3A_18 : i1 to i32
    %sign3A_20 = arith.subi %sign3A_16, %sign3A_19 : i32
    %ne3A = arith.cmpi ne, %sign3A_13, %sign3A_20 : i32
    %rem3A = arith.remsi %sub3A_7, %jit3A : i32
    %ne3A_21 = arith.constant 0 : i32
    %ne3A_22 = arith.cmpi ne, %rem3A, %ne3A_21 : i32
    %and3A = arith.andi %ne3A, %ne3A_22 : i1
    %sub3A_23 = arith.constant 1 : i32
    %sub3A_24 = arith.subi %div3A, %sub3A_23 : i32
    %select_n3A = arith.select %and3A, %sub3A_24, %div3A : i32
    %add3A = arith.constant 1 : i32
    %add3A_25 = arith.addi %select_n3A, %add3A : i32
    %eq3A_26 = arith.constant 0 : i32
    %eq3A_27 = arith.cmpi eq, %arg0, %eq3A_26 : i32
    %convert_element_type3A_28 = arith.extui %eq3A_27 : i1 to i32
    %cond3A_29 = arith.constant 0 : i32
    %cond3A_30 = arith.cmpi ne, %convert_element_type3A_28, %cond3A_29 : i32
    scf.if %cond3A_30 {
      %while3A = arith.constant 0 : i32
      %while3A_47 = arith.constant 0 : i32
      %while3A_48 = arith.subi %add3A_25, %while3A : i32
      %while3A_49 = arith.addi %while3A, %while3A_48 : i32
      %while3A_50 = arith.constant 1 : i32
      %while3A_51 = arith.divsi %while3A_48, %while3A_50 : i32
      %while3A_52 = arith.muli %while3A_51, %while3A_50 : i32
      %while3A_53 = arith.addi %while3A, %while3A_52 : i32
      %while3A_54 = arith.constant 1 : i32
      %while3A_55 = scf.for %while3A_58 = %while3A to %while3A_53 step %while3A_54 iter_args(%while3A_59 = %while3A_47) -> (i32)  : i32 {
        %mul3A = arith.constant 16 : i32
        %mul3A_60 = arith.muli %while3A_58, %mul3A : i32
        %add3A_61 = arith.addi %arg1, %mul3A_60 : i32
        "tpu.region"() ({
          %run_scoped3A_75 = tpu.sem_alloc : memref<!tpu.dma_semaphore, #tpu.memory_space<semaphore_mem>>
          %dma_start3A_76 = arith.constant 0 : i32
          %dma_start3A_77 = arith.constant 0 : i32
          %dma_start3A_78 = tpu.memref_slice %arg4[%add3A_61, %dma_start3A_76, %dma_start3A_77] : memref<1250x2x1280xi32, #tpu.memory_space<hbm>> -> memref<1x2x1280xi32, #tpu.memory_space<hbm>>
          %dma_start3A_79 = tpu.memref_squeeze %dma_start3A_78 : memref<1x2x1280xi32, #tpu.memory_space<hbm>> -> memref<2x1280xi32, #tpu.memory_space<hbm>>
          %dma_start3A_80 = arith.constant 0 : i32
          %dma_start3A_81 = arith.constant 0 : i32
          %dma_start3A_82 = tpu.memref_slice %arg4[%add3A_61, %dma_start3A_80, %dma_start3A_81] : memref<1250x2x1280xi32, #tpu.memory_space<hbm>> -> memref<1x2x1280xi32, #tpu.memory_space<hbm>>
          %dma_start3A_83 = tpu.memref_squeeze %dma_start3A_82 : memref<1x2x1280xi32, #tpu.memory_space<hbm>> -> memref<2x1280xi32, #tpu.memory_space<hbm>>
          tpu.enqueue_dma source(%dma_start3A_83 : memref<2x1280xi32, #tpu.memory_space<hbm>>) target(%arg7 : memref<2x1280xi32, #tpu.memory_space<vmem>>) target_semaphore(%run_scoped3A_75 : memref<!tpu.dma_semaphore, #tpu.memory_space<semaphore_mem>>)
          %dma_wait3A_84 = arith.constant 0 : i32
          %dma_wait3A_85 = arith.constant 0 : i32
          %dma_wait3A_86 = tpu.memref_slice %arg4[%add3A_61, %dma_wait3A_84, %dma_wait3A_85] : memref<1250x2x1280xi32, #tpu.memory_space<hbm>> -> memref<1x2x1280xi32, #tpu.memory_space<hbm>>
          %dma_wait3A_87 = tpu.memref_squeeze %dma_wait3A_86 : memref<1x2x1280xi32, #tpu.memory_space<hbm>> -> memref<2x1280xi32, #tpu.memory_space<hbm>>
          %dma_wait3A_88 = arith.constant 0 : i32
          %dma_wait3A_89 = arith.constant 0 : i32
          %dma_wait3A_90 = tpu.memref_slice %arg4[%add3A_61, %dma_wait3A_88, %dma_wait3A_89] : memref<1250x2x1280xi32, #tpu.memory_space<hbm>> -> memref<1x2x1280xi32, #tpu.memory_space<hbm>>
          %dma_wait3A_91 = tpu.memref_squeeze %dma_wait3A_90 : memref<1x2x1280xi32, #tpu.memory_space<hbm>> -> memref<2x1280xi32, #tpu.memory_space<hbm>>
          tpu.wait_dma2 semaphore(%run_scoped3A_75 : memref<!tpu.dma_semaphore, #tpu.memory_space<semaphore_mem>>) src(%dma_wait3A_91 : memref<2x1280xi32, #tpu.memory_space<hbm>>) dst(%arg7 : memref<2x1280xi32, #tpu.memory_space<vmem>>)
          tpu.yield
        }) : () -> ()
        %dma_start3A = arith.constant 0 : i32
        %dma_start3A_62 = arith.constant 0 : i32
        %dma_start3A_63 = tpu.memref_slice %arg7[%dma_start3A, %dma_start3A_62] : memref<2x1280xi32, #tpu.memory_space<vmem>> -> memref<1x1280xi32, #tpu.memory_space<vmem>>
        %dma_start3A_64 = tpu.memref_squeeze %dma_start3A_63 : memref<1x1280xi32, #tpu.memory_space<vmem>> -> memref<1280xi32, #tpu.memory_space<vmem>>
        %dma_start3A_65 = arith.constant 0 : i32
        %dma_start3A_66 = arith.constant 0 : i32
        %dma_start3A_67 = tpu.memref_slice %arg2[%dma_start3A_65, %dma_start3A_66] : memref<100000x16xf32, #tpu.memory_space<hbm>> -> memref<100000x16xf32, #tpu.memory_space<hbm>>
        tpu.enqueue_indirect_dma source(%dma_start3A_67 : memref<100000x16xf32, #tpu.memory_space<hbm>>) target(%arg8 : memref<1280x16xf32, #tpu.memory_space<vmem>>) offsets(%dma_start3A_64 : memref<1280xi32, #tpu.memory_space<vmem>>) semaphore(%arg11 : memref<!tpu.dma_semaphore, #tpu.memory_space<semaphore_mem>>)
        %dma_wait3A = arith.constant 0 : i32
        %dma_wait3A_68 = arith.constant 0 : i32
        %dma_wait3A_69 = tpu.memref_slice %arg7[%dma_wait3A, %dma_wait3A_68] : memref<2x1280xi32, #tpu.memory_space<vmem>> -> memref<1x1280xi32, #tpu.memory_space<vmem>>
        %dma_wait3A_70 = tpu.memref_squeeze %dma_wait3A_69 : memref<1x1280xi32, #tpu.memory_space<vmem>> -> memref<1280xi32, #tpu.memory_space<vmem>>
        %dma_wait3A_71 = arith.constant 0 : i32
        %dma_wait3A_72 = arith.constant 0 : i32
        %dma_wait3A_73 = tpu.memref_slice %arg2[%dma_wait3A_71, %dma_wait3A_72] : memref<100000x16xf32, #tpu.memory_space<hbm>> -> memref<100000x16xf32, #tpu.memory_space<hbm>>
        tpu.wait_indirect_dma semaphore(%arg11 : memref<!tpu.dma_semaphore, #tpu.memory_space<semaphore_mem>>) src(%dma_wait3A_73 : memref<100000x16xf32, #tpu.memory_space<hbm>>) dst(%arg8 : memref<1280x16xf32, #tpu.memory_space<vmem>>)
        %run_scoped3A = arith.constant 1 : i32
        "tpu.region"() ({
          %run_scoped3A_75 = tpu.sem_alloc : memref<!tpu.dma_semaphore, #tpu.memory_space<semaphore_mem>>
          %dma_start3A_76 = arith.constant 0 : i32
          %dma_start3A_77 = tpu.memref_slice %arg7[%run_scoped3A, %dma_start3A_76] : memref<2x1280xi32, #tpu.memory_space<vmem>> -> memref<1x1280xi32, #tpu.memory_space<vmem>>
          %dma_start3A_78 = tpu.memref_squeeze %dma_start3A_77 : memref<1x1280xi32, #tpu.memory_space<vmem>> -> memref<1280xi32, #tpu.memory_space<vmem>>
          %dma_start3A_79 = arith.constant 0 : i32
          %dma_start3A_80 = arith.constant 0 : i32
          %dma_start3A_81 = tpu.memref_slice %arg10[%dma_start3A_79, %dma_start3A_80] : memref<100000x16xf32, #tpu.memory_space<vmem_shared>> -> memref<100000x16xf32, #tpu.memory_space<vmem_shared>>
          tpu.enqueue_indirect_dma source(%arg8 : memref<1280x16xf32, #tpu.memory_space<vmem>>) target(%dma_start3A_81 : memref<100000x16xf32, #tpu.memory_space<vmem_shared>>) offsets(%dma_start3A_78 : memref<1280xi32, #tpu.memory_space<vmem>>) semaphore(%run_scoped3A_75 : memref<!tpu.dma_semaphore, #tpu.memory_space<semaphore_mem>>) {add = true}
          %dma_wait3A_82 = arith.constant 0 : i32
          %dma_wait3A_83 = tpu.memref_slice %arg7[%run_scoped3A, %dma_wait3A_82] : memref<2x1280xi32, #tpu.memory_space<vmem>> -> memref<1x1280xi32, #tpu.memory_space<vmem>>
          %dma_wait3A_84 = tpu.memref_squeeze %dma_wait3A_83 : memref<1x1280xi32, #tpu.memory_space<vmem>> -> memref<1280xi32, #tpu.memory_space<vmem>>
          %dma_wait3A_85 = arith.constant 0 : i32
          %dma_wait3A_86 = arith.constant 0 : i32
          %dma_wait3A_87 = tpu.memref_slice %arg10[%dma_wait3A_85, %dma_wait3A_86] : memref<100000x16xf32, #tpu.memory_space<vmem_shared>> -> memref<100000x16xf32, #tpu.memory_space<vmem_shared>>
          tpu.wait_indirect_dma semaphore(%run_scoped3A_75 : memref<!tpu.dma_semaphore, #tpu.memory_space<semaphore_mem>>) src(%arg8 : memref<1280x16xf32, #tpu.memory_space<vmem>>) dst(%dma_wait3A_87 : memref<100000x16xf32, #tpu.memory_space<vmem_shared>>)
          tpu.yield
        }) : () -> ()
        %while3A_74 = arith.constant 0 : i32
        scf.yield %while3A_74 : i32
      }
      %while3A_56 = arith.constant 1 : i32
      %while3A_57 = scf.for %while3A_58 = %while3A_53 to %while3A_49 step %while3A_56 iter_args(%while3A_59 = %while3A_55) -> (i32)  : i32 {
        %mul3A = arith.constant 16 : i32
        %mul3A_60 = arith.muli %while3A_58, %mul3A : i32
        %add3A_61 = arith.addi %arg1, %mul3A_60 : i32
        "tpu.region"() ({
          %run_scoped3A_75 = tpu.sem_alloc : memref<!tpu.dma_semaphore, #tpu.memory_space<semaphore_mem>>
          %dma_start3A_76 = arith.constant 0 : i32
          %dma_start3A_77 = arith.constant 0 : i32
          %dma_start3A_78 = tpu.memref_slice %arg4[%add3A_61, %dma_start3A_76, %dma_start3A_77] : memref<1250x2x1280xi32, #tpu.memory_space<hbm>> -> memref<1x2x1280xi32, #tpu.memory_space<hbm>>
          %dma_start3A_79 = tpu.memref_squeeze %dma_start3A_78 : memref<1x2x1280xi32, #tpu.memory_space<hbm>> -> memref<2x1280xi32, #tpu.memory_space<hbm>>
          %dma_start3A_80 = arith.constant 0 : i32
          %dma_start3A_81 = arith.constant 0 : i32
          %dma_start3A_82 = tpu.memref_slice %arg4[%add3A_61, %dma_start3A_80, %dma_start3A_81] : memref<1250x2x1280xi32, #tpu.memory_space<hbm>> -> memref<1x2x1280xi32, #tpu.memory_space<hbm>>
          %dma_start3A_83 = tpu.memref_squeeze %dma_start3A_82 : memref<1x2x1280xi32, #tpu.memory_space<hbm>> -> memref<2x1280xi32, #tpu.memory_space<hbm>>
          tpu.enqueue_dma source(%dma_start3A_83 : memref<2x1280xi32, #tpu.memory_space<hbm>>) target(%arg7 : memref<2x1280xi32, #tpu.memory_space<vmem>>) target_semaphore(%run_scoped3A_75 : memref<!tpu.dma_semaphore, #tpu.memory_space<semaphore_mem>>)
          %dma_wait3A_84 = arith.constant 0 : i32
          %dma_wait3A_85 = arith.constant 0 : i32
          %dma_wait3A_86 = tpu.memref_slice %arg4[%add3A_61, %dma_wait3A_84, %dma_wait3A_85] : memref<1250x2x1280xi32, #tpu.memory_space<hbm>> -> memref<1x2x1280xi32, #tpu.memory_space<hbm>>
          %dma_wait3A_87 = tpu.memref_squeeze %dma_wait3A_86 : memref<1x2x1280xi32, #tpu.memory_space<hbm>> -> memref<2x1280xi32, #tpu.memory_space<hbm>>
          %dma_wait3A_88 = arith.constant 0 : i32
          %dma_wait3A_89 = arith.constant 0 : i32
          %dma_wait3A_90 = tpu.memref_slice %arg4[%add3A_61, %dma_wait3A_88, %dma_wait3A_89] : memref<1250x2x1280xi32, #tpu.memory_space<hbm>> -> memref<1x2x1280xi32, #tpu.memory_space<hbm>>
          %dma_wait3A_91 = tpu.memref_squeeze %dma_wait3A_90 : memref<1x2x1280xi32, #tpu.memory_space<hbm>> -> memref<2x1280xi32, #tpu.memory_space<hbm>>
          tpu.wait_dma2 semaphore(%run_scoped3A_75 : memref<!tpu.dma_semaphore, #tpu.memory_space<semaphore_mem>>) src(%dma_wait3A_91 : memref<2x1280xi32, #tpu.memory_space<hbm>>) dst(%arg7 : memref<2x1280xi32, #tpu.memory_space<vmem>>)
          tpu.yield
        }) : () -> ()
        %dma_start3A = arith.constant 0 : i32
        %dma_start3A_62 = arith.constant 0 : i32
        %dma_start3A_63 = tpu.memref_slice %arg7[%dma_start3A, %dma_start3A_62] : memref<2x1280xi32, #tpu.memory_space<vmem>> -> memref<1x1280xi32, #tpu.memory_space<vmem>>
        %dma_start3A_64 = tpu.memref_squeeze %dma_start3A_63 : memref<1x1280xi32, #tpu.memory_space<vmem>> -> memref<1280xi32, #tpu.memory_space<vmem>>
        %dma_start3A_65 = arith.constant 0 : i32
        %dma_start3A_66 = arith.constant 0 : i32
        %dma_start3A_67 = tpu.memref_slice %arg2[%dma_start3A_65, %dma_start3A_66] : memref<100000x16xf32, #tpu.memory_space<hbm>> -> memref<100000x16xf32, #tpu.memory_space<hbm>>
        tpu.enqueue_indirect_dma source(%dma_start3A_67 : memref<100000x16xf32, #tpu.memory_space<hbm>>) target(%arg8 : memref<1280x16xf32, #tpu.memory_space<vmem>>) offsets(%dma_start3A_64 : memref<1280xi32, #tpu.memory_space<vmem>>) semaphore(%arg11 : memref<!tpu.dma_semaphore, #tpu.memory_space<semaphore_mem>>)
        %dma_wait3A = arith.constant 0 : i32
        %dma_wait3A_68 = arith.constant 0 : i32
        %dma_wait3A_69 = tpu.memref_slice %arg7[%dma_wait3A, %dma_wait3A_68] : memref<2x1280xi32, #tpu.memory_space<vmem>> -> memref<1x1280xi32, #tpu.memory_space<vmem>>
        %dma_wait3A_70 = tpu.memref_squeeze %dma_wait3A_69 : memref<1x1280xi32, #tpu.memory_space<vmem>> -> memref<1280xi32, #tpu.memory_space<vmem>>
        %dma_wait3A_71 = arith.constant 0 : i32
        %dma_wait3A_72 = arith.constant 0 : i32
        %dma_wait3A_73 = tpu.memref_slice %arg2[%dma_wait3A_71, %dma_wait3A_72] : memref<100000x16xf32, #tpu.memory_space<hbm>> -> memref<100000x16xf32, #tpu.memory_space<hbm>>
        tpu.wait_indirect_dma semaphore(%arg11 : memref<!tpu.dma_semaphore, #tpu.memory_space<semaphore_mem>>) src(%dma_wait3A_73 : memref<100000x16xf32, #tpu.memory_space<hbm>>) dst(%arg8 : memref<1280x16xf32, #tpu.memory_space<vmem>>)
        %run_scoped3A = arith.constant 1 : i32
        "tpu.region"() ({
          %run_scoped3A_75 = tpu.sem_alloc : memref<!tpu.dma_semaphore, #tpu.memory_space<semaphore_mem>>
          %dma_start3A_76 = arith.constant 0 : i32
          %dma_start3A_77 = tpu.memref_slice %arg7[%run_scoped3A, %dma_start3A_76] : memref<2x1280xi32, #tpu.memory_space<vmem>> -> memref<1x1280xi32, #tpu.memory_space<vmem>>
          %dma_start3A_78 = tpu.memref_squeeze %dma_start3A_77 : memref<1x1280xi32, #tpu.memory_space<vmem>> -> memref<1280xi32, #tpu.memory_space<vmem>>
          %dma_start3A_79 = arith.constant 0 : i32
          %dma_start3A_80 = arith.constant 0 : i32
          %dma_start3A_81 = tpu.memref_slice %arg10[%dma_start3A_79, %dma_start3A_80] : memref<100000x16xf32, #tpu.memory_space<vmem_shared>> -> memref<100000x16xf32, #tpu.memory_space<vmem_shared>>
          tpu.enqueue_indirect_dma source(%arg8 : memref<1280x16xf32, #tpu.memory_space<vmem>>) target(%dma_start3A_81 : memref<100000x16xf32, #tpu.memory_space<vmem_shared>>) offsets(%dma_start3A_78 : memref<1280xi32, #tpu.memory_space<vmem>>) semaphore(%run_scoped3A_75 : memref<!tpu.dma_semaphore, #tpu.memory_space<semaphore_mem>>) {add = true}
          %dma_wait3A_82 = arith.constant 0 : i32
          %dma_wait3A_83 = tpu.memref_slice %arg7[%run_scoped3A, %dma_wait3A_82] : memref<2x1280xi32, #tpu.memory_space<vmem>> -> memref<1x1280xi32, #tpu.memory_space<vmem>>
          %dma_wait3A_84 = tpu.memref_squeeze %dma_wait3A_83 : memref<1x1280xi32, #tpu.memory_space<vmem>> -> memref<1280xi32, #tpu.memory_space<vmem>>
          %dma_wait3A_85 = arith.constant 0 : i32
          %dma_wait3A_86 = arith.constant 0 : i32
          %dma_wait3A_87 = tpu.memref_slice %arg10[%dma_wait3A_85, %dma_wait3A_86] : memref<100000x16xf32, #tpu.memory_space<vmem_shared>> -> memref<100000x16xf32, #tpu.memory_space<vmem_shared>>
          tpu.wait_indirect_dma semaphore(%run_scoped3A_75 : memref<!tpu.dma_semaphore, #tpu.memory_space<semaphore_mem>>) src(%arg8 : memref<1280x16xf32, #tpu.memory_space<vmem>>) dst(%dma_wait3A_87 : memref<100000x16xf32, #tpu.memory_space<vmem_shared>>)
          tpu.yield
        }) : () -> ()
        %while3A_74 = arith.constant 0 : i32
        scf.yield %while3A_74 : i32
      }
    } else {
    }
    %eq3A_31 = arith.constant 1 : i32
    %eq3A_32 = arith.cmpi eq, %arg0, %eq3A_31 : i32
    %convert_element_type3A_33 = arith.extui %eq3A_32 : i1 to i32
    %cond3A_34 = arith.constant 0 : i32
    %cond3A_35 = arith.cmpi ne, %convert_element_type3A_33, %cond3A_34 : i32
    scf.if %cond3A_35 {
      %while3A = arith.constant 0 : i32
      %while3A_47 = arith.constant 0 : i32
      %while3A_48 = arith.subi %add3A_25, %while3A : i32
      %while3A_49 = arith.addi %while3A, %while3A_48 : i32
      %while3A_50 = arith.constant 1 : i32
      %while3A_51 = arith.divsi %while3A_48, %while3A_50 : i32
      %while3A_52 = arith.muli %while3A_51, %while3A_50 : i32
      %while3A_53 = arith.addi %while3A, %while3A_52 : i32
      %while3A_54 = arith.constant 1 : i32
      %while3A_55 = scf.for %while3A_58 = %while3A to %while3A_53 step %while3A_54 iter_args(%while3A_59 = %while3A_47) -> (i32)  : i32 {
        %mul3A = arith.constant 16 : i32
        %mul3A_60 = arith.muli %while3A_58, %mul3A : i32
        %add3A_61 = arith.addi %arg1, %mul3A_60 : i32
        "tpu.region"() ({
          %run_scoped3A_75 = tpu.sem_alloc : memref<!tpu.dma_semaphore, #tpu.memory_space<semaphore_mem>>
          %dma_start3A_76 = arith.constant 0 : i32
          %dma_start3A_77 = arith.constant 0 : i32
          %dma_start3A_78 = tpu.memref_slice %arg4[%add3A_61, %dma_start3A_76, %dma_start3A_77] : memref<1250x2x1280xi32, #tpu.memory_space<hbm>> -> memref<1x2x1280xi32, #tpu.memory_space<hbm>>
          %dma_start3A_79 = tpu.memref_squeeze %dma_start3A_78 : memref<1x2x1280xi32, #tpu.memory_space<hbm>> -> memref<2x1280xi32, #tpu.memory_space<hbm>>
          %dma_start3A_80 = arith.constant 0 : i32
          %dma_start3A_81 = arith.constant 0 : i32
          %dma_start3A_82 = tpu.memref_slice %arg4[%add3A_61, %dma_start3A_80, %dma_start3A_81] : memref<1250x2x1280xi32, #tpu.memory_space<hbm>> -> memref<1x2x1280xi32, #tpu.memory_space<hbm>>
          %dma_start3A_83 = tpu.memref_squeeze %dma_start3A_82 : memref<1x2x1280xi32, #tpu.memory_space<hbm>> -> memref<2x1280xi32, #tpu.memory_space<hbm>>
          tpu.enqueue_dma source(%dma_start3A_83 : memref<2x1280xi32, #tpu.memory_space<hbm>>) target(%arg7 : memref<2x1280xi32, #tpu.memory_space<vmem>>) target_semaphore(%run_scoped3A_75 : memref<!tpu.dma_semaphore, #tpu.memory_space<semaphore_mem>>)
          %dma_wait3A_84 = arith.constant 0 : i32
          %dma_wait3A_85 = arith.constant 0 : i32
          %dma_wait3A_86 = tpu.memref_slice %arg4[%add3A_61, %dma_wait3A_84, %dma_wait3A_85] : memref<1250x2x1280xi32, #tpu.memory_space<hbm>> -> memref<1x2x1280xi32, #tpu.memory_space<hbm>>
          %dma_wait3A_87 = tpu.memref_squeeze %dma_wait3A_86 : memref<1x2x1280xi32, #tpu.memory_space<hbm>> -> memref<2x1280xi32, #tpu.memory_space<hbm>>
          %dma_wait3A_88 = arith.constant 0 : i32
          %dma_wait3A_89 = arith.constant 0 : i32
          %dma_wait3A_90 = tpu.memref_slice %arg4[%add3A_61, %dma_wait3A_88, %dma_wait3A_89] : memref<1250x2x1280xi32, #tpu.memory_space<hbm>> -> memref<1x2x1280xi32, #tpu.memory_space<hbm>>
          %dma_wait3A_91 = tpu.memref_squeeze %dma_wait3A_90 : memref<1x2x1280xi32, #tpu.memory_space<hbm>> -> memref<2x1280xi32, #tpu.memory_space<hbm>>
          tpu.wait_dma2 semaphore(%run_scoped3A_75 : memref<!tpu.dma_semaphore, #tpu.memory_space<semaphore_mem>>) src(%dma_wait3A_91 : memref<2x1280xi32, #tpu.memory_space<hbm>>) dst(%arg7 : memref<2x1280xi32, #tpu.memory_space<vmem>>)
          tpu.yield
        }) : () -> ()
        %dma_start3A = arith.constant 0 : i32
        %dma_start3A_62 = arith.constant 0 : i32
        %dma_start3A_63 = tpu.memref_slice %arg7[%dma_start3A, %dma_start3A_62] : memref<2x1280xi32, #tpu.memory_space<vmem>> -> memref<1x1280xi32, #tpu.memory_space<vmem>>
        %dma_start3A_64 = tpu.memref_squeeze %dma_start3A_63 : memref<1x1280xi32, #tpu.memory_space<vmem>> -> memref<1280xi32, #tpu.memory_space<vmem>>
        %dma_start3A_65 = arith.constant 0 : i32
        %dma_start3A_66 = arith.constant 0 : i32
        %dma_start3A_67 = tpu.memref_slice %arg3[%dma_start3A_65, %dma_start3A_66] : memref<100000x16xf32, #tpu.memory_space<hbm>> -> memref<100000x16xf32, #tpu.memory_space<hbm>>
        tpu.enqueue_indirect_dma source(%dma_start3A_67 : memref<100000x16xf32, #tpu.memory_space<hbm>>) target(%arg8 : memref<1280x16xf32, #tpu.memory_space<vmem>>) offsets(%dma_start3A_64 : memref<1280xi32, #tpu.memory_space<vmem>>) semaphore(%arg11 : memref<!tpu.dma_semaphore, #tpu.memory_space<semaphore_mem>>)
        %dma_wait3A = arith.constant 0 : i32
        %dma_wait3A_68 = arith.constant 0 : i32
        %dma_wait3A_69 = tpu.memref_slice %arg7[%dma_wait3A, %dma_wait3A_68] : memref<2x1280xi32, #tpu.memory_space<vmem>> -> memref<1x1280xi32, #tpu.memory_space<vmem>>
        %dma_wait3A_70 = tpu.memref_squeeze %dma_wait3A_69 : memref<1x1280xi32, #tpu.memory_space<vmem>> -> memref<1280xi32, #tpu.memory_space<vmem>>
        %dma_wait3A_71 = arith.constant 0 : i32
        %dma_wait3A_72 = arith.constant 0 : i32
        %dma_wait3A_73 = tpu.memref_slice %arg3[%dma_wait3A_71, %dma_wait3A_72] : memref<100000x16xf32, #tpu.memory_space<hbm>> -> memref<100000x16xf32, #tpu.memory_space<hbm>>
        tpu.wait_indirect_dma semaphore(%arg11 : memref<!tpu.dma_semaphore, #tpu.memory_space<semaphore_mem>>) src(%dma_wait3A_73 : memref<100000x16xf32, #tpu.memory_space<hbm>>) dst(%arg8 : memref<1280x16xf32, #tpu.memory_space<vmem>>)
        %run_scoped3A = arith.constant 1 : i32
        "tpu.region"() ({
          %run_scoped3A_75 = tpu.sem_alloc : memref<!tpu.dma_semaphore, #tpu.memory_space<semaphore_mem>>
          %dma_start3A_76 = arith.constant 0 : i32
          %dma_start3A_77 = tpu.memref_slice %arg7[%run_scoped3A, %dma_start3A_76] : memref<2x1280xi32, #tpu.memory_space<vmem>> -> memref<1x1280xi32, #tpu.memory_space<vmem>>
          %dma_start3A_78 = tpu.memref_squeeze %dma_start3A_77 : memref<1x1280xi32, #tpu.memory_space<vmem>> -> memref<1280xi32, #tpu.memory_space<vmem>>
          %dma_start3A_79 = arith.constant 0 : i32
          %dma_start3A_80 = arith.constant 0 : i32
          %dma_start3A_81 = tpu.memref_slice %arg10[%dma_start3A_79, %dma_start3A_80] : memref<100000x16xf32, #tpu.memory_space<vmem_shared>> -> memref<100000x16xf32, #tpu.memory_space<vmem_shared>>
          tpu.enqueue_indirect_dma source(%arg8 : memref<1280x16xf32, #tpu.memory_space<vmem>>) target(%dma_start3A_81 : memref<100000x16xf32, #tpu.memory_space<vmem_shared>>) offsets(%dma_start3A_78 : memref<1280xi32, #tpu.memory_space<vmem>>) semaphore(%run_scoped3A_75 : memref<!tpu.dma_semaphore, #tpu.memory_space<semaphore_mem>>) {add = true}
          %dma_wait3A_82 = arith.constant 0 : i32
          %dma_wait3A_83 = tpu.memref_slice %arg7[%run_scoped3A, %dma_wait3A_82] : memref<2x1280xi32, #tpu.memory_space<vmem>> -> memref<1x1280xi32, #tpu.memory_space<vmem>>
          %dma_wait3A_84 = tpu.memref_squeeze %dma_wait3A_83 : memref<1x1280xi32, #tpu.memory_space<vmem>> -> memref<1280xi32, #tpu.memory_space<vmem>>
          %dma_wait3A_85 = arith.constant 0 : i32
          %dma_wait3A_86 = arith.constant 0 : i32
          %dma_wait3A_87 = tpu.memref_slice %arg10[%dma_wait3A_85, %dma_wait3A_86] : memref<100000x16xf32, #tpu.memory_space<vmem_shared>> -> memref<100000x16xf32, #tpu.memory_space<vmem_shared>>
          tpu.wait_indirect_dma semaphore(%run_scoped3A_75 : memref<!tpu.dma_semaphore, #tpu.memory_space<semaphore_mem>>) src(%arg8 : memref<1280x16xf32, #tpu.memory_space<vmem>>) dst(%dma_wait3A_87 : memref<100000x16xf32, #tpu.memory_space<vmem_shared>>)
          tpu.yield
        }) : () -> ()
        %while3A_74 = arith.constant 0 : i32
        scf.yield %while3A_74 : i32
      }
      %while3A_56 = arith.constant 1 : i32
      %while3A_57 = scf.for %while3A_58 = %while3A_53 to %while3A_49 step %while3A_56 iter_args(%while3A_59 = %while3A_55) -> (i32)  : i32 {
        %mul3A = arith.constant 16 : i32
        %mul3A_60 = arith.muli %while3A_58, %mul3A : i32
        %add3A_61 = arith.addi %arg1, %mul3A_60 : i32
        "tpu.region"() ({
          %run_scoped3A_75 = tpu.sem_alloc : memref<!tpu.dma_semaphore, #tpu.memory_space<semaphore_mem>>
          %dma_start3A_76 = arith.constant 0 : i32
          %dma_start3A_77 = arith.constant 0 : i32
          %dma_start3A_78 = tpu.memref_slice %arg4[%add3A_61, %dma_start3A_76, %dma_start3A_77] : memref<1250x2x1280xi32, #tpu.memory_space<hbm>> -> memref<1x2x1280xi32, #tpu.memory_space<hbm>>
          %dma_start3A_79 = tpu.memref_squeeze %dma_start3A_78 : memref<1x2x1280xi32, #tpu.memory_space<hbm>> -> memref<2x1280xi32, #tpu.memory_space<hbm>>
          %dma_start3A_80 = arith.constant 0 : i32
          %dma_start3A_81 = arith.constant 0 : i32
          %dma_start3A_82 = tpu.memref_slice %arg4[%add3A_61, %dma_start3A_80, %dma_start3A_81] : memref<1250x2x1280xi32, #tpu.memory_space<hbm>> -> memref<1x2x1280xi32, #tpu.memory_space<hbm>>
          %dma_start3A_83 = tpu.memref_squeeze %dma_start3A_82 : memref<1x2x1280xi32, #tpu.memory_space<hbm>> -> memref<2x1280xi32, #tpu.memory_space<hbm>>
          tpu.enqueue_dma source(%dma_start3A_83 : memref<2x1280xi32, #tpu.memory_space<hbm>>) target(%arg7 : memref<2x1280xi32, #tpu.memory_space<vmem>>) target_semaphore(%run_scoped3A_75 : memref<!tpu.dma_semaphore, #tpu.memory_space<semaphore_mem>>)
          %dma_wait3A_84 = arith.constant 0 : i32
          %dma_wait3A_85 = arith.constant 0 : i32
          %dma_wait3A_86 = tpu.memref_slice %arg4[%add3A_61, %dma_wait3A_84, %dma_wait3A_85] : memref<1250x2x1280xi32, #tpu.memory_space<hbm>> -> memref<1x2x1280xi32, #tpu.memory_space<hbm>>
          %dma_wait3A_87 = tpu.memref_squeeze %dma_wait3A_86 : memref<1x2x1280xi32, #tpu.memory_space<hbm>> -> memref<2x1280xi32, #tpu.memory_space<hbm>>
          %dma_wait3A_88 = arith.constant 0 : i32
          %dma_wait3A_89 = arith.constant 0 : i32
          %dma_wait3A_90 = tpu.memref_slice %arg4[%add3A_61, %dma_wait3A_88, %dma_wait3A_89] : memref<1250x2x1280xi32, #tpu.memory_space<hbm>> -> memref<1x2x1280xi32, #tpu.memory_space<hbm>>
          %dma_wait3A_91 = tpu.memref_squeeze %dma_wait3A_90 : memref<1x2x1280xi32, #tpu.memory_space<hbm>> -> memref<2x1280xi32, #tpu.memory_space<hbm>>
          tpu.wait_dma2 semaphore(%run_scoped3A_75 : memref<!tpu.dma_semaphore, #tpu.memory_space<semaphore_mem>>) src(%dma_wait3A_91 : memref<2x1280xi32, #tpu.memory_space<hbm>>) dst(%arg7 : memref<2x1280xi32, #tpu.memory_space<vmem>>)
          tpu.yield
        }) : () -> ()
        %dma_start3A = arith.constant 0 : i32
        %dma_start3A_62 = arith.constant 0 : i32
        %dma_start3A_63 = tpu.memref_slice %arg7[%dma_start3A, %dma_start3A_62] : memref<2x1280xi32, #tpu.memory_space<vmem>> -> memref<1x1280xi32, #tpu.memory_space<vmem>>
        %dma_start3A_64 = tpu.memref_squeeze %dma_start3A_63 : memref<1x1280xi32, #tpu.memory_space<vmem>> -> memref<1280xi32, #tpu.memory_space<vmem>>
        %dma_start3A_65 = arith.constant 0 : i32
        %dma_start3A_66 = arith.constant 0 : i32
        %dma_start3A_67 = tpu.memref_slice %arg3[%dma_start3A_65, %dma_start3A_66] : memref<100000x16xf32, #tpu.memory_space<hbm>> -> memref<100000x16xf32, #tpu.memory_space<hbm>>
        tpu.enqueue_indirect_dma source(%dma_start3A_67 : memref<100000x16xf32, #tpu.memory_space<hbm>>) target(%arg8 : memref<1280x16xf32, #tpu.memory_space<vmem>>) offsets(%dma_start3A_64 : memref<1280xi32, #tpu.memory_space<vmem>>) semaphore(%arg11 : memref<!tpu.dma_semaphore, #tpu.memory_space<semaphore_mem>>)
        %dma_wait3A = arith.constant 0 : i32
        %dma_wait3A_68 = arith.constant 0 : i32
        %dma_wait3A_69 = tpu.memref_slice %arg7[%dma_wait3A, %dma_wait3A_68] : memref<2x1280xi32, #tpu.memory_space<vmem>> -> memref<1x1280xi32, #tpu.memory_space<vmem>>
        %dma_wait3A_70 = tpu.memref_squeeze %dma_wait3A_69 : memref<1x1280xi32, #tpu.memory_space<vmem>> -> memref<1280xi32, #tpu.memory_space<vmem>>
        %dma_wait3A_71 = arith.constant 0 : i32
        %dma_wait3A_72 = arith.constant 0 : i32
        %dma_wait3A_73 = tpu.memref_slice %arg3[%dma_wait3A_71, %dma_wait3A_72] : memref<100000x16xf32, #tpu.memory_space<hbm>> -> memref<100000x16xf32, #tpu.memory_space<hbm>>
        tpu.wait_indirect_dma semaphore(%arg11 : memref<!tpu.dma_semaphore, #tpu.memory_space<semaphore_mem>>) src(%dma_wait3A_73 : memref<100000x16xf32, #tpu.memory_space<hbm>>) dst(%arg8 : memref<1280x16xf32, #tpu.memory_space<vmem>>)
        %run_scoped3A = arith.constant 1 : i32
        "tpu.region"() ({
          %run_scoped3A_75 = tpu.sem_alloc : memref<!tpu.dma_semaphore, #tpu.memory_space<semaphore_mem>>
          %dma_start3A_76 = arith.constant 0 : i32
          %dma_start3A_77 = tpu.memref_slice %arg7[%run_scoped3A, %dma_start3A_76] : memref<2x1280xi32, #tpu.memory_space<vmem>> -> memref<1x1280xi32, #tpu.memory_space<vmem>>
          %dma_start3A_78 = tpu.memref_squeeze %dma_start3A_77 : memref<1x1280xi32, #tpu.memory_space<vmem>> -> memref<1280xi32, #tpu.memory_space<vmem>>
          %dma_start3A_79 = arith.constant 0 : i32
          %dma_start3A_80 = arith.constant 0 : i32
          %dma_start3A_81 = tpu.memref_slice %arg10[%dma_start3A_79, %dma_start3A_80] : memref<100000x16xf32, #tpu.memory_space<vmem_shared>> -> memref<100000x16xf32, #tpu.memory_space<vmem_shared>>
          tpu.enqueue_indirect_dma source(%arg8 : memref<1280x16xf32, #tpu.memory_space<vmem>>) target(%dma_start3A_81 : memref<100000x16xf32, #tpu.memory_space<vmem_shared>>) offsets(%dma_start3A_78 : memref<1280xi32, #tpu.memory_space<vmem>>) semaphore(%run_scoped3A_75 : memref<!tpu.dma_semaphore, #tpu.memory_space<semaphore_mem>>) {add = true}
          %dma_wait3A_82 = arith.constant 0 : i32
          %dma_wait3A_83 = tpu.memref_slice %arg7[%run_scoped3A, %dma_wait3A_82] : memref<2x1280xi32, #tpu.memory_space<vmem>> -> memref<1x1280xi32, #tpu.memory_space<vmem>>
          %dma_wait3A_84 = tpu.memref_squeeze %dma_wait3A_83 : memref<1x1280xi32, #tpu.memory_space<vmem>> -> memref<1280xi32, #tpu.memory_space<vmem>>
          %dma_wait3A_85 = arith.constant 0 : i32
          %dma_wait3A_86 = arith.constant 0 : i32
          %dma_wait3A_87 = tpu.memref_slice %arg10[%dma_wait3A_85, %dma_wait3A_86] : memref<100000x16xf32, #tpu.memory_space<vmem_shared>> -> memref<100000x16xf32, #tpu.memory_space<vmem_shared>>
          tpu.wait_indirect_dma semaphore(%run_scoped3A_75 : memref<!tpu.dma_semaphore, #tpu.memory_space<semaphore_mem>>) src(%arg8 : memref<1280x16xf32, #tpu.memory_space<vmem>>) dst(%dma_wait3A_87 : memref<100000x16xf32, #tpu.memory_space<vmem_shared>>)
          tpu.yield
        }) : () -> ()
        %while3A_74 = arith.constant 0 : i32
        scf.yield %while3A_74 : i32
      }
    } else {
    }
    %barrier3A_36 = arith.constant 0 : index
    tpu.barrier barrier_id(%barrier3A_36)
    %eq3A_37 = arith.constant 0 : i32
    %eq3A_38 = arith.cmpi eq, %arg0, %eq3A_37 : i32
    %convert_element_type3A_39 = arith.extui %eq3A_38 : i1 to i32
    %cond3A_40 = arith.constant 0 : i32
    %cond3A_41 = arith.cmpi ne, %convert_element_type3A_39, %cond3A_40 : i32
    scf.if %cond3A_41 {
      %sub3A_47 = arith.constant 249 : i32
      %sub3A_48 = arith.subi %sub3A_47, %arg1 : i32
      %jit3A_49 = arith.constant 16 : i32
      %div3A_50 = arith.divsi %sub3A_48, %jit3A_49 : i32
      %sign3A_51 = arith.constant 0 : i32
      %sign3A_52 = arith.cmpi sgt, %sub3A_48, %sign3A_51 : i32
      %sign3A_53 = arith.extui %sign3A_52 : i1 to i32
      %sign3A_54 = arith.constant 0 : i32
      %sign3A_55 = arith.cmpi slt, %sub3A_48, %sign3A_54 : i32
      %sign3A_56 = arith.extui %sign3A_55 : i1 to i32
      %sign3A_57 = arith.subi %sign3A_53, %sign3A_56 : i32
      %sign3A_58 = arith.constant 0 : i32
      %sign3A_59 = arith.cmpi sgt, %jit3A_49, %sign3A_58 : i32
      %sign3A_60 = arith.extui %sign3A_59 : i1 to i32
      %sign3A_61 = arith.constant 0 : i32
      %sign3A_62 = arith.cmpi slt, %jit3A_49, %sign3A_61 : i32
      %sign3A_63 = arith.extui %sign3A_62 : i1 to i32
      %sign3A_64 = arith.subi %sign3A_60, %sign3A_63 : i32
      %ne3A_65 = arith.cmpi ne, %sign3A_57, %sign3A_64 : i32
      %rem3A_66 = arith.remsi %sub3A_48, %jit3A_49 : i32
      %ne3A_67 = arith.constant 0 : i32
      %ne3A_68 = arith.cmpi ne, %rem3A_66, %ne3A_67 : i32
      %and3A_69 = arith.andi %ne3A_65, %ne3A_68 : i1
      %sub3A_70 = arith.constant 1 : i32
      %sub3A_71 = arith.subi %div3A_50, %sub3A_70 : i32
      %select_n3A_72 = arith.select %and3A_69, %sub3A_71, %div3A_50 : i32
      %add3A_73 = arith.constant 1 : i32
      %add3A_74 = arith.addi %select_n3A_72, %add3A_73 : i32
      %while3A = arith.constant 0 : i32
      %while3A_75 = arith.constant 0 : i32
      %while3A_76 = arith.subi %add3A_74, %while3A : i32
      %while3A_77 = arith.addi %while3A, %while3A_76 : i32
      %while3A_78 = arith.constant 1 : i32
      %while3A_79 = arith.divsi %while3A_76, %while3A_78 : i32
      %while3A_80 = arith.muli %while3A_79, %while3A_78 : i32
      %while3A_81 = arith.addi %while3A, %while3A_80 : i32
      %while3A_82 = arith.constant 1 : i32
      %while3A_83 = scf.for %while3A_86 = %while3A to %while3A_81 step %while3A_82 iter_args(%while3A_87 = %while3A_75) -> (i32)  : i32 {
        %mul3A = arith.constant 16 : i32
        %mul3A_88 = arith.muli %while3A_86, %mul3A : i32
        %add3A_89 = arith.addi %arg1, %mul3A_88 : i32
        %mul3A_90 = arith.constant 400 : i32
        %mul3A_91 = arith.muli %add3A_89, %mul3A_90 : i32
        "tpu.region"() ({
          %run_scoped3A = tpu.sem_alloc : memref<!tpu.dma_semaphore, #tpu.memory_space<semaphore_mem>>
          %dma_start3A = arith.constant 0 : i32
          %dma_start3A_93 = tpu.memref_slice %arg10[%mul3A_91, %dma_start3A] : memref<100000x16xf32, #tpu.memory_space<vmem_shared>> -> memref<400x16xf32, #tpu.memory_space<vmem_shared>>
          %dma_start3A_94 = arith.constant 0 : i32
          %dma_start3A_95 = tpu.memref_slice %arg10[%mul3A_91, %dma_start3A_94] : memref<100000x16xf32, #tpu.memory_space<vmem_shared>> -> memref<400x16xf32, #tpu.memory_space<vmem_shared>>
          tpu.enqueue_dma source(%dma_start3A_95 : memref<400x16xf32, #tpu.memory_space<vmem_shared>>) target(%arg9 : memref<400x16xf32, #tpu.memory_space<vmem>>) target_semaphore(%run_scoped3A : memref<!tpu.dma_semaphore, #tpu.memory_space<semaphore_mem>>)
          %dma_wait3A = arith.constant 0 : i32
          %dma_wait3A_96 = tpu.memref_slice %arg10[%mul3A_91, %dma_wait3A] : memref<100000x16xf32, #tpu.memory_space<vmem_shared>> -> memref<400x16xf32, #tpu.memory_space<vmem_shared>>
          %dma_wait3A_97 = arith.constant 0 : i32
          %dma_wait3A_98 = tpu.memref_slice %arg10[%mul3A_91, %dma_wait3A_97] : memref<100000x16xf32, #tpu.memory_space<vmem_shared>> -> memref<400x16xf32, #tpu.memory_space<vmem_shared>>
          tpu.wait_dma2 semaphore(%run_scoped3A : memref<!tpu.dma_semaphore, #tpu.memory_space<semaphore_mem>>) src(%dma_wait3A_98 : memref<400x16xf32, #tpu.memory_space<vmem_shared>>) dst(%arg9 : memref<400x16xf32, #tpu.memory_space<vmem>>)
          tpu.yield
        }) : () -> ()
        "tpu.region"() ({
          %run_scoped3A = tpu.sem_alloc : memref<!tpu.dma_semaphore, #tpu.memory_space<semaphore_mem>>
          %dma_start3A = arith.constant 0 : i32
          %dma_start3A_93 = tpu.memref_slice %arg5[%mul3A_91, %dma_start3A] : memref<100000x16xf32, #tpu.memory_space<hbm>> -> memref<400x16xf32, #tpu.memory_space<hbm>>
          %dma_start3A_94 = arith.constant 0 : i32
          %dma_start3A_95 = tpu.memref_slice %arg5[%mul3A_91, %dma_start3A_94] : memref<100000x16xf32, #tpu.memory_space<hbm>> -> memref<400x16xf32, #tpu.memory_space<hbm>>
          tpu.enqueue_dma source(%arg9 : memref<400x16xf32, #tpu.memory_space<vmem>>) target(%dma_start3A_95 : memref<400x16xf32, #tpu.memory_space<hbm>>) target_semaphore(%run_scoped3A : memref<!tpu.dma_semaphore, #tpu.memory_space<semaphore_mem>>)
          %dma_wait3A = arith.constant 0 : i32
          %dma_wait3A_96 = tpu.memref_slice %arg5[%mul3A_91, %dma_wait3A] : memref<100000x16xf32, #tpu.memory_space<hbm>> -> memref<400x16xf32, #tpu.memory_space<hbm>>
          %dma_wait3A_97 = arith.constant 0 : i32
          %dma_wait3A_98 = tpu.memref_slice %arg5[%mul3A_91, %dma_wait3A_97] : memref<100000x16xf32, #tpu.memory_space<hbm>> -> memref<400x16xf32, #tpu.memory_space<hbm>>
          tpu.wait_dma2 semaphore(%run_scoped3A : memref<!tpu.dma_semaphore, #tpu.memory_space<semaphore_mem>>) src(%arg9 : memref<400x16xf32, #tpu.memory_space<vmem>>) dst(%dma_wait3A_98 : memref<400x16xf32, #tpu.memory_space<hbm>>)
          tpu.yield
        }) : () -> ()
        %while3A_92 = arith.constant 0 : i32
        scf.yield %while3A_92 : i32
      }
      %while3A_84 = arith.constant 1 : i32
      %while3A_85 = scf.for %while3A_86 = %while3A_81 to %while3A_77 step %while3A_84 iter_args(%while3A_87 = %while3A_83) -> (i32)  : i32 {
        %mul3A = arith.constant 16 : i32
        %mul3A_88 = arith.muli %while3A_86, %mul3A : i32
        %add3A_89 = arith.addi %arg1, %mul3A_88 : i32
        %mul3A_90 = arith.constant 400 : i32
        %mul3A_91 = arith.muli %add3A_89, %mul3A_90 : i32
        "tpu.region"() ({
          %run_scoped3A = tpu.sem_alloc : memref<!tpu.dma_semaphore, #tpu.memory_space<semaphore_mem>>
          %dma_start3A = arith.constant 0 : i32
          %dma_start3A_93 = tpu.memref_slice %arg10[%mul3A_91, %dma_start3A] : memref<100000x16xf32, #tpu.memory_space<vmem_shared>> -> memref<400x16xf32, #tpu.memory_space<vmem_shared>>
          %dma_start3A_94 = arith.constant 0 : i32
          %dma_start3A_95 = tpu.memref_slice %arg10[%mul3A_91, %dma_start3A_94] : memref<100000x16xf32, #tpu.memory_space<vmem_shared>> -> memref<400x16xf32, #tpu.memory_space<vmem_shared>>
          tpu.enqueue_dma source(%dma_start3A_95 : memref<400x16xf32, #tpu.memory_space<vmem_shared>>) target(%arg9 : memref<400x16xf32, #tpu.memory_space<vmem>>) target_semaphore(%run_scoped3A : memref<!tpu.dma_semaphore, #tpu.memory_space<semaphore_mem>>)
          %dma_wait3A = arith.constant 0 : i32
          %dma_wait3A_96 = tpu.memref_slice %arg10[%mul3A_91, %dma_wait3A] : memref<100000x16xf32, #tpu.memory_space<vmem_shared>> -> memref<400x16xf32, #tpu.memory_space<vmem_shared>>
          %dma_wait3A_97 = arith.constant 0 : i32
          %dma_wait3A_98 = tpu.memref_slice %arg10[%mul3A_91, %dma_wait3A_97] : memref<100000x16xf32, #tpu.memory_space<vmem_shared>> -> memref<400x16xf32, #tpu.memory_space<vmem_shared>>
          tpu.wait_dma2 semaphore(%run_scoped3A : memref<!tpu.dma_semaphore, #tpu.memory_space<semaphore_mem>>) src(%dma_wait3A_98 : memref<400x16xf32, #tpu.memory_space<vmem_shared>>) dst(%arg9 : memref<400x16xf32, #tpu.memory_space<vmem>>)
          tpu.yield
        }) : () -> ()
        "tpu.region"() ({
          %run_scoped3A = tpu.sem_alloc : memref<!tpu.dma_semaphore, #tpu.memory_space<semaphore_mem>>
          %dma_start3A = arith.constant 0 : i32
          %dma_start3A_93 = tpu.memref_slice %arg5[%mul3A_91, %dma_start3A] : memref<100000x16xf32, #tpu.memory_space<hbm>> -> memref<400x16xf32, #tpu.memory_space<hbm>>
          %dma_start3A_94 = arith.constant 0 : i32
          %dma_start3A_95 = tpu.memref_slice %arg5[%mul3A_91, %dma_start3A_94] : memref<100000x16xf32, #tpu.memory_space<hbm>> -> memref<400x16xf32, #tpu.memory_space<hbm>>
          tpu.enqueue_dma source(%arg9 : memref<400x16xf32, #tpu.memory_space<vmem>>) target(%dma_start3A_95 : memref<400x16xf32, #tpu.memory_space<hbm>>) target_semaphore(%run_scoped3A : memref<!tpu.dma_semaphore, #tpu.memory_space<semaphore_mem>>)
          %dma_wait3A = arith.constant 0 : i32
          %dma_wait3A_96 = tpu.memref_slice %arg5[%mul3A_91, %dma_wait3A] : memref<100000x16xf32, #tpu.memory_space<hbm>> -> memref<400x16xf32, #tpu.memory_space<hbm>>
          %dma_wait3A_97 = arith.constant 0 : i32
          %dma_wait3A_98 = tpu.memref_slice %arg5[%mul3A_91, %dma_wait3A_97] : memref<100000x16xf32, #tpu.memory_space<hbm>> -> memref<400x16xf32, #tpu.memory_space<hbm>>
          tpu.wait_dma2 semaphore(%run_scoped3A : memref<!tpu.dma_semaphore, #tpu.memory_space<semaphore_mem>>) src(%arg9 : memref<400x16xf32, #tpu.memory_space<vmem>>) dst(%dma_wait3A_98 : memref<400x16xf32, #tpu.memory_space<hbm>>)
          tpu.yield
        }) : () -> ()
        %while3A_92 = arith.constant 0 : i32
        scf.yield %while3A_92 : i32
      }
    } else {
    }
    %eq3A_42 = arith.constant 1 : i32
    %eq3A_43 = arith.cmpi eq, %arg0, %eq3A_42 : i32
    %convert_element_type3A_44 = arith.extui %eq3A_43 : i1 to i32
    %cond3A_45 = arith.constant 0 : i32
    %cond3A_46 = arith.cmpi ne, %convert_element_type3A_44, %cond3A_45 : i32
    scf.if %cond3A_46 {
      %sub3A_47 = arith.constant 249 : i32
      %sub3A_48 = arith.subi %sub3A_47, %arg1 : i32
      %jit3A_49 = arith.constant 16 : i32
      %div3A_50 = arith.divsi %sub3A_48, %jit3A_49 : i32
      %sign3A_51 = arith.constant 0 : i32
      %sign3A_52 = arith.cmpi sgt, %sub3A_48, %sign3A_51 : i32
      %sign3A_53 = arith.extui %sign3A_52 : i1 to i32
      %sign3A_54 = arith.constant 0 : i32
      %sign3A_55 = arith.cmpi slt, %sub3A_48, %sign3A_54 : i32
      %sign3A_56 = arith.extui %sign3A_55 : i1 to i32
      %sign3A_57 = arith.subi %sign3A_53, %sign3A_56 : i32
      %sign3A_58 = arith.constant 0 : i32
      %sign3A_59 = arith.cmpi sgt, %jit3A_49, %sign3A_58 : i32
      %sign3A_60 = arith.extui %sign3A_59 : i1 to i32
      %sign3A_61 = arith.constant 0 : i32
      %sign3A_62 = arith.cmpi slt, %jit3A_49, %sign3A_61 : i32
      %sign3A_63 = arith.extui %sign3A_62 : i1 to i32
      %sign3A_64 = arith.subi %sign3A_60, %sign3A_63 : i32
      %ne3A_65 = arith.cmpi ne, %sign3A_57, %sign3A_64 : i32
      %rem3A_66 = arith.remsi %sub3A_48, %jit3A_49 : i32
      %ne3A_67 = arith.constant 0 : i32
      %ne3A_68 = arith.cmpi ne, %rem3A_66, %ne3A_67 : i32
      %and3A_69 = arith.andi %ne3A_65, %ne3A_68 : i1
      %sub3A_70 = arith.constant 1 : i32
      %sub3A_71 = arith.subi %div3A_50, %sub3A_70 : i32
      %select_n3A_72 = arith.select %and3A_69, %sub3A_71, %div3A_50 : i32
      %add3A_73 = arith.constant 1 : i32
      %add3A_74 = arith.addi %select_n3A_72, %add3A_73 : i32
      %while3A = arith.constant 0 : i32
      %while3A_75 = arith.constant 0 : i32
      %while3A_76 = arith.subi %add3A_74, %while3A : i32
      %while3A_77 = arith.addi %while3A, %while3A_76 : i32
      %while3A_78 = arith.constant 1 : i32
      %while3A_79 = arith.divsi %while3A_76, %while3A_78 : i32
      %while3A_80 = arith.muli %while3A_79, %while3A_78 : i32
      %while3A_81 = arith.addi %while3A, %while3A_80 : i32
      %while3A_82 = arith.constant 1 : i32
      %while3A_83 = scf.for %while3A_86 = %while3A to %while3A_81 step %while3A_82 iter_args(%while3A_87 = %while3A_75) -> (i32)  : i32 {
        %mul3A = arith.constant 16 : i32
        %mul3A_88 = arith.muli %while3A_86, %mul3A : i32
        %add3A_89 = arith.addi %arg1, %mul3A_88 : i32
        %mul3A_90 = arith.constant 400 : i32
        %mul3A_91 = arith.muli %add3A_89, %mul3A_90 : i32
        "tpu.region"() ({
          %run_scoped3A = tpu.sem_alloc : memref<!tpu.dma_semaphore, #tpu.memory_space<semaphore_mem>>
          %dma_start3A = arith.constant 0 : i32
          %dma_start3A_93 = tpu.memref_slice %arg10[%mul3A_91, %dma_start3A] : memref<100000x16xf32, #tpu.memory_space<vmem_shared>> -> memref<400x16xf32, #tpu.memory_space<vmem_shared>>
          %dma_start3A_94 = arith.constant 0 : i32
          %dma_start3A_95 = tpu.memref_slice %arg10[%mul3A_91, %dma_start3A_94] : memref<100000x16xf32, #tpu.memory_space<vmem_shared>> -> memref<400x16xf32, #tpu.memory_space<vmem_shared>>
          tpu.enqueue_dma source(%dma_start3A_95 : memref<400x16xf32, #tpu.memory_space<vmem_shared>>) target(%arg9 : memref<400x16xf32, #tpu.memory_space<vmem>>) target_semaphore(%run_scoped3A : memref<!tpu.dma_semaphore, #tpu.memory_space<semaphore_mem>>)
          %dma_wait3A = arith.constant 0 : i32
          %dma_wait3A_96 = tpu.memref_slice %arg10[%mul3A_91, %dma_wait3A] : memref<100000x16xf32, #tpu.memory_space<vmem_shared>> -> memref<400x16xf32, #tpu.memory_space<vmem_shared>>
          %dma_wait3A_97 = arith.constant 0 : i32
          %dma_wait3A_98 = tpu.memref_slice %arg10[%mul3A_91, %dma_wait3A_97] : memref<100000x16xf32, #tpu.memory_space<vmem_shared>> -> memref<400x16xf32, #tpu.memory_space<vmem_shared>>
          tpu.wait_dma2 semaphore(%run_scoped3A : memref<!tpu.dma_semaphore, #tpu.memory_space<semaphore_mem>>) src(%dma_wait3A_98 : memref<400x16xf32, #tpu.memory_space<vmem_shared>>) dst(%arg9 : memref<400x16xf32, #tpu.memory_space<vmem>>)
          tpu.yield
        }) : () -> ()
        "tpu.region"() ({
          %run_scoped3A = tpu.sem_alloc : memref<!tpu.dma_semaphore, #tpu.memory_space<semaphore_mem>>
          %dma_start3A = arith.constant 0 : i32
          %dma_start3A_93 = tpu.memref_slice %arg6[%mul3A_91, %dma_start3A] : memref<100000x16xf32, #tpu.memory_space<hbm>> -> memref<400x16xf32, #tpu.memory_space<hbm>>
          %dma_start3A_94 = arith.constant 0 : i32
          %dma_start3A_95 = tpu.memref_slice %arg6[%mul3A_91, %dma_start3A_94] : memref<100000x16xf32, #tpu.memory_space<hbm>> -> memref<400x16xf32, #tpu.memory_space<hbm>>
          tpu.enqueue_dma source(%arg9 : memref<400x16xf32, #tpu.memory_space<vmem>>) target(%dma_start3A_95 : memref<400x16xf32, #tpu.memory_space<hbm>>) target_semaphore(%run_scoped3A : memref<!tpu.dma_semaphore, #tpu.memory_space<semaphore_mem>>)
          %dma_wait3A = arith.constant 0 : i32
          %dma_wait3A_96 = tpu.memref_slice %arg6[%mul3A_91, %dma_wait3A] : memref<100000x16xf32, #tpu.memory_space<hbm>> -> memref<400x16xf32, #tpu.memory_space<hbm>>
          %dma_wait3A_97 = arith.constant 0 : i32
          %dma_wait3A_98 = tpu.memref_slice %arg6[%mul3A_91, %dma_wait3A_97] : memref<100000x16xf32, #tpu.memory_space<hbm>> -> memref<400x16xf32, #tpu.memory_space<hbm>>
          tpu.wait_dma2 semaphore(%run_scoped3A : memref<!tpu.dma_semaphore, #tpu.memory_space<semaphore_mem>>) src(%arg9 : memref<400x16xf32, #tpu.memory_space<vmem>>) dst(%dma_wait3A_98 : memref<400x16xf32, #tpu.memory_space<hbm>>)
          tpu.yield
        }) : () -> ()
        %while3A_92 = arith.constant 0 : i32
        scf.yield %while3A_92 : i32
      }
      %while3A_84 = arith.constant 1 : i32
      %while3A_85 = scf.for %while3A_86 = %while3A_81 to %while3A_77 step %while3A_84 iter_args(%while3A_87 = %while3A_83) -> (i32)  : i32 {
        %mul3A = arith.constant 16 : i32
        %mul3A_88 = arith.muli %while3A_86, %mul3A : i32
        %add3A_89 = arith.addi %arg1, %mul3A_88 : i32
        %mul3A_90 = arith.constant 400 : i32
        %mul3A_91 = arith.muli %add3A_89, %mul3A_90 : i32
        "tpu.region"() ({
          %run_scoped3A = tpu.sem_alloc : memref<!tpu.dma_semaphore, #tpu.memory_space<semaphore_mem>>
          %dma_start3A = arith.constant 0 : i32
          %dma_start3A_93 = tpu.memref_slice %arg10[%mul3A_91, %dma_start3A] : memref<100000x16xf32, #tpu.memory_space<vmem_shared>> -> memref<400x16xf32, #tpu.memory_space<vmem_shared>>
          %dma_start3A_94 = arith.constant 0 : i32
          %dma_start3A_95 = tpu.memref_slice %arg10[%mul3A_91, %dma_start3A_94] : memref<100000x16xf32, #tpu.memory_space<vmem_shared>> -> memref<400x16xf32, #tpu.memory_space<vmem_shared>>
          tpu.enqueue_dma source(%dma_start3A_95 : memref<400x16xf32, #tpu.memory_space<vmem_shared>>) target(%arg9 : memref<400x16xf32, #tpu.memory_space<vmem>>) target_semaphore(%run_scoped3A : memref<!tpu.dma_semaphore, #tpu.memory_space<semaphore_mem>>)
          %dma_wait3A = arith.constant 0 : i32
          %dma_wait3A_96 = tpu.memref_slice %arg10[%mul3A_91, %dma_wait3A] : memref<100000x16xf32, #tpu.memory_space<vmem_shared>> -> memref<400x16xf32, #tpu.memory_space<vmem_shared>>
          %dma_wait3A_97 = arith.constant 0 : i32
          %dma_wait3A_98 = tpu.memref_slice %arg10[%mul3A_91, %dma_wait3A_97] : memref<100000x16xf32, #tpu.memory_space<vmem_shared>> -> memref<400x16xf32, #tpu.memory_space<vmem_shared>>
          tpu.wait_dma2 semaphore(%run_scoped3A : memref<!tpu.dma_semaphore, #tpu.memory_space<semaphore_mem>>) src(%dma_wait3A_98 : memref<400x16xf32, #tpu.memory_space<vmem_shared>>) dst(%arg9 : memref<400x16xf32, #tpu.memory_space<vmem>>)
          tpu.yield
        }) : () -> ()
        "tpu.region"() ({
          %run_scoped3A = tpu.sem_alloc : memref<!tpu.dma_semaphore, #tpu.memory_space<semaphore_mem>>
          %dma_start3A = arith.constant 0 : i32
          %dma_start3A_93 = tpu.memref_slice %arg6[%mul3A_91, %dma_start3A] : memref<100000x16xf32, #tpu.memory_space<hbm>> -> memref<400x16xf32, #tpu.memory_space<hbm>>
          %dma_start3A_94 = arith.constant 0 : i32
          %dma_start3A_95 = tpu.memref_slice %arg6[%mul3A_91, %dma_start3A_94] : memref<100000x16xf32, #tpu.memory_space<hbm>> -> memref<400x16xf32, #tpu.memory_space<hbm>>
          tpu.enqueue_dma source(%arg9 : memref<400x16xf32, #tpu.memory_space<vmem>>) target(%dma_start3A_95 : memref<400x16xf32, #tpu.memory_space<hbm>>) target_semaphore(%run_scoped3A : memref<!tpu.dma_semaphore, #tpu.memory_space<semaphore_mem>>)
          %dma_wait3A = arith.constant 0 : i32
          %dma_wait3A_96 = tpu.memref_slice %arg6[%mul3A_91, %dma_wait3A] : memref<100000x16xf32, #tpu.memory_space<hbm>> -> memref<400x16xf32, #tpu.memory_space<hbm>>
          %dma_wait3A_97 = arith.constant 0 : i32
          %dma_wait3A_98 = tpu.memref_slice %arg6[%mul3A_91, %dma_wait3A_97] : memref<100000x16xf32, #tpu.memory_space<hbm>> -> memref<400x16xf32, #tpu.memory_space<hbm>>
          tpu.wait_dma2 semaphore(%run_scoped3A : memref<!tpu.dma_semaphore, #tpu.memory_space<semaphore_mem>>) src(%arg9 : memref<400x16xf32, #tpu.memory_space<vmem>>) dst(%dma_wait3A_98 : memref<400x16xf32, #tpu.memory_space<hbm>>)
          tpu.yield
        }) : () -> ()
        %while3A_92 = arith.constant 0 : i32
        scf.yield %while3A_92 : i32
      }
    } else {
    }
    return
  }
}

#map = affine_map<(d0, d1) -> (0, 0)>
#map1 = affine_map<(d0, d1) -> (0, 0, 0)>
module attributes {stable_mosaic.version = 14 : i64} {
  func.func @k(%arg0: i32, %arg1: i32, %arg2: memref<100000x16xf32, #tpu.memory_space<hbm>>, %arg3: memref<100000x16xf32, #tpu.memory_space<hbm>>, %arg4: memref<1250x2x1280xi32, #tpu.memory_space<hbm>>, %arg5: memref<100000x16xf32, #tpu.memory_space<hbm>>, %arg6: memref<100000x16xf32, #tpu.memory_space<hbm>>, %arg7: memref<2x1280xi32, #tpu.memory_space<vmem>>, %arg8: memref<1280x16xf32, #tpu.memory_space<vmem>>, %arg9: memref<400x16xf32, #tpu.memory_space<vmem>>, %arg10: memref<100000x16xf32, #tpu.memory_space<vmem_shared>>, %arg11: memref<!tpu.dma_semaphore, #tpu.memory_space<semaphore_mem>>) attributes {dimension_semantics = [#tpu.dimension_semantics<core_parallel>, #tpu.dimension_semantics<subcore_parallel>], iteration_bounds = array<i64: 2, 16>, scalar_prefetch = 0 : i64, scratch_operands = 5 : i64, tpu.core_type = #tpu.core_type<sc_vector_subcore>, window_params = [{transform_indices = #map}, {transform_indices = #map}, {transform_indices = #map1}, {transform_indices = #map}, {transform_indices = #map}]} {
    %eq3A = arith.constant 0 : i32
    %eq3A_0 = arith.cmpi eq, %arg0, %eq3A : i32
    %convert_element_type3A = arith.extui %eq3A_0 : i1 to i32
    %cond3A = arith.constant 0 : i32
    %cond3A_1 = arith.cmpi ne, %convert_element_type3A, %cond3A : i32
    scf.if %cond3A_1 {
      %sub3A_47 = arith.constant 249 : i32
      %sub3A_48 = arith.subi %sub3A_47, %arg1 : i32
      %jit3A_49 = arith.constant 16 : i32
      %div3A_50 = arith.divsi %sub3A_48, %jit3A_49 : i32
      %sign3A_51 = arith.constant 0 : i32
      %sign3A_52 = arith.cmpi sgt, %sub3A_48, %sign3A_51 : i32
      %sign3A_53 = arith.extui %sign3A_52 : i1 to i32
      %sign3A_54 = arith.constant 0 : i32
      %sign3A_55 = arith.cmpi slt, %sub3A_48, %sign3A_54 : i32
      %sign3A_56 = arith.extui %sign3A_55 : i1 to i32
      %sign3A_57 = arith.subi %sign3A_53, %sign3A_56 : i32
      %sign3A_58 = arith.constant 0 : i32
      %sign3A_59 = arith.cmpi sgt, %jit3A_49, %sign3A_58 : i32
      %sign3A_60 = arith.extui %sign3A_59 : i1 to i32
      %sign3A_61 = arith.constant 0 : i32
      %sign3A_62 = arith.cmpi slt, %jit3A_49, %sign3A_61 : i32
      %sign3A_63 = arith.extui %sign3A_62 : i1 to i32
      %sign3A_64 = arith.subi %sign3A_60, %sign3A_63 : i32
      %ne3A_65 = arith.cmpi ne, %sign3A_57, %sign3A_64 : i32
      %rem3A_66 = arith.remsi %sub3A_48, %jit3A_49 : i32
      %ne3A_67 = arith.constant 0 : i32
      %ne3A_68 = arith.cmpi ne, %rem3A_66, %ne3A_67 : i32
      %and3A_69 = arith.andi %ne3A_65, %ne3A_68 : i1
      %sub3A_70 = arith.constant 1 : i32
      %sub3A_71 = arith.subi %div3A_50, %sub3A_70 : i32
      %select_n3A_72 = arith.select %and3A_69, %sub3A_71, %div3A_50 : i32
      %add3A_73 = arith.constant 1 : i32
      %add3A_74 = arith.addi %select_n3A_72, %add3A_73 : i32
      %while3A = arith.constant 0 : i32
      %while3A_75 = arith.constant 0 : i32
      %while3A_76 = arith.subi %add3A_74, %while3A : i32
      %while3A_77 = arith.addi %while3A, %while3A_76 : i32
      %while3A_78 = arith.constant 1 : i32
      %while3A_79 = arith.divsi %while3A_76, %while3A_78 : i32
      %while3A_80 = arith.muli %while3A_79, %while3A_78 : i32
      %while3A_81 = arith.addi %while3A, %while3A_80 : i32
      %while3A_82 = arith.constant 1 : i32
      %while3A_83 = scf.for %while3A_86 = %while3A to %while3A_81 step %while3A_82 iter_args(%while3A_87 = %while3A_75) -> (i32)  : i32 {
        %mul3A = arith.constant 16 : i32
        %mul3A_88 = arith.muli %while3A_86, %mul3A : i32
        %add3A_89 = arith.addi %arg1, %mul3A_88 : i32
        %mul3A_90 = arith.constant 400 : i32
        %mul3A_91 = arith.muli %add3A_89, %mul3A_90 : i32
        "tpu.region"() ({
          %run_scoped3A = tpu.sem_alloc : memref<!tpu.dma_semaphore, #tpu.memory_space<semaphore_mem>>
          %dma_start3A = arith.constant 0 : i32
          %dma_start3A_93 = tpu.memref_slice %arg2[%mul3A_91, %dma_start3A] : memref<100000x16xf32, #tpu.memory_space<hbm>> -> memref<400x16xf32, #tpu.memory_space<hbm>>
          %dma_start3A_94 = arith.constant 0 : i32
          %dma_start3A_95 = tpu.memref_slice %arg2[%mul3A_91, %dma_start3A_94] : memref<100000x16xf32, #tpu.memory_space<hbm>> -> memref<400x16xf32, #tpu.memory_space<hbm>>
          tpu.enqueue_dma source(%dma_start3A_95 : memref<400x16xf32, #tpu.memory_space<hbm>>) target(%arg9 : memref<400x16xf32, #tpu.memory_space<vmem>>) target_semaphore(%run_scoped3A : memref<!tpu.dma_semaphore, #tpu.memory_space<semaphore_mem>>)
          %dma_wait3A = arith.constant 0 : i32
          %dma_wait3A_96 = tpu.memref_slice %arg2[%mul3A_91, %dma_wait3A] : memref<100000x16xf32, #tpu.memory_space<hbm>> -> memref<400x16xf32, #tpu.memory_space<hbm>>
          %dma_wait3A_97 = arith.constant 0 : i32
          %dma_wait3A_98 = tpu.memref_slice %arg2[%mul3A_91, %dma_wait3A_97] : memref<100000x16xf32, #tpu.memory_space<hbm>> -> memref<400x16xf32, #tpu.memory_space<hbm>>
          tpu.wait_dma2 semaphore(%run_scoped3A : memref<!tpu.dma_semaphore, #tpu.memory_space<semaphore_mem>>) src(%dma_wait3A_98 : memref<400x16xf32, #tpu.memory_space<hbm>>) dst(%arg9 : memref<400x16xf32, #tpu.memory_space<vmem>>)
          tpu.yield
        }) : () -> ()
        "tpu.region"() ({
          %run_scoped3A = tpu.sem_alloc : memref<!tpu.dma_semaphore, #tpu.memory_space<semaphore_mem>>
          %dma_start3A = arith.constant 0 : i32
          %dma_start3A_93 = tpu.memref_slice %arg10[%mul3A_91, %dma_start3A] : memref<100000x16xf32, #tpu.memory_space<vmem_shared>> -> memref<400x16xf32, #tpu.memory_space<vmem_shared>>
          %dma_start3A_94 = arith.constant 0 : i32
          %dma_start3A_95 = tpu.memref_slice %arg10[%mul3A_91, %dma_start3A_94] : memref<100000x16xf32, #tpu.memory_space<vmem_shared>> -> memref<400x16xf32, #tpu.memory_space<vmem_shared>>
          tpu.enqueue_dma source(%arg9 : memref<400x16xf32, #tpu.memory_space<vmem>>) target(%dma_start3A_95 : memref<400x16xf32, #tpu.memory_space<vmem_shared>>) target_semaphore(%run_scoped3A : memref<!tpu.dma_semaphore, #tpu.memory_space<semaphore_mem>>)
          %dma_wait3A = arith.constant 0 : i32
          %dma_wait3A_96 = tpu.memref_slice %arg10[%mul3A_91, %dma_wait3A] : memref<100000x16xf32, #tpu.memory_space<vmem_shared>> -> memref<400x16xf32, #tpu.memory_space<vmem_shared>>
          %dma_wait3A_97 = arith.constant 0 : i32
          %dma_wait3A_98 = tpu.memref_slice %arg10[%mul3A_91, %dma_wait3A_97] : memref<100000x16xf32, #tpu.memory_space<vmem_shared>> -> memref<400x16xf32, #tpu.memory_space<vmem_shared>>
          tpu.wait_dma2 semaphore(%run_scoped3A : memref<!tpu.dma_semaphore, #tpu.memory_space<semaphore_mem>>) src(%arg9 : memref<400x16xf32, #tpu.memory_space<vmem>>) dst(%dma_wait3A_98 : memref<400x16xf32, #tpu.memory_space<vmem_shared>>)
          tpu.yield
        }) : () -> ()
        %while3A_92 = arith.constant 0 : i32
        scf.yield %while3A_92 : i32
      }
      %while3A_84 = arith.constant 1 : i32
      %while3A_85 = scf.for %while3A_86 = %while3A_81 to %while3A_77 step %while3A_84 iter_args(%while3A_87 = %while3A_83) -> (i32)  : i32 {
        %mul3A = arith.constant 16 : i32
        %mul3A_88 = arith.muli %while3A_86, %mul3A : i32
        %add3A_89 = arith.addi %arg1, %mul3A_88 : i32
        %mul3A_90 = arith.constant 400 : i32
        %mul3A_91 = arith.muli %add3A_89, %mul3A_90 : i32
        "tpu.region"() ({
          %run_scoped3A = tpu.sem_alloc : memref<!tpu.dma_semaphore, #tpu.memory_space<semaphore_mem>>
          %dma_start3A = arith.constant 0 : i32
          %dma_start3A_93 = tpu.memref_slice %arg2[%mul3A_91, %dma_start3A] : memref<100000x16xf32, #tpu.memory_space<hbm>> -> memref<400x16xf32, #tpu.memory_space<hbm>>
          %dma_start3A_94 = arith.constant 0 : i32
          %dma_start3A_95 = tpu.memref_slice %arg2[%mul3A_91, %dma_start3A_94] : memref<100000x16xf32, #tpu.memory_space<hbm>> -> memref<400x16xf32, #tpu.memory_space<hbm>>
          tpu.enqueue_dma source(%dma_start3A_95 : memref<400x16xf32, #tpu.memory_space<hbm>>) target(%arg9 : memref<400x16xf32, #tpu.memory_space<vmem>>) target_semaphore(%run_scoped3A : memref<!tpu.dma_semaphore, #tpu.memory_space<semaphore_mem>>)
          %dma_wait3A = arith.constant 0 : i32
          %dma_wait3A_96 = tpu.memref_slice %arg2[%mul3A_91, %dma_wait3A] : memref<100000x16xf32, #tpu.memory_space<hbm>> -> memref<400x16xf32, #tpu.memory_space<hbm>>
          %dma_wait3A_97 = arith.constant 0 : i32
          %dma_wait3A_98 = tpu.memref_slice %arg2[%mul3A_91, %dma_wait3A_97] : memref<100000x16xf32, #tpu.memory_space<hbm>> -> memref<400x16xf32, #tpu.memory_space<hbm>>
          tpu.wait_dma2 semaphore(%run_scoped3A : memref<!tpu.dma_semaphore, #tpu.memory_space<semaphore_mem>>) src(%dma_wait3A_98 : memref<400x16xf32, #tpu.memory_space<hbm>>) dst(%arg9 : memref<400x16xf32, #tpu.memory_space<vmem>>)
          tpu.yield
        }) : () -> ()
        "tpu.region"() ({
          %run_scoped3A = tpu.sem_alloc : memref<!tpu.dma_semaphore, #tpu.memory_space<semaphore_mem>>
          %dma_start3A = arith.constant 0 : i32
          %dma_start3A_93 = tpu.memref_slice %arg10[%mul3A_91, %dma_start3A] : memref<100000x16xf32, #tpu.memory_space<vmem_shared>> -> memref<400x16xf32, #tpu.memory_space<vmem_shared>>
          %dma_start3A_94 = arith.constant 0 : i32
          %dma_start3A_95 = tpu.memref_slice %arg10[%mul3A_91, %dma_start3A_94] : memref<100000x16xf32, #tpu.memory_space<vmem_shared>> -> memref<400x16xf32, #tpu.memory_space<vmem_shared>>
          tpu.enqueue_dma source(%arg9 : memref<400x16xf32, #tpu.memory_space<vmem>>) target(%dma_start3A_95 : memref<400x16xf32, #tpu.memory_space<vmem_shared>>) target_semaphore(%run_scoped3A : memref<!tpu.dma_semaphore, #tpu.memory_space<semaphore_mem>>)
          %dma_wait3A = arith.constant 0 : i32
          %dma_wait3A_96 = tpu.memref_slice %arg10[%mul3A_91, %dma_wait3A] : memref<100000x16xf32, #tpu.memory_space<vmem_shared>> -> memref<400x16xf32, #tpu.memory_space<vmem_shared>>
          %dma_wait3A_97 = arith.constant 0 : i32
          %dma_wait3A_98 = tpu.memref_slice %arg10[%mul3A_91, %dma_wait3A_97] : memref<100000x16xf32, #tpu.memory_space<vmem_shared>> -> memref<400x16xf32, #tpu.memory_space<vmem_shared>>
          tpu.wait_dma2 semaphore(%run_scoped3A : memref<!tpu.dma_semaphore, #tpu.memory_space<semaphore_mem>>) src(%arg9 : memref<400x16xf32, #tpu.memory_space<vmem>>) dst(%dma_wait3A_98 : memref<400x16xf32, #tpu.memory_space<vmem_shared>>)
          tpu.yield
        }) : () -> ()
        %while3A_92 = arith.constant 0 : i32
        scf.yield %while3A_92 : i32
      }
    } else {
    }
    %eq3A_2 = arith.constant 1 : i32
    %eq3A_3 = arith.cmpi eq, %arg0, %eq3A_2 : i32
    %convert_element_type3A_4 = arith.extui %eq3A_3 : i1 to i32
    %cond3A_5 = arith.constant 0 : i32
    %cond3A_6 = arith.cmpi ne, %convert_element_type3A_4, %cond3A_5 : i32
    scf.if %cond3A_6 {
      %sub3A_47 = arith.constant 249 : i32
      %sub3A_48 = arith.subi %sub3A_47, %arg1 : i32
      %jit3A_49 = arith.constant 16 : i32
      %div3A_50 = arith.divsi %sub3A_48, %jit3A_49 : i32
      %sign3A_51 = arith.constant 0 : i32
      %sign3A_52 = arith.cmpi sgt, %sub3A_48, %sign3A_51 : i32
      %sign3A_53 = arith.extui %sign3A_52 : i1 to i32
      %sign3A_54 = arith.constant 0 : i32
      %sign3A_55 = arith.cmpi slt, %sub3A_48, %sign3A_54 : i32
      %sign3A_56 = arith.extui %sign3A_55 : i1 to i32
      %sign3A_57 = arith.subi %sign3A_53, %sign3A_56 : i32
      %sign3A_58 = arith.constant 0 : i32
      %sign3A_59 = arith.cmpi sgt, %jit3A_49, %sign3A_58 : i32
      %sign3A_60 = arith.extui %sign3A_59 : i1 to i32
      %sign3A_61 = arith.constant 0 : i32
      %sign3A_62 = arith.cmpi slt, %jit3A_49, %sign3A_61 : i32
      %sign3A_63 = arith.extui %sign3A_62 : i1 to i32
      %sign3A_64 = arith.subi %sign3A_60, %sign3A_63 : i32
      %ne3A_65 = arith.cmpi ne, %sign3A_57, %sign3A_64 : i32
      %rem3A_66 = arith.remsi %sub3A_48, %jit3A_49 : i32
      %ne3A_67 = arith.constant 0 : i32
      %ne3A_68 = arith.cmpi ne, %rem3A_66, %ne3A_67 : i32
      %and3A_69 = arith.andi %ne3A_65, %ne3A_68 : i1
      %sub3A_70 = arith.constant 1 : i32
      %sub3A_71 = arith.subi %div3A_50, %sub3A_70 : i32
      %select_n3A_72 = arith.select %and3A_69, %sub3A_71, %div3A_50 : i32
      %add3A_73 = arith.constant 1 : i32
      %add3A_74 = arith.addi %select_n3A_72, %add3A_73 : i32
      %while3A = arith.constant 0 : i32
      %while3A_75 = arith.constant 0 : i32
      %while3A_76 = arith.subi %add3A_74, %while3A : i32
      %while3A_77 = arith.addi %while3A, %while3A_76 : i32
      %while3A_78 = arith.constant 1 : i32
      %while3A_79 = arith.divsi %while3A_76, %while3A_78 : i32
      %while3A_80 = arith.muli %while3A_79, %while3A_78 : i32
      %while3A_81 = arith.addi %while3A, %while3A_80 : i32
      %while3A_82 = arith.constant 1 : i32
      %while3A_83 = scf.for %while3A_86 = %while3A to %while3A_81 step %while3A_82 iter_args(%while3A_87 = %while3A_75) -> (i32)  : i32 {
        %mul3A = arith.constant 16 : i32
        %mul3A_88 = arith.muli %while3A_86, %mul3A : i32
        %add3A_89 = arith.addi %arg1, %mul3A_88 : i32
        %mul3A_90 = arith.constant 400 : i32
        %mul3A_91 = arith.muli %add3A_89, %mul3A_90 : i32
        "tpu.region"() ({
          %run_scoped3A = tpu.sem_alloc : memref<!tpu.dma_semaphore, #tpu.memory_space<semaphore_mem>>
          %dma_start3A = arith.constant 0 : i32
          %dma_start3A_93 = tpu.memref_slice %arg3[%mul3A_91, %dma_start3A] : memref<100000x16xf32, #tpu.memory_space<hbm>> -> memref<400x16xf32, #tpu.memory_space<hbm>>
          %dma_start3A_94 = arith.constant 0 : i32
          %dma_start3A_95 = tpu.memref_slice %arg3[%mul3A_91, %dma_start3A_94] : memref<100000x16xf32, #tpu.memory_space<hbm>> -> memref<400x16xf32, #tpu.memory_space<hbm>>
          tpu.enqueue_dma source(%dma_start3A_95 : memref<400x16xf32, #tpu.memory_space<hbm>>) target(%arg9 : memref<400x16xf32, #tpu.memory_space<vmem>>) target_semaphore(%run_scoped3A : memref<!tpu.dma_semaphore, #tpu.memory_space<semaphore_mem>>)
          %dma_wait3A = arith.constant 0 : i32
          %dma_wait3A_96 = tpu.memref_slice %arg3[%mul3A_91, %dma_wait3A] : memref<100000x16xf32, #tpu.memory_space<hbm>> -> memref<400x16xf32, #tpu.memory_space<hbm>>
          %dma_wait3A_97 = arith.constant 0 : i32
          %dma_wait3A_98 = tpu.memref_slice %arg3[%mul3A_91, %dma_wait3A_97] : memref<100000x16xf32, #tpu.memory_space<hbm>> -> memref<400x16xf32, #tpu.memory_space<hbm>>
          tpu.wait_dma2 semaphore(%run_scoped3A : memref<!tpu.dma_semaphore, #tpu.memory_space<semaphore_mem>>) src(%dma_wait3A_98 : memref<400x16xf32, #tpu.memory_space<hbm>>) dst(%arg9 : memref<400x16xf32, #tpu.memory_space<vmem>>)
          tpu.yield
        }) : () -> ()
        "tpu.region"() ({
          %run_scoped3A = tpu.sem_alloc : memref<!tpu.dma_semaphore, #tpu.memory_space<semaphore_mem>>
          %dma_start3A = arith.constant 0 : i32
          %dma_start3A_93 = tpu.memref_slice %arg10[%mul3A_91, %dma_start3A] : memref<100000x16xf32, #tpu.memory_space<vmem_shared>> -> memref<400x16xf32, #tpu.memory_space<vmem_shared>>
          %dma_start3A_94 = arith.constant 0 : i32
          %dma_start3A_95 = tpu.memref_slice %arg10[%mul3A_91, %dma_start3A_94] : memref<100000x16xf32, #tpu.memory_space<vmem_shared>> -> memref<400x16xf32, #tpu.memory_space<vmem_shared>>
          tpu.enqueue_dma source(%arg9 : memref<400x16xf32, #tpu.memory_space<vmem>>) target(%dma_start3A_95 : memref<400x16xf32, #tpu.memory_space<vmem_shared>>) target_semaphore(%run_scoped3A : memref<!tpu.dma_semaphore, #tpu.memory_space<semaphore_mem>>)
          %dma_wait3A = arith.constant 0 : i32
          %dma_wait3A_96 = tpu.memref_slice %arg10[%mul3A_91, %dma_wait3A] : memref<100000x16xf32, #tpu.memory_space<vmem_shared>> -> memref<400x16xf32, #tpu.memory_space<vmem_shared>>
          %dma_wait3A_97 = arith.constant 0 : i32
          %dma_wait3A_98 = tpu.memref_slice %arg10[%mul3A_91, %dma_wait3A_97] : memref<100000x16xf32, #tpu.memory_space<vmem_shared>> -> memref<400x16xf32, #tpu.memory_space<vmem_shared>>
          tpu.wait_dma2 semaphore(%run_scoped3A : memref<!tpu.dma_semaphore, #tpu.memory_space<semaphore_mem>>) src(%arg9 : memref<400x16xf32, #tpu.memory_space<vmem>>) dst(%dma_wait3A_98 : memref<400x16xf32, #tpu.memory_space<vmem_shared>>)
          tpu.yield
        }) : () -> ()
        %while3A_92 = arith.constant 0 : i32
        scf.yield %while3A_92 : i32
      }
      %while3A_84 = arith.constant 1 : i32
      %while3A_85 = scf.for %while3A_86 = %while3A_81 to %while3A_77 step %while3A_84 iter_args(%while3A_87 = %while3A_83) -> (i32)  : i32 {
        %mul3A = arith.constant 16 : i32
        %mul3A_88 = arith.muli %while3A_86, %mul3A : i32
        %add3A_89 = arith.addi %arg1, %mul3A_88 : i32
        %mul3A_90 = arith.constant 400 : i32
        %mul3A_91 = arith.muli %add3A_89, %mul3A_90 : i32
        "tpu.region"() ({
          %run_scoped3A = tpu.sem_alloc : memref<!tpu.dma_semaphore, #tpu.memory_space<semaphore_mem>>
          %dma_start3A = arith.constant 0 : i32
          %dma_start3A_93 = tpu.memref_slice %arg3[%mul3A_91, %dma_start3A] : memref<100000x16xf32, #tpu.memory_space<hbm>> -> memref<400x16xf32, #tpu.memory_space<hbm>>
          %dma_start3A_94 = arith.constant 0 : i32
          %dma_start3A_95 = tpu.memref_slice %arg3[%mul3A_91, %dma_start3A_94] : memref<100000x16xf32, #tpu.memory_space<hbm>> -> memref<400x16xf32, #tpu.memory_space<hbm>>
          tpu.enqueue_dma source(%dma_start3A_95 : memref<400x16xf32, #tpu.memory_space<hbm>>) target(%arg9 : memref<400x16xf32, #tpu.memory_space<vmem>>) target_semaphore(%run_scoped3A : memref<!tpu.dma_semaphore, #tpu.memory_space<semaphore_mem>>)
          %dma_wait3A = arith.constant 0 : i32
          %dma_wait3A_96 = tpu.memref_slice %arg3[%mul3A_91, %dma_wait3A] : memref<100000x16xf32, #tpu.memory_space<hbm>> -> memref<400x16xf32, #tpu.memory_space<hbm>>
          %dma_wait3A_97 = arith.constant 0 : i32
          %dma_wait3A_98 = tpu.memref_slice %arg3[%mul3A_91, %dma_wait3A_97] : memref<100000x16xf32, #tpu.memory_space<hbm>> -> memref<400x16xf32, #tpu.memory_space<hbm>>
          tpu.wait_dma2 semaphore(%run_scoped3A : memref<!tpu.dma_semaphore, #tpu.memory_space<semaphore_mem>>) src(%dma_wait3A_98 : memref<400x16xf32, #tpu.memory_space<hbm>>) dst(%arg9 : memref<400x16xf32, #tpu.memory_space<vmem>>)
          tpu.yield
        }) : () -> ()
        "tpu.region"() ({
          %run_scoped3A = tpu.sem_alloc : memref<!tpu.dma_semaphore, #tpu.memory_space<semaphore_mem>>
          %dma_start3A = arith.constant 0 : i32
          %dma_start3A_93 = tpu.memref_slice %arg10[%mul3A_91, %dma_start3A] : memref<100000x16xf32, #tpu.memory_space<vmem_shared>> -> memref<400x16xf32, #tpu.memory_space<vmem_shared>>
          %dma_start3A_94 = arith.constant 0 : i32
          %dma_start3A_95 = tpu.memref_slice %arg10[%mul3A_91, %dma_start3A_94] : memref<100000x16xf32, #tpu.memory_space<vmem_shared>> -> memref<400x16xf32, #tpu.memory_space<vmem_shared>>
          tpu.enqueue_dma source(%arg9 : memref<400x16xf32, #tpu.memory_space<vmem>>) target(%dma_start3A_95 : memref<400x16xf32, #tpu.memory_space<vmem_shared>>) target_semaphore(%run_scoped3A : memref<!tpu.dma_semaphore, #tpu.memory_space<semaphore_mem>>)
          %dma_wait3A = arith.constant 0 : i32
          %dma_wait3A_96 = tpu.memref_slice %arg10[%mul3A_91, %dma_wait3A] : memref<100000x16xf32, #tpu.memory_space<vmem_shared>> -> memref<400x16xf32, #tpu.memory_space<vmem_shared>>
          %dma_wait3A_97 = arith.constant 0 : i32
          %dma_wait3A_98 = tpu.memref_slice %arg10[%mul3A_91, %dma_wait3A_97] : memref<100000x16xf32, #tpu.memory_space<vmem_shared>> -> memref<400x16xf32, #tpu.memory_space<vmem_shared>>
          tpu.wait_dma2 semaphore(%run_scoped3A : memref<!tpu.dma_semaphore, #tpu.memory_space<semaphore_mem>>) src(%arg9 : memref<400x16xf32, #tpu.memory_space<vmem>>) dst(%dma_wait3A_98 : memref<400x16xf32, #tpu.memory_space<vmem_shared>>)
          tpu.yield
        }) : () -> ()
        %while3A_92 = arith.constant 0 : i32
        scf.yield %while3A_92 : i32
      }
    } else {
    }
    %barrier3A = arith.constant 0 : index
    tpu.barrier barrier_id(%barrier3A)
    %sub3A = arith.constant 1249 : i32
    %sub3A_7 = arith.subi %sub3A, %arg1 : i32
    %jit3A = arith.constant 16 : i32
    %div3A = arith.divsi %sub3A_7, %jit3A : i32
    %sign3A = arith.constant 0 : i32
    %sign3A_8 = arith.cmpi sgt, %sub3A_7, %sign3A : i32
    %sign3A_9 = arith.extui %sign3A_8 : i1 to i32
    %sign3A_10 = arith.constant 0 : i32
    %sign3A_11 = arith.cmpi slt, %sub3A_7, %sign3A_10 : i32
    %sign3A_12 = arith.extui %sign3A_11 : i1 to i32
    %sign3A_13 = arith.subi %sign3A_9, %sign3A_12 : i32
    %sign3A_14 = arith.constant 0 : i32
    %sign3A_15 = arith.cmpi sgt, %jit3A, %sign3A_14 : i32
    %sign3A_16 = arith.extui %sign3A_15 : i1 to i32
    %sign3A_17 = arith.constant 0 : i32
    %sign3A_18 = arith.cmpi slt, %jit3A, %sign3A_17 : i32
    %sign3A_19 = arith.extui %sign3A_18 : i1 to i32
    %sign3A_20 = arith.subi %sign3A_16, %sign3A_19 : i32
    %ne3A = arith.cmpi ne, %sign3A_13, %sign3A_20 : i32
    %rem3A = arith.remsi %sub3A_7, %jit3A : i32
    %ne3A_21 = arith.constant 0 : i32
    %ne3A_22 = arith.cmpi ne, %rem3A, %ne3A_21 : i32
    %and3A = arith.andi %ne3A, %ne3A_22 : i1
    %sub3A_23 = arith.constant 1 : i32
    %sub3A_24 = arith.subi %div3A, %sub3A_23 : i32
    %select_n3A = arith.select %and3A, %sub3A_24, %div3A : i32
    %add3A = arith.constant 1 : i32
    %add3A_25 = arith.addi %select_n3A, %add3A : i32
    %eq3A_26 = arith.constant 0 : i32
    %eq3A_27 = arith.cmpi eq, %arg0, %eq3A_26 : i32
    %convert_element_type3A_28 = arith.extui %eq3A_27 : i1 to i32
    %cond3A_29 = arith.constant 0 : i32
    %cond3A_30 = arith.cmpi ne, %convert_element_type3A_28, %cond3A_29 : i32
    scf.if %cond3A_30 {
      %while3A = arith.constant 0 : i32
      %while3A_47 = arith.constant 0 : i32
      %while3A_48 = arith.subi %add3A_25, %while3A : i32
      %while3A_49 = arith.addi %while3A, %while3A_48 : i32
      %while3A_50 = arith.constant 1 : i32
      %while3A_51 = arith.divsi %while3A_48, %while3A_50 : i32
      %while3A_52 = arith.muli %while3A_51, %while3A_50 : i32
      %while3A_53 = arith.addi %while3A, %while3A_52 : i32
      %while3A_54 = arith.constant 1 : i32
      %while3A_55 = scf.for %while3A_58 = %while3A to %while3A_53 step %while3A_54 iter_args(%while3A_59 = %while3A_47) -> (i32)  : i32 {
        %mul3A = arith.constant 16 : i32
        %mul3A_60 = arith.muli %while3A_58, %mul3A : i32
        %add3A_61 = arith.addi %arg1, %mul3A_60 : i32
        "tpu.region"() ({
          %run_scoped3A_75 = tpu.sem_alloc : memref<!tpu.dma_semaphore, #tpu.memory_space<semaphore_mem>>
          %dma_start3A_76 = arith.constant 0 : i32
          %dma_start3A_77 = arith.constant 0 : i32
          %dma_start3A_78 = tpu.memref_slice %arg4[%add3A_61, %dma_start3A_76, %dma_start3A_77] : memref<1250x2x1280xi32, #tpu.memory_space<hbm>> -> memref<1x2x1280xi32, #tpu.memory_space<hbm>>
          %dma_start3A_79 = tpu.memref_squeeze %dma_start3A_78 : memref<1x2x1280xi32, #tpu.memory_space<hbm>> -> memref<2x1280xi32, #tpu.memory_space<hbm>>
          %dma_start3A_80 = arith.constant 0 : i32
          %dma_start3A_81 = arith.constant 0 : i32
          %dma_start3A_82 = tpu.memref_slice %arg4[%add3A_61, %dma_start3A_80, %dma_start3A_81] : memref<1250x2x1280xi32, #tpu.memory_space<hbm>> -> memref<1x2x1280xi32, #tpu.memory_space<hbm>>
          %dma_start3A_83 = tpu.memref_squeeze %dma_start3A_82 : memref<1x2x1280xi32, #tpu.memory_space<hbm>> -> memref<2x1280xi32, #tpu.memory_space<hbm>>
          tpu.enqueue_dma source(%dma_start3A_83 : memref<2x1280xi32, #tpu.memory_space<hbm>>) target(%arg7 : memref<2x1280xi32, #tpu.memory_space<vmem>>) target_semaphore(%run_scoped3A_75 : memref<!tpu.dma_semaphore, #tpu.memory_space<semaphore_mem>>)
          %dma_wait3A_84 = arith.constant 0 : i32
          %dma_wait3A_85 = arith.constant 0 : i32
          %dma_wait3A_86 = tpu.memref_slice %arg4[%add3A_61, %dma_wait3A_84, %dma_wait3A_85] : memref<1250x2x1280xi32, #tpu.memory_space<hbm>> -> memref<1x2x1280xi32, #tpu.memory_space<hbm>>
          %dma_wait3A_87 = tpu.memref_squeeze %dma_wait3A_86 : memref<1x2x1280xi32, #tpu.memory_space<hbm>> -> memref<2x1280xi32, #tpu.memory_space<hbm>>
          %dma_wait3A_88 = arith.constant 0 : i32
          %dma_wait3A_89 = arith.constant 0 : i32
          %dma_wait3A_90 = tpu.memref_slice %arg4[%add3A_61, %dma_wait3A_88, %dma_wait3A_89] : memref<1250x2x1280xi32, #tpu.memory_space<hbm>> -> memref<1x2x1280xi32, #tpu.memory_space<hbm>>
          %dma_wait3A_91 = tpu.memref_squeeze %dma_wait3A_90 : memref<1x2x1280xi32, #tpu.memory_space<hbm>> -> memref<2x1280xi32, #tpu.memory_space<hbm>>
          tpu.wait_dma2 semaphore(%run_scoped3A_75 : memref<!tpu.dma_semaphore, #tpu.memory_space<semaphore_mem>>) src(%dma_wait3A_91 : memref<2x1280xi32, #tpu.memory_space<hbm>>) dst(%arg7 : memref<2x1280xi32, #tpu.memory_space<vmem>>)
          tpu.yield
        }) : () -> ()
        %dma_start3A = arith.constant 0 : i32
        %dma_start3A_62 = arith.constant 0 : i32
        %dma_start3A_63 = tpu.memref_slice %arg7[%dma_start3A, %dma_start3A_62] : memref<2x1280xi32, #tpu.memory_space<vmem>> -> memref<1x1280xi32, #tpu.memory_space<vmem>>
        %dma_start3A_64 = tpu.memref_squeeze %dma_start3A_63 : memref<1x1280xi32, #tpu.memory_space<vmem>> -> memref<1280xi32, #tpu.memory_space<vmem>>
        %dma_start3A_65 = arith.constant 0 : i32
        %dma_start3A_66 = arith.constant 0 : i32
        %dma_start3A_67 = tpu.memref_slice %arg2[%dma_start3A_65, %dma_start3A_66] : memref<100000x16xf32, #tpu.memory_space<hbm>> -> memref<100000x16xf32, #tpu.memory_space<hbm>>
        tpu.enqueue_indirect_dma source(%dma_start3A_67 : memref<100000x16xf32, #tpu.memory_space<hbm>>) target(%arg8 : memref<1280x16xf32, #tpu.memory_space<vmem>>) offsets(%dma_start3A_64 : memref<1280xi32, #tpu.memory_space<vmem>>) semaphore(%arg11 : memref<!tpu.dma_semaphore, #tpu.memory_space<semaphore_mem>>)
        %dma_wait3A = arith.constant 0 : i32
        %dma_wait3A_68 = arith.constant 0 : i32
        %dma_wait3A_69 = tpu.memref_slice %arg7[%dma_wait3A, %dma_wait3A_68] : memref<2x1280xi32, #tpu.memory_space<vmem>> -> memref<1x1280xi32, #tpu.memory_space<vmem>>
        %dma_wait3A_70 = tpu.memref_squeeze %dma_wait3A_69 : memref<1x1280xi32, #tpu.memory_space<vmem>> -> memref<1280xi32, #tpu.memory_space<vmem>>
        %dma_wait3A_71 = arith.constant 0 : i32
        %dma_wait3A_72 = arith.constant 0 : i32
        %dma_wait3A_73 = tpu.memref_slice %arg2[%dma_wait3A_71, %dma_wait3A_72] : memref<100000x16xf32, #tpu.memory_space<hbm>> -> memref<100000x16xf32, #tpu.memory_space<hbm>>
        tpu.wait_indirect_dma semaphore(%arg11 : memref<!tpu.dma_semaphore, #tpu.memory_space<semaphore_mem>>) src(%dma_wait3A_73 : memref<100000x16xf32, #tpu.memory_space<hbm>>) dst(%arg8 : memref<1280x16xf32, #tpu.memory_space<vmem>>)
        %run_scoped3A = arith.constant 1 : i32
        "tpu.region"() ({
          %run_scoped3A_75 = tpu.sem_alloc : memref<!tpu.dma_semaphore, #tpu.memory_space<semaphore_mem>>
          %dma_start3A_76 = arith.constant 0 : i32
          %dma_start3A_77 = tpu.memref_slice %arg7[%run_scoped3A, %dma_start3A_76] : memref<2x1280xi32, #tpu.memory_space<vmem>> -> memref<1x1280xi32, #tpu.memory_space<vmem>>
          %dma_start3A_78 = tpu.memref_squeeze %dma_start3A_77 : memref<1x1280xi32, #tpu.memory_space<vmem>> -> memref<1280xi32, #tpu.memory_space<vmem>>
          %dma_start3A_79 = arith.constant 0 : i32
          %dma_start3A_80 = arith.constant 0 : i32
          %dma_start3A_81 = tpu.memref_slice %arg10[%dma_start3A_79, %dma_start3A_80] : memref<100000x16xf32, #tpu.memory_space<vmem_shared>> -> memref<100000x16xf32, #tpu.memory_space<vmem_shared>>
          tpu.enqueue_indirect_dma source(%arg8 : memref<1280x16xf32, #tpu.memory_space<vmem>>) target(%dma_start3A_81 : memref<100000x16xf32, #tpu.memory_space<vmem_shared>>) offsets(%dma_start3A_78 : memref<1280xi32, #tpu.memory_space<vmem>>) semaphore(%run_scoped3A_75 : memref<!tpu.dma_semaphore, #tpu.memory_space<semaphore_mem>>) {add = true}
          %dma_wait3A_82 = arith.constant 0 : i32
          %dma_wait3A_83 = tpu.memref_slice %arg7[%run_scoped3A, %dma_wait3A_82] : memref<2x1280xi32, #tpu.memory_space<vmem>> -> memref<1x1280xi32, #tpu.memory_space<vmem>>
          %dma_wait3A_84 = tpu.memref_squeeze %dma_wait3A_83 : memref<1x1280xi32, #tpu.memory_space<vmem>> -> memref<1280xi32, #tpu.memory_space<vmem>>
          %dma_wait3A_85 = arith.constant 0 : i32
          %dma_wait3A_86 = arith.constant 0 : i32
          %dma_wait3A_87 = tpu.memref_slice %arg10[%dma_wait3A_85, %dma_wait3A_86] : memref<100000x16xf32, #tpu.memory_space<vmem_shared>> -> memref<100000x16xf32, #tpu.memory_space<vmem_shared>>
          tpu.wait_indirect_dma semaphore(%run_scoped3A_75 : memref<!tpu.dma_semaphore, #tpu.memory_space<semaphore_mem>>) src(%arg8 : memref<1280x16xf32, #tpu.memory_space<vmem>>) dst(%dma_wait3A_87 : memref<100000x16xf32, #tpu.memory_space<vmem_shared>>)
          tpu.yield
        }) : () -> ()
        %while3A_74 = arith.constant 0 : i32
        scf.yield %while3A_74 : i32
      }
      %while3A_56 = arith.constant 1 : i32
      %while3A_57 = scf.for %while3A_58 = %while3A_53 to %while3A_49 step %while3A_56 iter_args(%while3A_59 = %while3A_55) -> (i32)  : i32 {
        %mul3A = arith.constant 16 : i32
        %mul3A_60 = arith.muli %while3A_58, %mul3A : i32
        %add3A_61 = arith.addi %arg1, %mul3A_60 : i32
        "tpu.region"() ({
          %run_scoped3A_75 = tpu.sem_alloc : memref<!tpu.dma_semaphore, #tpu.memory_space<semaphore_mem>>
          %dma_start3A_76 = arith.constant 0 : i32
          %dma_start3A_77 = arith.constant 0 : i32
          %dma_start3A_78 = tpu.memref_slice %arg4[%add3A_61, %dma_start3A_76, %dma_start3A_77] : memref<1250x2x1280xi32, #tpu.memory_space<hbm>> -> memref<1x2x1280xi32, #tpu.memory_space<hbm>>
          %dma_start3A_79 = tpu.memref_squeeze %dma_start3A_78 : memref<1x2x1280xi32, #tpu.memory_space<hbm>> -> memref<2x1280xi32, #tpu.memory_space<hbm>>
          %dma_start3A_80 = arith.constant 0 : i32
          %dma_start3A_81 = arith.constant 0 : i32
          %dma_start3A_82 = tpu.memref_slice %arg4[%add3A_61, %dma_start3A_80, %dma_start3A_81] : memref<1250x2x1280xi32, #tpu.memory_space<hbm>> -> memref<1x2x1280xi32, #tpu.memory_space<hbm>>
          %dma_start3A_83 = tpu.memref_squeeze %dma_start3A_82 : memref<1x2x1280xi32, #tpu.memory_space<hbm>> -> memref<2x1280xi32, #tpu.memory_space<hbm>>
          tpu.enqueue_dma source(%dma_start3A_83 : memref<2x1280xi32, #tpu.memory_space<hbm>>) target(%arg7 : memref<2x1280xi32, #tpu.memory_space<vmem>>) target_semaphore(%run_scoped3A_75 : memref<!tpu.dma_semaphore, #tpu.memory_space<semaphore_mem>>)
          %dma_wait3A_84 = arith.constant 0 : i32
          %dma_wait3A_85 = arith.constant 0 : i32
          %dma_wait3A_86 = tpu.memref_slice %arg4[%add3A_61, %dma_wait3A_84, %dma_wait3A_85] : memref<1250x2x1280xi32, #tpu.memory_space<hbm>> -> memref<1x2x1280xi32, #tpu.memory_space<hbm>>
          %dma_wait3A_87 = tpu.memref_squeeze %dma_wait3A_86 : memref<1x2x1280xi32, #tpu.memory_space<hbm>> -> memref<2x1280xi32, #tpu.memory_space<hbm>>
          %dma_wait3A_88 = arith.constant 0 : i32
          %dma_wait3A_89 = arith.constant 0 : i32
          %dma_wait3A_90 = tpu.memref_slice %arg4[%add3A_61, %dma_wait3A_88, %dma_wait3A_89] : memref<1250x2x1280xi32, #tpu.memory_space<hbm>> -> memref<1x2x1280xi32, #tpu.memory_space<hbm>>
          %dma_wait3A_91 = tpu.memref_squeeze %dma_wait3A_90 : memref<1x2x1280xi32, #tpu.memory_space<hbm>> -> memref<2x1280xi32, #tpu.memory_space<hbm>>
          tpu.wait_dma2 semaphore(%run_scoped3A_75 : memref<!tpu.dma_semaphore, #tpu.memory_space<semaphore_mem>>) src(%dma_wait3A_91 : memref<2x1280xi32, #tpu.memory_space<hbm>>) dst(%arg7 : memref<2x1280xi32, #tpu.memory_space<vmem>>)
          tpu.yield
        }) : () -> ()
        %dma_start3A = arith.constant 0 : i32
        %dma_start3A_62 = arith.constant 0 : i32
        %dma_start3A_63 = tpu.memref_slice %arg7[%dma_start3A, %dma_start3A_62] : memref<2x1280xi32, #tpu.memory_space<vmem>> -> memref<1x1280xi32, #tpu.memory_space<vmem>>
        %dma_start3A_64 = tpu.memref_squeeze %dma_start3A_63 : memref<1x1280xi32, #tpu.memory_space<vmem>> -> memref<1280xi32, #tpu.memory_space<vmem>>
        %dma_start3A_65 = arith.constant 0 : i32
        %dma_start3A_66 = arith.constant 0 : i32
        %dma_start3A_67 = tpu.memref_slice %arg2[%dma_start3A_65, %dma_start3A_66] : memref<100000x16xf32, #tpu.memory_space<hbm>> -> memref<100000x16xf32, #tpu.memory_space<hbm>>
        tpu.enqueue_indirect_dma source(%dma_start3A_67 : memref<100000x16xf32, #tpu.memory_space<hbm>>) target(%arg8 : memref<1280x16xf32, #tpu.memory_space<vmem>>) offsets(%dma_start3A_64 : memref<1280xi32, #tpu.memory_space<vmem>>) semaphore(%arg11 : memref<!tpu.dma_semaphore, #tpu.memory_space<semaphore_mem>>)
        %dma_wait3A = arith.constant 0 : i32
        %dma_wait3A_68 = arith.constant 0 : i32
        %dma_wait3A_69 = tpu.memref_slice %arg7[%dma_wait3A, %dma_wait3A_68] : memref<2x1280xi32, #tpu.memory_space<vmem>> -> memref<1x1280xi32, #tpu.memory_space<vmem>>
        %dma_wait3A_70 = tpu.memref_squeeze %dma_wait3A_69 : memref<1x1280xi32, #tpu.memory_space<vmem>> -> memref<1280xi32, #tpu.memory_space<vmem>>
        %dma_wait3A_71 = arith.constant 0 : i32
        %dma_wait3A_72 = arith.constant 0 : i32
        %dma_wait3A_73 = tpu.memref_slice %arg2[%dma_wait3A_71, %dma_wait3A_72] : memref<100000x16xf32, #tpu.memory_space<hbm>> -> memref<100000x16xf32, #tpu.memory_space<hbm>>
        tpu.wait_indirect_dma semaphore(%arg11 : memref<!tpu.dma_semaphore, #tpu.memory_space<semaphore_mem>>) src(%dma_wait3A_73 : memref<100000x16xf32, #tpu.memory_space<hbm>>) dst(%arg8 : memref<1280x16xf32, #tpu.memory_space<vmem>>)
        %run_scoped3A = arith.constant 1 : i32
        "tpu.region"() ({
          %run_scoped3A_75 = tpu.sem_alloc : memref<!tpu.dma_semaphore, #tpu.memory_space<semaphore_mem>>
          %dma_start3A_76 = arith.constant 0 : i32
          %dma_start3A_77 = tpu.memref_slice %arg7[%run_scoped3A, %dma_start3A_76] : memref<2x1280xi32, #tpu.memory_space<vmem>> -> memref<1x1280xi32, #tpu.memory_space<vmem>>
          %dma_start3A_78 = tpu.memref_squeeze %dma_start3A_77 : memref<1x1280xi32, #tpu.memory_space<vmem>> -> memref<1280xi32, #tpu.memory_space<vmem>>
          %dma_start3A_79 = arith.constant 0 : i32
          %dma_start3A_80 = arith.constant 0 : i32
          %dma_start3A_81 = tpu.memref_slice %arg10[%dma_start3A_79, %dma_start3A_80] : memref<100000x16xf32, #tpu.memory_space<vmem_shared>> -> memref<100000x16xf32, #tpu.memory_space<vmem_shared>>
          tpu.enqueue_indirect_dma source(%arg8 : memref<1280x16xf32, #tpu.memory_space<vmem>>) target(%dma_start3A_81 : memref<100000x16xf32, #tpu.memory_space<vmem_shared>>) offsets(%dma_start3A_78 : memref<1280xi32, #tpu.memory_space<vmem>>) semaphore(%run_scoped3A_75 : memref<!tpu.dma_semaphore, #tpu.memory_space<semaphore_mem>>) {add = true}
          %dma_wait3A_82 = arith.constant 0 : i32
          %dma_wait3A_83 = tpu.memref_slice %arg7[%run_scoped3A, %dma_wait3A_82] : memref<2x1280xi32, #tpu.memory_space<vmem>> -> memref<1x1280xi32, #tpu.memory_space<vmem>>
          %dma_wait3A_84 = tpu.memref_squeeze %dma_wait3A_83 : memref<1x1280xi32, #tpu.memory_space<vmem>> -> memref<1280xi32, #tpu.memory_space<vmem>>
          %dma_wait3A_85 = arith.constant 0 : i32
          %dma_wait3A_86 = arith.constant 0 : i32
          %dma_wait3A_87 = tpu.memref_slice %arg10[%dma_wait3A_85, %dma_wait3A_86] : memref<100000x16xf32, #tpu.memory_space<vmem_shared>> -> memref<100000x16xf32, #tpu.memory_space<vmem_shared>>
          tpu.wait_indirect_dma semaphore(%run_scoped3A_75 : memref<!tpu.dma_semaphore, #tpu.memory_space<semaphore_mem>>) src(%arg8 : memref<1280x16xf32, #tpu.memory_space<vmem>>) dst(%dma_wait3A_87 : memref<100000x16xf32, #tpu.memory_space<vmem_shared>>)
          tpu.yield
        }) : () -> ()
        %while3A_74 = arith.constant 0 : i32
        scf.yield %while3A_74 : i32
      }
    } else {
    }
    %eq3A_31 = arith.constant 1 : i32
    %eq3A_32 = arith.cmpi eq, %arg0, %eq3A_31 : i32
    %convert_element_type3A_33 = arith.extui %eq3A_32 : i1 to i32
    %cond3A_34 = arith.constant 0 : i32
    %cond3A_35 = arith.cmpi ne, %convert_element_type3A_33, %cond3A_34 : i32
    scf.if %cond3A_35 {
      %while3A = arith.constant 0 : i32
      %while3A_47 = arith.constant 0 : i32
      %while3A_48 = arith.subi %add3A_25, %while3A : i32
      %while3A_49 = arith.addi %while3A, %while3A_48 : i32
      %while3A_50 = arith.constant 1 : i32
      %while3A_51 = arith.divsi %while3A_48, %while3A_50 : i32
      %while3A_52 = arith.muli %while3A_51, %while3A_50 : i32
      %while3A_53 = arith.addi %while3A, %while3A_52 : i32
      %while3A_54 = arith.constant 1 : i32
      %while3A_55 = scf.for %while3A_58 = %while3A to %while3A_53 step %while3A_54 iter_args(%while3A_59 = %while3A_47) -> (i32)  : i32 {
        %mul3A = arith.constant 16 : i32
        %mul3A_60 = arith.muli %while3A_58, %mul3A : i32
        %add3A_61 = arith.addi %arg1, %mul3A_60 : i32
        "tpu.region"() ({
          %run_scoped3A_75 = tpu.sem_alloc : memref<!tpu.dma_semaphore, #tpu.memory_space<semaphore_mem>>
          %dma_start3A_76 = arith.constant 0 : i32
          %dma_start3A_77 = arith.constant 0 : i32
          %dma_start3A_78 = tpu.memref_slice %arg4[%add3A_61, %dma_start3A_76, %dma_start3A_77] : memref<1250x2x1280xi32, #tpu.memory_space<hbm>> -> memref<1x2x1280xi32, #tpu.memory_space<hbm>>
          %dma_start3A_79 = tpu.memref_squeeze %dma_start3A_78 : memref<1x2x1280xi32, #tpu.memory_space<hbm>> -> memref<2x1280xi32, #tpu.memory_space<hbm>>
          %dma_start3A_80 = arith.constant 0 : i32
          %dma_start3A_81 = arith.constant 0 : i32
          %dma_start3A_82 = tpu.memref_slice %arg4[%add3A_61, %dma_start3A_80, %dma_start3A_81] : memref<1250x2x1280xi32, #tpu.memory_space<hbm>> -> memref<1x2x1280xi32, #tpu.memory_space<hbm>>
          %dma_start3A_83 = tpu.memref_squeeze %dma_start3A_82 : memref<1x2x1280xi32, #tpu.memory_space<hbm>> -> memref<2x1280xi32, #tpu.memory_space<hbm>>
          tpu.enqueue_dma source(%dma_start3A_83 : memref<2x1280xi32, #tpu.memory_space<hbm>>) target(%arg7 : memref<2x1280xi32, #tpu.memory_space<vmem>>) target_semaphore(%run_scoped3A_75 : memref<!tpu.dma_semaphore, #tpu.memory_space<semaphore_mem>>)
          %dma_wait3A_84 = arith.constant 0 : i32
          %dma_wait3A_85 = arith.constant 0 : i32
          %dma_wait3A_86 = tpu.memref_slice %arg4[%add3A_61, %dma_wait3A_84, %dma_wait3A_85] : memref<1250x2x1280xi32, #tpu.memory_space<hbm>> -> memref<1x2x1280xi32, #tpu.memory_space<hbm>>
          %dma_wait3A_87 = tpu.memref_squeeze %dma_wait3A_86 : memref<1x2x1280xi32, #tpu.memory_space<hbm>> -> memref<2x1280xi32, #tpu.memory_space<hbm>>
          %dma_wait3A_88 = arith.constant 0 : i32
          %dma_wait3A_89 = arith.constant 0 : i32
          %dma_wait3A_90 = tpu.memref_slice %arg4[%add3A_61, %dma_wait3A_88, %dma_wait3A_89] : memref<1250x2x1280xi32, #tpu.memory_space<hbm>> -> memref<1x2x1280xi32, #tpu.memory_space<hbm>>
          %dma_wait3A_91 = tpu.memref_squeeze %dma_wait3A_90 : memref<1x2x1280xi32, #tpu.memory_space<hbm>> -> memref<2x1280xi32, #tpu.memory_space<hbm>>
          tpu.wait_dma2 semaphore(%run_scoped3A_75 : memref<!tpu.dma_semaphore, #tpu.memory_space<semaphore_mem>>) src(%dma_wait3A_91 : memref<2x1280xi32, #tpu.memory_space<hbm>>) dst(%arg7 : memref<2x1280xi32, #tpu.memory_space<vmem>>)
          tpu.yield
        }) : () -> ()
        %dma_start3A = arith.constant 0 : i32
        %dma_start3A_62 = arith.constant 0 : i32
        %dma_start3A_63 = tpu.memref_slice %arg7[%dma_start3A, %dma_start3A_62] : memref<2x1280xi32, #tpu.memory_space<vmem>> -> memref<1x1280xi32, #tpu.memory_space<vmem>>
        %dma_start3A_64 = tpu.memref_squeeze %dma_start3A_63 : memref<1x1280xi32, #tpu.memory_space<vmem>> -> memref<1280xi32, #tpu.memory_space<vmem>>
        %dma_start3A_65 = arith.constant 0 : i32
        %dma_start3A_66 = arith.constant 0 : i32
        %dma_start3A_67 = tpu.memref_slice %arg3[%dma_start3A_65, %dma_start3A_66] : memref<100000x16xf32, #tpu.memory_space<hbm>> -> memref<100000x16xf32, #tpu.memory_space<hbm>>
        tpu.enqueue_indirect_dma source(%dma_start3A_67 : memref<100000x16xf32, #tpu.memory_space<hbm>>) target(%arg8 : memref<1280x16xf32, #tpu.memory_space<vmem>>) offsets(%dma_start3A_64 : memref<1280xi32, #tpu.memory_space<vmem>>) semaphore(%arg11 : memref<!tpu.dma_semaphore, #tpu.memory_space<semaphore_mem>>)
        %dma_wait3A = arith.constant 0 : i32
        %dma_wait3A_68 = arith.constant 0 : i32
        %dma_wait3A_69 = tpu.memref_slice %arg7[%dma_wait3A, %dma_wait3A_68] : memref<2x1280xi32, #tpu.memory_space<vmem>> -> memref<1x1280xi32, #tpu.memory_space<vmem>>
        %dma_wait3A_70 = tpu.memref_squeeze %dma_wait3A_69 : memref<1x1280xi32, #tpu.memory_space<vmem>> -> memref<1280xi32, #tpu.memory_space<vmem>>
        %dma_wait3A_71 = arith.constant 0 : i32
        %dma_wait3A_72 = arith.constant 0 : i32
        %dma_wait3A_73 = tpu.memref_slice %arg3[%dma_wait3A_71, %dma_wait3A_72] : memref<100000x16xf32, #tpu.memory_space<hbm>> -> memref<100000x16xf32, #tpu.memory_space<hbm>>
        tpu.wait_indirect_dma semaphore(%arg11 : memref<!tpu.dma_semaphore, #tpu.memory_space<semaphore_mem>>) src(%dma_wait3A_73 : memref<100000x16xf32, #tpu.memory_space<hbm>>) dst(%arg8 : memref<1280x16xf32, #tpu.memory_space<vmem>>)
        %run_scoped3A = arith.constant 1 : i32
        "tpu.region"() ({
          %run_scoped3A_75 = tpu.sem_alloc : memref<!tpu.dma_semaphore, #tpu.memory_space<semaphore_mem>>
          %dma_start3A_76 = arith.constant 0 : i32
          %dma_start3A_77 = tpu.memref_slice %arg7[%run_scoped3A, %dma_start3A_76] : memref<2x1280xi32, #tpu.memory_space<vmem>> -> memref<1x1280xi32, #tpu.memory_space<vmem>>
          %dma_start3A_78 = tpu.memref_squeeze %dma_start3A_77 : memref<1x1280xi32, #tpu.memory_space<vmem>> -> memref<1280xi32, #tpu.memory_space<vmem>>
          %dma_start3A_79 = arith.constant 0 : i32
          %dma_start3A_80 = arith.constant 0 : i32
          %dma_start3A_81 = tpu.memref_slice %arg10[%dma_start3A_79, %dma_start3A_80] : memref<100000x16xf32, #tpu.memory_space<vmem_shared>> -> memref<100000x16xf32, #tpu.memory_space<vmem_shared>>
          tpu.enqueue_indirect_dma source(%arg8 : memref<1280x16xf32, #tpu.memory_space<vmem>>) target(%dma_start3A_81 : memref<100000x16xf32, #tpu.memory_space<vmem_shared>>) offsets(%dma_start3A_78 : memref<1280xi32, #tpu.memory_space<vmem>>) semaphore(%run_scoped3A_75 : memref<!tpu.dma_semaphore, #tpu.memory_space<semaphore_mem>>) {add = true}
          %dma_wait3A_82 = arith.constant 0 : i32
          %dma_wait3A_83 = tpu.memref_slice %arg7[%run_scoped3A, %dma_wait3A_82] : memref<2x1280xi32, #tpu.memory_space<vmem>> -> memref<1x1280xi32, #tpu.memory_space<vmem>>
          %dma_wait3A_84 = tpu.memref_squeeze %dma_wait3A_83 : memref<1x1280xi32, #tpu.memory_space<vmem>> -> memref<1280xi32, #tpu.memory_space<vmem>>
          %dma_wait3A_85 = arith.constant 0 : i32
          %dma_wait3A_86 = arith.constant 0 : i32
          %dma_wait3A_87 = tpu.memref_slice %arg10[%dma_wait3A_85, %dma_wait3A_86] : memref<100000x16xf32, #tpu.memory_space<vmem_shared>> -> memref<100000x16xf32, #tpu.memory_space<vmem_shared>>
          tpu.wait_indirect_dma semaphore(%run_scoped3A_75 : memref<!tpu.dma_semaphore, #tpu.memory_space<semaphore_mem>>) src(%arg8 : memref<1280x16xf32, #tpu.memory_space<vmem>>) dst(%dma_wait3A_87 : memref<100000x16xf32, #tpu.memory_space<vmem_shared>>)
          tpu.yield
        }) : () -> ()
        %while3A_74 = arith.constant 0 : i32
        scf.yield %while3A_74 : i32
      }
      %while3A_56 = arith.constant 1 : i32
      %while3A_57 = scf.for %while3A_58 = %while3A_53 to %while3A_49 step %while3A_56 iter_args(%while3A_59 = %while3A_55) -> (i32)  : i32 {
        %mul3A = arith.constant 16 : i32
        %mul3A_60 = arith.muli %while3A_58, %mul3A : i32
        %add3A_61 = arith.addi %arg1, %mul3A_60 : i32
        "tpu.region"() ({
          %run_scoped3A_75 = tpu.sem_alloc : memref<!tpu.dma_semaphore, #tpu.memory_space<semaphore_mem>>
          %dma_start3A_76 = arith.constant 0 : i32
          %dma_start3A_77 = arith.constant 0 : i32
          %dma_start3A_78 = tpu.memref_slice %arg4[%add3A_61, %dma_start3A_76, %dma_start3A_77] : memref<1250x2x1280xi32, #tpu.memory_space<hbm>> -> memref<1x2x1280xi32, #tpu.memory_space<hbm>>
          %dma_start3A_79 = tpu.memref_squeeze %dma_start3A_78 : memref<1x2x1280xi32, #tpu.memory_space<hbm>> -> memref<2x1280xi32, #tpu.memory_space<hbm>>
          %dma_start3A_80 = arith.constant 0 : i32
          %dma_start3A_81 = arith.constant 0 : i32
          %dma_start3A_82 = tpu.memref_slice %arg4[%add3A_61, %dma_start3A_80, %dma_start3A_81] : memref<1250x2x1280xi32, #tpu.memory_space<hbm>> -> memref<1x2x1280xi32, #tpu.memory_space<hbm>>
          %dma_start3A_83 = tpu.memref_squeeze %dma_start3A_82 : memref<1x2x1280xi32, #tpu.memory_space<hbm>> -> memref<2x1280xi32, #tpu.memory_space<hbm>>
          tpu.enqueue_dma source(%dma_start3A_83 : memref<2x1280xi32, #tpu.memory_space<hbm>>) target(%arg7 : memref<2x1280xi32, #tpu.memory_space<vmem>>) target_semaphore(%run_scoped3A_75 : memref<!tpu.dma_semaphore, #tpu.memory_space<semaphore_mem>>)
          %dma_wait3A_84 = arith.constant 0 : i32
          %dma_wait3A_85 = arith.constant 0 : i32
          %dma_wait3A_86 = tpu.memref_slice %arg4[%add3A_61, %dma_wait3A_84, %dma_wait3A_85] : memref<1250x2x1280xi32, #tpu.memory_space<hbm>> -> memref<1x2x1280xi32, #tpu.memory_space<hbm>>
          %dma_wait3A_87 = tpu.memref_squeeze %dma_wait3A_86 : memref<1x2x1280xi32, #tpu.memory_space<hbm>> -> memref<2x1280xi32, #tpu.memory_space<hbm>>
          %dma_wait3A_88 = arith.constant 0 : i32
          %dma_wait3A_89 = arith.constant 0 : i32
          %dma_wait3A_90 = tpu.memref_slice %arg4[%add3A_61, %dma_wait3A_88, %dma_wait3A_89] : memref<1250x2x1280xi32, #tpu.memory_space<hbm>> -> memref<1x2x1280xi32, #tpu.memory_space<hbm>>
          %dma_wait3A_91 = tpu.memref_squeeze %dma_wait3A_90 : memref<1x2x1280xi32, #tpu.memory_space<hbm>> -> memref<2x1280xi32, #tpu.memory_space<hbm>>
          tpu.wait_dma2 semaphore(%run_scoped3A_75 : memref<!tpu.dma_semaphore, #tpu.memory_space<semaphore_mem>>) src(%dma_wait3A_91 : memref<2x1280xi32, #tpu.memory_space<hbm>>) dst(%arg7 : memref<2x1280xi32, #tpu.memory_space<vmem>>)
          tpu.yield
        }) : () -> ()
        %dma_start3A = arith.constant 0 : i32
        %dma_start3A_62 = arith.constant 0 : i32
        %dma_start3A_63 = tpu.memref_slice %arg7[%dma_start3A, %dma_start3A_62] : memref<2x1280xi32, #tpu.memory_space<vmem>> -> memref<1x1280xi32, #tpu.memory_space<vmem>>
        %dma_start3A_64 = tpu.memref_squeeze %dma_start3A_63 : memref<1x1280xi32, #tpu.memory_space<vmem>> -> memref<1280xi32, #tpu.memory_space<vmem>>
        %dma_start3A_65 = arith.constant 0 : i32
        %dma_start3A_66 = arith.constant 0 : i32
        %dma_start3A_67 = tpu.memref_slice %arg3[%dma_start3A_65, %dma_start3A_66] : memref<100000x16xf32, #tpu.memory_space<hbm>> -> memref<100000x16xf32, #tpu.memory_space<hbm>>
        tpu.enqueue_indirect_dma source(%dma_start3A_67 : memref<100000x16xf32, #tpu.memory_space<hbm>>) target(%arg8 : memref<1280x16xf32, #tpu.memory_space<vmem>>) offsets(%dma_start3A_64 : memref<1280xi32, #tpu.memory_space<vmem>>) semaphore(%arg11 : memref<!tpu.dma_semaphore, #tpu.memory_space<semaphore_mem>>)
        %dma_wait3A = arith.constant 0 : i32
        %dma_wait3A_68 = arith.constant 0 : i32
        %dma_wait3A_69 = tpu.memref_slice %arg7[%dma_wait3A, %dma_wait3A_68] : memref<2x1280xi32, #tpu.memory_space<vmem>> -> memref<1x1280xi32, #tpu.memory_space<vmem>>
        %dma_wait3A_70 = tpu.memref_squeeze %dma_wait3A_69 : memref<1x1280xi32, #tpu.memory_space<vmem>> -> memref<1280xi32, #tpu.memory_space<vmem>>
        %dma_wait3A_71 = arith.constant 0 : i32
        %dma_wait3A_72 = arith.constant 0 : i32
        %dma_wait3A_73 = tpu.memref_slice %arg3[%dma_wait3A_71, %dma_wait3A_72] : memref<100000x16xf32, #tpu.memory_space<hbm>> -> memref<100000x16xf32, #tpu.memory_space<hbm>>
        tpu.wait_indirect_dma semaphore(%arg11 : memref<!tpu.dma_semaphore, #tpu.memory_space<semaphore_mem>>) src(%dma_wait3A_73 : memref<100000x16xf32, #tpu.memory_space<hbm>>) dst(%arg8 : memref<1280x16xf32, #tpu.memory_space<vmem>>)
        %run_scoped3A = arith.constant 1 : i32
        "tpu.region"() ({
          %run_scoped3A_75 = tpu.sem_alloc : memref<!tpu.dma_semaphore, #tpu.memory_space<semaphore_mem>>
          %dma_start3A_76 = arith.constant 0 : i32
          %dma_start3A_77 = tpu.memref_slice %arg7[%run_scoped3A, %dma_start3A_76] : memref<2x1280xi32, #tpu.memory_space<vmem>> -> memref<1x1280xi32, #tpu.memory_space<vmem>>
          %dma_start3A_78 = tpu.memref_squeeze %dma_start3A_77 : memref<1x1280xi32, #tpu.memory_space<vmem>> -> memref<1280xi32, #tpu.memory_space<vmem>>
          %dma_start3A_79 = arith.constant 0 : i32
          %dma_start3A_80 = arith.constant 0 : i32
          %dma_start3A_81 = tpu.memref_slice %arg10[%dma_start3A_79, %dma_start3A_80] : memref<100000x16xf32, #tpu.memory_space<vmem_shared>> -> memref<100000x16xf32, #tpu.memory_space<vmem_shared>>
          tpu.enqueue_indirect_dma source(%arg8 : memref<1280x16xf32, #tpu.memory_space<vmem>>) target(%dma_start3A_81 : memref<100000x16xf32, #tpu.memory_space<vmem_shared>>) offsets(%dma_start3A_78 : memref<1280xi32, #tpu.memory_space<vmem>>) semaphore(%run_scoped3A_75 : memref<!tpu.dma_semaphore, #tpu.memory_space<semaphore_mem>>) {add = true}
          %dma_wait3A_82 = arith.constant 0 : i32
          %dma_wait3A_83 = tpu.memref_slice %arg7[%run_scoped3A, %dma_wait3A_82] : memref<2x1280xi32, #tpu.memory_space<vmem>> -> memref<1x1280xi32, #tpu.memory_space<vmem>>
          %dma_wait3A_84 = tpu.memref_squeeze %dma_wait3A_83 : memref<1x1280xi32, #tpu.memory_space<vmem>> -> memref<1280xi32, #tpu.memory_space<vmem>>
          %dma_wait3A_85 = arith.constant 0 : i32
          %dma_wait3A_86 = arith.constant 0 : i32
          %dma_wait3A_87 = tpu.memref_slice %arg10[%dma_wait3A_85, %dma_wait3A_86] : memref<100000x16xf32, #tpu.memory_space<vmem_shared>> -> memref<100000x16xf32, #tpu.memory_space<vmem_shared>>
          tpu.wait_indirect_dma semaphore(%run_scoped3A_75 : memref<!tpu.dma_semaphore, #tpu.memory_space<semaphore_mem>>) src(%arg8 : memref<1280x16xf32, #tpu.memory_space<vmem>>) dst(%dma_wait3A_87 : memref<100000x16xf32, #tpu.memory_space<vmem_shared>>)
          tpu.yield
        }) : () -> ()
        %while3A_74 = arith.constant 0 : i32
        scf.yield %while3A_74 : i32
      }
    } else {
    }
    %barrier3A_36 = arith.constant 0 : index
    tpu.barrier barrier_id(%barrier3A_36)
    %eq3A_37 = arith.constant 0 : i32
    %eq3A_38 = arith.cmpi eq, %arg0, %eq3A_37 : i32
    %convert_element_type3A_39 = arith.extui %eq3A_38 : i1 to i32
    %cond3A_40 = arith.constant 0 : i32
    %cond3A_41 = arith.cmpi ne, %convert_element_type3A_39, %cond3A_40 : i32
    scf.if %cond3A_41 {
      %sub3A_47 = arith.constant 249 : i32
      %sub3A_48 = arith.subi %sub3A_47, %arg1 : i32
      %jit3A_49 = arith.constant 16 : i32
      %div3A_50 = arith.divsi %sub3A_48, %jit3A_49 : i32
      %sign3A_51 = arith.constant 0 : i32
      %sign3A_52 = arith.cmpi sgt, %sub3A_48, %sign3A_51 : i32
      %sign3A_53 = arith.extui %sign3A_52 : i1 to i32
      %sign3A_54 = arith.constant 0 : i32
      %sign3A_55 = arith.cmpi slt, %sub3A_48, %sign3A_54 : i32
      %sign3A_56 = arith.extui %sign3A_55 : i1 to i32
      %sign3A_57 = arith.subi %sign3A_53, %sign3A_56 : i32
      %sign3A_58 = arith.constant 0 : i32
      %sign3A_59 = arith.cmpi sgt, %jit3A_49, %sign3A_58 : i32
      %sign3A_60 = arith.extui %sign3A_59 : i1 to i32
      %sign3A_61 = arith.constant 0 : i32
      %sign3A_62 = arith.cmpi slt, %jit3A_49, %sign3A_61 : i32
      %sign3A_63 = arith.extui %sign3A_62 : i1 to i32
      %sign3A_64 = arith.subi %sign3A_60, %sign3A_63 : i32
      %ne3A_65 = arith.cmpi ne, %sign3A_57, %sign3A_64 : i32
      %rem3A_66 = arith.remsi %sub3A_48, %jit3A_49 : i32
      %ne3A_67 = arith.constant 0 : i32
      %ne3A_68 = arith.cmpi ne, %rem3A_66, %ne3A_67 : i32
      %and3A_69 = arith.andi %ne3A_65, %ne3A_68 : i1
      %sub3A_70 = arith.constant 1 : i32
      %sub3A_71 = arith.subi %div3A_50, %sub3A_70 : i32
      %select_n3A_72 = arith.select %and3A_69, %sub3A_71, %div3A_50 : i32
      %add3A_73 = arith.constant 1 : i32
      %add3A_74 = arith.addi %select_n3A_72, %add3A_73 : i32
      %while3A = arith.constant 0 : i32
      %while3A_75 = arith.constant 0 : i32
      %while3A_76 = arith.subi %add3A_74, %while3A : i32
      %while3A_77 = arith.addi %while3A, %while3A_76 : i32
      %while3A_78 = arith.constant 1 : i32
      %while3A_79 = arith.divsi %while3A_76, %while3A_78 : i32
      %while3A_80 = arith.muli %while3A_79, %while3A_78 : i32
      %while3A_81 = arith.addi %while3A, %while3A_80 : i32
      %while3A_82 = arith.constant 1 : i32
      %while3A_83 = scf.for %while3A_86 = %while3A to %while3A_81 step %while3A_82 iter_args(%while3A_87 = %while3A_75) -> (i32)  : i32 {
        %mul3A = arith.constant 16 : i32
        %mul3A_88 = arith.muli %while3A_86, %mul3A : i32
        %add3A_89 = arith.addi %arg1, %mul3A_88 : i32
        %mul3A_90 = arith.constant 400 : i32
        %mul3A_91 = arith.muli %add3A_89, %mul3A_90 : i32
        "tpu.region"() ({
          %run_scoped3A = tpu.sem_alloc : memref<!tpu.dma_semaphore, #tpu.memory_space<semaphore_mem>>
          %dma_start3A = arith.constant 0 : i32
          %dma_start3A_93 = tpu.memref_slice %arg10[%mul3A_91, %dma_start3A] : memref<100000x16xf32, #tpu.memory_space<vmem_shared>> -> memref<400x16xf32, #tpu.memory_space<vmem_shared>>
          %dma_start3A_94 = arith.constant 0 : i32
          %dma_start3A_95 = tpu.memref_slice %arg10[%mul3A_91, %dma_start3A_94] : memref<100000x16xf32, #tpu.memory_space<vmem_shared>> -> memref<400x16xf32, #tpu.memory_space<vmem_shared>>
          tpu.enqueue_dma source(%dma_start3A_95 : memref<400x16xf32, #tpu.memory_space<vmem_shared>>) target(%arg9 : memref<400x16xf32, #tpu.memory_space<vmem>>) target_semaphore(%run_scoped3A : memref<!tpu.dma_semaphore, #tpu.memory_space<semaphore_mem>>)
          %dma_wait3A = arith.constant 0 : i32
          %dma_wait3A_96 = tpu.memref_slice %arg10[%mul3A_91, %dma_wait3A] : memref<100000x16xf32, #tpu.memory_space<vmem_shared>> -> memref<400x16xf32, #tpu.memory_space<vmem_shared>>
          %dma_wait3A_97 = arith.constant 0 : i32
          %dma_wait3A_98 = tpu.memref_slice %arg10[%mul3A_91, %dma_wait3A_97] : memref<100000x16xf32, #tpu.memory_space<vmem_shared>> -> memref<400x16xf32, #tpu.memory_space<vmem_shared>>
          tpu.wait_dma2 semaphore(%run_scoped3A : memref<!tpu.dma_semaphore, #tpu.memory_space<semaphore_mem>>) src(%dma_wait3A_98 : memref<400x16xf32, #tpu.memory_space<vmem_shared>>) dst(%arg9 : memref<400x16xf32, #tpu.memory_space<vmem>>)
          tpu.yield
        }) : () -> ()
        "tpu.region"() ({
          %run_scoped3A = tpu.sem_alloc : memref<!tpu.dma_semaphore, #tpu.memory_space<semaphore_mem>>
          %dma_start3A = arith.constant 0 : i32
          %dma_start3A_93 = tpu.memref_slice %arg5[%mul3A_91, %dma_start3A] : memref<100000x16xf32, #tpu.memory_space<hbm>> -> memref<400x16xf32, #tpu.memory_space<hbm>>
          %dma_start3A_94 = arith.constant 0 : i32
          %dma_start3A_95 = tpu.memref_slice %arg5[%mul3A_91, %dma_start3A_94] : memref<100000x16xf32, #tpu.memory_space<hbm>> -> memref<400x16xf32, #tpu.memory_space<hbm>>
          tpu.enqueue_dma source(%arg9 : memref<400x16xf32, #tpu.memory_space<vmem>>) target(%dma_start3A_95 : memref<400x16xf32, #tpu.memory_space<hbm>>) target_semaphore(%run_scoped3A : memref<!tpu.dma_semaphore, #tpu.memory_space<semaphore_mem>>)
          %dma_wait3A = arith.constant 0 : i32
          %dma_wait3A_96 = tpu.memref_slice %arg5[%mul3A_91, %dma_wait3A] : memref<100000x16xf32, #tpu.memory_space<hbm>> -> memref<400x16xf32, #tpu.memory_space<hbm>>
          %dma_wait3A_97 = arith.constant 0 : i32
          %dma_wait3A_98 = tpu.memref_slice %arg5[%mul3A_91, %dma_wait3A_97] : memref<100000x16xf32, #tpu.memory_space<hbm>> -> memref<400x16xf32, #tpu.memory_space<hbm>>
          tpu.wait_dma2 semaphore(%run_scoped3A : memref<!tpu.dma_semaphore, #tpu.memory_space<semaphore_mem>>) src(%arg9 : memref<400x16xf32, #tpu.memory_space<vmem>>) dst(%dma_wait3A_98 : memref<400x16xf32, #tpu.memory_space<hbm>>)
          tpu.yield
        }) : () -> ()
        %while3A_92 = arith.constant 0 : i32
        scf.yield %while3A_92 : i32
      }
      %while3A_84 = arith.constant 1 : i32
      %while3A_85 = scf.for %while3A_86 = %while3A_81 to %while3A_77 step %while3A_84 iter_args(%while3A_87 = %while3A_83) -> (i32)  : i32 {
        %mul3A = arith.constant 16 : i32
        %mul3A_88 = arith.muli %while3A_86, %mul3A : i32
        %add3A_89 = arith.addi %arg1, %mul3A_88 : i32
        %mul3A_90 = arith.constant 400 : i32
        %mul3A_91 = arith.muli %add3A_89, %mul3A_90 : i32
        "tpu.region"() ({
          %run_scoped3A = tpu.sem_alloc : memref<!tpu.dma_semaphore, #tpu.memory_space<semaphore_mem>>
          %dma_start3A = arith.constant 0 : i32
          %dma_start3A_93 = tpu.memref_slice %arg10[%mul3A_91, %dma_start3A] : memref<100000x16xf32, #tpu.memory_space<vmem_shared>> -> memref<400x16xf32, #tpu.memory_space<vmem_shared>>
          %dma_start3A_94 = arith.constant 0 : i32
          %dma_start3A_95 = tpu.memref_slice %arg10[%mul3A_91, %dma_start3A_94] : memref<100000x16xf32, #tpu.memory_space<vmem_shared>> -> memref<400x16xf32, #tpu.memory_space<vmem_shared>>
          tpu.enqueue_dma source(%dma_start3A_95 : memref<400x16xf32, #tpu.memory_space<vmem_shared>>) target(%arg9 : memref<400x16xf32, #tpu.memory_space<vmem>>) target_semaphore(%run_scoped3A : memref<!tpu.dma_semaphore, #tpu.memory_space<semaphore_mem>>)
          %dma_wait3A = arith.constant 0 : i32
          %dma_wait3A_96 = tpu.memref_slice %arg10[%mul3A_91, %dma_wait3A] : memref<100000x16xf32, #tpu.memory_space<vmem_shared>> -> memref<400x16xf32, #tpu.memory_space<vmem_shared>>
          %dma_wait3A_97 = arith.constant 0 : i32
          %dma_wait3A_98 = tpu.memref_slice %arg10[%mul3A_91, %dma_wait3A_97] : memref<100000x16xf32, #tpu.memory_space<vmem_shared>> -> memref<400x16xf32, #tpu.memory_space<vmem_shared>>
          tpu.wait_dma2 semaphore(%run_scoped3A : memref<!tpu.dma_semaphore, #tpu.memory_space<semaphore_mem>>) src(%dma_wait3A_98 : memref<400x16xf32, #tpu.memory_space<vmem_shared>>) dst(%arg9 : memref<400x16xf32, #tpu.memory_space<vmem>>)
          tpu.yield
        }) : () -> ()
        "tpu.region"() ({
          %run_scoped3A = tpu.sem_alloc : memref<!tpu.dma_semaphore, #tpu.memory_space<semaphore_mem>>
          %dma_start3A = arith.constant 0 : i32
          %dma_start3A_93 = tpu.memref_slice %arg5[%mul3A_91, %dma_start3A] : memref<100000x16xf32, #tpu.memory_space<hbm>> -> memref<400x16xf32, #tpu.memory_space<hbm>>
          %dma_start3A_94 = arith.constant 0 : i32
          %dma_start3A_95 = tpu.memref_slice %arg5[%mul3A_91, %dma_start3A_94] : memref<100000x16xf32, #tpu.memory_space<hbm>> -> memref<400x16xf32, #tpu.memory_space<hbm>>
          tpu.enqueue_dma source(%arg9 : memref<400x16xf32, #tpu.memory_space<vmem>>) target(%dma_start3A_95 : memref<400x16xf32, #tpu.memory_space<hbm>>) target_semaphore(%run_scoped3A : memref<!tpu.dma_semaphore, #tpu.memory_space<semaphore_mem>>)
          %dma_wait3A = arith.constant 0 : i32
          %dma_wait3A_96 = tpu.memref_slice %arg5[%mul3A_91, %dma_wait3A] : memref<100000x16xf32, #tpu.memory_space<hbm>> -> memref<400x16xf32, #tpu.memory_space<hbm>>
          %dma_wait3A_97 = arith.constant 0 : i32
          %dma_wait3A_98 = tpu.memref_slice %arg5[%mul3A_91, %dma_wait3A_97] : memref<100000x16xf32, #tpu.memory_space<hbm>> -> memref<400x16xf32, #tpu.memory_space<hbm>>
          tpu.wait_dma2 semaphore(%run_scoped3A : memref<!tpu.dma_semaphore, #tpu.memory_space<semaphore_mem>>) src(%arg9 : memref<400x16xf32, #tpu.memory_space<vmem>>) dst(%dma_wait3A_98 : memref<400x16xf32, #tpu.memory_space<hbm>>)
          tpu.yield
        }) : () -> ()
        %while3A_92 = arith.constant 0 : i32
        scf.yield %while3A_92 : i32
      }
    } else {
    }
    %eq3A_42 = arith.constant 1 : i32
    %eq3A_43 = arith.cmpi eq, %arg0, %eq3A_42 : i32
    %convert_element_type3A_44 = arith.extui %eq3A_43 : i1 to i32
    %cond3A_45 = arith.constant 0 : i32
    %cond3A_46 = arith.cmpi ne, %convert_element_type3A_44, %cond3A_45 : i32
    scf.if %cond3A_46 {
      %sub3A_47 = arith.constant 249 : i32
      %sub3A_48 = arith.subi %sub3A_47, %arg1 : i32
      %jit3A_49 = arith.constant 16 : i32
      %div3A_50 = arith.divsi %sub3A_48, %jit3A_49 : i32
      %sign3A_51 = arith.constant 0 : i32
      %sign3A_52 = arith.cmpi sgt, %sub3A_48, %sign3A_51 : i32
      %sign3A_53 = arith.extui %sign3A_52 : i1 to i32
      %sign3A_54 = arith.constant 0 : i32
      %sign3A_55 = arith.cmpi slt, %sub3A_48, %sign3A_54 : i32
      %sign3A_56 = arith.extui %sign3A_55 : i1 to i32
      %sign3A_57 = arith.subi %sign3A_53, %sign3A_56 : i32
      %sign3A_58 = arith.constant 0 : i32
      %sign3A_59 = arith.cmpi sgt, %jit3A_49, %sign3A_58 : i32
      %sign3A_60 = arith.extui %sign3A_59 : i1 to i32
      %sign3A_61 = arith.constant 0 : i32
      %sign3A_62 = arith.cmpi slt, %jit3A_49, %sign3A_61 : i32
      %sign3A_63 = arith.extui %sign3A_62 : i1 to i32
      %sign3A_64 = arith.subi %sign3A_60, %sign3A_63 : i32
      %ne3A_65 = arith.cmpi ne, %sign3A_57, %sign3A_64 : i32
      %rem3A_66 = arith.remsi %sub3A_48, %jit3A_49 : i32
      %ne3A_67 = arith.constant 0 : i32
      %ne3A_68 = arith.cmpi ne, %rem3A_66, %ne3A_67 : i32
      %and3A_69 = arith.andi %ne3A_65, %ne3A_68 : i1
      %sub3A_70 = arith.constant 1 : i32
      %sub3A_71 = arith.subi %div3A_50, %sub3A_70 : i32
      %select_n3A_72 = arith.select %and3A_69, %sub3A_71, %div3A_50 : i32
      %add3A_73 = arith.constant 1 : i32
      %add3A_74 = arith.addi %select_n3A_72, %add3A_73 : i32
      %while3A = arith.constant 0 : i32
      %while3A_75 = arith.constant 0 : i32
      %while3A_76 = arith.subi %add3A_74, %while3A : i32
      %while3A_77 = arith.addi %while3A, %while3A_76 : i32
      %while3A_78 = arith.constant 1 : i32
      %while3A_79 = arith.divsi %while3A_76, %while3A_78 : i32
      %while3A_80 = arith.muli %while3A_79, %while3A_78 : i32
      %while3A_81 = arith.addi %while3A, %while3A_80 : i32
      %while3A_82 = arith.constant 1 : i32
      %while3A_83 = scf.for %while3A_86 = %while3A to %while3A_81 step %while3A_82 iter_args(%while3A_87 = %while3A_75) -> (i32)  : i32 {
        %mul3A = arith.constant 16 : i32
        %mul3A_88 = arith.muli %while3A_86, %mul3A : i32
        %add3A_89 = arith.addi %arg1, %mul3A_88 : i32
        %mul3A_90 = arith.constant 400 : i32
        %mul3A_91 = arith.muli %add3A_89, %mul3A_90 : i32
        "tpu.region"() ({
          %run_scoped3A = tpu.sem_alloc : memref<!tpu.dma_semaphore, #tpu.memory_space<semaphore_mem>>
          %dma_start3A = arith.constant 0 : i32
          %dma_start3A_93 = tpu.memref_slice %arg10[%mul3A_91, %dma_start3A] : memref<100000x16xf32, #tpu.memory_space<vmem_shared>> -> memref<400x16xf32, #tpu.memory_space<vmem_shared>>
          %dma_start3A_94 = arith.constant 0 : i32
          %dma_start3A_95 = tpu.memref_slice %arg10[%mul3A_91, %dma_start3A_94] : memref<100000x16xf32, #tpu.memory_space<vmem_shared>> -> memref<400x16xf32, #tpu.memory_space<vmem_shared>>
          tpu.enqueue_dma source(%dma_start3A_95 : memref<400x16xf32, #tpu.memory_space<vmem_shared>>) target(%arg9 : memref<400x16xf32, #tpu.memory_space<vmem>>) target_semaphore(%run_scoped3A : memref<!tpu.dma_semaphore, #tpu.memory_space<semaphore_mem>>)
          %dma_wait3A = arith.constant 0 : i32
          %dma_wait3A_96 = tpu.memref_slice %arg10[%mul3A_91, %dma_wait3A] : memref<100000x16xf32, #tpu.memory_space<vmem_shared>> -> memref<400x16xf32, #tpu.memory_space<vmem_shared>>
          %dma_wait3A_97 = arith.constant 0 : i32
          %dma_wait3A_98 = tpu.memref_slice %arg10[%mul3A_91, %dma_wait3A_97] : memref<100000x16xf32, #tpu.memory_space<vmem_shared>> -> memref<400x16xf32, #tpu.memory_space<vmem_shared>>
          tpu.wait_dma2 semaphore(%run_scoped3A : memref<!tpu.dma_semaphore, #tpu.memory_space<semaphore_mem>>) src(%dma_wait3A_98 : memref<400x16xf32, #tpu.memory_space<vmem_shared>>) dst(%arg9 : memref<400x16xf32, #tpu.memory_space<vmem>>)
          tpu.yield
        }) : () -> ()
        "tpu.region"() ({
          %run_scoped3A = tpu.sem_alloc : memref<!tpu.dma_semaphore, #tpu.memory_space<semaphore_mem>>
          %dma_start3A = arith.constant 0 : i32
          %dma_start3A_93 = tpu.memref_slice %arg6[%mul3A_91, %dma_start3A] : memref<100000x16xf32, #tpu.memory_space<hbm>> -> memref<400x16xf32, #tpu.memory_space<hbm>>
          %dma_start3A_94 = arith.constant 0 : i32
          %dma_start3A_95 = tpu.memref_slice %arg6[%mul3A_91, %dma_start3A_94] : memref<100000x16xf32, #tpu.memory_space<hbm>> -> memref<400x16xf32, #tpu.memory_space<hbm>>
          tpu.enqueue_dma source(%arg9 : memref<400x16xf32, #tpu.memory_space<vmem>>) target(%dma_start3A_95 : memref<400x16xf32, #tpu.memory_space<hbm>>) target_semaphore(%run_scoped3A : memref<!tpu.dma_semaphore, #tpu.memory_space<semaphore_mem>>)
          %dma_wait3A = arith.constant 0 : i32
          %dma_wait3A_96 = tpu.memref_slice %arg6[%mul3A_91, %dma_wait3A] : memref<100000x16xf32, #tpu.memory_space<hbm>> -> memref<400x16xf32, #tpu.memory_space<hbm>>
          %dma_wait3A_97 = arith.constant 0 : i32
          %dma_wait3A_98 = tpu.memref_slice %arg6[%mul3A_91, %dma_wait3A_97] : memref<100000x16xf32, #tpu.memory_space<hbm>> -> memref<400x16xf32, #tpu.memory_space<hbm>>
          tpu.wait_dma2 semaphore(%run_scoped3A : memref<!tpu.dma_semaphore, #tpu.memory_space<semaphore_mem>>) src(%arg9 : memref<400x16xf32, #tpu.memory_space<vmem>>) dst(%dma_wait3A_98 : memref<400x16xf32, #tpu.memory_space<hbm>>)
          tpu.yield
        }) : () -> ()
        %while3A_92 = arith.constant 0 : i32
        scf.yield %while3A_92 : i32
      }
      %while3A_84 = arith.constant 1 : i32
      %while3A_85 = scf.for %while3A_86 = %while3A_81 to %while3A_77 step %while3A_84 iter_args(%while3A_87 = %while3A_83) -> (i32)  : i32 {
        %mul3A = arith.constant 16 : i32
        %mul3A_88 = arith.muli %while3A_86, %mul3A : i32
        %add3A_89 = arith.addi %arg1, %mul3A_88 : i32
        %mul3A_90 = arith.constant 400 : i32
        %mul3A_91 = arith.muli %add3A_89, %mul3A_90 : i32
        "tpu.region"() ({
          %run_scoped3A = tpu.sem_alloc : memref<!tpu.dma_semaphore, #tpu.memory_space<semaphore_mem>>
          %dma_start3A = arith.constant 0 : i32
          %dma_start3A_93 = tpu.memref_slice %arg10[%mul3A_91, %dma_start3A] : memref<100000x16xf32, #tpu.memory_space<vmem_shared>> -> memref<400x16xf32, #tpu.memory_space<vmem_shared>>
          %dma_start3A_94 = arith.constant 0 : i32
          %dma_start3A_95 = tpu.memref_slice %arg10[%mul3A_91, %dma_start3A_94] : memref<100000x16xf32, #tpu.memory_space<vmem_shared>> -> memref<400x16xf32, #tpu.memory_space<vmem_shared>>
          tpu.enqueue_dma source(%dma_start3A_95 : memref<400x16xf32, #tpu.memory_space<vmem_shared>>) target(%arg9 : memref<400x16xf32, #tpu.memory_space<vmem>>) target_semaphore(%run_scoped3A : memref<!tpu.dma_semaphore, #tpu.memory_space<semaphore_mem>>)
          %dma_wait3A = arith.constant 0 : i32
          %dma_wait3A_96 = tpu.memref_slice %arg10[%mul3A_91, %dma_wait3A] : memref<100000x16xf32, #tpu.memory_space<vmem_shared>> -> memref<400x16xf32, #tpu.memory_space<vmem_shared>>
          %dma_wait3A_97 = arith.constant 0 : i32
          %dma_wait3A_98 = tpu.memref_slice %arg10[%mul3A_91, %dma_wait3A_97] : memref<100000x16xf32, #tpu.memory_space<vmem_shared>> -> memref<400x16xf32, #tpu.memory_space<vmem_shared>>
          tpu.wait_dma2 semaphore(%run_scoped3A : memref<!tpu.dma_semaphore, #tpu.memory_space<semaphore_mem>>) src(%dma_wait3A_98 : memref<400x16xf32, #tpu.memory_space<vmem_shared>>) dst(%arg9 : memref<400x16xf32, #tpu.memory_space<vmem>>)
          tpu.yield
        }) : () -> ()
        "tpu.region"() ({
          %run_scoped3A = tpu.sem_alloc : memref<!tpu.dma_semaphore, #tpu.memory_space<semaphore_mem>>
          %dma_start3A = arith.constant 0 : i32
          %dma_start3A_93 = tpu.memref_slice %arg6[%mul3A_91, %dma_start3A] : memref<100000x16xf32, #tpu.memory_space<hbm>> -> memref<400x16xf32, #tpu.memory_space<hbm>>
          %dma_start3A_94 = arith.constant 0 : i32
          %dma_start3A_95 = tpu.memref_slice %arg6[%mul3A_91, %dma_start3A_94] : memref<100000x16xf32, #tpu.memory_space<hbm>> -> memref<400x16xf32, #tpu.memory_space<hbm>>
          tpu.enqueue_dma source(%arg9 : memref<400x16xf32, #tpu.memory_space<vmem>>) target(%dma_start3A_95 : memref<400x16xf32, #tpu.memory_space<hbm>>) target_semaphore(%run_scoped3A : memref<!tpu.dma_semaphore, #tpu.memory_space<semaphore_mem>>)
          %dma_wait3A = arith.constant 0 : i32
          %dma_wait3A_96 = tpu.memref_slice %arg6[%mul3A_91, %dma_wait3A] : memref<100000x16xf32, #tpu.memory_space<hbm>> -> memref<400x16xf32, #tpu.memory_space<hbm>>
          %dma_wait3A_97 = arith.constant 0 : i32
          %dma_wait3A_98 = tpu.memref_slice %arg6[%mul3A_91, %dma_wait3A_97] : memref<100000x16xf32, #tpu.memory_space<hbm>> -> memref<400x16xf32, #tpu.memory_space<hbm>>
          tpu.wait_dma2 semaphore(%run_scoped3A : memref<!tpu.dma_semaphore, #tpu.memory_space<semaphore_mem>>) src(%arg9 : memref<400x16xf32, #tpu.memory_space<vmem>>) dst(%dma_wait3A_98 : memref<400x16xf32, #tpu.memory_space<hbm>>)
          tpu.yield
        }) : () -> ()
        %while3A_92 = arith.constant 0 : i32
        scf.yield %while3A_92 : i32
      }
    } else {
    }
    return
  }
}

#map = affine_map<(d0, d1) -> (0, 0)>
#map1 = affine_map<(d0, d1) -> (0)>
module attributes {stable_mosaic.version = 14 : i64} {
  func.func @k(%arg0: i32, %arg1: i32, %arg2: memref<1250x1280xi32, #tpu.memory_space<hbm>>, %arg3: memref<100000xf32, #tpu.memory_space<hbm>>, %arg4: memref<1280xf32, #tpu.memory_space<hbm>>, %arg5: memref<100000xf32, #tpu.memory_space<hbm>>, %arg6: memref<100000xf32, #tpu.memory_space<hbm>>, %arg7: memref<1280xi32, #tpu.memory_space<vmem>>, %arg8: memref<1280xf32, #tpu.memory_space<vmem>>, %arg9: memref<400xf32, #tpu.memory_space<vmem>>, %arg10: memref<100000xf32, #tpu.memory_space<vmem_shared>>, %arg11: memref<!tpu.dma_semaphore, #tpu.memory_space<semaphore_mem>>) attributes {dimension_semantics = [#tpu.dimension_semantics<core_parallel>, #tpu.dimension_semantics<subcore_parallel>], iteration_bounds = array<i64: 2, 16>, scalar_prefetch = 0 : i64, scratch_operands = 5 : i64, tpu.core_type = #tpu.core_type<sc_vector_subcore>, window_params = [{transform_indices = #map}, {transform_indices = #map1}, {transform_indices = #map1}, {transform_indices = #map1}, {transform_indices = #map1}]} {
    %mul3A = arith.constant 2 : i32
    %mul3A_0 = arith.muli %arg1, %mul3A : i32
    %add3A = arith.addi %mul3A_0, %arg0 : i32
    "tpu.region"() ({
      %run_scoped3A = tpu.sem_alloc : memref<!tpu.dma_semaphore, #tpu.memory_space<semaphore_mem>>
      tpu.enqueue_dma source(%arg4 : memref<1280xf32, #tpu.memory_space<hbm>>) target(%arg8 : memref<1280xf32, #tpu.memory_space<vmem>>) target_semaphore(%run_scoped3A : memref<!tpu.dma_semaphore, #tpu.memory_space<semaphore_mem>>)
      tpu.wait_dma2 semaphore(%run_scoped3A : memref<!tpu.dma_semaphore, #tpu.memory_space<semaphore_mem>>) src(%arg4 : memref<1280xf32, #tpu.memory_space<hbm>>) dst(%arg8 : memref<1280xf32, #tpu.memory_space<vmem>>)
      tpu.yield
    }) : () -> ()
    "tpu.region"() ({
      %run_scoped3A = tpu.sem_alloc : memref<!tpu.dma_semaphore, #tpu.memory_space<semaphore_mem>>
      %dma_start3A = arith.constant 0 : i32
      %dma_start3A_80 = tpu.memref_slice %arg3[%dma_start3A] : memref<100000xf32, #tpu.memory_space<hbm>> -> memref<400xf32, #tpu.memory_space<hbm>>
      %dma_start3A_81 = arith.constant 0 : i32
      %dma_start3A_82 = tpu.memref_slice %arg3[%dma_start3A_81] : memref<100000xf32, #tpu.memory_space<hbm>> -> memref<400xf32, #tpu.memory_space<hbm>>
      tpu.enqueue_dma source(%dma_start3A_82 : memref<400xf32, #tpu.memory_space<hbm>>) target(%arg9 : memref<400xf32, #tpu.memory_space<vmem>>) target_semaphore(%run_scoped3A : memref<!tpu.dma_semaphore, #tpu.memory_space<semaphore_mem>>)
      %dma_wait3A = arith.constant 0 : i32
      %dma_wait3A_83 = tpu.memref_slice %arg3[%dma_wait3A] : memref<100000xf32, #tpu.memory_space<hbm>> -> memref<400xf32, #tpu.memory_space<hbm>>
      %dma_wait3A_84 = arith.constant 0 : i32
      %dma_wait3A_85 = tpu.memref_slice %arg3[%dma_wait3A_84] : memref<100000xf32, #tpu.memory_space<hbm>> -> memref<400xf32, #tpu.memory_space<hbm>>
      tpu.wait_dma2 semaphore(%run_scoped3A : memref<!tpu.dma_semaphore, #tpu.memory_space<semaphore_mem>>) src(%dma_wait3A_85 : memref<400xf32, #tpu.memory_space<hbm>>) dst(%arg9 : memref<400xf32, #tpu.memory_space<vmem>>)
      tpu.yield
    }) : () -> ()
    %sub3A = arith.constant 249 : i32
    %sub3A_1 = arith.subi %sub3A, %arg1 : i32
    %jit3A = arith.constant 16 : i32
    %div3A = arith.divsi %sub3A_1, %jit3A : i32
    %sign3A = arith.constant 0 : i32
    %sign3A_2 = arith.cmpi sgt, %sub3A_1, %sign3A : i32
    %sign3A_3 = arith.extui %sign3A_2 : i1 to i32
    %sign3A_4 = arith.constant 0 : i32
    %sign3A_5 = arith.cmpi slt, %sub3A_1, %sign3A_4 : i32
    %sign3A_6 = arith.extui %sign3A_5 : i1 to i32
    %sign3A_7 = arith.subi %sign3A_3, %sign3A_6 : i32
    %sign3A_8 = arith.constant 0 : i32
    %sign3A_9 = arith.cmpi sgt, %jit3A, %sign3A_8 : i32
    %sign3A_10 = arith.extui %sign3A_9 : i1 to i32
    %sign3A_11 = arith.constant 0 : i32
    %sign3A_12 = arith.cmpi slt, %jit3A, %sign3A_11 : i32
    %sign3A_13 = arith.extui %sign3A_12 : i1 to i32
    %sign3A_14 = arith.subi %sign3A_10, %sign3A_13 : i32
    %ne3A = arith.cmpi ne, %sign3A_7, %sign3A_14 : i32
    %rem3A = arith.remsi %sub3A_1, %jit3A : i32
    %ne3A_15 = arith.constant 0 : i32
    %ne3A_16 = arith.cmpi ne, %rem3A, %ne3A_15 : i32
    %and3A = arith.andi %ne3A, %ne3A_16 : i1
    %sub3A_17 = arith.constant 1 : i32
    %sub3A_18 = arith.subi %div3A, %sub3A_17 : i32
    %select_n3A = arith.select %and3A, %sub3A_18, %div3A : i32
    %add3A_19 = arith.constant 1 : i32
    %add3A_20 = arith.addi %select_n3A, %add3A_19 : i32
    %while3A = arith.constant 0 : i32
    %while3A_21 = arith.constant 0 : i32
    %while3A_22 = arith.subi %add3A_20, %while3A : i32
    %while3A_23 = arith.addi %while3A, %while3A_22 : i32
    %while3A_24 = arith.constant 1 : i32
    %while3A_25 = arith.divsi %while3A_22, %while3A_24 : i32
    %while3A_26 = arith.muli %while3A_25, %while3A_24 : i32
    %while3A_27 = arith.addi %while3A, %while3A_26 : i32
    %while3A_28 = arith.constant 1 : i32
    %while3A_29 = scf.for %while3A_80 = %while3A to %while3A_27 step %while3A_28 iter_args(%while3A_81 = %while3A_21) -> (i32)  : i32 {
      %mul3A_82 = arith.constant 16 : i32
      %mul3A_83 = arith.muli %while3A_80, %mul3A_82 : i32
      %add3A_84 = arith.addi %arg1, %mul3A_83 : i32
      %mul3A_85 = arith.constant 400 : i32
      %mul3A_86 = arith.muli %add3A_84, %mul3A_85 : i32
      "tpu.region"() ({
        %run_scoped3A = tpu.sem_alloc : memref<!tpu.dma_semaphore, #tpu.memory_space<semaphore_mem>>
        %dma_start3A = tpu.memref_slice %arg10[%mul3A_86] : memref<100000xf32, #tpu.memory_space<vmem_shared>> -> memref<400xf32, #tpu.memory_space<vmem_shared>>
        %dma_start3A_88 = tpu.memref_slice %arg10[%mul3A_86] : memref<100000xf32, #tpu.memory_space<vmem_shared>> -> memref<400xf32, #tpu.memory_space<vmem_shared>>
        tpu.enqueue_dma source(%arg9 : memref<400xf32, #tpu.memory_space<vmem>>) target(%dma_start3A_88 : memref<400xf32, #tpu.memory_space<vmem_shared>>) target_semaphore(%run_scoped3A : memref<!tpu.dma_semaphore, #tpu.memory_space<semaphore_mem>>)
        %dma_wait3A = tpu.memref_slice %arg10[%mul3A_86] : memref<100000xf32, #tpu.memory_space<vmem_shared>> -> memref<400xf32, #tpu.memory_space<vmem_shared>>
        %dma_wait3A_89 = tpu.memref_slice %arg10[%mul3A_86] : memref<100000xf32, #tpu.memory_space<vmem_shared>> -> memref<400xf32, #tpu.memory_space<vmem_shared>>
        tpu.wait_dma2 semaphore(%run_scoped3A : memref<!tpu.dma_semaphore, #tpu.memory_space<semaphore_mem>>) src(%arg9 : memref<400xf32, #tpu.memory_space<vmem>>) dst(%dma_wait3A_89 : memref<400xf32, #tpu.memory_space<vmem_shared>>)
        tpu.yield
      }) : () -> ()
      %while3A_87 = arith.constant 0 : i32
      scf.yield %while3A_87 : i32
    }
    %while3A_30 = arith.constant 1 : i32
    %while3A_31 = scf.for %while3A_80 = %while3A_27 to %while3A_23 step %while3A_30 iter_args(%while3A_81 = %while3A_29) -> (i32)  : i32 {
      %mul3A_82 = arith.constant 16 : i32
      %mul3A_83 = arith.muli %while3A_80, %mul3A_82 : i32
      %add3A_84 = arith.addi %arg1, %mul3A_83 : i32
      %mul3A_85 = arith.constant 400 : i32
      %mul3A_86 = arith.muli %add3A_84, %mul3A_85 : i32
      "tpu.region"() ({
        %run_scoped3A = tpu.sem_alloc : memref<!tpu.dma_semaphore, #tpu.memory_space<semaphore_mem>>
        %dma_start3A = tpu.memref_slice %arg10[%mul3A_86] : memref<100000xf32, #tpu.memory_space<vmem_shared>> -> memref<400xf32, #tpu.memory_space<vmem_shared>>
        %dma_start3A_88 = tpu.memref_slice %arg10[%mul3A_86] : memref<100000xf32, #tpu.memory_space<vmem_shared>> -> memref<400xf32, #tpu.memory_space<vmem_shared>>
        tpu.enqueue_dma source(%arg9 : memref<400xf32, #tpu.memory_space<vmem>>) target(%dma_start3A_88 : memref<400xf32, #tpu.memory_space<vmem_shared>>) target_semaphore(%run_scoped3A : memref<!tpu.dma_semaphore, #tpu.memory_space<semaphore_mem>>)
        %dma_wait3A = tpu.memref_slice %arg10[%mul3A_86] : memref<100000xf32, #tpu.memory_space<vmem_shared>> -> memref<400xf32, #tpu.memory_space<vmem_shared>>
        %dma_wait3A_89 = tpu.memref_slice %arg10[%mul3A_86] : memref<100000xf32, #tpu.memory_space<vmem_shared>> -> memref<400xf32, #tpu.memory_space<vmem_shared>>
        tpu.wait_dma2 semaphore(%run_scoped3A : memref<!tpu.dma_semaphore, #tpu.memory_space<semaphore_mem>>) src(%arg9 : memref<400xf32, #tpu.memory_space<vmem>>) dst(%dma_wait3A_89 : memref<400xf32, #tpu.memory_space<vmem_shared>>)
        tpu.yield
      }) : () -> ()
      %while3A_87 = arith.constant 0 : i32
      scf.yield %while3A_87 : i32
    }
    %barrier3A = arith.constant 0 : index
    tpu.barrier barrier_id(%barrier3A)
    %sub3A_32 = arith.constant 1249 : i32
    %sub3A_33 = arith.subi %sub3A_32, %add3A : i32
    %jit3A_34 = arith.constant 32 : i32
    %div3A_35 = arith.divsi %sub3A_33, %jit3A_34 : i32
    %sign3A_36 = arith.constant 0 : i32
    %sign3A_37 = arith.cmpi sgt, %sub3A_33, %sign3A_36 : i32
    %sign3A_38 = arith.extui %sign3A_37 : i1 to i32
    %sign3A_39 = arith.constant 0 : i32
    %sign3A_40 = arith.cmpi slt, %sub3A_33, %sign3A_39 : i32
    %sign3A_41 = arith.extui %sign3A_40 : i1 to i32
    %sign3A_42 = arith.subi %sign3A_38, %sign3A_41 : i32
    %sign3A_43 = arith.constant 0 : i32
    %sign3A_44 = arith.cmpi sgt, %jit3A_34, %sign3A_43 : i32
    %sign3A_45 = arith.extui %sign3A_44 : i1 to i32
    %sign3A_46 = arith.constant 0 : i32
    %sign3A_47 = arith.cmpi slt, %jit3A_34, %sign3A_46 : i32
    %sign3A_48 = arith.extui %sign3A_47 : i1 to i32
    %sign3A_49 = arith.subi %sign3A_45, %sign3A_48 : i32
    %ne3A_50 = arith.cmpi ne, %sign3A_42, %sign3A_49 : i32
    %rem3A_51 = arith.remsi %sub3A_33, %jit3A_34 : i32
    %ne3A_52 = arith.constant 0 : i32
    %ne3A_53 = arith.cmpi ne, %rem3A_51, %ne3A_52 : i32
    %and3A_54 = arith.andi %ne3A_50, %ne3A_53 : i1
    %sub3A_55 = arith.constant 1 : i32
    %sub3A_56 = arith.subi %div3A_35, %sub3A_55 : i32
    %select_n3A_57 = arith.select %and3A_54, %sub3A_56, %div3A_35 : i32
    %add3A_58 = arith.constant 1 : i32
    %add3A_59 = arith.addi %select_n3A_57, %add3A_58 : i32
    %while3A_60 = arith.constant 0 : i32
    %while3A_61 = arith.constant 0 : i32
    %while3A_62 = arith.subi %add3A_59, %while3A_60 : i32
    %while3A_63 = arith.addi %while3A_60, %while3A_62 : i32
    %while3A_64 = arith.constant 1 : i32
    %while3A_65 = arith.divsi %while3A_62, %while3A_64 : i32
    %while3A_66 = arith.muli %while3A_65, %while3A_64 : i32
    %while3A_67 = arith.addi %while3A_60, %while3A_66 : i32
    %while3A_68 = arith.constant 1 : i32
    %while3A_69 = scf.for %while3A_80 = %while3A_60 to %while3A_67 step %while3A_68 iter_args(%while3A_81 = %while3A_61) -> (i32)  : i32 {
      %mul3A_82 = arith.constant 32 : i32
      %mul3A_83 = arith.muli %while3A_80, %mul3A_82 : i32
      %add3A_84 = arith.addi %add3A, %mul3A_83 : i32
      "tpu.region"() ({
        %run_scoped3A = tpu.sem_alloc : memref<!tpu.dma_semaphore, #tpu.memory_space<semaphore_mem>>
        %dma_start3A = arith.constant 0 : i32
        %dma_start3A_86 = tpu.memref_slice %arg2[%add3A_84, %dma_start3A] : memref<1250x1280xi32, #tpu.memory_space<hbm>> -> memref<1x1280xi32, #tpu.memory_space<hbm>>
        %dma_start3A_87 = tpu.memref_squeeze %dma_start3A_86 : memref<1x1280xi32, #tpu.memory_space<hbm>> -> memref<1280xi32, #tpu.memory_space<hbm>>
        %dma_start3A_88 = arith.constant 0 : i32
        %dma_start3A_89 = tpu.memref_slice %arg2[%add3A_84, %dma_start3A_88] : memref<1250x1280xi32, #tpu.memory_space<hbm>> -> memref<1x1280xi32, #tpu.memory_space<hbm>>
        %dma_start3A_90 = tpu.memref_squeeze %dma_start3A_89 : memref<1x1280xi32, #tpu.memory_space<hbm>> -> memref<1280xi32, #tpu.memory_space<hbm>>
        tpu.enqueue_dma source(%dma_start3A_90 : memref<1280xi32, #tpu.memory_space<hbm>>) target(%arg7 : memref<1280xi32, #tpu.memory_space<vmem>>) target_semaphore(%run_scoped3A : memref<!tpu.dma_semaphore, #tpu.memory_space<semaphore_mem>>)
        %dma_wait3A = arith.constant 0 : i32
        %dma_wait3A_91 = tpu.memref_slice %arg2[%add3A_84, %dma_wait3A] : memref<1250x1280xi32, #tpu.memory_space<hbm>> -> memref<1x1280xi32, #tpu.memory_space<hbm>>
        %dma_wait3A_92 = tpu.memref_squeeze %dma_wait3A_91 : memref<1x1280xi32, #tpu.memory_space<hbm>> -> memref<1280xi32, #tpu.memory_space<hbm>>
        %dma_wait3A_93 = arith.constant 0 : i32
        %dma_wait3A_94 = tpu.memref_slice %arg2[%add3A_84, %dma_wait3A_93] : memref<1250x1280xi32, #tpu.memory_space<hbm>> -> memref<1x1280xi32, #tpu.memory_space<hbm>>
        %dma_wait3A_95 = tpu.memref_squeeze %dma_wait3A_94 : memref<1x1280xi32, #tpu.memory_space<hbm>> -> memref<1280xi32, #tpu.memory_space<hbm>>
        tpu.wait_dma2 semaphore(%run_scoped3A : memref<!tpu.dma_semaphore, #tpu.memory_space<semaphore_mem>>) src(%dma_wait3A_95 : memref<1280xi32, #tpu.memory_space<hbm>>) dst(%arg7 : memref<1280xi32, #tpu.memory_space<vmem>>)
        tpu.yield
      }) : () -> ()
      "tpu.region"() ({
        %run_scoped3A = tpu.sem_alloc : memref<!tpu.dma_semaphore, #tpu.memory_space<semaphore_mem>>
        %dma_start3A = arith.constant 0 : i32
        %dma_start3A_86 = tpu.memref_slice %arg10[%dma_start3A] : memref<100000xf32, #tpu.memory_space<vmem_shared>> -> memref<100000xf32, #tpu.memory_space<vmem_shared>>
        tpu.enqueue_indirect_dma source(%arg8 : memref<1280xf32, #tpu.memory_space<vmem>>) target(%dma_start3A_86 : memref<100000xf32, #tpu.memory_space<vmem_shared>>) offsets(%arg7 : memref<1280xi32, #tpu.memory_space<vmem>>) semaphore(%run_scoped3A : memref<!tpu.dma_semaphore, #tpu.memory_space<semaphore_mem>>) {add = true}
        %dma_wait3A = arith.constant 0 : i32
        %dma_wait3A_87 = tpu.memref_slice %arg10[%dma_wait3A] : memref<100000xf32, #tpu.memory_space<vmem_shared>> -> memref<100000xf32, #tpu.memory_space<vmem_shared>>
        tpu.wait_indirect_dma semaphore(%run_scoped3A : memref<!tpu.dma_semaphore, #tpu.memory_space<semaphore_mem>>) src(%arg8 : memref<1280xf32, #tpu.memory_space<vmem>>) dst(%dma_wait3A_87 : memref<100000xf32, #tpu.memory_space<vmem_shared>>)
        tpu.yield
      }) : () -> ()
      %while3A_85 = arith.constant 0 : i32
      scf.yield %while3A_85 : i32
    }
    %while3A_70 = arith.constant 1 : i32
    %while3A_71 = scf.for %while3A_80 = %while3A_67 to %while3A_63 step %while3A_70 iter_args(%while3A_81 = %while3A_69) -> (i32)  : i32 {
      %mul3A_82 = arith.constant 32 : i32
      %mul3A_83 = arith.muli %while3A_80, %mul3A_82 : i32
      %add3A_84 = arith.addi %add3A, %mul3A_83 : i32
      "tpu.region"() ({
        %run_scoped3A = tpu.sem_alloc : memref<!tpu.dma_semaphore, #tpu.memory_space<semaphore_mem>>
        %dma_start3A = arith.constant 0 : i32
        %dma_start3A_86 = tpu.memref_slice %arg2[%add3A_84, %dma_start3A] : memref<1250x1280xi32, #tpu.memory_space<hbm>> -> memref<1x1280xi32, #tpu.memory_space<hbm>>
        %dma_start3A_87 = tpu.memref_squeeze %dma_start3A_86 : memref<1x1280xi32, #tpu.memory_space<hbm>> -> memref<1280xi32, #tpu.memory_space<hbm>>
        %dma_start3A_88 = arith.constant 0 : i32
        %dma_start3A_89 = tpu.memref_slice %arg2[%add3A_84, %dma_start3A_88] : memref<1250x1280xi32, #tpu.memory_space<hbm>> -> memref<1x1280xi32, #tpu.memory_space<hbm>>
        %dma_start3A_90 = tpu.memref_squeeze %dma_start3A_89 : memref<1x1280xi32, #tpu.memory_space<hbm>> -> memref<1280xi32, #tpu.memory_space<hbm>>
        tpu.enqueue_dma source(%dma_start3A_90 : memref<1280xi32, #tpu.memory_space<hbm>>) target(%arg7 : memref<1280xi32, #tpu.memory_space<vmem>>) target_semaphore(%run_scoped3A : memref<!tpu.dma_semaphore, #tpu.memory_space<semaphore_mem>>)
        %dma_wait3A = arith.constant 0 : i32
        %dma_wait3A_91 = tpu.memref_slice %arg2[%add3A_84, %dma_wait3A] : memref<1250x1280xi32, #tpu.memory_space<hbm>> -> memref<1x1280xi32, #tpu.memory_space<hbm>>
        %dma_wait3A_92 = tpu.memref_squeeze %dma_wait3A_91 : memref<1x1280xi32, #tpu.memory_space<hbm>> -> memref<1280xi32, #tpu.memory_space<hbm>>
        %dma_wait3A_93 = arith.constant 0 : i32
        %dma_wait3A_94 = tpu.memref_slice %arg2[%add3A_84, %dma_wait3A_93] : memref<1250x1280xi32, #tpu.memory_space<hbm>> -> memref<1x1280xi32, #tpu.memory_space<hbm>>
        %dma_wait3A_95 = tpu.memref_squeeze %dma_wait3A_94 : memref<1x1280xi32, #tpu.memory_space<hbm>> -> memref<1280xi32, #tpu.memory_space<hbm>>
        tpu.wait_dma2 semaphore(%run_scoped3A : memref<!tpu.dma_semaphore, #tpu.memory_space<semaphore_mem>>) src(%dma_wait3A_95 : memref<1280xi32, #tpu.memory_space<hbm>>) dst(%arg7 : memref<1280xi32, #tpu.memory_space<vmem>>)
        tpu.yield
      }) : () -> ()
      "tpu.region"() ({
        %run_scoped3A = tpu.sem_alloc : memref<!tpu.dma_semaphore, #tpu.memory_space<semaphore_mem>>
        %dma_start3A = arith.constant 0 : i32
        %dma_start3A_86 = tpu.memref_slice %arg10[%dma_start3A] : memref<100000xf32, #tpu.memory_space<vmem_shared>> -> memref<100000xf32, #tpu.memory_space<vmem_shared>>
        tpu.enqueue_indirect_dma source(%arg8 : memref<1280xf32, #tpu.memory_space<vmem>>) target(%dma_start3A_86 : memref<100000xf32, #tpu.memory_space<vmem_shared>>) offsets(%arg7 : memref<1280xi32, #tpu.memory_space<vmem>>) semaphore(%run_scoped3A : memref<!tpu.dma_semaphore, #tpu.memory_space<semaphore_mem>>) {add = true}
        %dma_wait3A = arith.constant 0 : i32
        %dma_wait3A_87 = tpu.memref_slice %arg10[%dma_wait3A] : memref<100000xf32, #tpu.memory_space<vmem_shared>> -> memref<100000xf32, #tpu.memory_space<vmem_shared>>
        tpu.wait_indirect_dma semaphore(%run_scoped3A : memref<!tpu.dma_semaphore, #tpu.memory_space<semaphore_mem>>) src(%arg8 : memref<1280xf32, #tpu.memory_space<vmem>>) dst(%dma_wait3A_87 : memref<100000xf32, #tpu.memory_space<vmem_shared>>)
        tpu.yield
      }) : () -> ()
      %while3A_85 = arith.constant 0 : i32
      scf.yield %while3A_85 : i32
    }
    %barrier3A_72 = arith.constant 0 : index
    tpu.barrier barrier_id(%barrier3A_72)
    %eq3A = arith.constant 0 : i32
    %eq3A_73 = arith.cmpi eq, %arg0, %eq3A : i32
    %convert_element_type3A = arith.extui %eq3A_73 : i1 to i32
    %cond3A = arith.constant 0 : i32
    %cond3A_74 = arith.cmpi ne, %convert_element_type3A, %cond3A : i32
    scf.if %cond3A_74 {
      %sub3A_80 = arith.constant 249 : i32
      %sub3A_81 = arith.subi %sub3A_80, %arg1 : i32
      %jit3A_82 = arith.constant 16 : i32
      %div3A_83 = arith.divsi %sub3A_81, %jit3A_82 : i32
      %sign3A_84 = arith.constant 0 : i32
      %sign3A_85 = arith.cmpi sgt, %sub3A_81, %sign3A_84 : i32
      %sign3A_86 = arith.extui %sign3A_85 : i1 to i32
      %sign3A_87 = arith.constant 0 : i32
      %sign3A_88 = arith.cmpi slt, %sub3A_81, %sign3A_87 : i32
      %sign3A_89 = arith.extui %sign3A_88 : i1 to i32
      %sign3A_90 = arith.subi %sign3A_86, %sign3A_89 : i32
      %sign3A_91 = arith.constant 0 : i32
      %sign3A_92 = arith.cmpi sgt, %jit3A_82, %sign3A_91 : i32
      %sign3A_93 = arith.extui %sign3A_92 : i1 to i32
      %sign3A_94 = arith.constant 0 : i32
      %sign3A_95 = arith.cmpi slt, %jit3A_82, %sign3A_94 : i32
      %sign3A_96 = arith.extui %sign3A_95 : i1 to i32
      %sign3A_97 = arith.subi %sign3A_93, %sign3A_96 : i32
      %ne3A_98 = arith.cmpi ne, %sign3A_90, %sign3A_97 : i32
      %rem3A_99 = arith.remsi %sub3A_81, %jit3A_82 : i32
      %ne3A_100 = arith.constant 0 : i32
      %ne3A_101 = arith.cmpi ne, %rem3A_99, %ne3A_100 : i32
      %and3A_102 = arith.andi %ne3A_98, %ne3A_101 : i1
      %sub3A_103 = arith.constant 1 : i32
      %sub3A_104 = arith.subi %div3A_83, %sub3A_103 : i32
      %select_n3A_105 = arith.select %and3A_102, %sub3A_104, %div3A_83 : i32
      %add3A_106 = arith.constant 1 : i32
      %add3A_107 = arith.addi %select_n3A_105, %add3A_106 : i32
      %while3A_108 = arith.constant 0 : i32
      %while3A_109 = arith.constant 0 : i32
      %while3A_110 = arith.subi %add3A_107, %while3A_108 : i32
      %while3A_111 = arith.addi %while3A_108, %while3A_110 : i32
      %while3A_112 = arith.constant 1 : i32
      %while3A_113 = arith.divsi %while3A_110, %while3A_112 : i32
      %while3A_114 = arith.muli %while3A_113, %while3A_112 : i32
      %while3A_115 = arith.addi %while3A_108, %while3A_114 : i32
      %while3A_116 = arith.constant 1 : i32
      %while3A_117 = scf.for %while3A_120 = %while3A_108 to %while3A_115 step %while3A_116 iter_args(%while3A_121 = %while3A_109) -> (i32)  : i32 {
        %mul3A_122 = arith.constant 16 : i32
        %mul3A_123 = arith.muli %while3A_120, %mul3A_122 : i32
        %add3A_124 = arith.addi %arg1, %mul3A_123 : i32
        %mul3A_125 = arith.constant 400 : i32
        %mul3A_126 = arith.muli %add3A_124, %mul3A_125 : i32
        "tpu.region"() ({
          %run_scoped3A = tpu.sem_alloc : memref<!tpu.dma_semaphore, #tpu.memory_space<semaphore_mem>>
          %dma_start3A = tpu.memref_slice %arg10[%mul3A_126] : memref<100000xf32, #tpu.memory_space<vmem_shared>> -> memref<400xf32, #tpu.memory_space<vmem_shared>>
          %dma_start3A_128 = tpu.memref_slice %arg10[%mul3A_126] : memref<100000xf32, #tpu.memory_space<vmem_shared>> -> memref<400xf32, #tpu.memory_space<vmem_shared>>
          tpu.enqueue_dma source(%dma_start3A_128 : memref<400xf32, #tpu.memory_space<vmem_shared>>) target(%arg9 : memref<400xf32, #tpu.memory_space<vmem>>) target_semaphore(%run_scoped3A : memref<!tpu.dma_semaphore, #tpu.memory_space<semaphore_mem>>)
          %dma_wait3A = tpu.memref_slice %arg10[%mul3A_126] : memref<100000xf32, #tpu.memory_space<vmem_shared>> -> memref<400xf32, #tpu.memory_space<vmem_shared>>
          %dma_wait3A_129 = tpu.memref_slice %arg10[%mul3A_126] : memref<100000xf32, #tpu.memory_space<vmem_shared>> -> memref<400xf32, #tpu.memory_space<vmem_shared>>
          tpu.wait_dma2 semaphore(%run_scoped3A : memref<!tpu.dma_semaphore, #tpu.memory_space<semaphore_mem>>) src(%dma_wait3A_129 : memref<400xf32, #tpu.memory_space<vmem_shared>>) dst(%arg9 : memref<400xf32, #tpu.memory_space<vmem>>)
          tpu.yield
        }) : () -> ()
        "tpu.region"() ({
          %run_scoped3A = tpu.sem_alloc : memref<!tpu.dma_semaphore, #tpu.memory_space<semaphore_mem>>
          %dma_start3A = tpu.memref_slice %arg5[%mul3A_126] : memref<100000xf32, #tpu.memory_space<hbm>> -> memref<400xf32, #tpu.memory_space<hbm>>
          %dma_start3A_128 = tpu.memref_slice %arg5[%mul3A_126] : memref<100000xf32, #tpu.memory_space<hbm>> -> memref<400xf32, #tpu.memory_space<hbm>>
          tpu.enqueue_dma source(%arg9 : memref<400xf32, #tpu.memory_space<vmem>>) target(%dma_start3A_128 : memref<400xf32, #tpu.memory_space<hbm>>) target_semaphore(%run_scoped3A : memref<!tpu.dma_semaphore, #tpu.memory_space<semaphore_mem>>)
          %dma_wait3A = tpu.memref_slice %arg5[%mul3A_126] : memref<100000xf32, #tpu.memory_space<hbm>> -> memref<400xf32, #tpu.memory_space<hbm>>
          %dma_wait3A_129 = tpu.memref_slice %arg5[%mul3A_126] : memref<100000xf32, #tpu.memory_space<hbm>> -> memref<400xf32, #tpu.memory_space<hbm>>
          tpu.wait_dma2 semaphore(%run_scoped3A : memref<!tpu.dma_semaphore, #tpu.memory_space<semaphore_mem>>) src(%arg9 : memref<400xf32, #tpu.memory_space<vmem>>) dst(%dma_wait3A_129 : memref<400xf32, #tpu.memory_space<hbm>>)
          tpu.yield
        }) : () -> ()
        %while3A_127 = arith.constant 0 : i32
        scf.yield %while3A_127 : i32
      }
      %while3A_118 = arith.constant 1 : i32
      %while3A_119 = scf.for %while3A_120 = %while3A_115 to %while3A_111 step %while3A_118 iter_args(%while3A_121 = %while3A_117) -> (i32)  : i32 {
        %mul3A_122 = arith.constant 16 : i32
        %mul3A_123 = arith.muli %while3A_120, %mul3A_122 : i32
        %add3A_124 = arith.addi %arg1, %mul3A_123 : i32
        %mul3A_125 = arith.constant 400 : i32
        %mul3A_126 = arith.muli %add3A_124, %mul3A_125 : i32
        "tpu.region"() ({
          %run_scoped3A = tpu.sem_alloc : memref<!tpu.dma_semaphore, #tpu.memory_space<semaphore_mem>>
          %dma_start3A = tpu.memref_slice %arg10[%mul3A_126] : memref<100000xf32, #tpu.memory_space<vmem_shared>> -> memref<400xf32, #tpu.memory_space<vmem_shared>>
          %dma_start3A_128 = tpu.memref_slice %arg10[%mul3A_126] : memref<100000xf32, #tpu.memory_space<vmem_shared>> -> memref<400xf32, #tpu.memory_space<vmem_shared>>
          tpu.enqueue_dma source(%dma_start3A_128 : memref<400xf32, #tpu.memory_space<vmem_shared>>) target(%arg9 : memref<400xf32, #tpu.memory_space<vmem>>) target_semaphore(%run_scoped3A : memref<!tpu.dma_semaphore, #tpu.memory_space<semaphore_mem>>)
          %dma_wait3A = tpu.memref_slice %arg10[%mul3A_126] : memref<100000xf32, #tpu.memory_space<vmem_shared>> -> memref<400xf32, #tpu.memory_space<vmem_shared>>
          %dma_wait3A_129 = tpu.memref_slice %arg10[%mul3A_126] : memref<100000xf32, #tpu.memory_space<vmem_shared>> -> memref<400xf32, #tpu.memory_space<vmem_shared>>
          tpu.wait_dma2 semaphore(%run_scoped3A : memref<!tpu.dma_semaphore, #tpu.memory_space<semaphore_mem>>) src(%dma_wait3A_129 : memref<400xf32, #tpu.memory_space<vmem_shared>>) dst(%arg9 : memref<400xf32, #tpu.memory_space<vmem>>)
          tpu.yield
        }) : () -> ()
        "tpu.region"() ({
          %run_scoped3A = tpu.sem_alloc : memref<!tpu.dma_semaphore, #tpu.memory_space<semaphore_mem>>
          %dma_start3A = tpu.memref_slice %arg5[%mul3A_126] : memref<100000xf32, #tpu.memory_space<hbm>> -> memref<400xf32, #tpu.memory_space<hbm>>
          %dma_start3A_128 = tpu.memref_slice %arg5[%mul3A_126] : memref<100000xf32, #tpu.memory_space<hbm>> -> memref<400xf32, #tpu.memory_space<hbm>>
          tpu.enqueue_dma source(%arg9 : memref<400xf32, #tpu.memory_space<vmem>>) target(%dma_start3A_128 : memref<400xf32, #tpu.memory_space<hbm>>) target_semaphore(%run_scoped3A : memref<!tpu.dma_semaphore, #tpu.memory_space<semaphore_mem>>)
          %dma_wait3A = tpu.memref_slice %arg5[%mul3A_126] : memref<100000xf32, #tpu.memory_space<hbm>> -> memref<400xf32, #tpu.memory_space<hbm>>
          %dma_wait3A_129 = tpu.memref_slice %arg5[%mul3A_126] : memref<100000xf32, #tpu.memory_space<hbm>> -> memref<400xf32, #tpu.memory_space<hbm>>
          tpu.wait_dma2 semaphore(%run_scoped3A : memref<!tpu.dma_semaphore, #tpu.memory_space<semaphore_mem>>) src(%arg9 : memref<400xf32, #tpu.memory_space<vmem>>) dst(%dma_wait3A_129 : memref<400xf32, #tpu.memory_space<hbm>>)
          tpu.yield
        }) : () -> ()
        %while3A_127 = arith.constant 0 : i32
        scf.yield %while3A_127 : i32
      }
    } else {
    }
    %eq3A_75 = arith.constant 1 : i32
    %eq3A_76 = arith.cmpi eq, %arg0, %eq3A_75 : i32
    %convert_element_type3A_77 = arith.extui %eq3A_76 : i1 to i32
    %cond3A_78 = arith.constant 0 : i32
    %cond3A_79 = arith.cmpi ne, %convert_element_type3A_77, %cond3A_78 : i32
    scf.if %cond3A_79 {
      %sub3A_80 = arith.constant 249 : i32
      %sub3A_81 = arith.subi %sub3A_80, %arg1 : i32
      %jit3A_82 = arith.constant 16 : i32
      %div3A_83 = arith.divsi %sub3A_81, %jit3A_82 : i32
      %sign3A_84 = arith.constant 0 : i32
      %sign3A_85 = arith.cmpi sgt, %sub3A_81, %sign3A_84 : i32
      %sign3A_86 = arith.extui %sign3A_85 : i1 to i32
      %sign3A_87 = arith.constant 0 : i32
      %sign3A_88 = arith.cmpi slt, %sub3A_81, %sign3A_87 : i32
      %sign3A_89 = arith.extui %sign3A_88 : i1 to i32
      %sign3A_90 = arith.subi %sign3A_86, %sign3A_89 : i32
      %sign3A_91 = arith.constant 0 : i32
      %sign3A_92 = arith.cmpi sgt, %jit3A_82, %sign3A_91 : i32
      %sign3A_93 = arith.extui %sign3A_92 : i1 to i32
      %sign3A_94 = arith.constant 0 : i32
      %sign3A_95 = arith.cmpi slt, %jit3A_82, %sign3A_94 : i32
      %sign3A_96 = arith.extui %sign3A_95 : i1 to i32
      %sign3A_97 = arith.subi %sign3A_93, %sign3A_96 : i32
      %ne3A_98 = arith.cmpi ne, %sign3A_90, %sign3A_97 : i32
      %rem3A_99 = arith.remsi %sub3A_81, %jit3A_82 : i32
      %ne3A_100 = arith.constant 0 : i32
      %ne3A_101 = arith.cmpi ne, %rem3A_99, %ne3A_100 : i32
      %and3A_102 = arith.andi %ne3A_98, %ne3A_101 : i1
      %sub3A_103 = arith.constant 1 : i32
      %sub3A_104 = arith.subi %div3A_83, %sub3A_103 : i32
      %select_n3A_105 = arith.select %and3A_102, %sub3A_104, %div3A_83 : i32
      %add3A_106 = arith.constant 1 : i32
      %add3A_107 = arith.addi %select_n3A_105, %add3A_106 : i32
      %while3A_108 = arith.constant 0 : i32
      %while3A_109 = arith.constant 0 : i32
      %while3A_110 = arith.subi %add3A_107, %while3A_108 : i32
      %while3A_111 = arith.addi %while3A_108, %while3A_110 : i32
      %while3A_112 = arith.constant 1 : i32
      %while3A_113 = arith.divsi %while3A_110, %while3A_112 : i32
      %while3A_114 = arith.muli %while3A_113, %while3A_112 : i32
      %while3A_115 = arith.addi %while3A_108, %while3A_114 : i32
      %while3A_116 = arith.constant 1 : i32
      %while3A_117 = scf.for %while3A_120 = %while3A_108 to %while3A_115 step %while3A_116 iter_args(%while3A_121 = %while3A_109) -> (i32)  : i32 {
        %mul3A_122 = arith.constant 16 : i32
        %mul3A_123 = arith.muli %while3A_120, %mul3A_122 : i32
        %add3A_124 = arith.addi %arg1, %mul3A_123 : i32
        %mul3A_125 = arith.constant 400 : i32
        %mul3A_126 = arith.muli %add3A_124, %mul3A_125 : i32
        "tpu.region"() ({
          %run_scoped3A = tpu.sem_alloc : memref<!tpu.dma_semaphore, #tpu.memory_space<semaphore_mem>>
          %dma_start3A = tpu.memref_slice %arg10[%mul3A_126] : memref<100000xf32, #tpu.memory_space<vmem_shared>> -> memref<400xf32, #tpu.memory_space<vmem_shared>>
          %dma_start3A_128 = tpu.memref_slice %arg10[%mul3A_126] : memref<100000xf32, #tpu.memory_space<vmem_shared>> -> memref<400xf32, #tpu.memory_space<vmem_shared>>
          tpu.enqueue_dma source(%dma_start3A_128 : memref<400xf32, #tpu.memory_space<vmem_shared>>) target(%arg9 : memref<400xf32, #tpu.memory_space<vmem>>) target_semaphore(%run_scoped3A : memref<!tpu.dma_semaphore, #tpu.memory_space<semaphore_mem>>)
          %dma_wait3A = tpu.memref_slice %arg10[%mul3A_126] : memref<100000xf32, #tpu.memory_space<vmem_shared>> -> memref<400xf32, #tpu.memory_space<vmem_shared>>
          %dma_wait3A_129 = tpu.memref_slice %arg10[%mul3A_126] : memref<100000xf32, #tpu.memory_space<vmem_shared>> -> memref<400xf32, #tpu.memory_space<vmem_shared>>
          tpu.wait_dma2 semaphore(%run_scoped3A : memref<!tpu.dma_semaphore, #tpu.memory_space<semaphore_mem>>) src(%dma_wait3A_129 : memref<400xf32, #tpu.memory_space<vmem_shared>>) dst(%arg9 : memref<400xf32, #tpu.memory_space<vmem>>)
          tpu.yield
        }) : () -> ()
        "tpu.region"() ({
          %run_scoped3A = tpu.sem_alloc : memref<!tpu.dma_semaphore, #tpu.memory_space<semaphore_mem>>
          %dma_start3A = tpu.memref_slice %arg6[%mul3A_126] : memref<100000xf32, #tpu.memory_space<hbm>> -> memref<400xf32, #tpu.memory_space<hbm>>
          %dma_start3A_128 = tpu.memref_slice %arg6[%mul3A_126] : memref<100000xf32, #tpu.memory_space<hbm>> -> memref<400xf32, #tpu.memory_space<hbm>>
          tpu.enqueue_dma source(%arg9 : memref<400xf32, #tpu.memory_space<vmem>>) target(%dma_start3A_128 : memref<400xf32, #tpu.memory_space<hbm>>) target_semaphore(%run_scoped3A : memref<!tpu.dma_semaphore, #tpu.memory_space<semaphore_mem>>)
          %dma_wait3A = tpu.memref_slice %arg6[%mul3A_126] : memref<100000xf32, #tpu.memory_space<hbm>> -> memref<400xf32, #tpu.memory_space<hbm>>
          %dma_wait3A_129 = tpu.memref_slice %arg6[%mul3A_126] : memref<100000xf32, #tpu.memory_space<hbm>> -> memref<400xf32, #tpu.memory_space<hbm>>
          tpu.wait_dma2 semaphore(%run_scoped3A : memref<!tpu.dma_semaphore, #tpu.memory_space<semaphore_mem>>) src(%arg9 : memref<400xf32, #tpu.memory_space<vmem>>) dst(%dma_wait3A_129 : memref<400xf32, #tpu.memory_space<hbm>>)
          tpu.yield
        }) : () -> ()
        %while3A_127 = arith.constant 0 : i32
        scf.yield %while3A_127 : i32
      }
      %while3A_118 = arith.constant 1 : i32
      %while3A_119 = scf.for %while3A_120 = %while3A_115 to %while3A_111 step %while3A_118 iter_args(%while3A_121 = %while3A_117) -> (i32)  : i32 {
        %mul3A_122 = arith.constant 16 : i32
        %mul3A_123 = arith.muli %while3A_120, %mul3A_122 : i32
        %add3A_124 = arith.addi %arg1, %mul3A_123 : i32
        %mul3A_125 = arith.constant 400 : i32
        %mul3A_126 = arith.muli %add3A_124, %mul3A_125 : i32
        "tpu.region"() ({
          %run_scoped3A = tpu.sem_alloc : memref<!tpu.dma_semaphore, #tpu.memory_space<semaphore_mem>>
          %dma_start3A = tpu.memref_slice %arg10[%mul3A_126] : memref<100000xf32, #tpu.memory_space<vmem_shared>> -> memref<400xf32, #tpu.memory_space<vmem_shared>>
          %dma_start3A_128 = tpu.memref_slice %arg10[%mul3A_126] : memref<100000xf32, #tpu.memory_space<vmem_shared>> -> memref<400xf32, #tpu.memory_space<vmem_shared>>
          tpu.enqueue_dma source(%dma_start3A_128 : memref<400xf32, #tpu.memory_space<vmem_shared>>) target(%arg9 : memref<400xf32, #tpu.memory_space<vmem>>) target_semaphore(%run_scoped3A : memref<!tpu.dma_semaphore, #tpu.memory_space<semaphore_mem>>)
          %dma_wait3A = tpu.memref_slice %arg10[%mul3A_126] : memref<100000xf32, #tpu.memory_space<vmem_shared>> -> memref<400xf32, #tpu.memory_space<vmem_shared>>
          %dma_wait3A_129 = tpu.memref_slice %arg10[%mul3A_126] : memref<100000xf32, #tpu.memory_space<vmem_shared>> -> memref<400xf32, #tpu.memory_space<vmem_shared>>
          tpu.wait_dma2 semaphore(%run_scoped3A : memref<!tpu.dma_semaphore, #tpu.memory_space<semaphore_mem>>) src(%dma_wait3A_129 : memref<400xf32, #tpu.memory_space<vmem_shared>>) dst(%arg9 : memref<400xf32, #tpu.memory_space<vmem>>)
          tpu.yield
        }) : () -> ()
        "tpu.region"() ({
          %run_scoped3A = tpu.sem_alloc : memref<!tpu.dma_semaphore, #tpu.memory_space<semaphore_mem>>
          %dma_start3A = tpu.memref_slice %arg6[%mul3A_126] : memref<100000xf32, #tpu.memory_space<hbm>> -> memref<400xf32, #tpu.memory_space<hbm>>
          %dma_start3A_128 = tpu.memref_slice %arg6[%mul3A_126] : memref<100000xf32, #tpu.memory_space<hbm>> -> memref<400xf32, #tpu.memory_space<hbm>>
          tpu.enqueue_dma source(%arg9 : memref<400xf32, #tpu.memory_space<vmem>>) target(%dma_start3A_128 : memref<400xf32, #tpu.memory_space<hbm>>) target_semaphore(%run_scoped3A : memref<!tpu.dma_semaphore, #tpu.memory_space<semaphore_mem>>)
          %dma_wait3A = tpu.memref_slice %arg6[%mul3A_126] : memref<100000xf32, #tpu.memory_space<hbm>> -> memref<400xf32, #tpu.memory_space<hbm>>
          %dma_wait3A_129 = tpu.memref_slice %arg6[%mul3A_126] : memref<100000xf32, #tpu.memory_space<hbm>> -> memref<400xf32, #tpu.memory_space<hbm>>
          tpu.wait_dma2 semaphore(%run_scoped3A : memref<!tpu.dma_semaphore, #tpu.memory_space<semaphore_mem>>) src(%arg9 : memref<400xf32, #tpu.memory_space<vmem>>) dst(%dma_wait3A_129 : memref<400xf32, #tpu.memory_space<hbm>>)
          tpu.yield
        }) : () -> ()
        %while3A_127 = arith.constant 0 : i32
        scf.yield %while3A_127 : i32
      }
    } else {
    }
    return
  }
}

#map = affine_map<(d0, d1) -> (0, 0)>
#map1 = affine_map<(d0, d1) -> (0, 0, 0)>
module attributes {stable_mosaic.version = 14 : i64} {
  func.func @k(%arg0: i32, %arg1: i32, %arg2: memref<100000x16xf32, #tpu.memory_space<hbm>>, %arg3: memref<100000x16xf32, #tpu.memory_space<hbm>>, %arg4: memref<1250x2x1280xi32, #tpu.memory_space<hbm>>, %arg5: memref<100000x16xf32, #tpu.memory_space<hbm>>, %arg6: memref<100000x16xf32, #tpu.memory_space<hbm>>, %arg7: memref<2x1280xi32, #tpu.memory_space<vmem>>, %arg8: memref<1280x16xf32, #tpu.memory_space<vmem>>, %arg9: memref<400x16xf32, #tpu.memory_space<vmem>>, %arg10: memref<100000x16xf32, #tpu.memory_space<vmem_shared>>, %arg11: memref<!tpu.dma_semaphore, #tpu.memory_space<semaphore_mem>>) attributes {dimension_semantics = [#tpu.dimension_semantics<core_parallel>, #tpu.dimension_semantics<subcore_parallel>], iteration_bounds = array<i64: 2, 16>, scalar_prefetch = 0 : i64, scratch_operands = 5 : i64, tpu.core_type = #tpu.core_type<sc_vector_subcore>, window_params = [{transform_indices = #map}, {transform_indices = #map}, {transform_indices = #map1}, {transform_indices = #map}, {transform_indices = #map}]} {
    %eq3A = arith.constant 0 : i32
    %eq3A_0 = arith.cmpi eq, %arg0, %eq3A : i32
    %convert_element_type3A = arith.extui %eq3A_0 : i1 to i32
    %cond3A = arith.constant 0 : i32
    %cond3A_1 = arith.cmpi ne, %convert_element_type3A, %cond3A : i32
    scf.if %cond3A_1 {
      %sub3A_47 = arith.constant 249 : i32
      %sub3A_48 = arith.subi %sub3A_47, %arg1 : i32
      %jit3A_49 = arith.constant 16 : i32
      %div3A_50 = arith.divsi %sub3A_48, %jit3A_49 : i32
      %sign3A_51 = arith.constant 0 : i32
      %sign3A_52 = arith.cmpi sgt, %sub3A_48, %sign3A_51 : i32
      %sign3A_53 = arith.extui %sign3A_52 : i1 to i32
      %sign3A_54 = arith.constant 0 : i32
      %sign3A_55 = arith.cmpi slt, %sub3A_48, %sign3A_54 : i32
      %sign3A_56 = arith.extui %sign3A_55 : i1 to i32
      %sign3A_57 = arith.subi %sign3A_53, %sign3A_56 : i32
      %sign3A_58 = arith.constant 0 : i32
      %sign3A_59 = arith.cmpi sgt, %jit3A_49, %sign3A_58 : i32
      %sign3A_60 = arith.extui %sign3A_59 : i1 to i32
      %sign3A_61 = arith.constant 0 : i32
      %sign3A_62 = arith.cmpi slt, %jit3A_49, %sign3A_61 : i32
      %sign3A_63 = arith.extui %sign3A_62 : i1 to i32
      %sign3A_64 = arith.subi %sign3A_60, %sign3A_63 : i32
      %ne3A_65 = arith.cmpi ne, %sign3A_57, %sign3A_64 : i32
      %rem3A_66 = arith.remsi %sub3A_48, %jit3A_49 : i32
      %ne3A_67 = arith.constant 0 : i32
      %ne3A_68 = arith.cmpi ne, %rem3A_66, %ne3A_67 : i32
      %and3A_69 = arith.andi %ne3A_65, %ne3A_68 : i1
      %sub3A_70 = arith.constant 1 : i32
      %sub3A_71 = arith.subi %div3A_50, %sub3A_70 : i32
      %select_n3A_72 = arith.select %and3A_69, %sub3A_71, %div3A_50 : i32
      %add3A_73 = arith.constant 1 : i32
      %add3A_74 = arith.addi %select_n3A_72, %add3A_73 : i32
      %while3A = arith.constant 0 : i32
      %while3A_75 = arith.constant 0 : i32
      %while3A_76 = arith.subi %add3A_74, %while3A : i32
      %while3A_77 = arith.addi %while3A, %while3A_76 : i32
      %while3A_78 = arith.constant 1 : i32
      %while3A_79 = arith.divsi %while3A_76, %while3A_78 : i32
      %while3A_80 = arith.muli %while3A_79, %while3A_78 : i32
      %while3A_81 = arith.addi %while3A, %while3A_80 : i32
      %while3A_82 = arith.constant 1 : i32
      %while3A_83 = scf.for %while3A_86 = %while3A to %while3A_81 step %while3A_82 iter_args(%while3A_87 = %while3A_75) -> (i32)  : i32 {
        %mul3A = arith.constant 16 : i32
        %mul3A_88 = arith.muli %while3A_86, %mul3A : i32
        %add3A_89 = arith.addi %arg1, %mul3A_88 : i32
        %mul3A_90 = arith.constant 400 : i32
        %mul3A_91 = arith.muli %add3A_89, %mul3A_90 : i32
        "tpu.region"() ({
          %run_scoped3A = tpu.sem_alloc : memref<!tpu.dma_semaphore, #tpu.memory_space<semaphore_mem>>
          %dma_start3A = arith.constant 0 : i32
          %dma_start3A_93 = tpu.memref_slice %arg2[%mul3A_91, %dma_start3A] : memref<100000x16xf32, #tpu.memory_space<hbm>> -> memref<400x16xf32, #tpu.memory_space<hbm>>
          %dma_start3A_94 = arith.constant 0 : i32
          %dma_start3A_95 = tpu.memref_slice %arg2[%mul3A_91, %dma_start3A_94] : memref<100000x16xf32, #tpu.memory_space<hbm>> -> memref<400x16xf32, #tpu.memory_space<hbm>>
          tpu.enqueue_dma source(%dma_start3A_95 : memref<400x16xf32, #tpu.memory_space<hbm>>) target(%arg9 : memref<400x16xf32, #tpu.memory_space<vmem>>) target_semaphore(%run_scoped3A : memref<!tpu.dma_semaphore, #tpu.memory_space<semaphore_mem>>)
          %dma_wait3A = arith.constant 0 : i32
          %dma_wait3A_96 = tpu.memref_slice %arg2[%mul3A_91, %dma_wait3A] : memref<100000x16xf32, #tpu.memory_space<hbm>> -> memref<400x16xf32, #tpu.memory_space<hbm>>
          %dma_wait3A_97 = arith.constant 0 : i32
          %dma_wait3A_98 = tpu.memref_slice %arg2[%mul3A_91, %dma_wait3A_97] : memref<100000x16xf32, #tpu.memory_space<hbm>> -> memref<400x16xf32, #tpu.memory_space<hbm>>
          tpu.wait_dma2 semaphore(%run_scoped3A : memref<!tpu.dma_semaphore, #tpu.memory_space<semaphore_mem>>) src(%dma_wait3A_98 : memref<400x16xf32, #tpu.memory_space<hbm>>) dst(%arg9 : memref<400x16xf32, #tpu.memory_space<vmem>>)
          tpu.yield
        }) : () -> ()
        "tpu.region"() ({
          %run_scoped3A = tpu.sem_alloc : memref<!tpu.dma_semaphore, #tpu.memory_space<semaphore_mem>>
          %dma_start3A = arith.constant 0 : i32
          %dma_start3A_93 = tpu.memref_slice %arg10[%mul3A_91, %dma_start3A] : memref<100000x16xf32, #tpu.memory_space<vmem_shared>> -> memref<400x16xf32, #tpu.memory_space<vmem_shared>>
          %dma_start3A_94 = arith.constant 0 : i32
          %dma_start3A_95 = tpu.memref_slice %arg10[%mul3A_91, %dma_start3A_94] : memref<100000x16xf32, #tpu.memory_space<vmem_shared>> -> memref<400x16xf32, #tpu.memory_space<vmem_shared>>
          tpu.enqueue_dma source(%arg9 : memref<400x16xf32, #tpu.memory_space<vmem>>) target(%dma_start3A_95 : memref<400x16xf32, #tpu.memory_space<vmem_shared>>) target_semaphore(%run_scoped3A : memref<!tpu.dma_semaphore, #tpu.memory_space<semaphore_mem>>)
          %dma_wait3A = arith.constant 0 : i32
          %dma_wait3A_96 = tpu.memref_slice %arg10[%mul3A_91, %dma_wait3A] : memref<100000x16xf32, #tpu.memory_space<vmem_shared>> -> memref<400x16xf32, #tpu.memory_space<vmem_shared>>
          %dma_wait3A_97 = arith.constant 0 : i32
          %dma_wait3A_98 = tpu.memref_slice %arg10[%mul3A_91, %dma_wait3A_97] : memref<100000x16xf32, #tpu.memory_space<vmem_shared>> -> memref<400x16xf32, #tpu.memory_space<vmem_shared>>
          tpu.wait_dma2 semaphore(%run_scoped3A : memref<!tpu.dma_semaphore, #tpu.memory_space<semaphore_mem>>) src(%arg9 : memref<400x16xf32, #tpu.memory_space<vmem>>) dst(%dma_wait3A_98 : memref<400x16xf32, #tpu.memory_space<vmem_shared>>)
          tpu.yield
        }) : () -> ()
        %while3A_92 = arith.constant 0 : i32
        scf.yield %while3A_92 : i32
      }
      %while3A_84 = arith.constant 1 : i32
      %while3A_85 = scf.for %while3A_86 = %while3A_81 to %while3A_77 step %while3A_84 iter_args(%while3A_87 = %while3A_83) -> (i32)  : i32 {
        %mul3A = arith.constant 16 : i32
        %mul3A_88 = arith.muli %while3A_86, %mul3A : i32
        %add3A_89 = arith.addi %arg1, %mul3A_88 : i32
        %mul3A_90 = arith.constant 400 : i32
        %mul3A_91 = arith.muli %add3A_89, %mul3A_90 : i32
        "tpu.region"() ({
          %run_scoped3A = tpu.sem_alloc : memref<!tpu.dma_semaphore, #tpu.memory_space<semaphore_mem>>
          %dma_start3A = arith.constant 0 : i32
          %dma_start3A_93 = tpu.memref_slice %arg2[%mul3A_91, %dma_start3A] : memref<100000x16xf32, #tpu.memory_space<hbm>> -> memref<400x16xf32, #tpu.memory_space<hbm>>
          %dma_start3A_94 = arith.constant 0 : i32
          %dma_start3A_95 = tpu.memref_slice %arg2[%mul3A_91, %dma_start3A_94] : memref<100000x16xf32, #tpu.memory_space<hbm>> -> memref<400x16xf32, #tpu.memory_space<hbm>>
          tpu.enqueue_dma source(%dma_start3A_95 : memref<400x16xf32, #tpu.memory_space<hbm>>) target(%arg9 : memref<400x16xf32, #tpu.memory_space<vmem>>) target_semaphore(%run_scoped3A : memref<!tpu.dma_semaphore, #tpu.memory_space<semaphore_mem>>)
          %dma_wait3A = arith.constant 0 : i32
          %dma_wait3A_96 = tpu.memref_slice %arg2[%mul3A_91, %dma_wait3A] : memref<100000x16xf32, #tpu.memory_space<hbm>> -> memref<400x16xf32, #tpu.memory_space<hbm>>
          %dma_wait3A_97 = arith.constant 0 : i32
          %dma_wait3A_98 = tpu.memref_slice %arg2[%mul3A_91, %dma_wait3A_97] : memref<100000x16xf32, #tpu.memory_space<hbm>> -> memref<400x16xf32, #tpu.memory_space<hbm>>
          tpu.wait_dma2 semaphore(%run_scoped3A : memref<!tpu.dma_semaphore, #tpu.memory_space<semaphore_mem>>) src(%dma_wait3A_98 : memref<400x16xf32, #tpu.memory_space<hbm>>) dst(%arg9 : memref<400x16xf32, #tpu.memory_space<vmem>>)
          tpu.yield
        }) : () -> ()
        "tpu.region"() ({
          %run_scoped3A = tpu.sem_alloc : memref<!tpu.dma_semaphore, #tpu.memory_space<semaphore_mem>>
          %dma_start3A = arith.constant 0 : i32
          %dma_start3A_93 = tpu.memref_slice %arg10[%mul3A_91, %dma_start3A] : memref<100000x16xf32, #tpu.memory_space<vmem_shared>> -> memref<400x16xf32, #tpu.memory_space<vmem_shared>>
          %dma_start3A_94 = arith.constant 0 : i32
          %dma_start3A_95 = tpu.memref_slice %arg10[%mul3A_91, %dma_start3A_94] : memref<100000x16xf32, #tpu.memory_space<vmem_shared>> -> memref<400x16xf32, #tpu.memory_space<vmem_shared>>
          tpu.enqueue_dma source(%arg9 : memref<400x16xf32, #tpu.memory_space<vmem>>) target(%dma_start3A_95 : memref<400x16xf32, #tpu.memory_space<vmem_shared>>) target_semaphore(%run_scoped3A : memref<!tpu.dma_semaphore, #tpu.memory_space<semaphore_mem>>)
          %dma_wait3A = arith.constant 0 : i32
          %dma_wait3A_96 = tpu.memref_slice %arg10[%mul3A_91, %dma_wait3A] : memref<100000x16xf32, #tpu.memory_space<vmem_shared>> -> memref<400x16xf32, #tpu.memory_space<vmem_shared>>
          %dma_wait3A_97 = arith.constant 0 : i32
          %dma_wait3A_98 = tpu.memref_slice %arg10[%mul3A_91, %dma_wait3A_97] : memref<100000x16xf32, #tpu.memory_space<vmem_shared>> -> memref<400x16xf32, #tpu.memory_space<vmem_shared>>
          tpu.wait_dma2 semaphore(%run_scoped3A : memref<!tpu.dma_semaphore, #tpu.memory_space<semaphore_mem>>) src(%arg9 : memref<400x16xf32, #tpu.memory_space<vmem>>) dst(%dma_wait3A_98 : memref<400x16xf32, #tpu.memory_space<vmem_shared>>)
          tpu.yield
        }) : () -> ()
        %while3A_92 = arith.constant 0 : i32
        scf.yield %while3A_92 : i32
      }
    } else {
    }
    %eq3A_2 = arith.constant 1 : i32
    %eq3A_3 = arith.cmpi eq, %arg0, %eq3A_2 : i32
    %convert_element_type3A_4 = arith.extui %eq3A_3 : i1 to i32
    %cond3A_5 = arith.constant 0 : i32
    %cond3A_6 = arith.cmpi ne, %convert_element_type3A_4, %cond3A_5 : i32
    scf.if %cond3A_6 {
      %sub3A_47 = arith.constant 249 : i32
      %sub3A_48 = arith.subi %sub3A_47, %arg1 : i32
      %jit3A_49 = arith.constant 16 : i32
      %div3A_50 = arith.divsi %sub3A_48, %jit3A_49 : i32
      %sign3A_51 = arith.constant 0 : i32
      %sign3A_52 = arith.cmpi sgt, %sub3A_48, %sign3A_51 : i32
      %sign3A_53 = arith.extui %sign3A_52 : i1 to i32
      %sign3A_54 = arith.constant 0 : i32
      %sign3A_55 = arith.cmpi slt, %sub3A_48, %sign3A_54 : i32
      %sign3A_56 = arith.extui %sign3A_55 : i1 to i32
      %sign3A_57 = arith.subi %sign3A_53, %sign3A_56 : i32
      %sign3A_58 = arith.constant 0 : i32
      %sign3A_59 = arith.cmpi sgt, %jit3A_49, %sign3A_58 : i32
      %sign3A_60 = arith.extui %sign3A_59 : i1 to i32
      %sign3A_61 = arith.constant 0 : i32
      %sign3A_62 = arith.cmpi slt, %jit3A_49, %sign3A_61 : i32
      %sign3A_63 = arith.extui %sign3A_62 : i1 to i32
      %sign3A_64 = arith.subi %sign3A_60, %sign3A_63 : i32
      %ne3A_65 = arith.cmpi ne, %sign3A_57, %sign3A_64 : i32
      %rem3A_66 = arith.remsi %sub3A_48, %jit3A_49 : i32
      %ne3A_67 = arith.constant 0 : i32
      %ne3A_68 = arith.cmpi ne, %rem3A_66, %ne3A_67 : i32
      %and3A_69 = arith.andi %ne3A_65, %ne3A_68 : i1
      %sub3A_70 = arith.constant 1 : i32
      %sub3A_71 = arith.subi %div3A_50, %sub3A_70 : i32
      %select_n3A_72 = arith.select %and3A_69, %sub3A_71, %div3A_50 : i32
      %add3A_73 = arith.constant 1 : i32
      %add3A_74 = arith.addi %select_n3A_72, %add3A_73 : i32
      %while3A = arith.constant 0 : i32
      %while3A_75 = arith.constant 0 : i32
      %while3A_76 = arith.subi %add3A_74, %while3A : i32
      %while3A_77 = arith.addi %while3A, %while3A_76 : i32
      %while3A_78 = arith.constant 1 : i32
      %while3A_79 = arith.divsi %while3A_76, %while3A_78 : i32
      %while3A_80 = arith.muli %while3A_79, %while3A_78 : i32
      %while3A_81 = arith.addi %while3A, %while3A_80 : i32
      %while3A_82 = arith.constant 1 : i32
      %while3A_83 = scf.for %while3A_86 = %while3A to %while3A_81 step %while3A_82 iter_args(%while3A_87 = %while3A_75) -> (i32)  : i32 {
        %mul3A = arith.constant 16 : i32
        %mul3A_88 = arith.muli %while3A_86, %mul3A : i32
        %add3A_89 = arith.addi %arg1, %mul3A_88 : i32
        %mul3A_90 = arith.constant 400 : i32
        %mul3A_91 = arith.muli %add3A_89, %mul3A_90 : i32
        "tpu.region"() ({
          %run_scoped3A = tpu.sem_alloc : memref<!tpu.dma_semaphore, #tpu.memory_space<semaphore_mem>>
          %dma_start3A = arith.constant 0 : i32
          %dma_start3A_93 = tpu.memref_slice %arg3[%mul3A_91, %dma_start3A] : memref<100000x16xf32, #tpu.memory_space<hbm>> -> memref<400x16xf32, #tpu.memory_space<hbm>>
          %dma_start3A_94 = arith.constant 0 : i32
          %dma_start3A_95 = tpu.memref_slice %arg3[%mul3A_91, %dma_start3A_94] : memref<100000x16xf32, #tpu.memory_space<hbm>> -> memref<400x16xf32, #tpu.memory_space<hbm>>
          tpu.enqueue_dma source(%dma_start3A_95 : memref<400x16xf32, #tpu.memory_space<hbm>>) target(%arg9 : memref<400x16xf32, #tpu.memory_space<vmem>>) target_semaphore(%run_scoped3A : memref<!tpu.dma_semaphore, #tpu.memory_space<semaphore_mem>>)
          %dma_wait3A = arith.constant 0 : i32
          %dma_wait3A_96 = tpu.memref_slice %arg3[%mul3A_91, %dma_wait3A] : memref<100000x16xf32, #tpu.memory_space<hbm>> -> memref<400x16xf32, #tpu.memory_space<hbm>>
          %dma_wait3A_97 = arith.constant 0 : i32
          %dma_wait3A_98 = tpu.memref_slice %arg3[%mul3A_91, %dma_wait3A_97] : memref<100000x16xf32, #tpu.memory_space<hbm>> -> memref<400x16xf32, #tpu.memory_space<hbm>>
          tpu.wait_dma2 semaphore(%run_scoped3A : memref<!tpu.dma_semaphore, #tpu.memory_space<semaphore_mem>>) src(%dma_wait3A_98 : memref<400x16xf32, #tpu.memory_space<hbm>>) dst(%arg9 : memref<400x16xf32, #tpu.memory_space<vmem>>)
          tpu.yield
        }) : () -> ()
        "tpu.region"() ({
          %run_scoped3A = tpu.sem_alloc : memref<!tpu.dma_semaphore, #tpu.memory_space<semaphore_mem>>
          %dma_start3A = arith.constant 0 : i32
          %dma_start3A_93 = tpu.memref_slice %arg10[%mul3A_91, %dma_start3A] : memref<100000x16xf32, #tpu.memory_space<vmem_shared>> -> memref<400x16xf32, #tpu.memory_space<vmem_shared>>
          %dma_start3A_94 = arith.constant 0 : i32
          %dma_start3A_95 = tpu.memref_slice %arg10[%mul3A_91, %dma_start3A_94] : memref<100000x16xf32, #tpu.memory_space<vmem_shared>> -> memref<400x16xf32, #tpu.memory_space<vmem_shared>>
          tpu.enqueue_dma source(%arg9 : memref<400x16xf32, #tpu.memory_space<vmem>>) target(%dma_start3A_95 : memref<400x16xf32, #tpu.memory_space<vmem_shared>>) target_semaphore(%run_scoped3A : memref<!tpu.dma_semaphore, #tpu.memory_space<semaphore_mem>>)
          %dma_wait3A = arith.constant 0 : i32
          %dma_wait3A_96 = tpu.memref_slice %arg10[%mul3A_91, %dma_wait3A] : memref<100000x16xf32, #tpu.memory_space<vmem_shared>> -> memref<400x16xf32, #tpu.memory_space<vmem_shared>>
          %dma_wait3A_97 = arith.constant 0 : i32
          %dma_wait3A_98 = tpu.memref_slice %arg10[%mul3A_91, %dma_wait3A_97] : memref<100000x16xf32, #tpu.memory_space<vmem_shared>> -> memref<400x16xf32, #tpu.memory_space<vmem_shared>>
          tpu.wait_dma2 semaphore(%run_scoped3A : memref<!tpu.dma_semaphore, #tpu.memory_space<semaphore_mem>>) src(%arg9 : memref<400x16xf32, #tpu.memory_space<vmem>>) dst(%dma_wait3A_98 : memref<400x16xf32, #tpu.memory_space<vmem_shared>>)
          tpu.yield
        }) : () -> ()
        %while3A_92 = arith.constant 0 : i32
        scf.yield %while3A_92 : i32
      }
      %while3A_84 = arith.constant 1 : i32
      %while3A_85 = scf.for %while3A_86 = %while3A_81 to %while3A_77 step %while3A_84 iter_args(%while3A_87 = %while3A_83) -> (i32)  : i32 {
        %mul3A = arith.constant 16 : i32
        %mul3A_88 = arith.muli %while3A_86, %mul3A : i32
        %add3A_89 = arith.addi %arg1, %mul3A_88 : i32
        %mul3A_90 = arith.constant 400 : i32
        %mul3A_91 = arith.muli %add3A_89, %mul3A_90 : i32
        "tpu.region"() ({
          %run_scoped3A = tpu.sem_alloc : memref<!tpu.dma_semaphore, #tpu.memory_space<semaphore_mem>>
          %dma_start3A = arith.constant 0 : i32
          %dma_start3A_93 = tpu.memref_slice %arg3[%mul3A_91, %dma_start3A] : memref<100000x16xf32, #tpu.memory_space<hbm>> -> memref<400x16xf32, #tpu.memory_space<hbm>>
          %dma_start3A_94 = arith.constant 0 : i32
          %dma_start3A_95 = tpu.memref_slice %arg3[%mul3A_91, %dma_start3A_94] : memref<100000x16xf32, #tpu.memory_space<hbm>> -> memref<400x16xf32, #tpu.memory_space<hbm>>
          tpu.enqueue_dma source(%dma_start3A_95 : memref<400x16xf32, #tpu.memory_space<hbm>>) target(%arg9 : memref<400x16xf32, #tpu.memory_space<vmem>>) target_semaphore(%run_scoped3A : memref<!tpu.dma_semaphore, #tpu.memory_space<semaphore_mem>>)
          %dma_wait3A = arith.constant 0 : i32
          %dma_wait3A_96 = tpu.memref_slice %arg3[%mul3A_91, %dma_wait3A] : memref<100000x16xf32, #tpu.memory_space<hbm>> -> memref<400x16xf32, #tpu.memory_space<hbm>>
          %dma_wait3A_97 = arith.constant 0 : i32
          %dma_wait3A_98 = tpu.memref_slice %arg3[%mul3A_91, %dma_wait3A_97] : memref<100000x16xf32, #tpu.memory_space<hbm>> -> memref<400x16xf32, #tpu.memory_space<hbm>>
          tpu.wait_dma2 semaphore(%run_scoped3A : memref<!tpu.dma_semaphore, #tpu.memory_space<semaphore_mem>>) src(%dma_wait3A_98 : memref<400x16xf32, #tpu.memory_space<hbm>>) dst(%arg9 : memref<400x16xf32, #tpu.memory_space<vmem>>)
          tpu.yield
        }) : () -> ()
        "tpu.region"() ({
          %run_scoped3A = tpu.sem_alloc : memref<!tpu.dma_semaphore, #tpu.memory_space<semaphore_mem>>
          %dma_start3A = arith.constant 0 : i32
          %dma_start3A_93 = tpu.memref_slice %arg10[%mul3A_91, %dma_start3A] : memref<100000x16xf32, #tpu.memory_space<vmem_shared>> -> memref<400x16xf32, #tpu.memory_space<vmem_shared>>
          %dma_start3A_94 = arith.constant 0 : i32
          %dma_start3A_95 = tpu.memref_slice %arg10[%mul3A_91, %dma_start3A_94] : memref<100000x16xf32, #tpu.memory_space<vmem_shared>> -> memref<400x16xf32, #tpu.memory_space<vmem_shared>>
          tpu.enqueue_dma source(%arg9 : memref<400x16xf32, #tpu.memory_space<vmem>>) target(%dma_start3A_95 : memref<400x16xf32, #tpu.memory_space<vmem_shared>>) target_semaphore(%run_scoped3A : memref<!tpu.dma_semaphore, #tpu.memory_space<semaphore_mem>>)
          %dma_wait3A = arith.constant 0 : i32
          %dma_wait3A_96 = tpu.memref_slice %arg10[%mul3A_91, %dma_wait3A] : memref<100000x16xf32, #tpu.memory_space<vmem_shared>> -> memref<400x16xf32, #tpu.memory_space<vmem_shared>>
          %dma_wait3A_97 = arith.constant 0 : i32
          %dma_wait3A_98 = tpu.memref_slice %arg10[%mul3A_91, %dma_wait3A_97] : memref<100000x16xf32, #tpu.memory_space<vmem_shared>> -> memref<400x16xf32, #tpu.memory_space<vmem_shared>>
          tpu.wait_dma2 semaphore(%run_scoped3A : memref<!tpu.dma_semaphore, #tpu.memory_space<semaphore_mem>>) src(%arg9 : memref<400x16xf32, #tpu.memory_space<vmem>>) dst(%dma_wait3A_98 : memref<400x16xf32, #tpu.memory_space<vmem_shared>>)
          tpu.yield
        }) : () -> ()
        %while3A_92 = arith.constant 0 : i32
        scf.yield %while3A_92 : i32
      }
    } else {
    }
    %barrier3A = arith.constant 0 : index
    tpu.barrier barrier_id(%barrier3A)
    %sub3A = arith.constant 1249 : i32
    %sub3A_7 = arith.subi %sub3A, %arg1 : i32
    %jit3A = arith.constant 16 : i32
    %div3A = arith.divsi %sub3A_7, %jit3A : i32
    %sign3A = arith.constant 0 : i32
    %sign3A_8 = arith.cmpi sgt, %sub3A_7, %sign3A : i32
    %sign3A_9 = arith.extui %sign3A_8 : i1 to i32
    %sign3A_10 = arith.constant 0 : i32
    %sign3A_11 = arith.cmpi slt, %sub3A_7, %sign3A_10 : i32
    %sign3A_12 = arith.extui %sign3A_11 : i1 to i32
    %sign3A_13 = arith.subi %sign3A_9, %sign3A_12 : i32
    %sign3A_14 = arith.constant 0 : i32
    %sign3A_15 = arith.cmpi sgt, %jit3A, %sign3A_14 : i32
    %sign3A_16 = arith.extui %sign3A_15 : i1 to i32
    %sign3A_17 = arith.constant 0 : i32
    %sign3A_18 = arith.cmpi slt, %jit3A, %sign3A_17 : i32
    %sign3A_19 = arith.extui %sign3A_18 : i1 to i32
    %sign3A_20 = arith.subi %sign3A_16, %sign3A_19 : i32
    %ne3A = arith.cmpi ne, %sign3A_13, %sign3A_20 : i32
    %rem3A = arith.remsi %sub3A_7, %jit3A : i32
    %ne3A_21 = arith.constant 0 : i32
    %ne3A_22 = arith.cmpi ne, %rem3A, %ne3A_21 : i32
    %and3A = arith.andi %ne3A, %ne3A_22 : i1
    %sub3A_23 = arith.constant 1 : i32
    %sub3A_24 = arith.subi %div3A, %sub3A_23 : i32
    %select_n3A = arith.select %and3A, %sub3A_24, %div3A : i32
    %add3A = arith.constant 1 : i32
    %add3A_25 = arith.addi %select_n3A, %add3A : i32
    %eq3A_26 = arith.constant 0 : i32
    %eq3A_27 = arith.cmpi eq, %arg0, %eq3A_26 : i32
    %convert_element_type3A_28 = arith.extui %eq3A_27 : i1 to i32
    %cond3A_29 = arith.constant 0 : i32
    %cond3A_30 = arith.cmpi ne, %convert_element_type3A_28, %cond3A_29 : i32
    scf.if %cond3A_30 {
      %while3A = arith.constant 0 : i32
      %while3A_47 = arith.constant 0 : i32
      %while3A_48 = arith.subi %add3A_25, %while3A : i32
      %while3A_49 = arith.addi %while3A, %while3A_48 : i32
      %while3A_50 = arith.constant 1 : i32
      %while3A_51 = arith.divsi %while3A_48, %while3A_50 : i32
      %while3A_52 = arith.muli %while3A_51, %while3A_50 : i32
      %while3A_53 = arith.addi %while3A, %while3A_52 : i32
      %while3A_54 = arith.constant 1 : i32
      %while3A_55 = scf.for %while3A_58 = %while3A to %while3A_53 step %while3A_54 iter_args(%while3A_59 = %while3A_47) -> (i32)  : i32 {
        %mul3A = arith.constant 16 : i32
        %mul3A_60 = arith.muli %while3A_58, %mul3A : i32
        %add3A_61 = arith.addi %arg1, %mul3A_60 : i32
        "tpu.region"() ({
          %run_scoped3A_75 = tpu.sem_alloc : memref<!tpu.dma_semaphore, #tpu.memory_space<semaphore_mem>>
          %dma_start3A_76 = arith.constant 0 : i32
          %dma_start3A_77 = arith.constant 0 : i32
          %dma_start3A_78 = tpu.memref_slice %arg4[%add3A_61, %dma_start3A_76, %dma_start3A_77] : memref<1250x2x1280xi32, #tpu.memory_space<hbm>> -> memref<1x2x1280xi32, #tpu.memory_space<hbm>>
          %dma_start3A_79 = tpu.memref_squeeze %dma_start3A_78 : memref<1x2x1280xi32, #tpu.memory_space<hbm>> -> memref<2x1280xi32, #tpu.memory_space<hbm>>
          %dma_start3A_80 = arith.constant 0 : i32
          %dma_start3A_81 = arith.constant 0 : i32
          %dma_start3A_82 = tpu.memref_slice %arg4[%add3A_61, %dma_start3A_80, %dma_start3A_81] : memref<1250x2x1280xi32, #tpu.memory_space<hbm>> -> memref<1x2x1280xi32, #tpu.memory_space<hbm>>
          %dma_start3A_83 = tpu.memref_squeeze %dma_start3A_82 : memref<1x2x1280xi32, #tpu.memory_space<hbm>> -> memref<2x1280xi32, #tpu.memory_space<hbm>>
          tpu.enqueue_dma source(%dma_start3A_83 : memref<2x1280xi32, #tpu.memory_space<hbm>>) target(%arg7 : memref<2x1280xi32, #tpu.memory_space<vmem>>) target_semaphore(%run_scoped3A_75 : memref<!tpu.dma_semaphore, #tpu.memory_space<semaphore_mem>>)
          %dma_wait3A_84 = arith.constant 0 : i32
          %dma_wait3A_85 = arith.constant 0 : i32
          %dma_wait3A_86 = tpu.memref_slice %arg4[%add3A_61, %dma_wait3A_84, %dma_wait3A_85] : memref<1250x2x1280xi32, #tpu.memory_space<hbm>> -> memref<1x2x1280xi32, #tpu.memory_space<hbm>>
          %dma_wait3A_87 = tpu.memref_squeeze %dma_wait3A_86 : memref<1x2x1280xi32, #tpu.memory_space<hbm>> -> memref<2x1280xi32, #tpu.memory_space<hbm>>
          %dma_wait3A_88 = arith.constant 0 : i32
          %dma_wait3A_89 = arith.constant 0 : i32
          %dma_wait3A_90 = tpu.memref_slice %arg4[%add3A_61, %dma_wait3A_88, %dma_wait3A_89] : memref<1250x2x1280xi32, #tpu.memory_space<hbm>> -> memref<1x2x1280xi32, #tpu.memory_space<hbm>>
          %dma_wait3A_91 = tpu.memref_squeeze %dma_wait3A_90 : memref<1x2x1280xi32, #tpu.memory_space<hbm>> -> memref<2x1280xi32, #tpu.memory_space<hbm>>
          tpu.wait_dma2 semaphore(%run_scoped3A_75 : memref<!tpu.dma_semaphore, #tpu.memory_space<semaphore_mem>>) src(%dma_wait3A_91 : memref<2x1280xi32, #tpu.memory_space<hbm>>) dst(%arg7 : memref<2x1280xi32, #tpu.memory_space<vmem>>)
          tpu.yield
        }) : () -> ()
        %dma_start3A = arith.constant 0 : i32
        %dma_start3A_62 = arith.constant 0 : i32
        %dma_start3A_63 = tpu.memref_slice %arg7[%dma_start3A, %dma_start3A_62] : memref<2x1280xi32, #tpu.memory_space<vmem>> -> memref<1x1280xi32, #tpu.memory_space<vmem>>
        %dma_start3A_64 = tpu.memref_squeeze %dma_start3A_63 : memref<1x1280xi32, #tpu.memory_space<vmem>> -> memref<1280xi32, #tpu.memory_space<vmem>>
        %dma_start3A_65 = arith.constant 0 : i32
        %dma_start3A_66 = arith.constant 0 : i32
        %dma_start3A_67 = tpu.memref_slice %arg2[%dma_start3A_65, %dma_start3A_66] : memref<100000x16xf32, #tpu.memory_space<hbm>> -> memref<100000x16xf32, #tpu.memory_space<hbm>>
        tpu.enqueue_indirect_dma source(%dma_start3A_67 : memref<100000x16xf32, #tpu.memory_space<hbm>>) target(%arg8 : memref<1280x16xf32, #tpu.memory_space<vmem>>) offsets(%dma_start3A_64 : memref<1280xi32, #tpu.memory_space<vmem>>) semaphore(%arg11 : memref<!tpu.dma_semaphore, #tpu.memory_space<semaphore_mem>>)
        %dma_wait3A = arith.constant 0 : i32
        %dma_wait3A_68 = arith.constant 0 : i32
        %dma_wait3A_69 = tpu.memref_slice %arg7[%dma_wait3A, %dma_wait3A_68] : memref<2x1280xi32, #tpu.memory_space<vmem>> -> memref<1x1280xi32, #tpu.memory_space<vmem>>
        %dma_wait3A_70 = tpu.memref_squeeze %dma_wait3A_69 : memref<1x1280xi32, #tpu.memory_space<vmem>> -> memref<1280xi32, #tpu.memory_space<vmem>>
        %dma_wait3A_71 = arith.constant 0 : i32
        %dma_wait3A_72 = arith.constant 0 : i32
        %dma_wait3A_73 = tpu.memref_slice %arg2[%dma_wait3A_71, %dma_wait3A_72] : memref<100000x16xf32, #tpu.memory_space<hbm>> -> memref<100000x16xf32, #tpu.memory_space<hbm>>
        tpu.wait_indirect_dma semaphore(%arg11 : memref<!tpu.dma_semaphore, #tpu.memory_space<semaphore_mem>>) src(%dma_wait3A_73 : memref<100000x16xf32, #tpu.memory_space<hbm>>) dst(%arg8 : memref<1280x16xf32, #tpu.memory_space<vmem>>)
        %run_scoped3A = arith.constant 1 : i32
        "tpu.region"() ({
          %run_scoped3A_75 = tpu.sem_alloc : memref<!tpu.dma_semaphore, #tpu.memory_space<semaphore_mem>>
          %dma_start3A_76 = arith.constant 0 : i32
          %dma_start3A_77 = tpu.memref_slice %arg7[%run_scoped3A, %dma_start3A_76] : memref<2x1280xi32, #tpu.memory_space<vmem>> -> memref<1x1280xi32, #tpu.memory_space<vmem>>
          %dma_start3A_78 = tpu.memref_squeeze %dma_start3A_77 : memref<1x1280xi32, #tpu.memory_space<vmem>> -> memref<1280xi32, #tpu.memory_space<vmem>>
          %dma_start3A_79 = arith.constant 0 : i32
          %dma_start3A_80 = arith.constant 0 : i32
          %dma_start3A_81 = tpu.memref_slice %arg10[%dma_start3A_79, %dma_start3A_80] : memref<100000x16xf32, #tpu.memory_space<vmem_shared>> -> memref<100000x16xf32, #tpu.memory_space<vmem_shared>>
          tpu.enqueue_indirect_dma source(%arg8 : memref<1280x16xf32, #tpu.memory_space<vmem>>) target(%dma_start3A_81 : memref<100000x16xf32, #tpu.memory_space<vmem_shared>>) offsets(%dma_start3A_78 : memref<1280xi32, #tpu.memory_space<vmem>>) semaphore(%run_scoped3A_75 : memref<!tpu.dma_semaphore, #tpu.memory_space<semaphore_mem>>) {add = true}
          %dma_wait3A_82 = arith.constant 0 : i32
          %dma_wait3A_83 = tpu.memref_slice %arg7[%run_scoped3A, %dma_wait3A_82] : memref<2x1280xi32, #tpu.memory_space<vmem>> -> memref<1x1280xi32, #tpu.memory_space<vmem>>
          %dma_wait3A_84 = tpu.memref_squeeze %dma_wait3A_83 : memref<1x1280xi32, #tpu.memory_space<vmem>> -> memref<1280xi32, #tpu.memory_space<vmem>>
          %dma_wait3A_85 = arith.constant 0 : i32
          %dma_wait3A_86 = arith.constant 0 : i32
          %dma_wait3A_87 = tpu.memref_slice %arg10[%dma_wait3A_85, %dma_wait3A_86] : memref<100000x16xf32, #tpu.memory_space<vmem_shared>> -> memref<100000x16xf32, #tpu.memory_space<vmem_shared>>
          tpu.wait_indirect_dma semaphore(%run_scoped3A_75 : memref<!tpu.dma_semaphore, #tpu.memory_space<semaphore_mem>>) src(%arg8 : memref<1280x16xf32, #tpu.memory_space<vmem>>) dst(%dma_wait3A_87 : memref<100000x16xf32, #tpu.memory_space<vmem_shared>>)
          tpu.yield
        }) : () -> ()
        %while3A_74 = arith.constant 0 : i32
        scf.yield %while3A_74 : i32
      }
      %while3A_56 = arith.constant 1 : i32
      %while3A_57 = scf.for %while3A_58 = %while3A_53 to %while3A_49 step %while3A_56 iter_args(%while3A_59 = %while3A_55) -> (i32)  : i32 {
        %mul3A = arith.constant 16 : i32
        %mul3A_60 = arith.muli %while3A_58, %mul3A : i32
        %add3A_61 = arith.addi %arg1, %mul3A_60 : i32
        "tpu.region"() ({
          %run_scoped3A_75 = tpu.sem_alloc : memref<!tpu.dma_semaphore, #tpu.memory_space<semaphore_mem>>
          %dma_start3A_76 = arith.constant 0 : i32
          %dma_start3A_77 = arith.constant 0 : i32
          %dma_start3A_78 = tpu.memref_slice %arg4[%add3A_61, %dma_start3A_76, %dma_start3A_77] : memref<1250x2x1280xi32, #tpu.memory_space<hbm>> -> memref<1x2x1280xi32, #tpu.memory_space<hbm>>
          %dma_start3A_79 = tpu.memref_squeeze %dma_start3A_78 : memref<1x2x1280xi32, #tpu.memory_space<hbm>> -> memref<2x1280xi32, #tpu.memory_space<hbm>>
          %dma_start3A_80 = arith.constant 0 : i32
          %dma_start3A_81 = arith.constant 0 : i32
          %dma_start3A_82 = tpu.memref_slice %arg4[%add3A_61, %dma_start3A_80, %dma_start3A_81] : memref<1250x2x1280xi32, #tpu.memory_space<hbm>> -> memref<1x2x1280xi32, #tpu.memory_space<hbm>>
          %dma_start3A_83 = tpu.memref_squeeze %dma_start3A_82 : memref<1x2x1280xi32, #tpu.memory_space<hbm>> -> memref<2x1280xi32, #tpu.memory_space<hbm>>
          tpu.enqueue_dma source(%dma_start3A_83 : memref<2x1280xi32, #tpu.memory_space<hbm>>) target(%arg7 : memref<2x1280xi32, #tpu.memory_space<vmem>>) target_semaphore(%run_scoped3A_75 : memref<!tpu.dma_semaphore, #tpu.memory_space<semaphore_mem>>)
          %dma_wait3A_84 = arith.constant 0 : i32
          %dma_wait3A_85 = arith.constant 0 : i32
          %dma_wait3A_86 = tpu.memref_slice %arg4[%add3A_61, %dma_wait3A_84, %dma_wait3A_85] : memref<1250x2x1280xi32, #tpu.memory_space<hbm>> -> memref<1x2x1280xi32, #tpu.memory_space<hbm>>
          %dma_wait3A_87 = tpu.memref_squeeze %dma_wait3A_86 : memref<1x2x1280xi32, #tpu.memory_space<hbm>> -> memref<2x1280xi32, #tpu.memory_space<hbm>>
          %dma_wait3A_88 = arith.constant 0 : i32
          %dma_wait3A_89 = arith.constant 0 : i32
          %dma_wait3A_90 = tpu.memref_slice %arg4[%add3A_61, %dma_wait3A_88, %dma_wait3A_89] : memref<1250x2x1280xi32, #tpu.memory_space<hbm>> -> memref<1x2x1280xi32, #tpu.memory_space<hbm>>
          %dma_wait3A_91 = tpu.memref_squeeze %dma_wait3A_90 : memref<1x2x1280xi32, #tpu.memory_space<hbm>> -> memref<2x1280xi32, #tpu.memory_space<hbm>>
          tpu.wait_dma2 semaphore(%run_scoped3A_75 : memref<!tpu.dma_semaphore, #tpu.memory_space<semaphore_mem>>) src(%dma_wait3A_91 : memref<2x1280xi32, #tpu.memory_space<hbm>>) dst(%arg7 : memref<2x1280xi32, #tpu.memory_space<vmem>>)
          tpu.yield
        }) : () -> ()
        %dma_start3A = arith.constant 0 : i32
        %dma_start3A_62 = arith.constant 0 : i32
        %dma_start3A_63 = tpu.memref_slice %arg7[%dma_start3A, %dma_start3A_62] : memref<2x1280xi32, #tpu.memory_space<vmem>> -> memref<1x1280xi32, #tpu.memory_space<vmem>>
        %dma_start3A_64 = tpu.memref_squeeze %dma_start3A_63 : memref<1x1280xi32, #tpu.memory_space<vmem>> -> memref<1280xi32, #tpu.memory_space<vmem>>
        %dma_start3A_65 = arith.constant 0 : i32
        %dma_start3A_66 = arith.constant 0 : i32
        %dma_start3A_67 = tpu.memref_slice %arg2[%dma_start3A_65, %dma_start3A_66] : memref<100000x16xf32, #tpu.memory_space<hbm>> -> memref<100000x16xf32, #tpu.memory_space<hbm>>
        tpu.enqueue_indirect_dma source(%dma_start3A_67 : memref<100000x16xf32, #tpu.memory_space<hbm>>) target(%arg8 : memref<1280x16xf32, #tpu.memory_space<vmem>>) offsets(%dma_start3A_64 : memref<1280xi32, #tpu.memory_space<vmem>>) semaphore(%arg11 : memref<!tpu.dma_semaphore, #tpu.memory_space<semaphore_mem>>)
        %dma_wait3A = arith.constant 0 : i32
        %dma_wait3A_68 = arith.constant 0 : i32
        %dma_wait3A_69 = tpu.memref_slice %arg7[%dma_wait3A, %dma_wait3A_68] : memref<2x1280xi32, #tpu.memory_space<vmem>> -> memref<1x1280xi32, #tpu.memory_space<vmem>>
        %dma_wait3A_70 = tpu.memref_squeeze %dma_wait3A_69 : memref<1x1280xi32, #tpu.memory_space<vmem>> -> memref<1280xi32, #tpu.memory_space<vmem>>
        %dma_wait3A_71 = arith.constant 0 : i32
        %dma_wait3A_72 = arith.constant 0 : i32
        %dma_wait3A_73 = tpu.memref_slice %arg2[%dma_wait3A_71, %dma_wait3A_72] : memref<100000x16xf32, #tpu.memory_space<hbm>> -> memref<100000x16xf32, #tpu.memory_space<hbm>>
        tpu.wait_indirect_dma semaphore(%arg11 : memref<!tpu.dma_semaphore, #tpu.memory_space<semaphore_mem>>) src(%dma_wait3A_73 : memref<100000x16xf32, #tpu.memory_space<hbm>>) dst(%arg8 : memref<1280x16xf32, #tpu.memory_space<vmem>>)
        %run_scoped3A = arith.constant 1 : i32
        "tpu.region"() ({
          %run_scoped3A_75 = tpu.sem_alloc : memref<!tpu.dma_semaphore, #tpu.memory_space<semaphore_mem>>
          %dma_start3A_76 = arith.constant 0 : i32
          %dma_start3A_77 = tpu.memref_slice %arg7[%run_scoped3A, %dma_start3A_76] : memref<2x1280xi32, #tpu.memory_space<vmem>> -> memref<1x1280xi32, #tpu.memory_space<vmem>>
          %dma_start3A_78 = tpu.memref_squeeze %dma_start3A_77 : memref<1x1280xi32, #tpu.memory_space<vmem>> -> memref<1280xi32, #tpu.memory_space<vmem>>
          %dma_start3A_79 = arith.constant 0 : i32
          %dma_start3A_80 = arith.constant 0 : i32
          %dma_start3A_81 = tpu.memref_slice %arg10[%dma_start3A_79, %dma_start3A_80] : memref<100000x16xf32, #tpu.memory_space<vmem_shared>> -> memref<100000x16xf32, #tpu.memory_space<vmem_shared>>
          tpu.enqueue_indirect_dma source(%arg8 : memref<1280x16xf32, #tpu.memory_space<vmem>>) target(%dma_start3A_81 : memref<100000x16xf32, #tpu.memory_space<vmem_shared>>) offsets(%dma_start3A_78 : memref<1280xi32, #tpu.memory_space<vmem>>) semaphore(%run_scoped3A_75 : memref<!tpu.dma_semaphore, #tpu.memory_space<semaphore_mem>>) {add = true}
          %dma_wait3A_82 = arith.constant 0 : i32
          %dma_wait3A_83 = tpu.memref_slice %arg7[%run_scoped3A, %dma_wait3A_82] : memref<2x1280xi32, #tpu.memory_space<vmem>> -> memref<1x1280xi32, #tpu.memory_space<vmem>>
          %dma_wait3A_84 = tpu.memref_squeeze %dma_wait3A_83 : memref<1x1280xi32, #tpu.memory_space<vmem>> -> memref<1280xi32, #tpu.memory_space<vmem>>
          %dma_wait3A_85 = arith.constant 0 : i32
          %dma_wait3A_86 = arith.constant 0 : i32
          %dma_wait3A_87 = tpu.memref_slice %arg10[%dma_wait3A_85, %dma_wait3A_86] : memref<100000x16xf32, #tpu.memory_space<vmem_shared>> -> memref<100000x16xf32, #tpu.memory_space<vmem_shared>>
          tpu.wait_indirect_dma semaphore(%run_scoped3A_75 : memref<!tpu.dma_semaphore, #tpu.memory_space<semaphore_mem>>) src(%arg8 : memref<1280x16xf32, #tpu.memory_space<vmem>>) dst(%dma_wait3A_87 : memref<100000x16xf32, #tpu.memory_space<vmem_shared>>)
          tpu.yield
        }) : () -> ()
        %while3A_74 = arith.constant 0 : i32
        scf.yield %while3A_74 : i32
      }
    } else {
    }
    %eq3A_31 = arith.constant 1 : i32
    %eq3A_32 = arith.cmpi eq, %arg0, %eq3A_31 : i32
    %convert_element_type3A_33 = arith.extui %eq3A_32 : i1 to i32
    %cond3A_34 = arith.constant 0 : i32
    %cond3A_35 = arith.cmpi ne, %convert_element_type3A_33, %cond3A_34 : i32
    scf.if %cond3A_35 {
      %while3A = arith.constant 0 : i32
      %while3A_47 = arith.constant 0 : i32
      %while3A_48 = arith.subi %add3A_25, %while3A : i32
      %while3A_49 = arith.addi %while3A, %while3A_48 : i32
      %while3A_50 = arith.constant 1 : i32
      %while3A_51 = arith.divsi %while3A_48, %while3A_50 : i32
      %while3A_52 = arith.muli %while3A_51, %while3A_50 : i32
      %while3A_53 = arith.addi %while3A, %while3A_52 : i32
      %while3A_54 = arith.constant 1 : i32
      %while3A_55 = scf.for %while3A_58 = %while3A to %while3A_53 step %while3A_54 iter_args(%while3A_59 = %while3A_47) -> (i32)  : i32 {
        %mul3A = arith.constant 16 : i32
        %mul3A_60 = arith.muli %while3A_58, %mul3A : i32
        %add3A_61 = arith.addi %arg1, %mul3A_60 : i32
        "tpu.region"() ({
          %run_scoped3A_75 = tpu.sem_alloc : memref<!tpu.dma_semaphore, #tpu.memory_space<semaphore_mem>>
          %dma_start3A_76 = arith.constant 0 : i32
          %dma_start3A_77 = arith.constant 0 : i32
          %dma_start3A_78 = tpu.memref_slice %arg4[%add3A_61, %dma_start3A_76, %dma_start3A_77] : memref<1250x2x1280xi32, #tpu.memory_space<hbm>> -> memref<1x2x1280xi32, #tpu.memory_space<hbm>>
          %dma_start3A_79 = tpu.memref_squeeze %dma_start3A_78 : memref<1x2x1280xi32, #tpu.memory_space<hbm>> -> memref<2x1280xi32, #tpu.memory_space<hbm>>
          %dma_start3A_80 = arith.constant 0 : i32
          %dma_start3A_81 = arith.constant 0 : i32
          %dma_start3A_82 = tpu.memref_slice %arg4[%add3A_61, %dma_start3A_80, %dma_start3A_81] : memref<1250x2x1280xi32, #tpu.memory_space<hbm>> -> memref<1x2x1280xi32, #tpu.memory_space<hbm>>
          %dma_start3A_83 = tpu.memref_squeeze %dma_start3A_82 : memref<1x2x1280xi32, #tpu.memory_space<hbm>> -> memref<2x1280xi32, #tpu.memory_space<hbm>>
          tpu.enqueue_dma source(%dma_start3A_83 : memref<2x1280xi32, #tpu.memory_space<hbm>>) target(%arg7 : memref<2x1280xi32, #tpu.memory_space<vmem>>) target_semaphore(%run_scoped3A_75 : memref<!tpu.dma_semaphore, #tpu.memory_space<semaphore_mem>>)
          %dma_wait3A_84 = arith.constant 0 : i32
          %dma_wait3A_85 = arith.constant 0 : i32
          %dma_wait3A_86 = tpu.memref_slice %arg4[%add3A_61, %dma_wait3A_84, %dma_wait3A_85] : memref<1250x2x1280xi32, #tpu.memory_space<hbm>> -> memref<1x2x1280xi32, #tpu.memory_space<hbm>>
          %dma_wait3A_87 = tpu.memref_squeeze %dma_wait3A_86 : memref<1x2x1280xi32, #tpu.memory_space<hbm>> -> memref<2x1280xi32, #tpu.memory_space<hbm>>
          %dma_wait3A_88 = arith.constant 0 : i32
          %dma_wait3A_89 = arith.constant 0 : i32
          %dma_wait3A_90 = tpu.memref_slice %arg4[%add3A_61, %dma_wait3A_88, %dma_wait3A_89] : memref<1250x2x1280xi32, #tpu.memory_space<hbm>> -> memref<1x2x1280xi32, #tpu.memory_space<hbm>>
          %dma_wait3A_91 = tpu.memref_squeeze %dma_wait3A_90 : memref<1x2x1280xi32, #tpu.memory_space<hbm>> -> memref<2x1280xi32, #tpu.memory_space<hbm>>
          tpu.wait_dma2 semaphore(%run_scoped3A_75 : memref<!tpu.dma_semaphore, #tpu.memory_space<semaphore_mem>>) src(%dma_wait3A_91 : memref<2x1280xi32, #tpu.memory_space<hbm>>) dst(%arg7 : memref<2x1280xi32, #tpu.memory_space<vmem>>)
          tpu.yield
        }) : () -> ()
        %dma_start3A = arith.constant 0 : i32
        %dma_start3A_62 = arith.constant 0 : i32
        %dma_start3A_63 = tpu.memref_slice %arg7[%dma_start3A, %dma_start3A_62] : memref<2x1280xi32, #tpu.memory_space<vmem>> -> memref<1x1280xi32, #tpu.memory_space<vmem>>
        %dma_start3A_64 = tpu.memref_squeeze %dma_start3A_63 : memref<1x1280xi32, #tpu.memory_space<vmem>> -> memref<1280xi32, #tpu.memory_space<vmem>>
        %dma_start3A_65 = arith.constant 0 : i32
        %dma_start3A_66 = arith.constant 0 : i32
        %dma_start3A_67 = tpu.memref_slice %arg3[%dma_start3A_65, %dma_start3A_66] : memref<100000x16xf32, #tpu.memory_space<hbm>> -> memref<100000x16xf32, #tpu.memory_space<hbm>>
        tpu.enqueue_indirect_dma source(%dma_start3A_67 : memref<100000x16xf32, #tpu.memory_space<hbm>>) target(%arg8 : memref<1280x16xf32, #tpu.memory_space<vmem>>) offsets(%dma_start3A_64 : memref<1280xi32, #tpu.memory_space<vmem>>) semaphore(%arg11 : memref<!tpu.dma_semaphore, #tpu.memory_space<semaphore_mem>>)
        %dma_wait3A = arith.constant 0 : i32
        %dma_wait3A_68 = arith.constant 0 : i32
        %dma_wait3A_69 = tpu.memref_slice %arg7[%dma_wait3A, %dma_wait3A_68] : memref<2x1280xi32, #tpu.memory_space<vmem>> -> memref<1x1280xi32, #tpu.memory_space<vmem>>
        %dma_wait3A_70 = tpu.memref_squeeze %dma_wait3A_69 : memref<1x1280xi32, #tpu.memory_space<vmem>> -> memref<1280xi32, #tpu.memory_space<vmem>>
        %dma_wait3A_71 = arith.constant 0 : i32
        %dma_wait3A_72 = arith.constant 0 : i32
        %dma_wait3A_73 = tpu.memref_slice %arg3[%dma_wait3A_71, %dma_wait3A_72] : memref<100000x16xf32, #tpu.memory_space<hbm>> -> memref<100000x16xf32, #tpu.memory_space<hbm>>
        tpu.wait_indirect_dma semaphore(%arg11 : memref<!tpu.dma_semaphore, #tpu.memory_space<semaphore_mem>>) src(%dma_wait3A_73 : memref<100000x16xf32, #tpu.memory_space<hbm>>) dst(%arg8 : memref<1280x16xf32, #tpu.memory_space<vmem>>)
        %run_scoped3A = arith.constant 1 : i32
        "tpu.region"() ({
          %run_scoped3A_75 = tpu.sem_alloc : memref<!tpu.dma_semaphore, #tpu.memory_space<semaphore_mem>>
          %dma_start3A_76 = arith.constant 0 : i32
          %dma_start3A_77 = tpu.memref_slice %arg7[%run_scoped3A, %dma_start3A_76] : memref<2x1280xi32, #tpu.memory_space<vmem>> -> memref<1x1280xi32, #tpu.memory_space<vmem>>
          %dma_start3A_78 = tpu.memref_squeeze %dma_start3A_77 : memref<1x1280xi32, #tpu.memory_space<vmem>> -> memref<1280xi32, #tpu.memory_space<vmem>>
          %dma_start3A_79 = arith.constant 0 : i32
          %dma_start3A_80 = arith.constant 0 : i32
          %dma_start3A_81 = tpu.memref_slice %arg10[%dma_start3A_79, %dma_start3A_80] : memref<100000x16xf32, #tpu.memory_space<vmem_shared>> -> memref<100000x16xf32, #tpu.memory_space<vmem_shared>>
          tpu.enqueue_indirect_dma source(%arg8 : memref<1280x16xf32, #tpu.memory_space<vmem>>) target(%dma_start3A_81 : memref<100000x16xf32, #tpu.memory_space<vmem_shared>>) offsets(%dma_start3A_78 : memref<1280xi32, #tpu.memory_space<vmem>>) semaphore(%run_scoped3A_75 : memref<!tpu.dma_semaphore, #tpu.memory_space<semaphore_mem>>) {add = true}
          %dma_wait3A_82 = arith.constant 0 : i32
          %dma_wait3A_83 = tpu.memref_slice %arg7[%run_scoped3A, %dma_wait3A_82] : memref<2x1280xi32, #tpu.memory_space<vmem>> -> memref<1x1280xi32, #tpu.memory_space<vmem>>
          %dma_wait3A_84 = tpu.memref_squeeze %dma_wait3A_83 : memref<1x1280xi32, #tpu.memory_space<vmem>> -> memref<1280xi32, #tpu.memory_space<vmem>>
          %dma_wait3A_85 = arith.constant 0 : i32
          %dma_wait3A_86 = arith.constant 0 : i32
          %dma_wait3A_87 = tpu.memref_slice %arg10[%dma_wait3A_85, %dma_wait3A_86] : memref<100000x16xf32, #tpu.memory_space<vmem_shared>> -> memref<100000x16xf32, #tpu.memory_space<vmem_shared>>
          tpu.wait_indirect_dma semaphore(%run_scoped3A_75 : memref<!tpu.dma_semaphore, #tpu.memory_space<semaphore_mem>>) src(%arg8 : memref<1280x16xf32, #tpu.memory_space<vmem>>) dst(%dma_wait3A_87 : memref<100000x16xf32, #tpu.memory_space<vmem_shared>>)
          tpu.yield
        }) : () -> ()
        %while3A_74 = arith.constant 0 : i32
        scf.yield %while3A_74 : i32
      }
      %while3A_56 = arith.constant 1 : i32
      %while3A_57 = scf.for %while3A_58 = %while3A_53 to %while3A_49 step %while3A_56 iter_args(%while3A_59 = %while3A_55) -> (i32)  : i32 {
        %mul3A = arith.constant 16 : i32
        %mul3A_60 = arith.muli %while3A_58, %mul3A : i32
        %add3A_61 = arith.addi %arg1, %mul3A_60 : i32
        "tpu.region"() ({
          %run_scoped3A_75 = tpu.sem_alloc : memref<!tpu.dma_semaphore, #tpu.memory_space<semaphore_mem>>
          %dma_start3A_76 = arith.constant 0 : i32
          %dma_start3A_77 = arith.constant 0 : i32
          %dma_start3A_78 = tpu.memref_slice %arg4[%add3A_61, %dma_start3A_76, %dma_start3A_77] : memref<1250x2x1280xi32, #tpu.memory_space<hbm>> -> memref<1x2x1280xi32, #tpu.memory_space<hbm>>
          %dma_start3A_79 = tpu.memref_squeeze %dma_start3A_78 : memref<1x2x1280xi32, #tpu.memory_space<hbm>> -> memref<2x1280xi32, #tpu.memory_space<hbm>>
          %dma_start3A_80 = arith.constant 0 : i32
          %dma_start3A_81 = arith.constant 0 : i32
          %dma_start3A_82 = tpu.memref_slice %arg4[%add3A_61, %dma_start3A_80, %dma_start3A_81] : memref<1250x2x1280xi32, #tpu.memory_space<hbm>> -> memref<1x2x1280xi32, #tpu.memory_space<hbm>>
          %dma_start3A_83 = tpu.memref_squeeze %dma_start3A_82 : memref<1x2x1280xi32, #tpu.memory_space<hbm>> -> memref<2x1280xi32, #tpu.memory_space<hbm>>
          tpu.enqueue_dma source(%dma_start3A_83 : memref<2x1280xi32, #tpu.memory_space<hbm>>) target(%arg7 : memref<2x1280xi32, #tpu.memory_space<vmem>>) target_semaphore(%run_scoped3A_75 : memref<!tpu.dma_semaphore, #tpu.memory_space<semaphore_mem>>)
          %dma_wait3A_84 = arith.constant 0 : i32
          %dma_wait3A_85 = arith.constant 0 : i32
          %dma_wait3A_86 = tpu.memref_slice %arg4[%add3A_61, %dma_wait3A_84, %dma_wait3A_85] : memref<1250x2x1280xi32, #tpu.memory_space<hbm>> -> memref<1x2x1280xi32, #tpu.memory_space<hbm>>
          %dma_wait3A_87 = tpu.memref_squeeze %dma_wait3A_86 : memref<1x2x1280xi32, #tpu.memory_space<hbm>> -> memref<2x1280xi32, #tpu.memory_space<hbm>>
          %dma_wait3A_88 = arith.constant 0 : i32
          %dma_wait3A_89 = arith.constant 0 : i32
          %dma_wait3A_90 = tpu.memref_slice %arg4[%add3A_61, %dma_wait3A_88, %dma_wait3A_89] : memref<1250x2x1280xi32, #tpu.memory_space<hbm>> -> memref<1x2x1280xi32, #tpu.memory_space<hbm>>
          %dma_wait3A_91 = tpu.memref_squeeze %dma_wait3A_90 : memref<1x2x1280xi32, #tpu.memory_space<hbm>> -> memref<2x1280xi32, #tpu.memory_space<hbm>>
          tpu.wait_dma2 semaphore(%run_scoped3A_75 : memref<!tpu.dma_semaphore, #tpu.memory_space<semaphore_mem>>) src(%dma_wait3A_91 : memref<2x1280xi32, #tpu.memory_space<hbm>>) dst(%arg7 : memref<2x1280xi32, #tpu.memory_space<vmem>>)
          tpu.yield
        }) : () -> ()
        %dma_start3A = arith.constant 0 : i32
        %dma_start3A_62 = arith.constant 0 : i32
        %dma_start3A_63 = tpu.memref_slice %arg7[%dma_start3A, %dma_start3A_62] : memref<2x1280xi32, #tpu.memory_space<vmem>> -> memref<1x1280xi32, #tpu.memory_space<vmem>>
        %dma_start3A_64 = tpu.memref_squeeze %dma_start3A_63 : memref<1x1280xi32, #tpu.memory_space<vmem>> -> memref<1280xi32, #tpu.memory_space<vmem>>
        %dma_start3A_65 = arith.constant 0 : i32
        %dma_start3A_66 = arith.constant 0 : i32
        %dma_start3A_67 = tpu.memref_slice %arg3[%dma_start3A_65, %dma_start3A_66] : memref<100000x16xf32, #tpu.memory_space<hbm>> -> memref<100000x16xf32, #tpu.memory_space<hbm>>
        tpu.enqueue_indirect_dma source(%dma_start3A_67 : memref<100000x16xf32, #tpu.memory_space<hbm>>) target(%arg8 : memref<1280x16xf32, #tpu.memory_space<vmem>>) offsets(%dma_start3A_64 : memref<1280xi32, #tpu.memory_space<vmem>>) semaphore(%arg11 : memref<!tpu.dma_semaphore, #tpu.memory_space<semaphore_mem>>)
        %dma_wait3A = arith.constant 0 : i32
        %dma_wait3A_68 = arith.constant 0 : i32
        %dma_wait3A_69 = tpu.memref_slice %arg7[%dma_wait3A, %dma_wait3A_68] : memref<2x1280xi32, #tpu.memory_space<vmem>> -> memref<1x1280xi32, #tpu.memory_space<vmem>>
        %dma_wait3A_70 = tpu.memref_squeeze %dma_wait3A_69 : memref<1x1280xi32, #tpu.memory_space<vmem>> -> memref<1280xi32, #tpu.memory_space<vmem>>
        %dma_wait3A_71 = arith.constant 0 : i32
        %dma_wait3A_72 = arith.constant 0 : i32
        %dma_wait3A_73 = tpu.memref_slice %arg3[%dma_wait3A_71, %dma_wait3A_72] : memref<100000x16xf32, #tpu.memory_space<hbm>> -> memref<100000x16xf32, #tpu.memory_space<hbm>>
        tpu.wait_indirect_dma semaphore(%arg11 : memref<!tpu.dma_semaphore, #tpu.memory_space<semaphore_mem>>) src(%dma_wait3A_73 : memref<100000x16xf32, #tpu.memory_space<hbm>>) dst(%arg8 : memref<1280x16xf32, #tpu.memory_space<vmem>>)
        %run_scoped3A = arith.constant 1 : i32
        "tpu.region"() ({
          %run_scoped3A_75 = tpu.sem_alloc : memref<!tpu.dma_semaphore, #tpu.memory_space<semaphore_mem>>
          %dma_start3A_76 = arith.constant 0 : i32
          %dma_start3A_77 = tpu.memref_slice %arg7[%run_scoped3A, %dma_start3A_76] : memref<2x1280xi32, #tpu.memory_space<vmem>> -> memref<1x1280xi32, #tpu.memory_space<vmem>>
          %dma_start3A_78 = tpu.memref_squeeze %dma_start3A_77 : memref<1x1280xi32, #tpu.memory_space<vmem>> -> memref<1280xi32, #tpu.memory_space<vmem>>
          %dma_start3A_79 = arith.constant 0 : i32
          %dma_start3A_80 = arith.constant 0 : i32
          %dma_start3A_81 = tpu.memref_slice %arg10[%dma_start3A_79, %dma_start3A_80] : memref<100000x16xf32, #tpu.memory_space<vmem_shared>> -> memref<100000x16xf32, #tpu.memory_space<vmem_shared>>
          tpu.enqueue_indirect_dma source(%arg8 : memref<1280x16xf32, #tpu.memory_space<vmem>>) target(%dma_start3A_81 : memref<100000x16xf32, #tpu.memory_space<vmem_shared>>) offsets(%dma_start3A_78 : memref<1280xi32, #tpu.memory_space<vmem>>) semaphore(%run_scoped3A_75 : memref<!tpu.dma_semaphore, #tpu.memory_space<semaphore_mem>>) {add = true}
          %dma_wait3A_82 = arith.constant 0 : i32
          %dma_wait3A_83 = tpu.memref_slice %arg7[%run_scoped3A, %dma_wait3A_82] : memref<2x1280xi32, #tpu.memory_space<vmem>> -> memref<1x1280xi32, #tpu.memory_space<vmem>>
          %dma_wait3A_84 = tpu.memref_squeeze %dma_wait3A_83 : memref<1x1280xi32, #tpu.memory_space<vmem>> -> memref<1280xi32, #tpu.memory_space<vmem>>
          %dma_wait3A_85 = arith.constant 0 : i32
          %dma_wait3A_86 = arith.constant 0 : i32
          %dma_wait3A_87 = tpu.memref_slice %arg10[%dma_wait3A_85, %dma_wait3A_86] : memref<100000x16xf32, #tpu.memory_space<vmem_shared>> -> memref<100000x16xf32, #tpu.memory_space<vmem_shared>>
          tpu.wait_indirect_dma semaphore(%run_scoped3A_75 : memref<!tpu.dma_semaphore, #tpu.memory_space<semaphore_mem>>) src(%arg8 : memref<1280x16xf32, #tpu.memory_space<vmem>>) dst(%dma_wait3A_87 : memref<100000x16xf32, #tpu.memory_space<vmem_shared>>)
          tpu.yield
        }) : () -> ()
        %while3A_74 = arith.constant 0 : i32
        scf.yield %while3A_74 : i32
      }
    } else {
    }
    %barrier3A_36 = arith.constant 0 : index
    tpu.barrier barrier_id(%barrier3A_36)
    %eq3A_37 = arith.constant 0 : i32
    %eq3A_38 = arith.cmpi eq, %arg0, %eq3A_37 : i32
    %convert_element_type3A_39 = arith.extui %eq3A_38 : i1 to i32
    %cond3A_40 = arith.constant 0 : i32
    %cond3A_41 = arith.cmpi ne, %convert_element_type3A_39, %cond3A_40 : i32
    scf.if %cond3A_41 {
      %sub3A_47 = arith.constant 249 : i32
      %sub3A_48 = arith.subi %sub3A_47, %arg1 : i32
      %jit3A_49 = arith.constant 16 : i32
      %div3A_50 = arith.divsi %sub3A_48, %jit3A_49 : i32
      %sign3A_51 = arith.constant 0 : i32
      %sign3A_52 = arith.cmpi sgt, %sub3A_48, %sign3A_51 : i32
      %sign3A_53 = arith.extui %sign3A_52 : i1 to i32
      %sign3A_54 = arith.constant 0 : i32
      %sign3A_55 = arith.cmpi slt, %sub3A_48, %sign3A_54 : i32
      %sign3A_56 = arith.extui %sign3A_55 : i1 to i32
      %sign3A_57 = arith.subi %sign3A_53, %sign3A_56 : i32
      %sign3A_58 = arith.constant 0 : i32
      %sign3A_59 = arith.cmpi sgt, %jit3A_49, %sign3A_58 : i32
      %sign3A_60 = arith.extui %sign3A_59 : i1 to i32
      %sign3A_61 = arith.constant 0 : i32
      %sign3A_62 = arith.cmpi slt, %jit3A_49, %sign3A_61 : i32
      %sign3A_63 = arith.extui %sign3A_62 : i1 to i32
      %sign3A_64 = arith.subi %sign3A_60, %sign3A_63 : i32
      %ne3A_65 = arith.cmpi ne, %sign3A_57, %sign3A_64 : i32
      %rem3A_66 = arith.remsi %sub3A_48, %jit3A_49 : i32
      %ne3A_67 = arith.constant 0 : i32
      %ne3A_68 = arith.cmpi ne, %rem3A_66, %ne3A_67 : i32
      %and3A_69 = arith.andi %ne3A_65, %ne3A_68 : i1
      %sub3A_70 = arith.constant 1 : i32
      %sub3A_71 = arith.subi %div3A_50, %sub3A_70 : i32
      %select_n3A_72 = arith.select %and3A_69, %sub3A_71, %div3A_50 : i32
      %add3A_73 = arith.constant 1 : i32
      %add3A_74 = arith.addi %select_n3A_72, %add3A_73 : i32
      %while3A = arith.constant 0 : i32
      %while3A_75 = arith.constant 0 : i32
      %while3A_76 = arith.subi %add3A_74, %while3A : i32
      %while3A_77 = arith.addi %while3A, %while3A_76 : i32
      %while3A_78 = arith.constant 1 : i32
      %while3A_79 = arith.divsi %while3A_76, %while3A_78 : i32
      %while3A_80 = arith.muli %while3A_79, %while3A_78 : i32
      %while3A_81 = arith.addi %while3A, %while3A_80 : i32
      %while3A_82 = arith.constant 1 : i32
      %while3A_83 = scf.for %while3A_86 = %while3A to %while3A_81 step %while3A_82 iter_args(%while3A_87 = %while3A_75) -> (i32)  : i32 {
        %mul3A = arith.constant 16 : i32
        %mul3A_88 = arith.muli %while3A_86, %mul3A : i32
        %add3A_89 = arith.addi %arg1, %mul3A_88 : i32
        %mul3A_90 = arith.constant 400 : i32
        %mul3A_91 = arith.muli %add3A_89, %mul3A_90 : i32
        "tpu.region"() ({
          %run_scoped3A = tpu.sem_alloc : memref<!tpu.dma_semaphore, #tpu.memory_space<semaphore_mem>>
          %dma_start3A = arith.constant 0 : i32
          %dma_start3A_93 = tpu.memref_slice %arg10[%mul3A_91, %dma_start3A] : memref<100000x16xf32, #tpu.memory_space<vmem_shared>> -> memref<400x16xf32, #tpu.memory_space<vmem_shared>>
          %dma_start3A_94 = arith.constant 0 : i32
          %dma_start3A_95 = tpu.memref_slice %arg10[%mul3A_91, %dma_start3A_94] : memref<100000x16xf32, #tpu.memory_space<vmem_shared>> -> memref<400x16xf32, #tpu.memory_space<vmem_shared>>
          tpu.enqueue_dma source(%dma_start3A_95 : memref<400x16xf32, #tpu.memory_space<vmem_shared>>) target(%arg9 : memref<400x16xf32, #tpu.memory_space<vmem>>) target_semaphore(%run_scoped3A : memref<!tpu.dma_semaphore, #tpu.memory_space<semaphore_mem>>)
          %dma_wait3A = arith.constant 0 : i32
          %dma_wait3A_96 = tpu.memref_slice %arg10[%mul3A_91, %dma_wait3A] : memref<100000x16xf32, #tpu.memory_space<vmem_shared>> -> memref<400x16xf32, #tpu.memory_space<vmem_shared>>
          %dma_wait3A_97 = arith.constant 0 : i32
          %dma_wait3A_98 = tpu.memref_slice %arg10[%mul3A_91, %dma_wait3A_97] : memref<100000x16xf32, #tpu.memory_space<vmem_shared>> -> memref<400x16xf32, #tpu.memory_space<vmem_shared>>
          tpu.wait_dma2 semaphore(%run_scoped3A : memref<!tpu.dma_semaphore, #tpu.memory_space<semaphore_mem>>) src(%dma_wait3A_98 : memref<400x16xf32, #tpu.memory_space<vmem_shared>>) dst(%arg9 : memref<400x16xf32, #tpu.memory_space<vmem>>)
          tpu.yield
        }) : () -> ()
        "tpu.region"() ({
          %run_scoped3A = tpu.sem_alloc : memref<!tpu.dma_semaphore, #tpu.memory_space<semaphore_mem>>
          %dma_start3A = arith.constant 0 : i32
          %dma_start3A_93 = tpu.memref_slice %arg5[%mul3A_91, %dma_start3A] : memref<100000x16xf32, #tpu.memory_space<hbm>> -> memref<400x16xf32, #tpu.memory_space<hbm>>
          %dma_start3A_94 = arith.constant 0 : i32
          %dma_start3A_95 = tpu.memref_slice %arg5[%mul3A_91, %dma_start3A_94] : memref<100000x16xf32, #tpu.memory_space<hbm>> -> memref<400x16xf32, #tpu.memory_space<hbm>>
          tpu.enqueue_dma source(%arg9 : memref<400x16xf32, #tpu.memory_space<vmem>>) target(%dma_start3A_95 : memref<400x16xf32, #tpu.memory_space<hbm>>) target_semaphore(%run_scoped3A : memref<!tpu.dma_semaphore, #tpu.memory_space<semaphore_mem>>)
          %dma_wait3A = arith.constant 0 : i32
          %dma_wait3A_96 = tpu.memref_slice %arg5[%mul3A_91, %dma_wait3A] : memref<100000x16xf32, #tpu.memory_space<hbm>> -> memref<400x16xf32, #tpu.memory_space<hbm>>
          %dma_wait3A_97 = arith.constant 0 : i32
          %dma_wait3A_98 = tpu.memref_slice %arg5[%mul3A_91, %dma_wait3A_97] : memref<100000x16xf32, #tpu.memory_space<hbm>> -> memref<400x16xf32, #tpu.memory_space<hbm>>
          tpu.wait_dma2 semaphore(%run_scoped3A : memref<!tpu.dma_semaphore, #tpu.memory_space<semaphore_mem>>) src(%arg9 : memref<400x16xf32, #tpu.memory_space<vmem>>) dst(%dma_wait3A_98 : memref<400x16xf32, #tpu.memory_space<hbm>>)
          tpu.yield
        }) : () -> ()
        %while3A_92 = arith.constant 0 : i32
        scf.yield %while3A_92 : i32
      }
      %while3A_84 = arith.constant 1 : i32
      %while3A_85 = scf.for %while3A_86 = %while3A_81 to %while3A_77 step %while3A_84 iter_args(%while3A_87 = %while3A_83) -> (i32)  : i32 {
        %mul3A = arith.constant 16 : i32
        %mul3A_88 = arith.muli %while3A_86, %mul3A : i32
        %add3A_89 = arith.addi %arg1, %mul3A_88 : i32
        %mul3A_90 = arith.constant 400 : i32
        %mul3A_91 = arith.muli %add3A_89, %mul3A_90 : i32
        "tpu.region"() ({
          %run_scoped3A = tpu.sem_alloc : memref<!tpu.dma_semaphore, #tpu.memory_space<semaphore_mem>>
          %dma_start3A = arith.constant 0 : i32
          %dma_start3A_93 = tpu.memref_slice %arg10[%mul3A_91, %dma_start3A] : memref<100000x16xf32, #tpu.memory_space<vmem_shared>> -> memref<400x16xf32, #tpu.memory_space<vmem_shared>>
          %dma_start3A_94 = arith.constant 0 : i32
          %dma_start3A_95 = tpu.memref_slice %arg10[%mul3A_91, %dma_start3A_94] : memref<100000x16xf32, #tpu.memory_space<vmem_shared>> -> memref<400x16xf32, #tpu.memory_space<vmem_shared>>
          tpu.enqueue_dma source(%dma_start3A_95 : memref<400x16xf32, #tpu.memory_space<vmem_shared>>) target(%arg9 : memref<400x16xf32, #tpu.memory_space<vmem>>) target_semaphore(%run_scoped3A : memref<!tpu.dma_semaphore, #tpu.memory_space<semaphore_mem>>)
          %dma_wait3A = arith.constant 0 : i32
          %dma_wait3A_96 = tpu.memref_slice %arg10[%mul3A_91, %dma_wait3A] : memref<100000x16xf32, #tpu.memory_space<vmem_shared>> -> memref<400x16xf32, #tpu.memory_space<vmem_shared>>
          %dma_wait3A_97 = arith.constant 0 : i32
          %dma_wait3A_98 = tpu.memref_slice %arg10[%mul3A_91, %dma_wait3A_97] : memref<100000x16xf32, #tpu.memory_space<vmem_shared>> -> memref<400x16xf32, #tpu.memory_space<vmem_shared>>
          tpu.wait_dma2 semaphore(%run_scoped3A : memref<!tpu.dma_semaphore, #tpu.memory_space<semaphore_mem>>) src(%dma_wait3A_98 : memref<400x16xf32, #tpu.memory_space<vmem_shared>>) dst(%arg9 : memref<400x16xf32, #tpu.memory_space<vmem>>)
          tpu.yield
        }) : () -> ()
        "tpu.region"() ({
          %run_scoped3A = tpu.sem_alloc : memref<!tpu.dma_semaphore, #tpu.memory_space<semaphore_mem>>
          %dma_start3A = arith.constant 0 : i32
          %dma_start3A_93 = tpu.memref_slice %arg5[%mul3A_91, %dma_start3A] : memref<100000x16xf32, #tpu.memory_space<hbm>> -> memref<400x16xf32, #tpu.memory_space<hbm>>
          %dma_start3A_94 = arith.constant 0 : i32
          %dma_start3A_95 = tpu.memref_slice %arg5[%mul3A_91, %dma_start3A_94] : memref<100000x16xf32, #tpu.memory_space<hbm>> -> memref<400x16xf32, #tpu.memory_space<hbm>>
          tpu.enqueue_dma source(%arg9 : memref<400x16xf32, #tpu.memory_space<vmem>>) target(%dma_start3A_95 : memref<400x16xf32, #tpu.memory_space<hbm>>) target_semaphore(%run_scoped3A : memref<!tpu.dma_semaphore, #tpu.memory_space<semaphore_mem>>)
          %dma_wait3A = arith.constant 0 : i32
          %dma_wait3A_96 = tpu.memref_slice %arg5[%mul3A_91, %dma_wait3A] : memref<100000x16xf32, #tpu.memory_space<hbm>> -> memref<400x16xf32, #tpu.memory_space<hbm>>
          %dma_wait3A_97 = arith.constant 0 : i32
          %dma_wait3A_98 = tpu.memref_slice %arg5[%mul3A_91, %dma_wait3A_97] : memref<100000x16xf32, #tpu.memory_space<hbm>> -> memref<400x16xf32, #tpu.memory_space<hbm>>
          tpu.wait_dma2 semaphore(%run_scoped3A : memref<!tpu.dma_semaphore, #tpu.memory_space<semaphore_mem>>) src(%arg9 : memref<400x16xf32, #tpu.memory_space<vmem>>) dst(%dma_wait3A_98 : memref<400x16xf32, #tpu.memory_space<hbm>>)
          tpu.yield
        }) : () -> ()
        %while3A_92 = arith.constant 0 : i32
        scf.yield %while3A_92 : i32
      }
    } else {
    }
    %eq3A_42 = arith.constant 1 : i32
    %eq3A_43 = arith.cmpi eq, %arg0, %eq3A_42 : i32
    %convert_element_type3A_44 = arith.extui %eq3A_43 : i1 to i32
    %cond3A_45 = arith.constant 0 : i32
    %cond3A_46 = arith.cmpi ne, %convert_element_type3A_44, %cond3A_45 : i32
    scf.if %cond3A_46 {
      %sub3A_47 = arith.constant 249 : i32
      %sub3A_48 = arith.subi %sub3A_47, %arg1 : i32
      %jit3A_49 = arith.constant 16 : i32
      %div3A_50 = arith.divsi %sub3A_48, %jit3A_49 : i32
      %sign3A_51 = arith.constant 0 : i32
      %sign3A_52 = arith.cmpi sgt, %sub3A_48, %sign3A_51 : i32
      %sign3A_53 = arith.extui %sign3A_52 : i1 to i32
      %sign3A_54 = arith.constant 0 : i32
      %sign3A_55 = arith.cmpi slt, %sub3A_48, %sign3A_54 : i32
      %sign3A_56 = arith.extui %sign3A_55 : i1 to i32
      %sign3A_57 = arith.subi %sign3A_53, %sign3A_56 : i32
      %sign3A_58 = arith.constant 0 : i32
      %sign3A_59 = arith.cmpi sgt, %jit3A_49, %sign3A_58 : i32
      %sign3A_60 = arith.extui %sign3A_59 : i1 to i32
      %sign3A_61 = arith.constant 0 : i32
      %sign3A_62 = arith.cmpi slt, %jit3A_49, %sign3A_61 : i32
      %sign3A_63 = arith.extui %sign3A_62 : i1 to i32
      %sign3A_64 = arith.subi %sign3A_60, %sign3A_63 : i32
      %ne3A_65 = arith.cmpi ne, %sign3A_57, %sign3A_64 : i32
      %rem3A_66 = arith.remsi %sub3A_48, %jit3A_49 : i32
      %ne3A_67 = arith.constant 0 : i32
      %ne3A_68 = arith.cmpi ne, %rem3A_66, %ne3A_67 : i32
      %and3A_69 = arith.andi %ne3A_65, %ne3A_68 : i1
      %sub3A_70 = arith.constant 1 : i32
      %sub3A_71 = arith.subi %div3A_50, %sub3A_70 : i32
      %select_n3A_72 = arith.select %and3A_69, %sub3A_71, %div3A_50 : i32
      %add3A_73 = arith.constant 1 : i32
      %add3A_74 = arith.addi %select_n3A_72, %add3A_73 : i32
      %while3A = arith.constant 0 : i32
      %while3A_75 = arith.constant 0 : i32
      %while3A_76 = arith.subi %add3A_74, %while3A : i32
      %while3A_77 = arith.addi %while3A, %while3A_76 : i32
      %while3A_78 = arith.constant 1 : i32
      %while3A_79 = arith.divsi %while3A_76, %while3A_78 : i32
      %while3A_80 = arith.muli %while3A_79, %while3A_78 : i32
      %while3A_81 = arith.addi %while3A, %while3A_80 : i32
      %while3A_82 = arith.constant 1 : i32
      %while3A_83 = scf.for %while3A_86 = %while3A to %while3A_81 step %while3A_82 iter_args(%while3A_87 = %while3A_75) -> (i32)  : i32 {
        %mul3A = arith.constant 16 : i32
        %mul3A_88 = arith.muli %while3A_86, %mul3A : i32
        %add3A_89 = arith.addi %arg1, %mul3A_88 : i32
        %mul3A_90 = arith.constant 400 : i32
        %mul3A_91 = arith.muli %add3A_89, %mul3A_90 : i32
        "tpu.region"() ({
          %run_scoped3A = tpu.sem_alloc : memref<!tpu.dma_semaphore, #tpu.memory_space<semaphore_mem>>
          %dma_start3A = arith.constant 0 : i32
          %dma_start3A_93 = tpu.memref_slice %arg10[%mul3A_91, %dma_start3A] : memref<100000x16xf32, #tpu.memory_space<vmem_shared>> -> memref<400x16xf32, #tpu.memory_space<vmem_shared>>
          %dma_start3A_94 = arith.constant 0 : i32
          %dma_start3A_95 = tpu.memref_slice %arg10[%mul3A_91, %dma_start3A_94] : memref<100000x16xf32, #tpu.memory_space<vmem_shared>> -> memref<400x16xf32, #tpu.memory_space<vmem_shared>>
          tpu.enqueue_dma source(%dma_start3A_95 : memref<400x16xf32, #tpu.memory_space<vmem_shared>>) target(%arg9 : memref<400x16xf32, #tpu.memory_space<vmem>>) target_semaphore(%run_scoped3A : memref<!tpu.dma_semaphore, #tpu.memory_space<semaphore_mem>>)
          %dma_wait3A = arith.constant 0 : i32
          %dma_wait3A_96 = tpu.memref_slice %arg10[%mul3A_91, %dma_wait3A] : memref<100000x16xf32, #tpu.memory_space<vmem_shared>> -> memref<400x16xf32, #tpu.memory_space<vmem_shared>>
          %dma_wait3A_97 = arith.constant 0 : i32
          %dma_wait3A_98 = tpu.memref_slice %arg10[%mul3A_91, %dma_wait3A_97] : memref<100000x16xf32, #tpu.memory_space<vmem_shared>> -> memref<400x16xf32, #tpu.memory_space<vmem_shared>>
          tpu.wait_dma2 semaphore(%run_scoped3A : memref<!tpu.dma_semaphore, #tpu.memory_space<semaphore_mem>>) src(%dma_wait3A_98 : memref<400x16xf32, #tpu.memory_space<vmem_shared>>) dst(%arg9 : memref<400x16xf32, #tpu.memory_space<vmem>>)
          tpu.yield
        }) : () -> ()
        "tpu.region"() ({
          %run_scoped3A = tpu.sem_alloc : memref<!tpu.dma_semaphore, #tpu.memory_space<semaphore_mem>>
          %dma_start3A = arith.constant 0 : i32
          %dma_start3A_93 = tpu.memref_slice %arg6[%mul3A_91, %dma_start3A] : memref<100000x16xf32, #tpu.memory_space<hbm>> -> memref<400x16xf32, #tpu.memory_space<hbm>>
          %dma_start3A_94 = arith.constant 0 : i32
          %dma_start3A_95 = tpu.memref_slice %arg6[%mul3A_91, %dma_start3A_94] : memref<100000x16xf32, #tpu.memory_space<hbm>> -> memref<400x16xf32, #tpu.memory_space<hbm>>
          tpu.enqueue_dma source(%arg9 : memref<400x16xf32, #tpu.memory_space<vmem>>) target(%dma_start3A_95 : memref<400x16xf32, #tpu.memory_space<hbm>>) target_semaphore(%run_scoped3A : memref<!tpu.dma_semaphore, #tpu.memory_space<semaphore_mem>>)
          %dma_wait3A = arith.constant 0 : i32
          %dma_wait3A_96 = tpu.memref_slice %arg6[%mul3A_91, %dma_wait3A] : memref<100000x16xf32, #tpu.memory_space<hbm>> -> memref<400x16xf32, #tpu.memory_space<hbm>>
          %dma_wait3A_97 = arith.constant 0 : i32
          %dma_wait3A_98 = tpu.memref_slice %arg6[%mul3A_91, %dma_wait3A_97] : memref<100000x16xf32, #tpu.memory_space<hbm>> -> memref<400x16xf32, #tpu.memory_space<hbm>>
          tpu.wait_dma2 semaphore(%run_scoped3A : memref<!tpu.dma_semaphore, #tpu.memory_space<semaphore_mem>>) src(%arg9 : memref<400x16xf32, #tpu.memory_space<vmem>>) dst(%dma_wait3A_98 : memref<400x16xf32, #tpu.memory_space<hbm>>)
          tpu.yield
        }) : () -> ()
        %while3A_92 = arith.constant 0 : i32
        scf.yield %while3A_92 : i32
      }
      %while3A_84 = arith.constant 1 : i32
      %while3A_85 = scf.for %while3A_86 = %while3A_81 to %while3A_77 step %while3A_84 iter_args(%while3A_87 = %while3A_83) -> (i32)  : i32 {
        %mul3A = arith.constant 16 : i32
        %mul3A_88 = arith.muli %while3A_86, %mul3A : i32
        %add3A_89 = arith.addi %arg1, %mul3A_88 : i32
        %mul3A_90 = arith.constant 400 : i32
        %mul3A_91 = arith.muli %add3A_89, %mul3A_90 : i32
        "tpu.region"() ({
          %run_scoped3A = tpu.sem_alloc : memref<!tpu.dma_semaphore, #tpu.memory_space<semaphore_mem>>
          %dma_start3A = arith.constant 0 : i32
          %dma_start3A_93 = tpu.memref_slice %arg10[%mul3A_91, %dma_start3A] : memref<100000x16xf32, #tpu.memory_space<vmem_shared>> -> memref<400x16xf32, #tpu.memory_space<vmem_shared>>
          %dma_start3A_94 = arith.constant 0 : i32
          %dma_start3A_95 = tpu.memref_slice %arg10[%mul3A_91, %dma_start3A_94] : memref<100000x16xf32, #tpu.memory_space<vmem_shared>> -> memref<400x16xf32, #tpu.memory_space<vmem_shared>>
          tpu.enqueue_dma source(%dma_start3A_95 : memref<400x16xf32, #tpu.memory_space<vmem_shared>>) target(%arg9 : memref<400x16xf32, #tpu.memory_space<vmem>>) target_semaphore(%run_scoped3A : memref<!tpu.dma_semaphore, #tpu.memory_space<semaphore_mem>>)
          %dma_wait3A = arith.constant 0 : i32
          %dma_wait3A_96 = tpu.memref_slice %arg10[%mul3A_91, %dma_wait3A] : memref<100000x16xf32, #tpu.memory_space<vmem_shared>> -> memref<400x16xf32, #tpu.memory_space<vmem_shared>>
          %dma_wait3A_97 = arith.constant 0 : i32
          %dma_wait3A_98 = tpu.memref_slice %arg10[%mul3A_91, %dma_wait3A_97] : memref<100000x16xf32, #tpu.memory_space<vmem_shared>> -> memref<400x16xf32, #tpu.memory_space<vmem_shared>>
          tpu.wait_dma2 semaphore(%run_scoped3A : memref<!tpu.dma_semaphore, #tpu.memory_space<semaphore_mem>>) src(%dma_wait3A_98 : memref<400x16xf32, #tpu.memory_space<vmem_shared>>) dst(%arg9 : memref<400x16xf32, #tpu.memory_space<vmem>>)
          tpu.yield
        }) : () -> ()
        "tpu.region"() ({
          %run_scoped3A = tpu.sem_alloc : memref<!tpu.dma_semaphore, #tpu.memory_space<semaphore_mem>>
          %dma_start3A = arith.constant 0 : i32
          %dma_start3A_93 = tpu.memref_slice %arg6[%mul3A_91, %dma_start3A] : memref<100000x16xf32, #tpu.memory_space<hbm>> -> memref<400x16xf32, #tpu.memory_space<hbm>>
          %dma_start3A_94 = arith.constant 0 : i32
          %dma_start3A_95 = tpu.memref_slice %arg6[%mul3A_91, %dma_start3A_94] : memref<100000x16xf32, #tpu.memory_space<hbm>> -> memref<400x16xf32, #tpu.memory_space<hbm>>
          tpu.enqueue_dma source(%arg9 : memref<400x16xf32, #tpu.memory_space<vmem>>) target(%dma_start3A_95 : memref<400x16xf32, #tpu.memory_space<hbm>>) target_semaphore(%run_scoped3A : memref<!tpu.dma_semaphore, #tpu.memory_space<semaphore_mem>>)
          %dma_wait3A = arith.constant 0 : i32
          %dma_wait3A_96 = tpu.memref_slice %arg6[%mul3A_91, %dma_wait3A] : memref<100000x16xf32, #tpu.memory_space<hbm>> -> memref<400x16xf32, #tpu.memory_space<hbm>>
          %dma_wait3A_97 = arith.constant 0 : i32
          %dma_wait3A_98 = tpu.memref_slice %arg6[%mul3A_91, %dma_wait3A_97] : memref<100000x16xf32, #tpu.memory_space<hbm>> -> memref<400x16xf32, #tpu.memory_space<hbm>>
          tpu.wait_dma2 semaphore(%run_scoped3A : memref<!tpu.dma_semaphore, #tpu.memory_space<semaphore_mem>>) src(%arg9 : memref<400x16xf32, #tpu.memory_space<vmem>>) dst(%dma_wait3A_98 : memref<400x16xf32, #tpu.memory_space<hbm>>)
          tpu.yield
        }) : () -> ()
        %while3A_92 = arith.constant 0 : i32
        scf.yield %while3A_92 : i32
      }
    } else {
    }
    return
  }
}

#map = affine_map<(d0, d1) -> (0, 0)>
#map1 = affine_map<(d0, d1) -> (0)>
module attributes {stable_mosaic.version = 14 : i64} {
  func.func @k(%arg0: i32, %arg1: i32, %arg2: memref<100000x32xf32, #tpu.memory_space<hbm>>, %arg3: memref<100000xi32, #tpu.memory_space<hbm>>, %arg4: memref<512x32xf32, #tpu.memory_space<hbm>>, %arg5: memref<512xf32, #tpu.memory_space<hbm>>, %arg6: memref<128xf32, #tpu.memory_space<hbm>>, %arg7: memref<512x32xf32, #tpu.memory_space<hbm>>, %arg8: memref<512x32xf32, #tpu.memory_space<hbm>>, %arg9: memref<512xf32, #tpu.memory_space<hbm>>, %arg10: memref<512xf32, #tpu.memory_space<hbm>>, %arg11: memref<128xi32, #tpu.memory_space<vmem>>, %arg12: memref<128x32xf32, #tpu.memory_space<vmem>>, %arg13: memref<128xf32, #tpu.memory_space<vmem>>, %arg14: memref<32xi32, #tpu.memory_space<vmem>>, %arg15: memref<32x32xf32, #tpu.memory_space<vmem>>, %arg16: memref<32xf32, #tpu.memory_space<vmem>>, %arg17: memref<512x32xf32, #tpu.memory_space<vmem>>, %arg18: memref<512xf32, #tpu.memory_space<vmem>>, %arg19: memref<512x32xf32, #tpu.memory_space<vmem_shared>>, %arg20: memref<512xf32, #tpu.memory_space<vmem_shared>>, %arg21: memref<!tpu.dma_semaphore, #tpu.memory_space<semaphore_mem>>) attributes {dimension_semantics = [#tpu.dimension_semantics<core_parallel>, #tpu.dimension_semantics<subcore_parallel>], iteration_bounds = array<i64: 2, 16>, scalar_prefetch = 0 : i64, scratch_operands = 11 : i64, tpu.core_type = #tpu.core_type<sc_vector_subcore>, window_params = [{transform_indices = #map}, {transform_indices = #map1}, {transform_indices = #map}, {transform_indices = #map1}, {transform_indices = #map1}, {transform_indices = #map}, {transform_indices = #map}, {transform_indices = #map1}, {transform_indices = #map1}]} {
    %mul3A = arith.constant 2 : i32
    %mul3A_0 = arith.muli %arg1, %mul3A : i32
    %add3A = arith.addi %mul3A_0, %arg0 : i32
    "tpu.region"() ({
      %run_scoped3A = tpu.sem_alloc : memref<!tpu.dma_semaphore, #tpu.memory_space<semaphore_mem>>
      tpu.enqueue_dma source(%arg6 : memref<128xf32, #tpu.memory_space<hbm>>) target(%arg13 : memref<128xf32, #tpu.memory_space<vmem>>) target_semaphore(%run_scoped3A : memref<!tpu.dma_semaphore, #tpu.memory_space<semaphore_mem>>)
      tpu.wait_dma2 semaphore(%run_scoped3A : memref<!tpu.dma_semaphore, #tpu.memory_space<semaphore_mem>>) src(%arg6 : memref<128xf32, #tpu.memory_space<hbm>>) dst(%arg13 : memref<128xf32, #tpu.memory_space<vmem>>)
      tpu.yield
    }) : () -> ()
    "tpu.region"() ({
      %run_scoped3A = tpu.sem_alloc : memref<!tpu.dma_semaphore, #tpu.memory_space<semaphore_mem>>
      %dma_start3A = arith.constant 0 : i32
      %dma_start3A_61 = tpu.memref_slice %arg6[%dma_start3A] : memref<128xf32, #tpu.memory_space<hbm>> -> memref<32xf32, #tpu.memory_space<hbm>>
      %dma_start3A_62 = arith.constant 0 : i32
      %dma_start3A_63 = tpu.memref_slice %arg6[%dma_start3A_62] : memref<128xf32, #tpu.memory_space<hbm>> -> memref<32xf32, #tpu.memory_space<hbm>>
      tpu.enqueue_dma source(%dma_start3A_63 : memref<32xf32, #tpu.memory_space<hbm>>) target(%arg16 : memref<32xf32, #tpu.memory_space<vmem>>) target_semaphore(%run_scoped3A : memref<!tpu.dma_semaphore, #tpu.memory_space<semaphore_mem>>)
      %dma_wait3A = arith.constant 0 : i32
      %dma_wait3A_64 = tpu.memref_slice %arg6[%dma_wait3A] : memref<128xf32, #tpu.memory_space<hbm>> -> memref<32xf32, #tpu.memory_space<hbm>>
      %dma_wait3A_65 = arith.constant 0 : i32
      %dma_wait3A_66 = tpu.memref_slice %arg6[%dma_wait3A_65] : memref<128xf32, #tpu.memory_space<hbm>> -> memref<32xf32, #tpu.memory_space<hbm>>
      tpu.wait_dma2 semaphore(%run_scoped3A : memref<!tpu.dma_semaphore, #tpu.memory_space<semaphore_mem>>) src(%dma_wait3A_66 : memref<32xf32, #tpu.memory_space<hbm>>) dst(%arg16 : memref<32xf32, #tpu.memory_space<vmem>>)
      tpu.yield
    }) : () -> ()
    %eq3A = arith.constant 0 : i32
    %eq3A_1 = arith.cmpi eq, %arg1, %eq3A : i32
    %convert_element_type3A = arith.extui %eq3A_1 : i1 to i32
    %cond3A = arith.constant 0 : i32
    %cond3A_2 = arith.cmpi ne, %convert_element_type3A, %cond3A : i32
    scf.if %cond3A_2 {
      "tpu.region"() ({
        %run_scoped3A = tpu.sem_alloc : memref<!tpu.dma_semaphore, #tpu.memory_space<semaphore_mem>>
        tpu.enqueue_dma source(%arg4 : memref<512x32xf32, #tpu.memory_space<hbm>>) target(%arg17 : memref<512x32xf32, #tpu.memory_space<vmem>>) target_semaphore(%run_scoped3A : memref<!tpu.dma_semaphore, #tpu.memory_space<semaphore_mem>>)
        tpu.wait_dma2 semaphore(%run_scoped3A : memref<!tpu.dma_semaphore, #tpu.memory_space<semaphore_mem>>) src(%arg4 : memref<512x32xf32, #tpu.memory_space<hbm>>) dst(%arg17 : memref<512x32xf32, #tpu.memory_space<vmem>>)
        tpu.yield
      }) : () -> ()
      "tpu.region"() ({
        %run_scoped3A = tpu.sem_alloc : memref<!tpu.dma_semaphore, #tpu.memory_space<semaphore_mem>>
        tpu.enqueue_dma source(%arg5 : memref<512xf32, #tpu.memory_space<hbm>>) target(%arg18 : memref<512xf32, #tpu.memory_space<vmem>>) target_semaphore(%run_scoped3A : memref<!tpu.dma_semaphore, #tpu.memory_space<semaphore_mem>>)
        tpu.wait_dma2 semaphore(%run_scoped3A : memref<!tpu.dma_semaphore, #tpu.memory_space<semaphore_mem>>) src(%arg5 : memref<512xf32, #tpu.memory_space<hbm>>) dst(%arg18 : memref<512xf32, #tpu.memory_space<vmem>>)
        tpu.yield
      }) : () -> ()
      "tpu.region"() ({
        %run_scoped3A = tpu.sem_alloc : memref<!tpu.dma_semaphore, #tpu.memory_space<semaphore_mem>>
        tpu.enqueue_dma source(%arg17 : memref<512x32xf32, #tpu.memory_space<vmem>>) target(%arg19 : memref<512x32xf32, #tpu.memory_space<vmem_shared>>) target_semaphore(%run_scoped3A : memref<!tpu.dma_semaphore, #tpu.memory_space<semaphore_mem>>)
        tpu.wait_dma2 semaphore(%run_scoped3A : memref<!tpu.dma_semaphore, #tpu.memory_space<semaphore_mem>>) src(%arg17 : memref<512x32xf32, #tpu.memory_space<vmem>>) dst(%arg19 : memref<512x32xf32, #tpu.memory_space<vmem_shared>>)
        tpu.yield
      }) : () -> ()
      "tpu.region"() ({
        %run_scoped3A = tpu.sem_alloc : memref<!tpu.dma_semaphore, #tpu.memory_space<semaphore_mem>>
        tpu.enqueue_dma source(%arg18 : memref<512xf32, #tpu.memory_space<vmem>>) target(%arg20 : memref<512xf32, #tpu.memory_space<vmem_shared>>) target_semaphore(%run_scoped3A : memref<!tpu.dma_semaphore, #tpu.memory_space<semaphore_mem>>)
        tpu.wait_dma2 semaphore(%run_scoped3A : memref<!tpu.dma_semaphore, #tpu.memory_space<semaphore_mem>>) src(%arg18 : memref<512xf32, #tpu.memory_space<vmem>>) dst(%arg20 : memref<512xf32, #tpu.memory_space<vmem_shared>>)
        tpu.yield
      }) : () -> ()
    } else {
    }
    %barrier3A = arith.constant 0 : index
    tpu.barrier barrier_id(%barrier3A)
    %sub3A = arith.constant 780 : i32
    %sub3A_3 = arith.subi %sub3A, %add3A : i32
    %jit3A = arith.constant 32 : i32
    %div3A = arith.divsi %sub3A_3, %jit3A : i32
    %sign3A = arith.constant 0 : i32
    %sign3A_4 = arith.cmpi sgt, %sub3A_3, %sign3A : i32
    %sign3A_5 = arith.extui %sign3A_4 : i1 to i32
    %sign3A_6 = arith.constant 0 : i32
    %sign3A_7 = arith.cmpi slt, %sub3A_3, %sign3A_6 : i32
    %sign3A_8 = arith.extui %sign3A_7 : i1 to i32
    %sign3A_9 = arith.subi %sign3A_5, %sign3A_8 : i32
    %sign3A_10 = arith.constant 0 : i32
    %sign3A_11 = arith.cmpi sgt, %jit3A, %sign3A_10 : i32
    %sign3A_12 = arith.extui %sign3A_11 : i1 to i32
    %sign3A_13 = arith.constant 0 : i32
    %sign3A_14 = arith.cmpi slt, %jit3A, %sign3A_13 : i32
    %sign3A_15 = arith.extui %sign3A_14 : i1 to i32
    %sign3A_16 = arith.subi %sign3A_12, %sign3A_15 : i32
    %ne3A = arith.cmpi ne, %sign3A_9, %sign3A_16 : i32
    %rem3A = arith.remsi %sub3A_3, %jit3A : i32
    %ne3A_17 = arith.constant 0 : i32
    %ne3A_18 = arith.cmpi ne, %rem3A, %ne3A_17 : i32
    %and3A = arith.andi %ne3A, %ne3A_18 : i1
    %sub3A_19 = arith.constant 1 : i32
    %sub3A_20 = arith.subi %div3A, %sub3A_19 : i32
    %select_n3A = arith.select %and3A, %sub3A_20, %div3A : i32
    %add3A_21 = arith.constant 1 : i32
    %add3A_22 = arith.addi %select_n3A, %add3A_21 : i32
    %while3A = arith.constant 0 : i32
    %while3A_23 = arith.constant 0 : i32
    %while3A_24 = arith.subi %add3A_22, %while3A : i32
    %while3A_25 = arith.addi %while3A, %while3A_24 : i32
    %while3A_26 = arith.constant 1 : i32
    %while3A_27 = arith.divsi %while3A_24, %while3A_26 : i32
    %while3A_28 = arith.muli %while3A_27, %while3A_26 : i32
    %while3A_29 = arith.addi %while3A, %while3A_28 : i32
    %while3A_30 = arith.constant 1 : i32
    %while3A_31 = scf.for %while3A_61 = %while3A to %while3A_29 step %while3A_30 iter_args(%while3A_62 = %while3A_23) -> (i32)  : i32 {
      %mul3A_63 = arith.constant 32 : i32
      %mul3A_64 = arith.muli %while3A_61, %mul3A_63 : i32
      %add3A_65 = arith.addi %add3A, %mul3A_64 : i32
      %mul3A_66 = arith.constant 128 : i32
      %mul3A_67 = arith.muli %add3A_65, %mul3A_66 : i32
      "tpu.region"() ({
        %run_scoped3A = tpu.sem_alloc : memref<!tpu.dma_semaphore, #tpu.memory_space<semaphore_mem>>
        %dma_start3A = tpu.memref_slice %arg3[%mul3A_67] : memref<100000xi32, #tpu.memory_space<hbm>> -> memref<128xi32, #tpu.memory_space<hbm>>
        %dma_start3A_71 = tpu.memref_slice %arg3[%mul3A_67] : memref<100000xi32, #tpu.memory_space<hbm>> -> memref<128xi32, #tpu.memory_space<hbm>>
        tpu.enqueue_dma source(%dma_start3A_71 : memref<128xi32, #tpu.memory_space<hbm>>) target(%arg11 : memref<128xi32, #tpu.memory_space<vmem>>) target_semaphore(%run_scoped3A : memref<!tpu.dma_semaphore, #tpu.memory_space<semaphore_mem>>)
        %dma_wait3A = tpu.memref_slice %arg3[%mul3A_67] : memref<100000xi32, #tpu.memory_space<hbm>> -> memref<128xi32, #tpu.memory_space<hbm>>
        %dma_wait3A_72 = tpu.memref_slice %arg3[%mul3A_67] : memref<100000xi32, #tpu.memory_space<hbm>> -> memref<128xi32, #tpu.memory_space<hbm>>
        tpu.wait_dma2 semaphore(%run_scoped3A : memref<!tpu.dma_semaphore, #tpu.memory_space<semaphore_mem>>) src(%dma_wait3A_72 : memref<128xi32, #tpu.memory_space<hbm>>) dst(%arg11 : memref<128xi32, #tpu.memory_space<vmem>>)
        tpu.yield
      }) : () -> ()
      %mul3A_68 = arith.constant 128 : i32
      %mul3A_69 = arith.muli %add3A_65, %mul3A_68 : i32
      "tpu.region"() ({
        %run_scoped3A = tpu.sem_alloc : memref<!tpu.dma_semaphore, #tpu.memory_space<semaphore_mem>>
        %dma_start3A = arith.constant 0 : i32
        %dma_start3A_71 = tpu.memref_slice %arg2[%mul3A_69, %dma_start3A] : memref<100000x32xf32, #tpu.memory_space<hbm>> -> memref<128x32xf32, #tpu.memory_space<hbm>>
        %dma_start3A_72 = arith.constant 0 : i32
        %dma_start3A_73 = tpu.memref_slice %arg2[%mul3A_69, %dma_start3A_72] : memref<100000x32xf32, #tpu.memory_space<hbm>> -> memref<128x32xf32, #tpu.memory_space<hbm>>
        tpu.enqueue_dma source(%dma_start3A_73 : memref<128x32xf32, #tpu.memory_space<hbm>>) target(%arg12 : memref<128x32xf32, #tpu.memory_space<vmem>>) target_semaphore(%run_scoped3A : memref<!tpu.dma_semaphore, #tpu.memory_space<semaphore_mem>>)
        %dma_wait3A = arith.constant 0 : i32
        %dma_wait3A_74 = tpu.memref_slice %arg2[%mul3A_69, %dma_wait3A] : memref<100000x32xf32, #tpu.memory_space<hbm>> -> memref<128x32xf32, #tpu.memory_space<hbm>>
        %dma_wait3A_75 = arith.constant 0 : i32
        %dma_wait3A_76 = tpu.memref_slice %arg2[%mul3A_69, %dma_wait3A_75] : memref<100000x32xf32, #tpu.memory_space<hbm>> -> memref<128x32xf32, #tpu.memory_space<hbm>>
        tpu.wait_dma2 semaphore(%run_scoped3A : memref<!tpu.dma_semaphore, #tpu.memory_space<semaphore_mem>>) src(%dma_wait3A_76 : memref<128x32xf32, #tpu.memory_space<hbm>>) dst(%arg12 : memref<128x32xf32, #tpu.memory_space<vmem>>)
        tpu.yield
      }) : () -> ()
      "tpu.region"() ({
        %run_scoped3A = tpu.sem_alloc : memref<!tpu.dma_semaphore, #tpu.memory_space<semaphore_mem>>
        %dma_start3A = arith.constant 0 : i32
        %dma_start3A_71 = arith.constant 0 : i32
        %dma_start3A_72 = tpu.memref_slice %arg19[%dma_start3A, %dma_start3A_71] : memref<512x32xf32, #tpu.memory_space<vmem_shared>> -> memref<512x32xf32, #tpu.memory_space<vmem_shared>>
        tpu.enqueue_indirect_dma source(%arg12 : memref<128x32xf32, #tpu.memory_space<vmem>>) target(%dma_start3A_72 : memref<512x32xf32, #tpu.memory_space<vmem_shared>>) offsets(%arg11 : memref<128xi32, #tpu.memory_space<vmem>>) semaphore(%run_scoped3A : memref<!tpu.dma_semaphore, #tpu.memory_space<semaphore_mem>>) {add = true}
        %dma_wait3A = arith.constant 0 : i32
        %dma_wait3A_73 = arith.constant 0 : i32
        %dma_wait3A_74 = tpu.memref_slice %arg19[%dma_wait3A, %dma_wait3A_73] : memref<512x32xf32, #tpu.memory_space<vmem_shared>> -> memref<512x32xf32, #tpu.memory_space<vmem_shared>>
        tpu.wait_indirect_dma semaphore(%run_scoped3A : memref<!tpu.dma_semaphore, #tpu.memory_space<semaphore_mem>>) src(%arg12 : memref<128x32xf32, #tpu.memory_space<vmem>>) dst(%dma_wait3A_74 : memref<512x32xf32, #tpu.memory_space<vmem_shared>>)
        tpu.yield
      }) : () -> ()
      "tpu.region"() ({
        %run_scoped3A = tpu.sem_alloc : memref<!tpu.dma_semaphore, #tpu.memory_space<semaphore_mem>>
        %dma_start3A = arith.constant 0 : i32
        %dma_start3A_71 = tpu.memref_slice %arg20[%dma_start3A] : memref<512xf32, #tpu.memory_space<vmem_shared>> -> memref<512xf32, #tpu.memory_space<vmem_shared>>
        tpu.enqueue_indirect_dma source(%arg13 : memref<128xf32, #tpu.memory_space<vmem>>) target(%dma_start3A_71 : memref<512xf32, #tpu.memory_space<vmem_shared>>) offsets(%arg11 : memref<128xi32, #tpu.memory_space<vmem>>) semaphore(%run_scoped3A : memref<!tpu.dma_semaphore, #tpu.memory_space<semaphore_mem>>) {add = true}
        %dma_wait3A = arith.constant 0 : i32
        %dma_wait3A_72 = tpu.memref_slice %arg20[%dma_wait3A] : memref<512xf32, #tpu.memory_space<vmem_shared>> -> memref<512xf32, #tpu.memory_space<vmem_shared>>
        tpu.wait_indirect_dma semaphore(%run_scoped3A : memref<!tpu.dma_semaphore, #tpu.memory_space<semaphore_mem>>) src(%arg13 : memref<128xf32, #tpu.memory_space<vmem>>) dst(%dma_wait3A_72 : memref<512xf32, #tpu.memory_space<vmem_shared>>)
        tpu.yield
      }) : () -> ()
      %while3A_70 = arith.constant 0 : i32
      scf.yield %while3A_70 : i32
    }
    %while3A_32 = arith.constant 1 : i32
    %while3A_33 = scf.for %while3A_61 = %while3A_29 to %while3A_25 step %while3A_32 iter_args(%while3A_62 = %while3A_31) -> (i32)  : i32 {
      %mul3A_63 = arith.constant 32 : i32
      %mul3A_64 = arith.muli %while3A_61, %mul3A_63 : i32
      %add3A_65 = arith.addi %add3A, %mul3A_64 : i32
      %mul3A_66 = arith.constant 128 : i32
      %mul3A_67 = arith.muli %add3A_65, %mul3A_66 : i32
      "tpu.region"() ({
        %run_scoped3A = tpu.sem_alloc : memref<!tpu.dma_semaphore, #tpu.memory_space<semaphore_mem>>
        %dma_start3A = tpu.memref_slice %arg3[%mul3A_67] : memref<100000xi32, #tpu.memory_space<hbm>> -> memref<128xi32, #tpu.memory_space<hbm>>
        %dma_start3A_71 = tpu.memref_slice %arg3[%mul3A_67] : memref<100000xi32, #tpu.memory_space<hbm>> -> memref<128xi32, #tpu.memory_space<hbm>>
        tpu.enqueue_dma source(%dma_start3A_71 : memref<128xi32, #tpu.memory_space<hbm>>) target(%arg11 : memref<128xi32, #tpu.memory_space<vmem>>) target_semaphore(%run_scoped3A : memref<!tpu.dma_semaphore, #tpu.memory_space<semaphore_mem>>)
        %dma_wait3A = tpu.memref_slice %arg3[%mul3A_67] : memref<100000xi32, #tpu.memory_space<hbm>> -> memref<128xi32, #tpu.memory_space<hbm>>
        %dma_wait3A_72 = tpu.memref_slice %arg3[%mul3A_67] : memref<100000xi32, #tpu.memory_space<hbm>> -> memref<128xi32, #tpu.memory_space<hbm>>
        tpu.wait_dma2 semaphore(%run_scoped3A : memref<!tpu.dma_semaphore, #tpu.memory_space<semaphore_mem>>) src(%dma_wait3A_72 : memref<128xi32, #tpu.memory_space<hbm>>) dst(%arg11 : memref<128xi32, #tpu.memory_space<vmem>>)
        tpu.yield
      }) : () -> ()
      %mul3A_68 = arith.constant 128 : i32
      %mul3A_69 = arith.muli %add3A_65, %mul3A_68 : i32
      "tpu.region"() ({
        %run_scoped3A = tpu.sem_alloc : memref<!tpu.dma_semaphore, #tpu.memory_space<semaphore_mem>>
        %dma_start3A = arith.constant 0 : i32
        %dma_start3A_71 = tpu.memref_slice %arg2[%mul3A_69, %dma_start3A] : memref<100000x32xf32, #tpu.memory_space<hbm>> -> memref<128x32xf32, #tpu.memory_space<hbm>>
        %dma_start3A_72 = arith.constant 0 : i32
        %dma_start3A_73 = tpu.memref_slice %arg2[%mul3A_69, %dma_start3A_72] : memref<100000x32xf32, #tpu.memory_space<hbm>> -> memref<128x32xf32, #tpu.memory_space<hbm>>
        tpu.enqueue_dma source(%dma_start3A_73 : memref<128x32xf32, #tpu.memory_space<hbm>>) target(%arg12 : memref<128x32xf32, #tpu.memory_space<vmem>>) target_semaphore(%run_scoped3A : memref<!tpu.dma_semaphore, #tpu.memory_space<semaphore_mem>>)
        %dma_wait3A = arith.constant 0 : i32
        %dma_wait3A_74 = tpu.memref_slice %arg2[%mul3A_69, %dma_wait3A] : memref<100000x32xf32, #tpu.memory_space<hbm>> -> memref<128x32xf32, #tpu.memory_space<hbm>>
        %dma_wait3A_75 = arith.constant 0 : i32
        %dma_wait3A_76 = tpu.memref_slice %arg2[%mul3A_69, %dma_wait3A_75] : memref<100000x32xf32, #tpu.memory_space<hbm>> -> memref<128x32xf32, #tpu.memory_space<hbm>>
        tpu.wait_dma2 semaphore(%run_scoped3A : memref<!tpu.dma_semaphore, #tpu.memory_space<semaphore_mem>>) src(%dma_wait3A_76 : memref<128x32xf32, #tpu.memory_space<hbm>>) dst(%arg12 : memref<128x32xf32, #tpu.memory_space<vmem>>)
        tpu.yield
      }) : () -> ()
      "tpu.region"() ({
        %run_scoped3A = tpu.sem_alloc : memref<!tpu.dma_semaphore, #tpu.memory_space<semaphore_mem>>
        %dma_start3A = arith.constant 0 : i32
        %dma_start3A_71 = arith.constant 0 : i32
        %dma_start3A_72 = tpu.memref_slice %arg19[%dma_start3A, %dma_start3A_71] : memref<512x32xf32, #tpu.memory_space<vmem_shared>> -> memref<512x32xf32, #tpu.memory_space<vmem_shared>>
        tpu.enqueue_indirect_dma source(%arg12 : memref<128x32xf32, #tpu.memory_space<vmem>>) target(%dma_start3A_72 : memref<512x32xf32, #tpu.memory_space<vmem_shared>>) offsets(%arg11 : memref<128xi32, #tpu.memory_space<vmem>>) semaphore(%run_scoped3A : memref<!tpu.dma_semaphore, #tpu.memory_space<semaphore_mem>>) {add = true}
        %dma_wait3A = arith.constant 0 : i32
        %dma_wait3A_73 = arith.constant 0 : i32
        %dma_wait3A_74 = tpu.memref_slice %arg19[%dma_wait3A, %dma_wait3A_73] : memref<512x32xf32, #tpu.memory_space<vmem_shared>> -> memref<512x32xf32, #tpu.memory_space<vmem_shared>>
        tpu.wait_indirect_dma semaphore(%run_scoped3A : memref<!tpu.dma_semaphore, #tpu.memory_space<semaphore_mem>>) src(%arg12 : memref<128x32xf32, #tpu.memory_space<vmem>>) dst(%dma_wait3A_74 : memref<512x32xf32, #tpu.memory_space<vmem_shared>>)
        tpu.yield
      }) : () -> ()
      "tpu.region"() ({
        %run_scoped3A = tpu.sem_alloc : memref<!tpu.dma_semaphore, #tpu.memory_space<semaphore_mem>>
        %dma_start3A = arith.constant 0 : i32
        %dma_start3A_71 = tpu.memref_slice %arg20[%dma_start3A] : memref<512xf32, #tpu.memory_space<vmem_shared>> -> memref<512xf32, #tpu.memory_space<vmem_shared>>
        tpu.enqueue_indirect_dma source(%arg13 : memref<128xf32, #tpu.memory_space<vmem>>) target(%dma_start3A_71 : memref<512xf32, #tpu.memory_space<vmem_shared>>) offsets(%arg11 : memref<128xi32, #tpu.memory_space<vmem>>) semaphore(%run_scoped3A : memref<!tpu.dma_semaphore, #tpu.memory_space<semaphore_mem>>) {add = true}
        %dma_wait3A = arith.constant 0 : i32
        %dma_wait3A_72 = tpu.memref_slice %arg20[%dma_wait3A] : memref<512xf32, #tpu.memory_space<vmem_shared>> -> memref<512xf32, #tpu.memory_space<vmem_shared>>
        tpu.wait_indirect_dma semaphore(%run_scoped3A : memref<!tpu.dma_semaphore, #tpu.memory_space<semaphore_mem>>) src(%arg13 : memref<128xf32, #tpu.memory_space<vmem>>) dst(%dma_wait3A_72 : memref<512xf32, #tpu.memory_space<vmem_shared>>)
        tpu.yield
      }) : () -> ()
      %while3A_70 = arith.constant 0 : i32
      scf.yield %while3A_70 : i32
    }
    %eq3A_34 = arith.constant 0 : i32
    %eq3A_35 = arith.cmpi eq, %add3A, %eq3A_34 : i32
    %convert_element_type3A_36 = arith.extui %eq3A_35 : i1 to i32
    %cond3A_37 = arith.constant 0 : i32
    %cond3A_38 = arith.cmpi ne, %convert_element_type3A_36, %cond3A_37 : i32
    scf.if %cond3A_38 {
      "tpu.region"() ({
        %run_scoped3A = tpu.sem_alloc : memref<!tpu.dma_semaphore, #tpu.memory_space<semaphore_mem>>
        %dma_start3A = arith.constant 99968 : i32
        %dma_start3A_61 = tpu.memref_slice %arg3[%dma_start3A] : memref<100000xi32, #tpu.memory_space<hbm>> -> memref<32xi32, #tpu.memory_space<hbm>>
        %dma_start3A_62 = arith.constant 99968 : i32
        %dma_start3A_63 = tpu.memref_slice %arg3[%dma_start3A_62] : memref<100000xi32, #tpu.memory_space<hbm>> -> memref<32xi32, #tpu.memory_space<hbm>>
        tpu.enqueue_dma source(%dma_start3A_63 : memref<32xi32, #tpu.memory_space<hbm>>) target(%arg14 : memref<32xi32, #tpu.memory_space<vmem>>) target_semaphore(%run_scoped3A : memref<!tpu.dma_semaphore, #tpu.memory_space<semaphore_mem>>)
        %dma_wait3A = arith.constant 99968 : i32
        %dma_wait3A_64 = tpu.memref_slice %arg3[%dma_wait3A] : memref<100000xi32, #tpu.memory_space<hbm>> -> memref<32xi32, #tpu.memory_space<hbm>>
        %dma_wait3A_65 = arith.constant 99968 : i32
        %dma_wait3A_66 = tpu.memref_slice %arg3[%dma_wait3A_65] : memref<100000xi32, #tpu.memory_space<hbm>> -> memref<32xi32, #tpu.memory_space<hbm>>
        tpu.wait_dma2 semaphore(%run_scoped3A : memref<!tpu.dma_semaphore, #tpu.memory_space<semaphore_mem>>) src(%dma_wait3A_66 : memref<32xi32, #tpu.memory_space<hbm>>) dst(%arg14 : memref<32xi32, #tpu.memory_space<vmem>>)
        tpu.yield
      }) : () -> ()
      "tpu.region"() ({
        %run_scoped3A = tpu.sem_alloc : memref<!tpu.dma_semaphore, #tpu.memory_space<semaphore_mem>>
        %dma_start3A = arith.constant 99968 : i32
        %dma_start3A_61 = arith.constant 0 : i32
        %dma_start3A_62 = tpu.memref_slice %arg2[%dma_start3A, %dma_start3A_61] : memref<100000x32xf32, #tpu.memory_space<hbm>> -> memref<32x32xf32, #tpu.memory_space<hbm>>
        %dma_start3A_63 = arith.constant 99968 : i32
        %dma_start3A_64 = arith.constant 0 : i32
        %dma_start3A_65 = tpu.memref_slice %arg2[%dma_start3A_63, %dma_start3A_64] : memref<100000x32xf32, #tpu.memory_space<hbm>> -> memref<32x32xf32, #tpu.memory_space<hbm>>
        tpu.enqueue_dma source(%dma_start3A_65 : memref<32x32xf32, #tpu.memory_space<hbm>>) target(%arg15 : memref<32x32xf32, #tpu.memory_space<vmem>>) target_semaphore(%run_scoped3A : memref<!tpu.dma_semaphore, #tpu.memory_space<semaphore_mem>>)
        %dma_wait3A = arith.constant 99968 : i32
        %dma_wait3A_66 = arith.constant 0 : i32
        %dma_wait3A_67 = tpu.memref_slice %arg2[%dma_wait3A, %dma_wait3A_66] : memref<100000x32xf32, #tpu.memory_space<hbm>> -> memref<32x32xf32, #tpu.memory_space<hbm>>
        %dma_wait3A_68 = arith.constant 99968 : i32
        %dma_wait3A_69 = arith.constant 0 : i32
        %dma_wait3A_70 = tpu.memref_slice %arg2[%dma_wait3A_68, %dma_wait3A_69] : memref<100000x32xf32, #tpu.memory_space<hbm>> -> memref<32x32xf32, #tpu.memory_space<hbm>>
        tpu.wait_dma2 semaphore(%run_scoped3A : memref<!tpu.dma_semaphore, #tpu.memory_space<semaphore_mem>>) src(%dma_wait3A_70 : memref<32x32xf32, #tpu.memory_space<hbm>>) dst(%arg15 : memref<32x32xf32, #tpu.memory_space<vmem>>)
        tpu.yield
      }) : () -> ()
      "tpu.region"() ({
        %run_scoped3A = tpu.sem_alloc : memref<!tpu.dma_semaphore, #tpu.memory_space<semaphore_mem>>
        %dma_start3A = arith.constant 0 : i32
        %dma_start3A_61 = arith.constant 0 : i32
        %dma_start3A_62 = tpu.memref_slice %arg19[%dma_start3A, %dma_start3A_61] : memref<512x32xf32, #tpu.memory_space<vmem_shared>> -> memref<512x32xf32, #tpu.memory_space<vmem_shared>>
        tpu.enqueue_indirect_dma source(%arg15 : memref<32x32xf32, #tpu.memory_space<vmem>>) target(%dma_start3A_62 : memref<512x32xf32, #tpu.memory_space<vmem_shared>>) offsets(%arg14 : memref<32xi32, #tpu.memory_space<vmem>>) semaphore(%run_scoped3A : memref<!tpu.dma_semaphore, #tpu.memory_space<semaphore_mem>>) {add = true}
        %dma_wait3A = arith.constant 0 : i32
        %dma_wait3A_63 = arith.constant 0 : i32
        %dma_wait3A_64 = tpu.memref_slice %arg19[%dma_wait3A, %dma_wait3A_63] : memref<512x32xf32, #tpu.memory_space<vmem_shared>> -> memref<512x32xf32, #tpu.memory_space<vmem_shared>>
        tpu.wait_indirect_dma semaphore(%run_scoped3A : memref<!tpu.dma_semaphore, #tpu.memory_space<semaphore_mem>>) src(%arg15 : memref<32x32xf32, #tpu.memory_space<vmem>>) dst(%dma_wait3A_64 : memref<512x32xf32, #tpu.memory_space<vmem_shared>>)
        tpu.yield
      }) : () -> ()
      "tpu.region"() ({
        %run_scoped3A = tpu.sem_alloc : memref<!tpu.dma_semaphore, #tpu.memory_space<semaphore_mem>>
        %dma_start3A = arith.constant 0 : i32
        %dma_start3A_61 = tpu.memref_slice %arg20[%dma_start3A] : memref<512xf32, #tpu.memory_space<vmem_shared>> -> memref<512xf32, #tpu.memory_space<vmem_shared>>
        tpu.enqueue_indirect_dma source(%arg16 : memref<32xf32, #tpu.memory_space<vmem>>) target(%dma_start3A_61 : memref<512xf32, #tpu.memory_space<vmem_shared>>) offsets(%arg14 : memref<32xi32, #tpu.memory_space<vmem>>) semaphore(%run_scoped3A : memref<!tpu.dma_semaphore, #tpu.memory_space<semaphore_mem>>) {add = true}
        %dma_wait3A = arith.constant 0 : i32
        %dma_wait3A_62 = tpu.memref_slice %arg20[%dma_wait3A] : memref<512xf32, #tpu.memory_space<vmem_shared>> -> memref<512xf32, #tpu.memory_space<vmem_shared>>
        tpu.wait_indirect_dma semaphore(%run_scoped3A : memref<!tpu.dma_semaphore, #tpu.memory_space<semaphore_mem>>) src(%arg16 : memref<32xf32, #tpu.memory_space<vmem>>) dst(%dma_wait3A_62 : memref<512xf32, #tpu.memory_space<vmem_shared>>)
        tpu.yield
      }) : () -> ()
    } else {
    }
    %barrier3A_39 = arith.constant 0 : index
    tpu.barrier barrier_id(%barrier3A_39)
    %eq3A_40 = arith.constant 0 : i32
    %eq3A_41 = arith.cmpi eq, %arg1, %eq3A_40 : i32
    %convert_element_type3A_42 = arith.extui %eq3A_41 : i1 to i32
    %cond3A_43 = arith.constant 0 : i32
    %cond3A_44 = arith.cmpi ne, %convert_element_type3A_42, %cond3A_43 : i32
    scf.if %cond3A_44 {
      "tpu.region"() ({
        %run_scoped3A = tpu.sem_alloc : memref<!tpu.dma_semaphore, #tpu.memory_space<semaphore_mem>>
        tpu.enqueue_dma source(%arg19 : memref<512x32xf32, #tpu.memory_space<vmem_shared>>) target(%arg17 : memref<512x32xf32, #tpu.memory_space<vmem>>) target_semaphore(%run_scoped3A : memref<!tpu.dma_semaphore, #tpu.memory_space<semaphore_mem>>)
        tpu.wait_dma2 semaphore(%run_scoped3A : memref<!tpu.dma_semaphore, #tpu.memory_space<semaphore_mem>>) src(%arg19 : memref<512x32xf32, #tpu.memory_space<vmem_shared>>) dst(%arg17 : memref<512x32xf32, #tpu.memory_space<vmem>>)
        tpu.yield
      }) : () -> ()
      "tpu.region"() ({
        %run_scoped3A = tpu.sem_alloc : memref<!tpu.dma_semaphore, #tpu.memory_space<semaphore_mem>>
        tpu.enqueue_dma source(%arg20 : memref<512xf32, #tpu.memory_space<vmem_shared>>) target(%arg18 : memref<512xf32, #tpu.memory_space<vmem>>) target_semaphore(%run_scoped3A : memref<!tpu.dma_semaphore, #tpu.memory_space<semaphore_mem>>)
        tpu.wait_dma2 semaphore(%run_scoped3A : memref<!tpu.dma_semaphore, #tpu.memory_space<semaphore_mem>>) src(%arg20 : memref<512xf32, #tpu.memory_space<vmem_shared>>) dst(%arg18 : memref<512xf32, #tpu.memory_space<vmem>>)
        tpu.yield
      }) : () -> ()
    } else {
    }
    %eq3A_45 = arith.constant 0 : i32
    %eq3A_46 = arith.cmpi eq, %arg1, %eq3A_45 : i32
    %eq3A_47 = arith.constant 0 : i32
    %eq3A_48 = arith.cmpi eq, %arg0, %eq3A_47 : i32
    %and3A_49 = arith.andi %eq3A_46, %eq3A_48 : i1
    %convert_element_type3A_50 = arith.extui %and3A_49 : i1 to i32
    %cond3A_51 = arith.constant 0 : i32
    %cond3A_52 = arith.cmpi ne, %convert_element_type3A_50, %cond3A_51 : i32
    scf.if %cond3A_52 {
      "tpu.region"() ({
        %run_scoped3A = tpu.sem_alloc : memref<!tpu.dma_semaphore, #tpu.memory_space<semaphore_mem>>
        tpu.enqueue_dma source(%arg17 : memref<512x32xf32, #tpu.memory_space<vmem>>) target(%arg7 : memref<512x32xf32, #tpu.memory_space<hbm>>) target_semaphore(%run_scoped3A : memref<!tpu.dma_semaphore, #tpu.memory_space<semaphore_mem>>)
        tpu.wait_dma2 semaphore(%run_scoped3A : memref<!tpu.dma_semaphore, #tpu.memory_space<semaphore_mem>>) src(%arg17 : memref<512x32xf32, #tpu.memory_space<vmem>>) dst(%arg7 : memref<512x32xf32, #tpu.memory_space<hbm>>)
        tpu.yield
      }) : () -> ()
      "tpu.region"() ({
        %run_scoped3A = tpu.sem_alloc : memref<!tpu.dma_semaphore, #tpu.memory_space<semaphore_mem>>
        tpu.enqueue_dma source(%arg18 : memref<512xf32, #tpu.memory_space<vmem>>) target(%arg9 : memref<512xf32, #tpu.memory_space<hbm>>) target_semaphore(%run_scoped3A : memref<!tpu.dma_semaphore, #tpu.memory_space<semaphore_mem>>)
        tpu.wait_dma2 semaphore(%run_scoped3A : memref<!tpu.dma_semaphore, #tpu.memory_space<semaphore_mem>>) src(%arg18 : memref<512xf32, #tpu.memory_space<vmem>>) dst(%arg9 : memref<512xf32, #tpu.memory_space<hbm>>)
        tpu.yield
      }) : () -> ()
    } else {
    }
    %eq3A_53 = arith.constant 0 : i32
    %eq3A_54 = arith.cmpi eq, %arg1, %eq3A_53 : i32
    %eq3A_55 = arith.constant 1 : i32
    %eq3A_56 = arith.cmpi eq, %arg0, %eq3A_55 : i32
    %and3A_57 = arith.andi %eq3A_54, %eq3A_56 : i1
    %convert_element_type3A_58 = arith.extui %and3A_57 : i1 to i32
    %cond3A_59 = arith.constant 0 : i32
    %cond3A_60 = arith.cmpi ne, %convert_element_type3A_58, %cond3A_59 : i32
    scf.if %cond3A_60 {
      "tpu.region"() ({
        %run_scoped3A = tpu.sem_alloc : memref<!tpu.dma_semaphore, #tpu.memory_space<semaphore_mem>>
        tpu.enqueue_dma source(%arg17 : memref<512x32xf32, #tpu.memory_space<vmem>>) target(%arg8 : memref<512x32xf32, #tpu.memory_space<hbm>>) target_semaphore(%run_scoped3A : memref<!tpu.dma_semaphore, #tpu.memory_space<semaphore_mem>>)
        tpu.wait_dma2 semaphore(%run_scoped3A : memref<!tpu.dma_semaphore, #tpu.memory_space<semaphore_mem>>) src(%arg17 : memref<512x32xf32, #tpu.memory_space<vmem>>) dst(%arg8 : memref<512x32xf32, #tpu.memory_space<hbm>>)
        tpu.yield
      }) : () -> ()
      "tpu.region"() ({
        %run_scoped3A = tpu.sem_alloc : memref<!tpu.dma_semaphore, #tpu.memory_space<semaphore_mem>>
        tpu.enqueue_dma source(%arg18 : memref<512xf32, #tpu.memory_space<vmem>>) target(%arg10 : memref<512xf32, #tpu.memory_space<hbm>>) target_semaphore(%run_scoped3A : memref<!tpu.dma_semaphore, #tpu.memory_space<semaphore_mem>>)
        tpu.wait_dma2 semaphore(%run_scoped3A : memref<!tpu.dma_semaphore, #tpu.memory_space<semaphore_mem>>) src(%arg18 : memref<512xf32, #tpu.memory_space<vmem>>) dst(%arg10 : memref<512xf32, #tpu.memory_space<hbm>>)
        tpu.yield
      }) : () -> ()
    } else {
    }
    return
  }
}

module attributes {stable_mosaic.version = 14 : i64} {
  func.func @body(%arg0: i32, %arg1: memref<2000x6xf32, #tpu.memory_space<vmem>>, %arg2: memref<2000x1xf32, #tpu.memory_space<vmem>>, %arg3: memref<2000x1xf32, #tpu.memory_space<vmem>>, %arg4: memref<6x32xf32, #tpu.memory_space<vmem>>, %arg5: memref<2000x1xf32, #tpu.memory_space<vmem>>, %arg6: memref<2000x16xf32, #tpu.memory_space<vmem>>, %arg7: memref<2000x16xf32, #tpu.memory_space<vmem>>) attributes {dimension_semantics = [#tpu.dimension_semantics<arbitrary>], iteration_bounds = array<i64: 50>, scalar_prefetch = 0 : i64, scratch_operands = 0 : i64, tpu.core_type = #tpu.core_type<tc>, window_params = [{transform_indices = @transform_0, window_bounds = array<i64: 2000, 6>}, {transform_indices = @transform_1, window_bounds = array<i64: 2000, 1>}, {transform_indices = @transform_2, window_bounds = array<i64: 2000, 1>}, {pipeline_mode = #tpu.pipeline_mode<synchronous>, transform_indices = @transform_3, window_bounds = array<i64: 6, 32>}, {transform_indices = @transform_4, window_bounds = array<i64: 2000, 1>}, {transform_indices = @transform_5, window_bounds = array<i64: 2000, 16>}, {transform_indices = @transform_6, window_bounds = array<i64: 2000, 16>}]} {
    %get3A = arith.constant 0 : index
    %get3A_0 = arith.constant 0 : index
    %get3A_1 = vector.load %arg2[%get3A, %get3A_0] : memref<2000x1xf32, #tpu.memory_space<vmem>>, vector<2000x1xf32>
    %get3A_2 = arith.constant 0 : index
    %get3A_3 = arith.constant 0 : index
    %get3A_4 = vector.load %arg3[%get3A_2, %get3A_3] : memref<2000x1xf32, #tpu.memory_space<vmem>>, vector<2000x1xf32>
    %add3A = arith.addf %get3A_1, %get3A_4 : vector<2000x1xf32>
    %add3A_5 = arith.constant 1.000000e+00 : f32
    %add3A_6 = vector.broadcast %add3A_5 : f32 to vector<2000x1xf32>
    %add3A_7 = arith.addf %add3A, %add3A_6 : vector<2000x1xf32>
    %rsqrt3A = math.rsqrt %add3A_7 : vector<2000x1xf32>
    %get3A_8 = arith.constant 0 : index
    %get3A_9 = arith.constant 0 : index
    %get3A_10 = vector.load %arg1[%get3A_8, %get3A_9] : memref<2000x6xf32, #tpu.memory_space<vmem>>, vector<2000x6xf32>
    %get3A_11 = arith.constant 0 : index
    %get3A_12 = arith.constant 0 : index
    %get3A_13 = vector.load %arg4[%get3A_11, %get3A_12] : memref<6x32xf32, #tpu.memory_space<vmem>>, vector<6x32xf32>
    %dot_general3A = arith.constant dense<0.000000e+00> : vector<2000x32xf32>
    %dot_general3A_14 = tpu.matmul %get3A_10, %get3A_13, %dot_general3A {dimension_numbers = #tpu.dot_dimension_numbers<[1], [0], [0], [1], [0, 0, 1, 1], [], []>, transpose_lhs_hint = false} : vector<2000x6xf32>, vector<6x32xf32>, vector<2000x32xf32> -> vector<2000x32xf32>
    %mul3A = vector.broadcast %rsqrt3A : vector<2000x1xf32> to vector<2000x32xf32>
    %mul3A_15 = arith.mulf %dot_general3A_14, %mul3A : vector<2000x32xf32>
    %swap3A = arith.constant 0 : index
    %swap3A_16 = arith.constant 0 : index
    %swap3A_17 = vector.load %arg5[%swap3A, %swap3A_16] : memref<2000x1xf32, #tpu.memory_space<vmem>>, vector<2000x1xf32>
    tpu.vector_store %arg5[%swap3A, %swap3A_16], %rsqrt3A {strides = array<i32>} : memref<2000x1xf32, #tpu.memory_space<vmem>>, vector<2000x1xf32>,
    %slice3A = vector.extract_strided_slice %mul3A_15 {offsets = [0, 0], sizes = [2000, 16], strides = [1, 1]} : vector<2000x32xf32> to vector<2000x16xf32>
    %swap3A_18 = arith.constant 0 : index
    %swap3A_19 = arith.constant 0 : index
    %swap3A_20 = vector.load %arg6[%swap3A_18, %swap3A_19] : memref<2000x16xf32, #tpu.memory_space<vmem>>, vector<2000x16xf32>
    tpu.vector_store %arg6[%swap3A_18, %swap3A_19], %slice3A {strides = array<i32>} : memref<2000x16xf32, #tpu.memory_space<vmem>>, vector<2000x16xf32>,
    %slice3A_21 = vector.extract_strided_slice %mul3A_15 {offsets = [0, 16], sizes = [2000, 16], strides = [1, 1]} : vector<2000x32xf32> to vector<2000x16xf32>
    %swap3A_22 = arith.constant 0 : index
    %swap3A_23 = arith.constant 0 : index
    %swap3A_24 = vector.load %arg7[%swap3A_22, %swap3A_23] : memref<2000x16xf32, #tpu.memory_space<vmem>>, vector<2000x16xf32>
    tpu.vector_store %arg7[%swap3A_22, %swap3A_23], %slice3A_21 {strides = array<i32>} : memref<2000x16xf32, #tpu.memory_space<vmem>>, vector<2000x16xf32>,
    return
  }
  func.func @transform_0(%arg0: i32) -> (i32, i32) {
    %c0_i32 = arith.constant 0 : i32
    %c0_i32_0 = arith.constant 0 : i32
    return %arg0, %c0_i32 : i32, i32
  }
  func.func @transform_1(%arg0: i32) -> (i32, i32) {
    %c0_i32 = arith.constant 0 : i32
    %c0_i32_0 = arith.constant 0 : i32
    return %arg0, %c0_i32 : i32, i32
  }
  func.func @transform_2(%arg0: i32) -> (i32, i32) {
    %c0_i32 = arith.constant 0 : i32
    %c0_i32_0 = arith.constant 0 : i32
    return %arg0, %c0_i32 : i32, i32
  }
  func.func @transform_3(%arg0: i32) -> (i32, i32) {
    %c0_i32 = arith.constant 0 : i32
    %c0_i32_0 = arith.constant 0 : i32
    %c0_i32_1 = arith.constant 0 : i32
    return %c0_i32, %c0_i32_0 : i32, i32
  }
  func.func @transform_4(%arg0: i32) -> (i32, i32) {
    %c0_i32 = arith.constant 0 : i32
    %c0_i32_0 = arith.constant 0 : i32
    return %arg0, %c0_i32 : i32, i32
  }
  func.func @transform_5(%arg0: i32) -> (i32, i32) {
    %c0_i32 = arith.constant 0 : i32
    %c0_i32_0 = arith.constant 0 : i32
    return %arg0, %c0_i32 : i32, i32
  }
  func.func @transform_6(%arg0: i32) -> (i32, i32) {
    %c0_i32 = arith.constant 0 : i32
    %c0_i32_0 = arith.constant 0 : i32
    return %arg0, %c0_i32 : i32, i32
  }
}

module attributes {stable_mosaic.version = 14 : i64} {
  func.func @body(%arg0: i32, %arg1: memref<2000x16xf32, #tpu.memory_space<vmem>>, %arg2: memref<2000x16xf32, #tpu.memory_space<vmem>>, %arg3: memref<2000x1xf32, #tpu.memory_space<vmem>>, %arg4: memref<32x32xf32, #tpu.memory_space<vmem>>, %arg5: memref<1x32xf32, #tpu.memory_space<vmem>>, %arg6: memref<2000x16xf32, #tpu.memory_space<vmem>>, %arg7: memref<2000x16xf32, #tpu.memory_space<vmem>>) attributes {dimension_semantics = [#tpu.dimension_semantics<arbitrary>], iteration_bounds = array<i64: 50>, scalar_prefetch = 0 : i64, scratch_operands = 0 : i64, tpu.core_type = #tpu.core_type<tc>, window_params = [{transform_indices = @transform_0, window_bounds = array<i64: 2000, 16>}, {transform_indices = @transform_1, window_bounds = array<i64: 2000, 16>}, {transform_indices = @transform_2, window_bounds = array<i64: 2000, 1>}, {pipeline_mode = #tpu.pipeline_mode<synchronous>, transform_indices = @transform_3, window_bounds = array<i64: 32, 32>}, {pipeline_mode = #tpu.pipeline_mode<synchronous>, transform_indices = @transform_4, window_bounds = array<i64: 1, 32>}, {transform_indices = @transform_5, window_bounds = array<i64: 2000, 16>}, {transform_indices = @transform_6, window_bounds = array<i64: 2000, 16>}]} {
    %get3A = arith.constant 0 : index
    %get3A_0 = arith.constant 0 : index
    %get3A_1 = vector.load %arg3[%get3A, %get3A_0] : memref<2000x1xf32, #tpu.memory_space<vmem>>, vector<2000x1xf32>
    %get3A_2 = arith.constant 0 : index
    %get3A_3 = arith.constant 0 : index
    %get3A_4 = vector.load %arg1[%get3A_2, %get3A_3] : memref<2000x16xf32, #tpu.memory_space<vmem>>, vector<2000x16xf32>
    %get3A_5 = arith.constant 0 : index
    %get3A_6 = arith.constant 0 : index
    %get3A_7 = vector.load %arg2[%get3A_5, %get3A_6] : memref<2000x16xf32, #tpu.memory_space<vmem>>, vector<2000x16xf32>
    %concatenate3A = tpu.concatenate %get3A_4, %get3A_7 in 1 : vector<2000x16xf32>, vector<2000x16xf32> -> vector<2000x32xf32>
    %mul3A = vector.broadcast %get3A_1 : vector<2000x1xf32> to vector<2000x32xf32>
    %mul3A_8 = arith.mulf %concatenate3A, %mul3A : vector<2000x32xf32>
    %get3A_9 = arith.constant 0 : index
    %get3A_10 = arith.constant 0 : index
    %get3A_11 = vector.load %arg5[%get3A_9, %get3A_10] : memref<1x32xf32, #tpu.memory_space<vmem>>, vector<1x32xf32>
    %add3A = vector.broadcast %get3A_11 : vector<1x32xf32> to vector<2000x32xf32>
    %add3A_12 = arith.addf %mul3A_8, %add3A : vector<2000x32xf32>
    %max3A = arith.constant 0.000000e+00 : f32
    %max3A_13 = vector.broadcast %max3A : f32 to vector<2000x32xf32>
    %max3A_14 = arith.maximumf %add3A_12, %max3A_13 : vector<2000x32xf32>
    %get3A_15 = arith.constant 0 : index
    %get3A_16 = arith.constant 0 : index
    %get3A_17 = vector.load %arg4[%get3A_15, %get3A_16] : memref<32x32xf32, #tpu.memory_space<vmem>>, vector<32x32xf32>
    %dot_general3A = arith.constant dense<0.000000e+00> : vector<2000x32xf32>
    %dot_general3A_18 = tpu.matmul %max3A_14, %get3A_17, %dot_general3A {dimension_numbers = #tpu.dot_dimension_numbers<[1], [0], [0], [1], [0, 0, 1, 1], [], []>, transpose_lhs_hint = false} : vector<2000x32xf32>, vector<32x32xf32>, vector<2000x32xf32> -> vector<2000x32xf32>
    %mul3A_19 = vector.broadcast %get3A_1 : vector<2000x1xf32> to vector<2000x32xf32>
    %mul3A_20 = arith.mulf %dot_general3A_18, %mul3A_19 : vector<2000x32xf32>
    %slice3A = vector.extract_strided_slice %mul3A_20 {offsets = [0, 0], sizes = [2000, 16], strides = [1, 1]} : vector<2000x32xf32> to vector<2000x16xf32>
    %swap3A = arith.constant 0 : index
    %swap3A_21 = arith.constant 0 : index
    %swap3A_22 = vector.load %arg6[%swap3A, %swap3A_21] : memref<2000x16xf32, #tpu.memory_space<vmem>>, vector<2000x16xf32>
    tpu.vector_store %arg6[%swap3A, %swap3A_21], %slice3A {strides = array<i32>} : memref<2000x16xf32, #tpu.memory_space<vmem>>, vector<2000x16xf32>,
    %slice3A_23 = vector.extract_strided_slice %mul3A_20 {offsets = [0, 16], sizes = [2000, 16], strides = [1, 1]} : vector<2000x32xf32> to vector<2000x16xf32>
    %swap3A_24 = arith.constant 0 : index
    %swap3A_25 = arith.constant 0 : index
    %swap3A_26 = vector.load %arg7[%swap3A_24, %swap3A_25] : memref<2000x16xf32, #tpu.memory_space<vmem>>, vector<2000x16xf32>
    tpu.vector_store %arg7[%swap3A_24, %swap3A_25], %slice3A_23 {strides = array<i32>} : memref<2000x16xf32, #tpu.memory_space<vmem>>, vector<2000x16xf32>,
    return
  }
  func.func @transform_0(%arg0: i32) -> (i32, i32) {
    %c0_i32 = arith.constant 0 : i32
    %c0_i32_0 = arith.constant 0 : i32
    return %arg0, %c0_i32 : i32, i32
  }
  func.func @transform_1(%arg0: i32) -> (i32, i32) {
    %c0_i32 = arith.constant 0 : i32
    %c0_i32_0 = arith.constant 0 : i32
    return %arg0, %c0_i32 : i32, i32
  }
  func.func @transform_2(%arg0: i32) -> (i32, i32) {
    %c0_i32 = arith.constant 0 : i32
    %c0_i32_0 = arith.constant 0 : i32
    return %arg0, %c0_i32 : i32, i32
  }
  func.func @transform_3(%arg0: i32) -> (i32, i32) {
    %c0_i32 = arith.constant 0 : i32
    %c0_i32_0 = arith.constant 0 : i32
    %c0_i32_1 = arith.constant 0 : i32
    return %c0_i32, %c0_i32_0 : i32, i32
  }
  func.func @transform_4(%arg0: i32) -> (i32, i32) {
    %c0_i32 = arith.constant 0 : i32
    %c0_i32_0 = arith.constant 0 : i32
    %c0_i32_1 = arith.constant 0 : i32
    return %c0_i32, %c0_i32_0 : i32, i32
  }
  func.func @transform_5(%arg0: i32) -> (i32, i32) {
    %c0_i32 = arith.constant 0 : i32
    %c0_i32_0 = arith.constant 0 : i32
    return %arg0, %c0_i32 : i32, i32
  }
  func.func @transform_6(%arg0: i32) -> (i32, i32) {
    %c0_i32 = arith.constant 0 : i32
    %c0_i32_0 = arith.constant 0 : i32
    return %arg0, %c0_i32 : i32, i32
  }
}

module attributes {stable_mosaic.version = 14 : i64} {
  func.func @body(%arg0: i32, %arg1: memref<2000x16xf32, #tpu.memory_space<vmem>>, %arg2: memref<2000x16xf32, #tpu.memory_space<vmem>>, %arg3: memref<2000x1xf32, #tpu.memory_space<vmem>>, %arg4: memref<1x32xf32, #tpu.memory_space<vmem>>, %arg5: memref<2000x32xf32, #tpu.memory_space<vmem>>) attributes {dimension_semantics = [#tpu.dimension_semantics<arbitrary>], iteration_bounds = array<i64: 50>, scalar_prefetch = 0 : i64, scratch_operands = 0 : i64, tpu.core_type = #tpu.core_type<tc>, window_params = [{transform_indices = @transform_0, window_bounds = array<i64: 2000, 16>}, {transform_indices = @transform_1, window_bounds = array<i64: 2000, 16>}, {transform_indices = @transform_2, window_bounds = array<i64: 2000, 1>}, {pipeline_mode = #tpu.pipeline_mode<synchronous>, transform_indices = @transform_3, window_bounds = array<i64: 1, 32>}, {transform_indices = @transform_4, window_bounds = array<i64: 2000, 32>}]} {
    %get3A = arith.constant 0 : index
    %get3A_0 = arith.constant 0 : index
    %get3A_1 = vector.load %arg1[%get3A, %get3A_0] : memref<2000x16xf32, #tpu.memory_space<vmem>>, vector<2000x16xf32>
    %get3A_2 = arith.constant 0 : index
    %get3A_3 = arith.constant 0 : index
    %get3A_4 = vector.load %arg2[%get3A_2, %get3A_3] : memref<2000x16xf32, #tpu.memory_space<vmem>>, vector<2000x16xf32>
    %concatenate3A = tpu.concatenate %get3A_1, %get3A_4 in 1 : vector<2000x16xf32>, vector<2000x16xf32> -> vector<2000x32xf32>
    %get3A_5 = arith.constant 0 : index
    %get3A_6 = arith.constant 0 : index
    %get3A_7 = vector.load %arg3[%get3A_5, %get3A_6] : memref<2000x1xf32, #tpu.memory_space<vmem>>, vector<2000x1xf32>
    %mul3A = vector.broadcast %get3A_7 : vector<2000x1xf32> to vector<2000x32xf32>
    %mul3A_8 = arith.mulf %concatenate3A, %mul3A : vector<2000x32xf32>
    %get3A_9 = arith.constant 0 : index
    %get3A_10 = arith.constant 0 : index
    %get3A_11 = vector.load %arg4[%get3A_9, %get3A_10] : memref<1x32xf32, #tpu.memory_space<vmem>>, vector<1x32xf32>
    %add3A = vector.broadcast %get3A_11 : vector<1x32xf32> to vector<2000x32xf32>
    %add3A_12 = arith.addf %mul3A_8, %add3A : vector<2000x32xf32>
    %swap3A = arith.constant 0 : index
    %swap3A_13 = arith.constant 0 : index
    %swap3A_14 = vector.load %arg5[%swap3A, %swap3A_13] : memref<2000x32xf32, #tpu.memory_space<vmem>>, vector<2000x32xf32>
    tpu.vector_store %arg5[%swap3A, %swap3A_13], %add3A_12 {strides = array<i32>} : memref<2000x32xf32, #tpu.memory_space<vmem>>, vector<2000x32xf32>,
    return
  }
  func.func @transform_0(%arg0: i32) -> (i32, i32) {
    %c0_i32 = arith.constant 0 : i32
    %c0_i32_0 = arith.constant 0 : i32
    return %arg0, %c0_i32 : i32, i32
  }
  func.func @transform_1(%arg0: i32) -> (i32, i32) {
    %c0_i32 = arith.constant 0 : i32
    %c0_i32_0 = arith.constant 0 : i32
    return %arg0, %c0_i32 : i32, i32
  }
  func.func @transform_2(%arg0: i32) -> (i32, i32) {
    %c0_i32 = arith.constant 0 : i32
    %c0_i32_0 = arith.constant 0 : i32
    return %arg0, %c0_i32 : i32, i32
  }
  func.func @transform_3(%arg0: i32) -> (i32, i32) {
    %c0_i32 = arith.constant 0 : i32
    %c0_i32_0 = arith.constant 0 : i32
    %c0_i32_1 = arith.constant 0 : i32
    return %c0_i32, %c0_i32_0 : i32, i32
  }
  func.func @transform_4(%arg0: i32) -> (i32, i32) {
    %c0_i32 = arith.constant 0 : i32
    %c0_i32_0 = arith.constant 0 : i32
    return %arg0, %c0_i32 : i32, i32
  }
}

</mosaic_0001>

<sc_bundles>
// kernel: kernel.11.cloned.1.call-start
scs
__scs_entry_jumppad:
0x0: {  	(pc) =	sbr.rel $0x88, $3  }
0x1: {  	(tag) =	ssettag $0x0;
	lr =	simm.s32 $0x1  }
0x2: {  	[smem:$0x3F98] =	sst lr;
	_ =	strace $0xD0000000  }
0x3: {  	_ = 	snop  }
0x4: {  	_ = 	snop  }
0x5: {  	_ = 	snop  }
0x6: {  	_ = 	snop  }
0x7: {  	_ = 	snop  }
__scs_overlays_trampoline_lowered:
0x8: {  	[smem:$0x3FA7] =	sst s0  }
0x9: {  	[smem:$0x3FA8] =	sst s1  }
0xa: {  	[smem:$0x3FA9] =	sst s2  }
0xb: {  	[smem:$0x3FAA] =	sst s3  }
0xc: {  	[smem:$0x3FAB] =	sst s4  }
0xd: {  	[smem:$0x3FAC] =	sst s5  }
0xe: {  	[smem:$0x3FAD] =	sst s6  }
0xf: {  	[smem:$0x3FAE] =	sst s7  }
0x10: {  	[smem:$0x3FAF] =	sst s8  }
0x11: {  	[smem:$0x3FB0] =	sst s9;
	s0 =	simm.s32 @!p0 $0x0  }
0x12: {  	s1 =	sld [smem:$0x3F96];
	s0 =	simm.s32 @p0 $0x1  }
0x13: {  	[smem:$0x3FB1] =	sst s0;
	s0 =	simm.s32 @!p1 $0x0  }
0x14: {  	s2 =	sld [smem:$0x3F95];
	s0 =	simm.s32 @p1 $0x1  }
0x15: {  	[smem:$0x3FB2] =	sst s0;
	s0 =	simm.s32 @!p2 $0x0  }
0x16: {  	s3 =	sld [smem:$0x3FDB];
	s0 =	simm.s32 @p2 $0x1  }
0x17: {  	s4 =	simm.s32 $0x1BF5;
	[smem:$0x3FB4] =	sst s0  }
0x18: {  	s0 =	sld [smem:$0x3F97];
	_ =	swait.ge [sflag:s4], $0x0  }
0x19: {  	s7 =	sld [smem:$0x3F98]  }
0x1a: {  	s8 =	sadd.s32 $0xFFFFE003, lr  }
0x1b: {  	s9 =	sadd.s32 $0xFFFFFEF7, lr;
	s5 =	simm.s32 $0xFFFFFFFF;
	p2 =	slt.u32 s8, $0xFFFFF086  }
0x1c: {  	p1 =	slt.u32 s9, $0xF7A;
	s5 =	simm.s32 @!p2 $0x0  }
0x1d: {  	s5 =	simm.s32 @p1 $0x1;
	p0 =	seq.s32 s7, s2  }
0x1e: {  	s7 =	smul.u32 @!p0 $0xF7A, s2;
	p2 =	seq.s32 @!p0 s5, $0x0  }
0x1f: {  	s9 =	smul.u32 $0xF7A, s1;
	s8 =	simm.s32 @!p0 $0x1BF5;
	p2 =	por !p2, p0  }
0x20: {  	[sflag:s8] =	ssyncset.s32 @!p0 $0xFFFFF086;
	s6 =	sadd.s32 @!p0 s3, s7;
	s7 =	simm.s32 @!p0 $0x108  }
0x21: {  	s3 =	sadd.s32 s3, s9;
	s6 =	sadd.s32 @!p0 $0x88, s6;
	s7 =	simm.s32 @p2 $0x1082  }
0x22: {  	[simem:s7], [sflag:s8] =	dma.local @!p0 [hbm:s6], $0xF7A  }
0x23: {  	s9 =	sor.u32 $0xD0000000, s2;
	s6 =	simm.s32 $0x108;
	_ =	swait.ge @!p0 [sflag:s8], $0x0  }
0x24: {  	s3 =	sadd.s32 $0x88, s3;
	s6 =	simm.s32 @!p1 $0x1082;
	[sflag:s4] =	ssyncset.s32 $0xFFFFF086  }
0x25: {  	[simem:s6], [sflag:s4] =	dma.local [hbm:s3], $0xF7A  }
0x26: {  	[smem:$0x3F98] =	sst s1;
	(tag) =	ssettag s2;
	_ =	strace s9  }
0x27: {  	s1 =	sld [smem:$0x3FA8]  }
0x28: {  	s2 =	sld [smem:$0x3FA9]  }
0x29: {  	s4 =	sld [smem:$0x3FAB]  }
0x2a: {  	p0 =	seq.s32 s5, $0x0;
	s5 =	sld [smem:$0x3FAC]  }
0x2b: {  	s6 =	sld [smem:$0x3FAD]  }
0x2c: {  	s7 =	sld [smem:$0x3FAE]  }
0x2d: {  	s3 =	simm.s32 $0x108;
	s8 =	sld [smem:$0x3FAF]  }
0x2e: {  	s3 =	simm.s32 @!p0 $0x1082;
	s9 =	sld [smem:$0x3FB0]  }
0x2f: {  	lr =	sadd.s32 s0, s3;
	s0 =	sld [smem:$0x3FA7]  }
0x30: {  	s3 =	sld [smem:$0x3FAA]  }
0x31: {  	[smem:$0x3FB3] =	sst s10  }
0x32: {  	s10 =	sld [smem:$0x3FB1];
	_ =	sdelay $0x3  }
0x33: {  	p0 =	seq.s32 s10, $0x1;
	s10 =	sld [smem:$0x3FB3];
	_ =	sdelay $0x3  }
0x34: {  	[smem:$0x3FB3] =	sst s10  }
0x35: {  	s10 =	sld [smem:$0x3FB2];
	_ =	sdelay $0x3  }
0x36: {  	p1 =	seq.s32 s10, $0x1;
	s10 =	sld [smem:$0x3FB3];
	_ =	sdelay $0x3  }
0x37: {  	[smem:$0x3FB3] =	sst s10  }
0x38: {  	s10 =	sld [smem:$0x3FB4]  }
0x39: {  	_ = 	snop;
	(pc) =	sbr.ind lr, $3  }
0x3a: {  	_ = 	snop  }
0x3b: {  	_ = 	snop  }
0x3c: {  	p2 =	seq.s32 s10, $0x1;
	s10 =	sld [smem:$0x3FB3]  }
0x3d: {  	_ =	shalt  }
0x3e: {  	_ =	shalt  }
0x3f: {  	_ =	shalt  }
0x40: {  	_ =	shalt  }
0x41: {  	_ =	shalt  }
0x42: {  	_ =	shalt  }
0x43: {  	_ =	shalt  }
0x44: {  	_ =	shalt  }
0x45: {  	_ =	shalt  }
0x46: {  	_ =	shalt  }
0x47: {  	_ =	shalt  }
0x48: {  	_ =	shalt  }
0x49: {  	_ =	shalt  }
0x4a: {  	_ =	shalt  }
0x4b: {  	_ =	shalt  }
0x4c: {  	_ =	shalt  }
0x4d: {  	_ =	shalt  }
0x4e: {  	_ =	shalt  }
0x4f: {  	_ =	shalt  }
0x50: {  	_ =	shalt  }
0x51: {  	_ =	shalt  }
0x52: {  	_ =	shalt  }
0x53: {  	_ =	shalt  }
0x54: {  	_ =	shalt  }
0x55: {  	_ =	shalt  }
0x56: {  	_ =	shalt  }
0x57: {  	_ =	shalt  }
0x58: {  	_ =	shalt  }
0x59: {  	_ =	shalt  }
0x5a: {  	_ =	shalt  }
0x5b: {  	_ =	shalt  }
0x5c: {  	_ =	shalt  }
0x5d: {  	_ =	shalt  }
0x5e: {  	_ =	shalt  }
0x5f: {  	_ =	shalt  }
0x60: {  	_ =	shalt  }
0x61: {  	_ =	shalt  }
0x62: {  	_ =	shalt  }
0x63: {  	_ =	shalt  }
0x64: {  	_ =	shalt  }
0x65: {  	_ =	shalt  }
0x66: {  	_ =	shalt  }
0x67: {  	_ =	shalt  }
0x68: {  	_ =	shalt  }
0x69: {  	_ =	shalt  }
0x6a: {  	_ =	shalt  }
0x6b: {  	_ =	shalt  }
0x6c: {  	_ =	shalt  }
0x6d: {  	_ =	shalt  }
0x6e: {  	_ =	shalt  }
0x6f: {  	_ =	shalt  }
0x70: {  	_ =	shalt  }
0x71: {  	_ =	shalt  }
0x72: {  	_ =	shalt  }
0x73: {  	_ =	shalt  }
0x74: {  	_ =	shalt  }
0x75: {  	_ =	shalt  }
0x76: {  	_ =	shalt  }
0x77: {  	_ =	shalt  }
0x78: {  	_ =	shalt  }
0x79: {  	_ =	shalt  }
0x7a: {  	_ =	shalt  }
0x7b: {  	_ =	shalt  }
0x7c: {  	_ =	shalt  }
0x7d: {  	_ =	shalt  }
0x7e: {  	_ =	shalt  }
0x7f: {  	_ =	shalt  }
0x80: {  	_ =	shalt  }
0x81: {  	_ =	shalt  }
0x82: {  	_ =	shalt  }
0x83: {  	_ =	shalt  }
0x84: {  	_ =	shalt  }
0x85: {  	_ =	shalt  }
0x86: {  	_ =	shalt  }
0x87: {  	_ =	shalt  }
.Lfunc_end0:
.L_simem_size_0:
called_computation_lowered:
.L_overlay_start_0:
0x88: {  	s2 =	sld [smem:$0x3FD9]  }
0x89: {  	s3 =	sld [smem:$0x3FFE];
	_ =	sdelay $0x1  }
0x8a: {  	s1 =	srdreg.scid  }
0x8b: {  	s0 =	sand.u32 $0x1, s1  }
0x8c: {  	s17 =	sshll.u32 s0, $0xA;
	s2 =	sadd.s32 s3, s2  }
0x8d: {  	s2 =	sadd.s32 s2, s17  }
0x8e: {  	[smem:$0x3FBF] =	sst s2  }
0x8f: {  	_ = 	snop  }
0x90: {  	s2 =	sld [smem:$0x3FD0];
	(tm) =	ssettm $0x1  }
0x91: {  	s18 =	sld [smem:$0x3FFB];
	_ =	sdelay $0x3  }
0x92: {  	_ =	strace s18  }
0x93: {  	s3 =	sld [smem:$0x3FFC];
	_ =	sdelay $0x3  }
0x94: {  	_ =	strace s3  }
0x95: {  	s3 =	sld [smem:$0x3FFD];
	_ =	sdelay $0x3  }
0x96: {  	_ =	strace s3  }
0x97: {  	_ =	strace $0x8FFFFFFF  }
0x98: {  	s19 =	sld [smem:$0x3FDB];
	_ =	sdelay $0x1  }
0x99: {  	s4 =	simm.s32 $_scs_section_size  }
0x9a: {  	s5 =	simm.s32 $_size__tile_overlayer_lowered;
	s6 =	simm.s32 $_tile_overlayer_lowered  }
0x9b: {  	s22 =	simm.s32 $0x1BFF;
	s21 =	sshll.u32 s6, $0x1;
	s3 =	sadd.s32 s4, s19  }
0x9c: {  	s7 =	simm.s32 $0x0;
	s20 =	sshll.u32 s5, $0x1;
	s5 =	sadd.s32 s21, s3  }
0x9d: {  	[timem:s7], [sflag:s22] =	dma.local [hbm:s5], s20  }
0x9e: {  	_ =	swait.ge [sflag:s22], s20  }
0x9f: {  	s4 =	ssub.s32 $0x0, s20;
	[sflag:s22] =	ssyncset.done $0x0  }
0xa0: {  	[sflag:s22] =	ssyncadd.s32 s4;
	_ =	sdelay $0x1  }
0xa1: {  	s23 =	simm.s32 $0x1B8B  }
0xa2: {  	_ =	swait.ge [sflag:s23], $0x1  }
0xa3: {  	[sflag:s23] =	ssyncset.done $0x0  }
0xa4: {  	s25 =	simm.s32 $0x1B8E;
	s24 =	sld [smem:$0x3FFE];
	[sflag:s23] =	ssyncadd.s32 $0xFFFFFFFF  }
0xa5: {  	s26 =	simm.s32 $execute0_lowered;
	[smem:$0x3FD2] =	sst s25  }
0xa6: {  	s5 =	sshll.u32 s26, $0x1;
	_ =	strace $0x80000046;
	[dreg:$0x1] =	wrdreg $0xFFFFFFFF  }
0xa7: {  	s28 =	simm.s32 $_size_execute0_lowered;
	s3 =	sadd.s32 s3, s5;
	[dreg:$0x0] =	wrdreg $0x0  }
0xa8: {  	s5 =	sshll.u32 s28, $0x1;
	[dreg:$0x2] =	wrdreg s3  }
0xa9: {  	[dreg:$0x3] =	wrdreg s5  }
0xaa: {  	[dreg:$0x4] =	wrdreg $0xC0  }
0xab: {  	_ =	task [dreg:s7], $0x5FFFF  }
0xac: {  	[dreg:$0x1] =	wrdreg $0xFFFFFFFF  }
0xad: {  	[dreg:$0x0] =	wrdreg $0x60  }
0xae: {  	[dreg:$0x2] =	wrdreg s24  }
0xaf: {  	[dreg:$0x3] =	wrdreg s2  }
0xb0: {  	[dreg:$0x4] =	wrdreg $0xB900  }
0xb1: {  	[dreg:$0x5] =	wrdreg $0x9  }
0xb2: {  	_ =	task.clear_ibuf [dreg:s7], $0x6FFFF;
	_ =	strace $0x90000046  }
0xb3: {  	s29 =	simm.s32 $0x9;
	_ =	strace $0x80000048  }
0xb4: {  	_ =	swait.ge [sflag:s29], $0x1  }
0xb5: {  	[sflag:s29] =	ssyncadd.s32 $0xFFFFFFFF  }
0xb6: {  	_ =	strace $0x90000048  }
0xb7: {  	_ =	sfence  }
0xb8: {  	s30 =	sld [smem:$0x0];
	_ =	sdelay $0x2  }
0xb9: {  	s31 =	sshll.u32 s1, $0xD;
	s1 =	sshrl.u32 s1, $0x2  }
0xba: {  	s3 =	sand.u32 $0x4000, s31;
	s1 =	sadd.s32 s1, s30  }
0xbb: {  	s0 =	sor.u32 s3, s0;
	s1 =	sshll.u32 s1, $0x11  }
0xbc: {  	s0 =	sor.u32 s1, s0  }
0xbd: {  	s0 =	sadd.s32 $0x8F2B, s0  }
0xbe: {  	[sflag:s0] =	ssyncadd.remote.s32 $0x1  }
0xbf: {  	_ =	sfence.sel $0xFFFF  }
0xc0: {  	[dreg:$0x0] =	wrdreg $0xFFFFFFFF;
	(pc) =	sbr.abs _section_cstart, $3  }
0xc1: {  	[dreg:$0x1] =	wrdreg $0xFFFFFFFF  }
0xc2: {  	_ =	task.clear_ibuf [dreg:s7], $0x2FFFF;
	_ =	strace $0x9FFFFFFF  }
0xc3: {  	(tm) =	ssettm $0x7FFFFFFF  }
tec
execute0_lowered:
.L_overlay_start_1:
0x0: {  	(tag) =	ssettag $0x1  }
0x1: {  	s7 =	rddreg [dreg:$0x0]  }
0x2: {  	s1 =	rddreg [dreg:$0x1]  }
0x3: {  	s2 =	rddreg [dreg:$0x2]  }
0x4: {  	s0 =	rddreg [dreg:$0x3]  }
0x5: {  	s4 =	simm.s32 $0x0;
	s5 =	srdreg.scid;
	s3 =	stileid.u32  }
0x6: {  	s15 =	simm.s32 $0x1;
	s16 =	simm.s32 $0xA00;
	s17 =	simm.s32 $0x0  }
0x7: {  	[smem:$0x7FF] =	sst s4;
	s8 =	sand.u32 $0x1, s5;
	s9 =	smul.u32 $0x32, s3  }
0x8: {  	s5 =	sadd.s32 $0x4200, s7;
	s6 =	sadd.s32 $0x35000, s7;
	s30 =	smul.u32 $0x640, s3  }
0x9: {  	s28 =	ssub.s32 $0xF9, s3;
	s29 =	sshll.u32 s3, $0x1;
	s12 =	smul.u32 $0xA00, s3  }
0xa: {  	_ =	strace $0x80000047;
	s10 =	ssub.s32 $0x2, s8;
	p0 =	seq.s32 s8, $0x1  }
0xb: {  	s14 =	smul.u32 $0x500, s8;
	s11 =	sshrl.u32 s10, $0x1;
	s13 =	sadd.s32 s9, s7  }
.Ltmp0:
0xc: {  	s9 =	sshrl.u32 s28, $0x4;
	s31 =	sshrl.u32 s30, $0x2;
	(pc) =	sbr.rel .LBB2_1-.Ltmp0, $4  }
0xd: {  	s26 =	ssub.s32 s10, s11;
	s10 =	sor.u32 s29, s8;
	s8 =	sadd.s32 $0x1, s9  }
0xe: {  	s9 =	sadd.s32 s31, s2;
	s11 =	sadd.s32 s14, s12;
	s10 =	ssub.s32 $0x4E1, s10  }
0xf: {  	s12 =	sadd.s32 $0x38200, s13;
	s13 =	sadd.s32 $0x3B400, s13;
	s10 =	sshrl.u32 s10, $0x5  }
0x10: {  	s14 =	simm.s32 $0x500;
	s7 =	smax.u32 s26, $0x1;
	s10 =	sxor.u32 $0xFFFFFFFF, s10  }
.LBB2_12:
0x11: {  	[sflag:s15] =	ssyncadd.s32 $0xFFFFFE70  }
.LBB2_13:
0x12: {  	s17 =	sadd.s32 $0x1, s17  }
0x13: {  	p1 =	sne.s32 s17, s7  }
.Ltmp1:
0x14: {  	_ = 	snop;
	(pc) =	sbr.rel @!p1 .LBB2_14-.Ltmp1, $1  }
0x15: {  	_ =	sdelay $0x3  }
.LBB2_1:
0x16: {  	[tilespmem:s14], [sflag:$0x1] =	stream.linear.gather [hbm4b:s1+s4], $0x500, $0x38;
	[tilespmem:$0x2400] =	vst v63  }
0x17: {  	_ =	swait.ge [sflag:s15], $0x500  }
0x18: {  	[sflag:s15] =	ssyncset.done $0x0  }
0x19: {  	[sflag:s15] =	ssyncadd.s32 $0xFFFFFB00  }
0x1a: {  	[tilespmem:s16], [sflag:$0x1] =	stream.linear.gather [hbm4b:s6+s4], $0x190, $0x38;
	[tilespmem:$0x2400] =	vst v63  }
0x1b: {  	p1 =	sne.s32 s8, $0x1;
	_ =	swait.ge [sflag:s15], $0x190  }
.Ltmp2:
0x1c: {  	[sflag:s15] =	ssyncset.done $0x0;
	(pc) =	sbr.rel @!p1 .LBB2_3-.Ltmp2, $4  }
0x1d: {  	[sflag:s15] =	ssyncadd.s32 $0xFFFFFE70  }
0x1e: {  	[spmem:s9] =	stream.linear.scatter [tilespmem:s16], [sflag:$0x1], $0x190, $0x38;
	[tilespmem:$0x2400] =	vst v63  }
0x1f: {  	_ =	swait.ge [sflag:s15], $0x190  }
0x20: {  	s18 =	sadd.s32 $0xFFFFFFFF, s8;
	s19 =	smov.u32 s9;
	[sflag:s15] =	ssyncset.done $0x0  }
.LBB2_2:
0x21: {  	p1 =	sne.s32 s18, $0x1;
	[sflag:s15] =	ssyncadd.s32 $0xFFFFFE70;
	s19 =	sadd.s32 $0x1900, s19  }
.Ltmp3:
0x22: {  	s18 =	sadd.s32 $0xFFFFFFFF, s18;
	(pc) =	sbr.rel @p1 .LBB2_2-.Ltmp3, $4  }
0x23: {  	_ = 	snop  }
0x24: {  	[spmem:s19] =	stream.linear.scatter [tilespmem:s16], [sflag:$0x1], $0x190, $0x38;
	[tilespmem:$0x2400] =	vst v63  }
0x25: {  	_ =	swait.ge [sflag:s15], $0x190  }
0x26: {  	[sflag:s15] =	ssyncset.done $0x0  }
.LBB2_3:
0x27: {  	s18 =	sadd.s32 $0x1, s10  }
0x28: {  	p2 =	seq.s32 s18, $0x0  }
.Ltmp4:
0x29: {  	_ = 	snop;
	(pc) =	sbr.rel @p2 .LBB2_6-.Ltmp4, $4  }
0x2a: {  	_ = 	snop  }
0x2b: {  	[sflag:s15] =	ssyncadd.s32 $0xFFFFFE70  }
0x2c: {  	[bflag:$0x0] =	sbarrier.arrive $0xFFFF  }
0x2d: {  	s20 =	sshrl.u32 s11, $0x3;
	p1 =	por $0x0, $0x0  }
0x2e: {  	s19 =	sadd.s32 s5, s20;
	s18 =	sadd.s32 $0x1, s18  }
0x2f: {  	[tilespmem:s4], [sflag:$0x1] =	stream.linear.gather [hbm4b:s19+s4], $0x500, $0x38;
	[tilespmem:$0x2400] =	vst v63  }
0x30: {  	p2 =	seq.s32 s18, $0x0;
	_ =	swait.ge [sflag:s15], $0x500  }
.Ltmp5:
0x31: {  	[sflag:s15] =	ssyncset.done $0x0;
	(pc) =	sbr.rel @p2 .LBB2_6-.Ltmp5, $4  }
0x32: {  	[sflag:s15] =	ssyncadd.s32 $0xFFFFFB00  }
0x33: {  	[spmem:s2] =	stream.indirect.scatter.add.f32 [tilespmem:s14], [sflag:$0x1], $0x1, s4, s14, $0xb8;
	[tilespmem:$0x2400] =	vst v63  }
0x34: {  	s19 =	sadd.s32 $0xA000, s11;
	_ =	swait.ge [sflag:s15], $0x500  }
0x35: {  	p1 =	por $0x1, $0x1;
	s20 =	sshrl.u32 s19, $0x3;
	[sflag:s15] =	ssyncset.done $0x0  }
.LBB2_5:
0x36: {  	s18 =	sadd.s32 $0x1, s18;
	s20 =	sadd.s32 s5, s20;
	[sflag:s15] =	ssyncadd.s32 $0xFFFFFB00  }
0x37: {  	[tilespmem:s4], [sflag:$0x1] =	stream.linear.gather [hbm4b:s20+s4], $0x500, $0x38;
	[tilespmem:$0x2400] =	vst v63  }
0x38: {  	p2 =	seq.s32 s18, $0x0;
	_ =	swait.ge [sflag:s15], $0x500  }
.Ltmp6:
0x39: {  	[sflag:s15] =	ssyncset.done $0x0;
	(pc) =	sbr.rel @!p2 .LBB2_5-.Ltmp6, $4  }
0x3a: {  	[sflag:s15] =	ssyncadd.s32 $0xFFFFFB00  }
0x3b: {  	[spmem:s2] =	stream.indirect.scatter.add.f32 [tilespmem:s14], [sflag:$0x1], $0x1, s4, s14, $0xb8;
	[tilespmem:$0x2400] =	vst v63  }
0x3c: {  	s19 =	sadd.s32 $0xA000, s19;
	_ =	swait.ge [sflag:s15], $0x500  }
0x3d: {  	s20 =	sshrl.u32 s19, $0x3;
	[sflag:s15] =	ssyncset.done $0x0  }
.LBB2_6:
0x3e: {  	s18 =	sadd.s32 s5, s20;
	[sflag:s15] =	ssyncadd.s32 @p1 $0xFFFFFB00  }
0x3f: {  	[tilespmem:s4], [sflag:$0x1] =	stream.linear.gather [hbm4b:s18+s4], $0x500, $0x38;
	[tilespmem:$0x2400] =	vst v63  }
0x40: {  	_ =	swait.ge [sflag:s15], $0x500  }
0x41: {  	[sflag:s15] =	ssyncset.done $0x0  }
0x42: {  	[sflag:s15] =	ssyncadd.s32 $0xFFFFFB00  }
0x43: {  	[spmem:s2] =	stream.indirect.scatter.add.f32 [tilespmem:s14], [sflag:$0x1], $0x1, s4, s14, $0xb8;
	[tilespmem:$0x2400] =	vst v63  }
.Ltmp7:
0x44: {  	_ =	swait.ge [sflag:s15], $0x500;
	(pc) =	sbr.rel @!p0 .LBB2_7-.Ltmp7, $3  }
0x45: {  	[sflag:s15] =	ssyncset.done $0x0  }
0x46: {  	[sflag:s15] =	ssyncadd.s32 $0xFFFFFB00  }
0x47: {  	[bflag:$0x0] =	sbarrier.arrive $0xFFFF;
	_ =	sdelay $0x1  }
0x48: {  	[tilespmem:s16], [sflag:$0x1] =	stream.linear.gather [spmem:s9], $0x190, $0x38;
	[tilespmem:$0x2400] =	vst v63  }
0x49: {  	p1 =	sne.s32 s8, $0x1;
	_ =	swait.ge [sflag:s15], $0x190  }
.Ltmp8:
0x4a: {  	[sflag:s15] =	ssyncset.done $0x0;
	(pc) =	sbr.rel @!p1 .LBB2_12-.Ltmp8, $4  }
0x4b: {  	[sflag:s15] =	ssyncadd.s32 $0xFFFFFE70  }
0x4c: {  	[hbm4b:s13+s4] =	stream.linear.scatter [tilespmem:s16], [sflag:$0x1], $0x190, $0x38;
	[tilespmem:$0x2400] =	vst v63  }
0x4d: {  	s18 =	sadd.s32 $0xFFFFFFFF, s8;
	_ =	swait.ge [sflag:s15], $0x190  }
0x4e: {  	s19 =	smov.u32 s9;
	s20 =	smov.u32 s13;
	[sflag:s15] =	ssyncset.done $0x0  }
.LBB2_11:
0x4f: {  	[sflag:s15] =	ssyncadd.s32 $0xFFFFFE70;
	s19 =	sadd.s32 $0x1900, s19;
	s20 =	sadd.s32 $0x320, s20  }
0x50: {  	[tilespmem:s16], [sflag:$0x1] =	stream.linear.gather [spmem:s19], $0x190, $0x38;
	[tilespmem:$0x2400] =	vst v63  }
0x51: {  	p1 =	sne.s32 s18, $0x1;
	s18 =	sadd.s32 $0xFFFFFFFF, s18;
	_ =	swait.ge [sflag:s15], $0x190  }
.Ltmp9:
0x52: {  	[sflag:s15] =	ssyncset.done $0x0;
	(pc) =	sbr.rel @p1 .LBB2_11-.Ltmp9, $4  }
0x53: {  	[sflag:s15] =	ssyncadd.s32 $0xFFFFFE70  }
0x54: {  	[hbm4b:s20+s4] =	stream.linear.scatter [tilespmem:s16], [sflag:$0x1], $0x190, $0x38;
	[tilespmem:$0x2400] =	vst v63  }
0x55: {  	_ =	swait.ge [sflag:s15], $0x190  }
0x56: {  	[sflag:s15] =	ssyncset.done $0x0  }
.Ltmp10:
0x57: {  	_ = 	snop;
	(pc) =	sbr.rel .LBB2_12-.Ltmp10, $1  }
0x58: {  	_ =	sdelay $0x3  }
.LBB2_7:
0x59: {  	[tilespmem:s16], [sflag:$0x1] =	stream.linear.gather [spmem:s9], $0x190, $0x38;
	[tilespmem:$0x2400] =	vst v63  }
0x5a: {  	p1 =	seq.s32 s8, $0x1;
	_ =	swait.ge [sflag:s15], $0x190  }
.Ltmp11:
0x5b: {  	[sflag:s15] =	ssyncset.done $0x0;
	(pc) =	sbr.rel @p1 .LBB2_9-.Ltmp11, $4  }
0x5c: {  	[sflag:s15] =	ssyncadd.s32 $0xFFFFFE70  }
0x5d: {  	[hbm4b:s12+s4] =	stream.linear.scatter [tilespmem:s16], [sflag:$0x1], $0x190, $0x38;
	[tilespmem:$0x2400] =	vst v63  }
0x5e: {  	s18 =	sadd.s32 $0xFFFFFFFF, s8;
	_ =	swait.ge [sflag:s15], $0x190  }
0x5f: {  	s19 =	smov.u32 s9;
	s20 =	smov.u32 s12;
	[sflag:s15] =	ssyncset.done $0x0  }
.LBB2_8:
0x60: {  	[sflag:s15] =	ssyncadd.s32 $0xFFFFFE70;
	s19 =	sadd.s32 $0x1900, s19;
	s20 =	sadd.s32 $0x320, s20  }
0x61: {  	[tilespmem:s16], [sflag:$0x1] =	stream.linear.gather [spmem:s19], $0x190, $0x38;
	[tilespmem:$0x2400] =	vst v63  }
0x62: {  	p1 =	seq.s32 s18, $0x1;
	s18 =	sadd.s32 $0xFFFFFFFF, s18;
	_ =	swait.ge [sflag:s15], $0x190  }
.Ltmp12:
0x63: {  	[sflag:s15] =	ssyncset.done $0x0;
	(pc) =	sbr.rel @!p1 .LBB2_8-.Ltmp12, $4  }
0x64: {  	[sflag:s15] =	ssyncadd.s32 $0xFFFFFE70  }
0x65: {  	[hbm4b:s20+s4] =	stream.linear.scatter [tilespmem:s16], [sflag:$0x1], $0x190, $0x38;
	[tilespmem:$0x2400] =	vst v63  }
0x66: {  	_ =	swait.ge [sflag:s15], $0x190  }
0x67: {  	[sflag:s15] =	ssyncset.done $0x0  }
.LBB2_9:
.Ltmp13:
0x68: {  	(pc) =	sbr.rel .LBB2_13-.Ltmp13, $2  }
0x69: {  	_ =	sdelay $0x2  }
0x6a: {  	[sflag:s15] =	ssyncadd.s32 $0xFFFFFE70  }
.LBB2_14:
0x6b: {  	_ =	sfence.sel $0x180000  }
0x6c: {  	[bflag:$0x0] =	sbarrier.arrive $0xFFFF  }
0x6d: {  	p0 =	sne.s32 s3, $0x0;
	_ =	strace $0x90000047  }
0x6e: {  	s0 =	sadd.s32 @!p0 $0x100000, s0;
	[bflag:$0x2] =	sbarrier.arrive $0xFFFF  }
0x6f: {  	[sflag:s0] =	ssyncadd.tile.s32 @!p0 $0x1;
	_ =	shalt  }
.Lfunc_end2:
_tile_overlayer_lowered:
.L_overlay_start_2:
0x70: {  	(tag) =	ssettag $0x2  }
0x71: {  	s0 =	rddreg [dreg:$0x0];
	s2 =	stileid.u32  }
0x72: {  	s1 =	rddreg [dreg:$0x1];
	p0 =	sne.s32 s2, $0x0  }
0x73: {  	s3 =	rddreg [dreg:$0x2];
	[bflag:$0x3] =	sbarrier.arrive $0xFFFF;
	s2 =	simm.s32 @!p0 $0x1C01  }
0x74: {  	[timem:s3], [sflag:s2] =	dma.local @!p0 [hbm:s0], s1  }
0x75: {  	s0 =	simm.s32 @!p0 $0x1  }
0x76: {  	_ =	swait.ge @!p0 [sflag:s0], s1  }
0x77: {  	s1 =	ssub.s32 @!p0 $0x0, s1;
	[sflag:s0] =	ssyncset.done @!p0 $0x0  }
0x78: {  	[sflag:s0] =	ssyncadd.s32 @!p0 s1  }
0x79: {  	[bflag:$0x3] =	sbarrier.arrive $0xFFFF  }
0x7a: {  	_ =	shalt  }

// kernel: kernel.14.cloned.1.call-start
scs
__scs_entry_jumppad:
0x0: {  	(pc) =	sbr.rel $0x88, $3  }
0x1: {  	(tag) =	ssettag $0x0;
	lr =	simm.s32 $0x1  }
0x2: {  	[smem:$0x3F98] =	sst lr;
	_ =	strace $0xD0000000  }
0x3: {  	_ = 	snop  }
0x4: {  	_ = 	snop  }
0x5: {  	_ = 	snop  }
0x6: {  	_ = 	snop  }
0x7: {  	_ = 	snop  }
__scs_overlays_trampoline_lowered:
0x8: {  	[smem:$0x3FA7] =	sst s0  }
0x9: {  	[smem:$0x3FA8] =	sst s1  }
0xa: {  	[smem:$0x3FA9] =	sst s2  }
0xb: {  	[smem:$0x3FAA] =	sst s3  }
0xc: {  	[smem:$0x3FAB] =	sst s4  }
0xd: {  	[smem:$0x3FAC] =	sst s5  }
0xe: {  	[smem:$0x3FAD] =	sst s6  }
0xf: {  	[smem:$0x3FAE] =	sst s7  }
0x10: {  	[smem:$0x3FAF] =	sst s8  }
0x11: {  	[smem:$0x3FB0] =	sst s9;
	s0 =	simm.s32 @!p0 $0x0  }
0x12: {  	s1 =	sld [smem:$0x3F96];
	s0 =	simm.s32 @p0 $0x1  }
0x13: {  	[smem:$0x3FB1] =	sst s0;
	s0 =	simm.s32 @!p1 $0x0  }
0x14: {  	s2 =	sld [smem:$0x3F95];
	s0 =	simm.s32 @p1 $0x1  }
0x15: {  	[smem:$0x3FB2] =	sst s0;
	s0 =	simm.s32 @!p2 $0x0  }
0x16: {  	s3 =	sld [smem:$0x3FDB];
	s0 =	simm.s32 @p2 $0x1  }
0x17: {  	s4 =	simm.s32 $0x1BF5;
	[smem:$0x3FB4] =	sst s0  }
0x18: {  	s0 =	sld [smem:$0x3F97];
	_ =	swait.ge [sflag:s4], $0x0  }
0x19: {  	s7 =	sld [smem:$0x3F98]  }
0x1a: {  	s8 =	sadd.s32 $0xFFFFE003, lr  }
0x1b: {  	s9 =	sadd.s32 $0xFFFFFEF7, lr;
	s5 =	simm.s32 $0xFFFFFFFF;
	p2 =	slt.u32 s8, $0xFFFFF086  }
0x1c: {  	p1 =	slt.u32 s9, $0xF7A;
	s5 =	simm.s32 @!p2 $0x0  }
0x1d: {  	s5 =	simm.s32 @p1 $0x1;
	p0 =	seq.s32 s7, s2  }
0x1e: {  	s7 =	smul.u32 @!p0 $0xF7A, s2;
	p2 =	seq.s32 @!p0 s5, $0x0  }
0x1f: {  	s9 =	smul.u32 $0xF7A, s1;
	s8 =	simm.s32 @!p0 $0x1BF5;
	p2 =	por !p2, p0  }
0x20: {  	[sflag:s8] =	ssyncset.s32 @!p0 $0xFFFFF086;
	s6 =	sadd.s32 @!p0 s3, s7;
	s7 =	simm.s32 @!p0 $0x108  }
0x21: {  	s3 =	sadd.s32 s3, s9;
	s6 =	sadd.s32 @!p0 $0x88, s6;
	s7 =	simm.s32 @p2 $0x1082  }
0x22: {  	[simem:s7], [sflag:s8] =	dma.local @!p0 [hbm:s6], $0xF7A  }
0x23: {  	s9 =	sor.u32 $0xD0000000, s2;
	s6 =	simm.s32 $0x108;
	_ =	swait.ge @!p0 [sflag:s8], $0x0  }
0x24: {  	s3 =	sadd.s32 $0x88, s3;
	s6 =	simm.s32 @!p1 $0x1082;
	[sflag:s4] =	ssyncset.s32 $0xFFFFF086  }
0x25: {  	[simem:s6], [sflag:s4] =	dma.local [hbm:s3], $0xF7A  }
0x26: {  	[smem:$0x3F98] =	sst s1;
	(tag) =	ssettag s2;
	_ =	strace s9  }
0x27: {  	s1 =	sld [smem:$0x3FA8]  }
0x28: {  	s2 =	sld [smem:$0x3FA9]  }
0x29: {  	s4 =	sld [smem:$0x3FAB]  }
0x2a: {  	p0 =	seq.s32 s5, $0x0;
	s5 =	sld [smem:$0x3FAC]  }
0x2b: {  	s6 =	sld [smem:$0x3FAD]  }
0x2c: {  	s7 =	sld [smem:$0x3FAE]  }
0x2d: {  	s3 =	simm.s32 $0x108;
	s8 =	sld [smem:$0x3FAF]  }
0x2e: {  	s3 =	simm.s32 @!p0 $0x1082;
	s9 =	sld [smem:$0x3FB0]  }
0x2f: {  	lr =	sadd.s32 s0, s3;
	s0 =	sld [smem:$0x3FA7]  }
0x30: {  	s3 =	sld [smem:$0x3FAA]  }
0x31: {  	[smem:$0x3FB3] =	sst s10  }
0x32: {  	s10 =	sld [smem:$0x3FB1];
	_ =	sdelay $0x3  }
0x33: {  	p0 =	seq.s32 s10, $0x1;
	s10 =	sld [smem:$0x3FB3];
	_ =	sdelay $0x3  }
0x34: {  	[smem:$0x3FB3] =	sst s10  }
0x35: {  	s10 =	sld [smem:$0x3FB2];
	_ =	sdelay $0x3  }
0x36: {  	p1 =	seq.s32 s10, $0x1;
	s10 =	sld [smem:$0x3FB3];
	_ =	sdelay $0x3  }
0x37: {  	[smem:$0x3FB3] =	sst s10  }
0x38: {  	s10 =	sld [smem:$0x3FB4]  }
0x39: {  	_ = 	snop;
	(pc) =	sbr.ind lr, $3  }
0x3a: {  	_ = 	snop  }
0x3b: {  	_ = 	snop  }
0x3c: {  	p2 =	seq.s32 s10, $0x1;
	s10 =	sld [smem:$0x3FB3]  }
0x3d: {  	_ =	shalt  }
0x3e: {  	_ =	shalt  }
0x3f: {  	_ =	shalt  }
0x40: {  	_ =	shalt  }
0x41: {  	_ =	shalt  }
0x42: {  	_ =	shalt  }
0x43: {  	_ =	shalt  }
0x44: {  	_ =	shalt  }
0x45: {  	_ =	shalt  }
0x46: {  	_ =	shalt  }
0x47: {  	_ =	shalt  }
0x48: {  	_ =	shalt  }
0x49: {  	_ =	shalt  }
0x4a: {  	_ =	shalt  }
0x4b: {  	_ =	shalt  }
0x4c: {  	_ =	shalt  }
0x4d: {  	_ =	shalt  }
0x4e: {  	_ =	shalt  }
0x4f: {  	_ =	shalt  }
0x50: {  	_ =	shalt  }
0x51: {  	_ =	shalt  }
0x52: {  	_ =	shalt  }
0x53: {  	_ =	shalt  }
0x54: {  	_ =	shalt  }
0x55: {  	_ =	shalt  }
0x56: {  	_ =	shalt  }
0x57: {  	_ =	shalt  }
0x58: {  	_ =	shalt  }
0x59: {  	_ =	shalt  }
0x5a: {  	_ =	shalt  }
0x5b: {  	_ =	shalt  }
0x5c: {  	_ =	shalt  }
0x5d: {  	_ =	shalt  }
0x5e: {  	_ =	shalt  }
0x5f: {  	_ =	shalt  }
0x60: {  	_ =	shalt  }
0x61: {  	_ =	shalt  }
0x62: {  	_ =	shalt  }
0x63: {  	_ =	shalt  }
0x64: {  	_ =	shalt  }
0x65: {  	_ =	shalt  }
0x66: {  	_ =	shalt  }
0x67: {  	_ =	shalt  }
0x68: {  	_ =	shalt  }
0x69: {  	_ =	shalt  }
0x6a: {  	_ =	shalt  }
0x6b: {  	_ =	shalt  }
0x6c: {  	_ =	shalt  }
0x6d: {  	_ =	shalt  }
0x6e: {  	_ =	shalt  }
0x6f: {  	_ =	shalt  }
0x70: {  	_ =	shalt  }
0x71: {  	_ =	shalt  }
0x72: {  	_ =	shalt  }
0x73: {  	_ =	shalt  }
0x74: {  	_ =	shalt  }
0x75: {  	_ =	shalt  }
0x76: {  	_ =	shalt  }
0x77: {  	_ =	shalt  }
0x78: {  	_ =	shalt  }
0x79: {  	_ =	shalt  }
0x7a: {  	_ =	shalt  }
0x7b: {  	_ =	shalt  }
0x7c: {  	_ =	shalt  }
0x7d: {  	_ =	shalt  }
0x7e: {  	_ =	shalt  }
0x7f: {  	_ =	shalt  }
0x80: {  	_ =	shalt  }
0x81: {  	_ =	shalt  }
0x82: {  	_ =	shalt  }
0x83: {  	_ =	shalt  }
0x84: {  	_ =	shalt  }
0x85: {  	_ =	shalt  }
0x86: {  	_ =	shalt  }
0x87: {  	_ =	shalt  }
.Lfunc_end0:
.L_simem_size_0:
called_computation.1_lowered:
.L_overlay_start_0:
0x88: {  	s2 =	sld [smem:$0x3FD9]  }
0x89: {  	s3 =	sld [smem:$0x3FFE];
	_ =	sdelay $0x1  }
0x8a: {  	s1 =	srdreg.scid  }
0x8b: {  	s0 =	sand.u32 $0x1, s1  }
0x8c: {  	s16 =	sshll.u32 s0, $0xA;
	s2 =	sadd.s32 s3, s2  }
0x8d: {  	s2 =	sadd.s32 s2, s16  }
0x8e: {  	[smem:$0x3FBF] =	sst s2  }
0x8f: {  	_ = 	snop  }
0x90: {  	(tm) =	ssettm $0x1  }
0x91: {  	s17 =	sld [smem:$0x3FFB];
	_ =	sdelay $0x3  }
0x92: {  	_ =	strace s17  }
0x93: {  	s2 =	sld [smem:$0x3FFC];
	_ =	sdelay $0x3  }
0x94: {  	_ =	strace s2  }
0x95: {  	s2 =	sld [smem:$0x3FFD];
	_ =	sdelay $0x3  }
0x96: {  	_ =	strace s2  }
0x97: {  	_ =	strace $0x8FFFFFFF  }
0x98: {  	s18 =	sld [smem:$0x3FDB];
	_ =	sdelay $0x1  }
0x99: {  	s19 =	simm.s32 $_scs_section_size  }
0x9a: {  	s4 =	simm.s32 $_size__tile_overlayer_lowered;
	s5 =	simm.s32 $_tile_overlayer_lowered  }
0x9b: {  	s22 =	simm.s32 $0x1BFF;
	s21 =	sshll.u32 s5, $0x1;
	s2 =	sadd.s32 s19, s18  }
0x9c: {  	s6 =	simm.s32 $0x0;
	s20 =	sshll.u32 s4, $0x1;
	s4 =	sadd.s32 s21, s2  }
0x9d: {  	[timem:s6], [sflag:s22] =	dma.local [hbm:s4], s20  }
0x9e: {  	_ =	swait.ge [sflag:s22], s20  }
0x9f: {  	s3 =	ssub.s32 $0x0, s20;
	[sflag:s22] =	ssyncset.done $0x0  }
0xa0: {  	[sflag:s22] =	ssyncadd.s32 s3;
	_ =	sdelay $0x1  }
0xa1: {  	s23 =	simm.s32 $0x1B8B  }
0xa2: {  	_ =	swait.ge [sflag:s23], $0x1  }
0xa3: {  	[sflag:s23] =	ssyncset.done $0x0  }
0xa4: {  	s25 =	simm.s32 $0x1B8E;
	s24 =	sld [smem:$0x3FFE];
	[sflag:s23] =	ssyncadd.s32 $0xFFFFFFFF  }
0xa5: {  	s26 =	simm.s32 $execute0_lowered;
	[smem:$0x3FD2] =	sst s25  }
0xa6: {  	s4 =	sshll.u32 s26, $0x1;
	_ =	strace $0x80000049;
	[dreg:$0x1] =	wrdreg $0xFFFFFFFF  }
0xa7: {  	s28 =	simm.s32 $_size_execute0_lowered;
	s2 =	sadd.s32 s2, s4;
	[dreg:$0x0] =	wrdreg $0x0  }
0xa8: {  	s4 =	sshll.u32 s28, $0x1;
	[dreg:$0x2] =	wrdreg s2  }
0xa9: {  	[dreg:$0x3] =	wrdreg s4  }
0xaa: {  	[dreg:$0x4] =	wrdreg $0xC0  }
0xab: {  	_ =	task [dreg:s6], $0x5FFFF  }
0xac: {  	[dreg:$0x1] =	wrdreg $0xFFFFFFFF  }
0xad: {  	[dreg:$0x0] =	wrdreg $0x60  }
0xae: {  	[dreg:$0x2] =	wrdreg s24  }
0xaf: {  	[dreg:$0x3] =	wrdreg $0x73000  }
0xb0: {  	[dreg:$0x4] =	wrdreg $0x9  }
0xb1: {  	_ =	task.clear_ibuf [dreg:s6], $0x5FFFF;
	_ =	strace $0x90000049  }
0xb2: {  	s29 =	simm.s32 $0x9;
	_ =	strace $0x8000004B  }
0xb3: {  	_ =	swait.ge [sflag:s29], $0x1  }
0xb4: {  	[sflag:s29] =	ssyncadd.s32 $0xFFFFFFFF  }
0xb5: {  	_ =	strace $0x9000004B  }
0xb6: {  	_ =	sfence  }
0xb7: {  	s30 =	sld [smem:$0x0];
	_ =	sdelay $0x2  }
0xb8: {  	s31 =	sshll.u32 s1, $0xD;
	s1 =	sshrl.u32 s1, $0x2  }
0xb9: {  	s3 =	sand.u32 $0x4000, s31;
	s1 =	sadd.s32 s1, s30  }
0xba: {  	s0 =	sor.u32 s3, s0;
	s1 =	sshll.u32 s1, $0x11  }
0xbb: {  	s0 =	sor.u32 s1, s0  }
0xbc: {  	s0 =	sadd.s32 $0x8F2B, s0  }
0xbd: {  	[sflag:s0] =	ssyncadd.remote.s32 $0x1  }
0xbe: {  	_ =	sfence.sel $0xFFFF  }
0xbf: {  	[dreg:$0x0] =	wrdreg $0xFFFFFFFF;
	(pc) =	sbr.abs _section_cstart, $3  }
0xc0: {  	[dreg:$0x1] =	wrdreg $0xFFFFFFFF  }
0xc1: {  	_ =	task.clear_ibuf [dreg:s6], $0x2FFFF;
	_ =	strace $0x9FFFFFFF  }
0xc2: {  	(tm) =	ssettm $0x7FFFFFFF  }
0xc3: {  	_ =	shalt  }
tec
execute0_lowered:
.L_overlay_start_1:
0x0: {  	(tag) =	ssettag $0x1  }
0x1: {  	s6 =	rddreg [dreg:$0x0]  }
0x2: {  	s2 =	rddreg [dreg:$0x1]  }
0x3: {  	s0 =	rddreg [dreg:$0x2];
	s3 =	simm.s32 $0x0;
	s1 =	stileid.u32  }
0x4: {  	s8 =	srdreg.scid;
	s16 =	simm.s32 $0x2;
	s17 =	simm.s32 $0x500  }
0x5: {  	s18 =	simm.s32 $0xA00;
	s19 =	simm.s32 $0x1;
	s7 =	smul.u32 $0x140, s1  }
0x6: {  	s20 =	simm.s32 $0x0;
	[smem:$0x7FF] =	sst s3;
	s13 =	smul.u32 $0x320, s1  }
0x7: {  	s4 =	sadd.s32 $0x35000, s6;
	s5 =	sadd.s32 $0x4200, s6;
	s15 =	sand.u32 $0x1, s8  }
0x8: {  	s28 =	ssub.s32 $0xF9, s1;
	s9 =	smul.u32 $0x6400, s1;
	s30 =	ssub.s32 $0x4E1, s1  }
0x9: {  	_ =	strace $0x8000004A;
	s25 =	ssub.s32 $0x2, s15;
	s29 =	sshrl.u32 s28, $0x4  }
0xa: {  	s10 =	sshrl.u32 s30, $0x4;
	p0 =	sne.s32 s15, $0x0;
	s15 =	simm.s32 $0x5A00  }
.Ltmp0:
0xb: {  	s11 =	sadd.s32 s7, s6;
	s14 =	sadd.s32 s13, s6;
	(pc) =	sbr.rel .LBB2_1-.Ltmp0, $4  }
0xc: {  	s26 =	sshrl.u32 s25, $0x1;
	s31 =	sshrl.u32 s9, $0x2;
	s7 =	sadd.s32 $0x1, s29  }
0xd: {  	s9 =	sadd.s32 s13, s5;
	s10 =	sadd.s32 $0x1, s10;
	s13 =	sadd.s32 s13, s4  }
0xe: {  	s6 =	ssub.s32 s25, s26;
	s8 =	sadd.s32 s31, s2;
	s11 =	sadd.s32 $0x1C5000, s11  }
0xf: {  	s12 =	sadd.s32 $0x65E00, s14;
	s14 =	sadd.s32 $0x96C00, s14;
	s6 =	smax.u32 s6, $0x1  }
.LBB2_15:
0x10: {  	[sflag:s16] =	ssyncadd.s32 $0xFFFFE700  }
.LBB2_16:
0x11: {  	s20 =	sadd.s32 $0x1, s20  }
0x12: {  	p1 =	sne.s32 s20, s6  }
.Ltmp1:
0x13: {  	_ = 	snop;
	(pc) =	sbr.rel @!p1 .LBB2_17-.Ltmp1, $1  }
0x14: {  	_ =	sdelay $0x3  }
.LBB2_1:
.Ltmp2:
0x15: {  	(pc) =	sbr.rel @p0 .LBB2_9-.Ltmp2, $1  }
0x16: {  	_ =	sdelay $0x3  }
0x17: {  	[tilespmem:s15], [sflag:$0x2] =	stream.linear.gather [hbm4b:s13+s3], $0x1900, $0x38;
	[tilespmem:$0x1F9A0] =	vst v63  }
0x18: {  	p1 =	seq.s32 s7, $0x1;
	_ =	swait.ge [sflag:s16], $0x1900  }
.Ltmp3:
0x19: {  	[sflag:s16] =	ssyncset.done $0x0;
	(pc) =	sbr.rel @p1 .LBB2_4-.Ltmp3, $4  }
0x1a: {  	[sflag:s16] =	ssyncadd.s32 $0xFFFFE700  }
0x1b: {  	[spmem:s8] =	stream.linear.scatter [tilespmem:s15], [sflag:$0x2], $0x1900, $0x38;
	[tilespmem:$0x1F9A0] =	vst v63  }
0x1c: {  	s21 =	sadd.s32 $0xFFFFFFFF, s7;
	_ =	swait.ge [sflag:s16], $0x1900  }
0x1d: {  	s22 =	smov.u32 s8;
	s23 =	smov.u32 s13;
	[sflag:s16] =	ssyncset.done $0x0  }
.LBB2_3:
0x1e: {  	[sflag:s16] =	ssyncadd.s32 $0xFFFFE700;
	s22 =	sadd.s32 $0x19000, s22;
	s23 =	sadd.s32 $0x3200, s23  }
0x1f: {  	[tilespmem:s15], [sflag:$0x2] =	stream.linear.gather [hbm4b:s23+s3], $0x1900, $0x38;
	[tilespmem:$0x1F9A0] =	vst v63  }
0x20: {  	p1 =	seq.s32 s21, $0x1;
	s21 =	sadd.s32 $0xFFFFFFFF, s21;
	_ =	swait.ge [sflag:s16], $0x1900  }
.Ltmp4:
0x21: {  	[sflag:s16] =	ssyncset.done $0x0;
	(pc) =	sbr.rel @!p1 .LBB2_3-.Ltmp4, $4  }
0x22: {  	[sflag:s16] =	ssyncadd.s32 $0xFFFFE700  }
0x23: {  	[spmem:s22] =	stream.linear.scatter [tilespmem:s15], [sflag:$0x2], $0x1900, $0x38;
	[tilespmem:$0x1F9A0] =	vst v63  }
0x24: {  	_ =	swait.ge [sflag:s16], $0x1900  }
0x25: {  	[sflag:s16] =	ssyncset.done $0x0  }
.LBB2_4:
0x26: {  	[sflag:s16] =	ssyncadd.s32 $0xFFFFE700  }
0x27: {  	[bflag:$0x0] =	sbarrier.arrive $0xFFFF  }
0x28: {  	[tilespmem:s3], [sflag:$0x2] =	stream.linear.gather [hbm4b:s11+s3], $0xA00, $0x38;
	[tilespmem:$0x1F9A0] =	vst v63  }
0x29: {  	_ =	swait.ge [sflag:s16], $0xA00  }
0x2a: {  	[sflag:s16] =	ssyncset.done $0x0  }
0x2b: {  	[sflag:s16] =	ssyncadd.s32 $0xFFFFF600  }
0x2c: {  	[tilespmem:s18], [sflag:$0x1] =	stream.indirect.gather [hbm4b:s4+s17], $0x10, s3, s17, $0xb8;
	[tilespmem:$0x1F9A0] =	vst v63  }
0x2d: {  	p1 =	sne.s32 s10, $0x1;
	_ =	swait.ge [sflag:s19], $0x5000  }
.Ltmp5:
0x2e: {  	[sflag:s19] =	ssyncset.done $0x0;
	(pc) =	sbr.rel @!p1 .LBB2_6-.Ltmp5, $4  }
0x2f: {  	[sflag:s19] =	ssyncadd.s32 $0xFFFFB000  }
0x30: {  	[spmem:s2] =	stream.indirect.scatter.add.f32 [tilespmem:s18], [sflag:$0x2], $0x10, s17, s17, $0xb8;
	[tilespmem:$0x1F9A0] =	vst v63  }
0x31: {  	_ =	swait.ge [sflag:s16], $0x5000  }
0x32: {  	s21 =	sadd.s32 $0xFFFFFFFF, s10;
	s22 =	smov.u32 s11;
	[sflag:s16] =	ssyncset.done $0x0  }
.LBB2_5:
0x33: {  	p1 =	sne.s32 s21, $0x1;
	[sflag:s16] =	ssyncadd.s32 $0xFFFFB000;
	s22 =	sadd.s32 $0x1400, s22  }
0x34: {  	[tilespmem:s3], [sflag:$0x2] =	stream.linear.gather [hbm4b:s22+s3], $0xA00, $0x38;
	[tilespmem:$0x1F9A0] =	vst v63  }
0x35: {  	s21 =	sadd.s32 $0xFFFFFFFF, s21;
	_ =	swait.ge [sflag:s16], $0xA00  }
0x36: {  	[sflag:s16] =	ssyncset.done $0x0  }
0x37: {  	[sflag:s16] =	ssyncadd.s32 $0xFFFFF600  }
0x38: {  	[tilespmem:s18], [sflag:$0x1] =	stream.indirect.gather [hbm4b:s4+s17], $0x10, s3, s17, $0xb8;
	[tilespmem:$0x1F9A0] =	vst v63  }
0x39: {  	_ =	swait.ge [sflag:s19], $0x5000  }
.Ltmp6:
0x3a: {  	[sflag:s19] =	ssyncset.done $0x0;
	(pc) =	sbr.rel @p1 .LBB2_5-.Ltmp6, $4  }
0x3b: {  	[sflag:s19] =	ssyncadd.s32 $0xFFFFB000  }
0x3c: {  	[spmem:s2] =	stream.indirect.scatter.add.f32 [tilespmem:s18], [sflag:$0x2], $0x10, s17, s17, $0xb8;
	[tilespmem:$0x1F9A0] =	vst v63  }
0x3d: {  	_ =	swait.ge [sflag:s16], $0x5000  }
0x3e: {  	[sflag:s16] =	ssyncset.done $0x0  }
.LBB2_6:
0x3f: {  	[sflag:s16] =	ssyncadd.s32 $0xFFFFB000  }
0x40: {  	[bflag:$0x0] =	sbarrier.arrive $0xFFFF  }
0x41: {  	[tilespmem:s15], [sflag:$0x2] =	stream.linear.gather [spmem:s8], $0x1900, $0x38;
	[tilespmem:$0x1F9A0] =	vst v63  }
0x42: {  	p1 =	seq.s32 s7, $0x1;
	_ =	swait.ge [sflag:s16], $0x1900  }
.Ltmp7:
0x43: {  	[sflag:s16] =	ssyncset.done $0x0;
	(pc) =	sbr.rel @p1 .LBB2_8-.Ltmp7, $4  }
0x44: {  	[sflag:s16] =	ssyncadd.s32 $0xFFFFE700  }
0x45: {  	[hbm4b:s14+s3] =	stream.linear.scatter [tilespmem:s15], [sflag:$0x2], $0x1900, $0x38;
	[tilespmem:$0x1F9A0] =	vst v63  }
0x46: {  	s21 =	sadd.s32 $0xFFFFFFFF, s7;
	_ =	swait.ge [sflag:s16], $0x1900  }
0x47: {  	s22 =	smov.u32 s14;
	s23 =	smov.u32 s8;
	[sflag:s16] =	ssyncset.done $0x0  }
.LBB2_7:
0x48: {  	[sflag:s16] =	ssyncadd.s32 $0xFFFFE700;
	s22 =	sadd.s32 $0x3200, s22;
	s23 =	sadd.s32 $0x19000, s23  }
0x49: {  	[tilespmem:s15], [sflag:$0x2] =	stream.linear.gather [spmem:s23], $0x1900, $0x38;
	[tilespmem:$0x1F9A0] =	vst v63  }
0x4a: {  	p1 =	seq.s32 s21, $0x1;
	s21 =	sadd.s32 $0xFFFFFFFF, s21;
	_ =	swait.ge [sflag:s16], $0x1900  }
.Ltmp8:
0x4b: {  	[sflag:s16] =	ssyncset.done $0x0;
	(pc) =	sbr.rel @!p1 .LBB2_7-.Ltmp8, $4  }
0x4c: {  	[sflag:s16] =	ssyncadd.s32 $0xFFFFE700  }
0x4d: {  	[hbm4b:s22+s3] =	stream.linear.scatter [tilespmem:s15], [sflag:$0x2], $0x1900, $0x38;
	[tilespmem:$0x1F9A0] =	vst v63  }
0x4e: {  	_ =	swait.ge [sflag:s16], $0x1900  }
0x4f: {  	[sflag:s16] =	ssyncset.done $0x0  }
.LBB2_8:
.Ltmp9:
0x50: {  	(pc) =	sbr.rel .LBB2_16-.Ltmp9, $2  }
0x51: {  	_ =	sdelay $0x2  }
0x52: {  	[sflag:s16] =	ssyncadd.s32 $0xFFFFE700  }
.LBB2_9:
0x53: {  	[tilespmem:s15], [sflag:$0x2] =	stream.linear.gather [hbm4b:s9+s3], $0x1900, $0x38;
	[tilespmem:$0x1F9A0] =	vst v63  }
0x54: {  	p1 =	sne.s32 s7, $0x1;
	_ =	swait.ge [sflag:s16], $0x1900  }
.Ltmp10:
0x55: {  	[sflag:s16] =	ssyncset.done $0x0;
	(pc) =	sbr.rel @!p1 .LBB2_11-.Ltmp10, $4  }
0x56: {  	[sflag:s16] =	ssyncadd.s32 $0xFFFFE700  }
0x57: {  	[spmem:s8] =	stream.linear.scatter [tilespmem:s15], [sflag:$0x2], $0x1900, $0x38;
	[tilespmem:$0x1F9A0] =	vst v63  }
0x58: {  	s21 =	sadd.s32 $0xFFFFFFFF, s7;
	_ =	swait.ge [sflag:s16], $0x1900  }
0x59: {  	s22 =	smov.u32 s8;
	s23 =	smov.u32 s9;
	[sflag:s16] =	ssyncset.done $0x0  }
.LBB2_10:
0x5a: {  	[sflag:s16] =	ssyncadd.s32 $0xFFFFE700;
	s22 =	sadd.s32 $0x19000, s22;
	s23 =	sadd.s32 $0x3200, s23  }
0x5b: {  	[tilespmem:s15], [sflag:$0x2] =	stream.linear.gather [hbm4b:s23+s3], $0x1900, $0x38;
	[tilespmem:$0x1F9A0] =	vst v63  }
0x5c: {  	p1 =	sne.s32 s21, $0x1;
	s21 =	sadd.s32 $0xFFFFFFFF, s21;
	_ =	swait.ge [sflag:s16], $0x1900  }
.Ltmp11:
0x5d: {  	[sflag:s16] =	ssyncset.done $0x0;
	(pc) =	sbr.rel @p1 .LBB2_10-.Ltmp11, $4  }
0x5e: {  	[sflag:s16] =	ssyncadd.s32 $0xFFFFE700  }
0x5f: {  	[spmem:s22] =	stream.linear.scatter [tilespmem:s15], [sflag:$0x2], $0x1900, $0x38;
	[tilespmem:$0x1F9A0] =	vst v63  }
0x60: {  	_ =	swait.ge [sflag:s16], $0x1900  }
0x61: {  	[sflag:s16] =	ssyncset.done $0x0  }
.LBB2_11:
0x62: {  	[sflag:s16] =	ssyncadd.s32 $0xFFFFE700  }
0x63: {  	[bflag:$0x0] =	sbarrier.arrive $0xFFFF  }
0x64: {  	[tilespmem:s3], [sflag:$0x2] =	stream.linear.gather [hbm4b:s11+s3], $0xA00, $0x38;
	[tilespmem:$0x1F9A0] =	vst v63  }
0x65: {  	_ =	swait.ge [sflag:s16], $0xA00  }
0x66: {  	[sflag:s16] =	ssyncset.done $0x0  }
0x67: {  	[sflag:s16] =	ssyncadd.s32 $0xFFFFF600  }
0x68: {  	[tilespmem:s18], [sflag:$0x1] =	stream.indirect.gather [hbm4b:s5+s17], $0x10, s3, s17, $0xb8;
	[tilespmem:$0x1F9A0] =	vst v63  }
0x69: {  	p1 =	seq.s32 s10, $0x1;
	_ =	swait.ge [sflag:s19], $0x5000  }
.Ltmp12:
0x6a: {  	[sflag:s19] =	ssyncset.done $0x0;
	(pc) =	sbr.rel @p1 .LBB2_13-.Ltmp12, $4  }
0x6b: {  	[sflag:s19] =	ssyncadd.s32 $0xFFFFB000  }
0x6c: {  	[spmem:s2] =	stream.indirect.scatter.add.f32 [tilespmem:s18], [sflag:$0x2], $0x10, s17, s17, $0xb8;
	[tilespmem:$0x1F9A0] =	vst v63  }
0x6d: {  	_ =	swait.ge [sflag:s16], $0x5000  }
0x6e: {  	s21 =	sadd.s32 $0xFFFFFFFF, s10;
	s22 =	smov.u32 s11;
	[sflag:s16] =	ssyncset.done $0x0  }
.LBB2_12:
0x6f: {  	p1 =	seq.s32 s21, $0x1;
	[sflag:s16] =	ssyncadd.s32 $0xFFFFB000;
	s22 =	sadd.s32 $0x1400, s22  }
0x70: {  	[tilespmem:s3], [sflag:$0x2] =	stream.linear.gather [hbm4b:s22+s3], $0xA00, $0x38;
	[tilespmem:$0x1F9A0] =	vst v63  }
0x71: {  	s21 =	sadd.s32 $0xFFFFFFFF, s21;
	_ =	swait.ge [sflag:s16], $0xA00  }
0x72: {  	[sflag:s16] =	ssyncset.done $0x0  }
0x73: {  	[sflag:s16] =	ssyncadd.s32 $0xFFFFF600  }
0x74: {  	[tilespmem:s18], [sflag:$0x1] =	stream.indirect.gather [hbm4b:s5+s17], $0x10, s3, s17, $0xb8;
	[tilespmem:$0x1F9A0] =	vst v63  }
0x75: {  	_ =	swait.ge [sflag:s19], $0x5000  }
.Ltmp13:
0x76: {  	[sflag:s19] =	ssyncset.done $0x0;
	(pc) =	sbr.rel @!p1 .LBB2_12-.Ltmp13, $4  }
0x77: {  	[sflag:s19] =	ssyncadd.s32 $0xFFFFB000  }
0x78: {  	[spmem:s2] =	stream.indirect.scatter.add.f32 [tilespmem:s18], [sflag:$0x2], $0x10, s17, s17, $0xb8;
	[tilespmem:$0x1F9A0] =	vst v63  }
0x79: {  	_ =	swait.ge [sflag:s16], $0x5000  }
0x7a: {  	[sflag:s16] =	ssyncset.done $0x0  }
.LBB2_13:
0x7b: {  	[sflag:s16] =	ssyncadd.s32 $0xFFFFB000  }
0x7c: {  	[bflag:$0x0] =	sbarrier.arrive $0xFFFF  }
0x7d: {  	[tilespmem:s15], [sflag:$0x2] =	stream.linear.gather [spmem:s8], $0x1900, $0x38;
	[tilespmem:$0x1F9A0] =	vst v63  }
0x7e: {  	p1 =	sne.s32 s7, $0x1;
	_ =	swait.ge [sflag:s16], $0x1900  }
.Ltmp14:
0x7f: {  	[sflag:s16] =	ssyncset.done $0x0;
	(pc) =	sbr.rel @!p1 .LBB2_15-.Ltmp14, $4  }
0x80: {  	[sflag:s16] =	ssyncadd.s32 $0xFFFFE700  }
0x81: {  	[hbm4b:s12+s3] =	stream.linear.scatter [tilespmem:s15], [sflag:$0x2], $0x1900, $0x38;
	[tilespmem:$0x1F9A0] =	vst v63  }
0x82: {  	s21 =	sadd.s32 $0xFFFFFFFF, s7;
	_ =	swait.ge [sflag:s16], $0x1900  }
0x83: {  	s22 =	smov.u32 s12;
	s23 =	smov.u32 s8;
	[sflag:s16] =	ssyncset.done $0x0  }
.LBB2_14:
0x84: {  	[sflag:s16] =	ssyncadd.s32 $0xFFFFE700;
	s22 =	sadd.s32 $0x3200, s22;
	s23 =	sadd.s32 $0x19000, s23  }
0x85: {  	[tilespmem:s15], [sflag:$0x2] =	stream.linear.gather [spmem:s23], $0x1900, $0x38;
	[tilespmem:$0x1F9A0] =	vst v63  }
0x86: {  	p1 =	sne.s32 s21, $0x1;
	s21 =	sadd.s32 $0xFFFFFFFF, s21;
	_ =	swait.ge [sflag:s16], $0x1900  }
.Ltmp15:
0x87: {  	[sflag:s16] =	ssyncset.done $0x0;
	(pc) =	sbr.rel @p1 .LBB2_14-.Ltmp15, $4  }
0x88: {  	[sflag:s16] =	ssyncadd.s32 $0xFFFFE700  }
0x89: {  	[hbm4b:s22+s3] =	stream.linear.scatter [tilespmem:s15], [sflag:$0x2], $0x1900, $0x38;
	[tilespmem:$0x1F9A0] =	vst v63  }
0x8a: {  	_ =	swait.ge [sflag:s16], $0x1900  }
0x8b: {  	[sflag:s16] =	ssyncset.done $0x0  }
.Ltmp16:
0x8c: {  	_ = 	snop;
	(pc) =	sbr.rel .LBB2_15-.Ltmp16, $1  }
0x8d: {  	_ =	sdelay $0x3  }
.LBB2_17:
0x8e: {  	_ =	sfence.sel $0x180000  }
0x8f: {  	[bflag:$0x0] =	sbarrier.arrive $0xFFFF  }
0x90: {  	p0 =	sne.s32 s1, $0x0;
	_ =	strace $0x9000004A  }
0x91: {  	s0 =	sadd.s32 @!p0 $0x100000, s0;
	[bflag:$0x2] =	sbarrier.arrive $0xFFFF  }
0x92: {  	[sflag:s0] =	ssyncadd.tile.s32 @!p0 $0x1;
	_ =	shalt  }
.Lfunc_end2:
_tile_overlayer_lowered:
.L_overlay_start_2:
0x93: {  	(tag) =	ssettag $0x2  }
0x94: {  	s0 =	rddreg [dreg:$0x0];
	s2 =	stileid.u32  }
0x95: {  	s1 =	rddreg [dreg:$0x1];
	p0 =	sne.s32 s2, $0x0  }
0x96: {  	s3 =	rddreg [dreg:$0x2];
	[bflag:$0x3] =	sbarrier.arrive $0xFFFF;
	s2 =	simm.s32 @!p0 $0x1C02  }
0x97: {  	[timem:s3], [sflag:s2] =	dma.local @!p0 [hbm:s0], s1  }
0x98: {  	s0 =	simm.s32 @!p0 $0x2  }
0x99: {  	_ =	swait.ge @!p0 [sflag:s0], s1  }
0x9a: {  	s1 =	ssub.s32 @!p0 $0x0, s1;
	[sflag:s0] =	ssyncset.done @!p0 $0x0  }
0x9b: {  	[sflag:s0] =	ssyncadd.s32 @!p0 s1  }
0x9c: {  	[bflag:$0x3] =	sbarrier.arrive $0xFFFF  }
0x9d: {  	_ =	shalt  }

// kernel: kernel.17.cloned.1.call-start
scs
__scs_entry_jumppad:
0x0: {  	(pc) =	sbr.rel $0x88, $3  }
0x1: {  	(tag) =	ssettag $0x0;
	lr =	simm.s32 $0x1  }
0x2: {  	[smem:$0x3F98] =	sst lr;
	_ =	strace $0xD0000000  }
0x3: {  	_ = 	snop  }
0x4: {  	_ = 	snop  }
0x5: {  	_ = 	snop  }
0x6: {  	_ = 	snop  }
0x7: {  	_ = 	snop  }
__scs_overlays_trampoline_lowered:
0x8: {  	[smem:$0x3FA7] =	sst s0  }
0x9: {  	[smem:$0x3FA8] =	sst s1  }
0xa: {  	[smem:$0x3FA9] =	sst s2  }
0xb: {  	[smem:$0x3FAA] =	sst s3  }
0xc: {  	[smem:$0x3FAB] =	sst s4  }
0xd: {  	[smem:$0x3FAC] =	sst s5  }
0xe: {  	[smem:$0x3FAD] =	sst s6  }
0xf: {  	[smem:$0x3FAE] =	sst s7  }
0x10: {  	[smem:$0x3FAF] =	sst s8  }
0x11: {  	[smem:$0x3FB0] =	sst s9;
	s0 =	simm.s32 @!p0 $0x0  }
0x12: {  	s1 =	sld [smem:$0x3F96];
	s0 =	simm.s32 @p0 $0x1  }
0x13: {  	[smem:$0x3FB1] =	sst s0;
	s0 =	simm.s32 @!p1 $0x0  }
0x14: {  	s2 =	sld [smem:$0x3F95];
	s0 =	simm.s32 @p1 $0x1  }
0x15: {  	[smem:$0x3FB2] =	sst s0;
	s0 =	simm.s32 @!p2 $0x0  }
0x16: {  	s3 =	sld [smem:$0x3FDB];
	s0 =	simm.s32 @p2 $0x1  }
0x17: {  	s4 =	simm.s32 $0x1BF5;
	[smem:$0x3FB4] =	sst s0  }
0x18: {  	s0 =	sld [smem:$0x3F97];
	_ =	swait.ge [sflag:s4], $0x0  }
0x19: {  	s7 =	sld [smem:$0x3F98]  }
0x1a: {  	s8 =	sadd.s32 $0xFFFFE003, lr  }
0x1b: {  	s9 =	sadd.s32 $0xFFFFFEF7, lr;
	s5 =	simm.s32 $0xFFFFFFFF;
	p2 =	slt.u32 s8, $0xFFFFF086  }
0x1c: {  	p1 =	slt.u32 s9, $0xF7A;
	s5 =	simm.s32 @!p2 $0x0  }
0x1d: {  	s5 =	simm.s32 @p1 $0x1;
	p0 =	seq.s32 s7, s2  }
0x1e: {  	s7 =	smul.u32 @!p0 $0xF7A, s2;
	p2 =	seq.s32 @!p0 s5, $0x0  }
0x1f: {  	s9 =	smul.u32 $0xF7A, s1;
	s8 =	simm.s32 @!p0 $0x1BF5;
	p2 =	por !p2, p0  }
0x20: {  	[sflag:s8] =	ssyncset.s32 @!p0 $0xFFFFF086;
	s6 =	sadd.s32 @!p0 s3, s7;
	s7 =	simm.s32 @!p0 $0x108  }
0x21: {  	s3 =	sadd.s32 s3, s9;
	s6 =	sadd.s32 @!p0 $0x88, s6;
	s7 =	simm.s32 @p2 $0x1082  }
0x22: {  	[simem:s7], [sflag:s8] =	dma.local @!p0 [hbm:s6], $0xF7A  }
0x23: {  	s9 =	sor.u32 $0xD0000000, s2;
	s6 =	simm.s32 $0x108;
	_ =	swait.ge @!p0 [sflag:s8], $0x0  }
0x24: {  	s3 =	sadd.s32 $0x88, s3;
	s6 =	simm.s32 @!p1 $0x1082;
	[sflag:s4] =	ssyncset.s32 $0xFFFFF086  }
0x25: {  	[simem:s6], [sflag:s4] =	dma.local [hbm:s3], $0xF7A  }
0x26: {  	[smem:$0x3F98] =	sst s1;
	(tag) =	ssettag s2;
	_ =	strace s9  }
0x27: {  	s1 =	sld [smem:$0x3FA8]  }
0x28: {  	s2 =	sld [smem:$0x3FA9]  }
0x29: {  	s4 =	sld [smem:$0x3FAB]  }
0x2a: {  	p0 =	seq.s32 s5, $0x0;
	s5 =	sld [smem:$0x3FAC]  }
0x2b: {  	s6 =	sld [smem:$0x3FAD]  }
0x2c: {  	s7 =	sld [smem:$0x3FAE]  }
0x2d: {  	s3 =	simm.s32 $0x108;
	s8 =	sld [smem:$0x3FAF]  }
0x2e: {  	s3 =	simm.s32 @!p0 $0x1082;
	s9 =	sld [smem:$0x3FB0]  }
0x2f: {  	lr =	sadd.s32 s0, s3;
	s0 =	sld [smem:$0x3FA7]  }
0x30: {  	s3 =	sld [smem:$0x3FAA]  }
0x31: {  	[smem:$0x3FB3] =	sst s10  }
0x32: {  	s10 =	sld [smem:$0x3FB1];
	_ =	sdelay $0x3  }
0x33: {  	p0 =	seq.s32 s10, $0x1;
	s10 =	sld [smem:$0x3FB3];
	_ =	sdelay $0x3  }
0x34: {  	[smem:$0x3FB3] =	sst s10  }
0x35: {  	s10 =	sld [smem:$0x3FB2];
	_ =	sdelay $0x3  }
0x36: {  	p1 =	seq.s32 s10, $0x1;
	s10 =	sld [smem:$0x3FB3];
	_ =	sdelay $0x3  }
0x37: {  	[smem:$0x3FB3] =	sst s10  }
0x38: {  	s10 =	sld [smem:$0x3FB4]  }
0x39: {  	_ = 	snop;
	(pc) =	sbr.ind lr, $3  }
0x3a: {  	_ = 	snop  }
0x3b: {  	_ = 	snop  }
0x3c: {  	p2 =	seq.s32 s10, $0x1;
	s10 =	sld [smem:$0x3FB3]  }
0x3d: {  	_ =	shalt  }
0x3e: {  	_ =	shalt  }
0x3f: {  	_ =	shalt  }
0x40: {  	_ =	shalt  }
0x41: {  	_ =	shalt  }
0x42: {  	_ =	shalt  }
0x43: {  	_ =	shalt  }
0x44: {  	_ =	shalt  }
0x45: {  	_ =	shalt  }
0x46: {  	_ =	shalt  }
0x47: {  	_ =	shalt  }
0x48: {  	_ =	shalt  }
0x49: {  	_ =	shalt  }
0x4a: {  	_ =	shalt  }
0x4b: {  	_ =	shalt  }
0x4c: {  	_ =	shalt  }
0x4d: {  	_ =	shalt  }
0x4e: {  	_ =	shalt  }
0x4f: {  	_ =	shalt  }
0x50: {  	_ =	shalt  }
0x51: {  	_ =	shalt  }
0x52: {  	_ =	shalt  }
0x53: {  	_ =	shalt  }
0x54: {  	_ =	shalt  }
0x55: {  	_ =	shalt  }
0x56: {  	_ =	shalt  }
0x57: {  	_ =	shalt  }
0x58: {  	_ =	shalt  }
0x59: {  	_ =	shalt  }
0x5a: {  	_ =	shalt  }
0x5b: {  	_ =	shalt  }
0x5c: {  	_ =	shalt  }
0x5d: {  	_ =	shalt  }
0x5e: {  	_ =	shalt  }
0x5f: {  	_ =	shalt  }
0x60: {  	_ =	shalt  }
0x61: {  	_ =	shalt  }
0x62: {  	_ =	shalt  }
0x63: {  	_ =	shalt  }
0x64: {  	_ =	shalt  }
0x65: {  	_ =	shalt  }
0x66: {  	_ =	shalt  }
0x67: {  	_ =	shalt  }
0x68: {  	_ =	shalt  }
0x69: {  	_ =	shalt  }
0x6a: {  	_ =	shalt  }
0x6b: {  	_ =	shalt  }
0x6c: {  	_ =	shalt  }
0x6d: {  	_ =	shalt  }
0x6e: {  	_ =	shalt  }
0x6f: {  	_ =	shalt  }
0x70: {  	_ =	shalt  }
0x71: {  	_ =	shalt  }
0x72: {  	_ =	shalt  }
0x73: {  	_ =	shalt  }
0x74: {  	_ =	shalt  }
0x75: {  	_ =	shalt  }
0x76: {  	_ =	shalt  }
0x77: {  	_ =	shalt  }
0x78: {  	_ =	shalt  }
0x79: {  	_ =	shalt  }
0x7a: {  	_ =	shalt  }
0x7b: {  	_ =	shalt  }
0x7c: {  	_ =	shalt  }
0x7d: {  	_ =	shalt  }
0x7e: {  	_ =	shalt  }
0x7f: {  	_ =	shalt  }
0x80: {  	_ =	shalt  }
0x81: {  	_ =	shalt  }
0x82: {  	_ =	shalt  }
0x83: {  	_ =	shalt  }
0x84: {  	_ =	shalt  }
0x85: {  	_ =	shalt  }
0x86: {  	_ =	shalt  }
0x87: {  	_ =	shalt  }
.Lfunc_end0:
.L_simem_size_0:
called_computation.2_lowered:
.L_overlay_start_0:
0x88: {  	s2 =	sld [smem:$0x3FD9]  }
0x89: {  	s3 =	sld [smem:$0x3FFE];
	_ =	sdelay $0x1  }
0x8a: {  	s1 =	srdreg.scid  }
0x8b: {  	s0 =	sand.u32 $0x1, s1  }
0x8c: {  	s16 =	sshll.u32 s0, $0xA;
	s2 =	sadd.s32 s3, s2  }
0x8d: {  	s2 =	sadd.s32 s2, s16  }
0x8e: {  	[smem:$0x3FBF] =	sst s2  }
0x8f: {  	_ = 	snop  }
0x90: {  	(tm) =	ssettm $0x1  }
0x91: {  	s17 =	sld [smem:$0x3FFB];
	_ =	sdelay $0x3  }
0x92: {  	_ =	strace s17  }
0x93: {  	s2 =	sld [smem:$0x3FFC];
	_ =	sdelay $0x3  }
0x94: {  	_ =	strace s2  }
0x95: {  	s2 =	sld [smem:$0x3FFD];
	_ =	sdelay $0x3  }
0x96: {  	_ =	strace s2  }
0x97: {  	_ =	strace $0x8FFFFFFF  }
0x98: {  	s18 =	sld [smem:$0x3FDB];
	_ =	sdelay $0x1  }
0x99: {  	s19 =	simm.s32 $_scs_section_size  }
0x9a: {  	s4 =	simm.s32 $_size__tile_overlayer_lowered;
	s5 =	simm.s32 $_tile_overlayer_lowered  }
0x9b: {  	s22 =	simm.s32 $0x1BFF;
	s21 =	sshll.u32 s5, $0x1;
	s2 =	sadd.s32 s19, s18  }
0x9c: {  	s6 =	simm.s32 $0x0;
	s20 =	sshll.u32 s4, $0x1;
	s4 =	sadd.s32 s21, s2  }
0x9d: {  	[timem:s6], [sflag:s22] =	dma.local [hbm:s4], s20  }
0x9e: {  	_ =	swait.ge [sflag:s22], s20  }
0x9f: {  	s3 =	ssub.s32 $0x0, s20;
	[sflag:s22] =	ssyncset.done $0x0  }
0xa0: {  	[sflag:s22] =	ssyncadd.s32 s3;
	_ =	sdelay $0x1  }
0xa1: {  	s23 =	simm.s32 $0x1B8B  }
0xa2: {  	_ =	swait.ge [sflag:s23], $0x1  }
0xa3: {  	[sflag:s23] =	ssyncset.done $0x0  }
0xa4: {  	s25 =	simm.s32 $0x1B8E;
	s24 =	sld [smem:$0x3FFE];
	[sflag:s23] =	ssyncadd.s32 $0xFFFFFFFF  }
0xa5: {  	s26 =	simm.s32 $execute0_lowered;
	[smem:$0x3FD2] =	sst s25  }
0xa6: {  	s4 =	sshll.u32 s26, $0x1;
	_ =	strace $0x8000004C;
	[dreg:$0x1] =	wrdreg $0xFFFFFFFF  }
0xa7: {  	s28 =	simm.s32 $_size_execute0_lowered;
	s2 =	sadd.s32 s2, s4;
	[dreg:$0x0] =	wrdreg $0x0  }
0xa8: {  	s4 =	sshll.u32 s28, $0x1;
	[dreg:$0x2] =	wrdreg s2  }
0xa9: {  	[dreg:$0x3] =	wrdreg s4  }
0xaa: {  	[dreg:$0x4] =	wrdreg $0xC0  }
0xab: {  	_ =	task [dreg:s6], $0x5FFFF  }
0xac: {  	[dreg:$0x1] =	wrdreg $0xFFFFFFFF  }
0xad: {  	[dreg:$0x0] =	wrdreg $0x60  }
0xae: {  	[dreg:$0x2] =	wrdreg s24  }
0xaf: {  	[dreg:$0x3] =	wrdreg $0x73000  }
0xb0: {  	[dreg:$0x4] =	wrdreg $0x9  }
0xb1: {  	_ =	task.clear_ibuf [dreg:s6], $0x5FFFF;
	_ =	strace $0x9000004C  }
0xb2: {  	s29 =	simm.s32 $0x9;
	_ =	strace $0x8000004E  }
0xb3: {  	_ =	swait.ge [sflag:s29], $0x1  }
0xb4: {  	[sflag:s29] =	ssyncadd.s32 $0xFFFFFFFF  }
0xb5: {  	_ =	strace $0x9000004E  }
0xb6: {  	_ =	sfence  }
0xb7: {  	s30 =	sld [smem:$0x0];
	_ =	sdelay $0x2  }
0xb8: {  	s31 =	sshll.u32 s1, $0xD;
	s1 =	sshrl.u32 s1, $0x2  }
0xb9: {  	s3 =	sand.u32 $0x4000, s31;
	s1 =	sadd.s32 s1, s30  }
0xba: {  	s0 =	sor.u32 s3, s0;
	s1 =	sshll.u32 s1, $0x11  }
0xbb: {  	s0 =	sor.u32 s1, s0  }
0xbc: {  	s0 =	sadd.s32 $0x8F2B, s0  }
0xbd: {  	[sflag:s0] =	ssyncadd.remote.s32 $0x1  }
0xbe: {  	_ =	sfence.sel $0xFFFF  }
0xbf: {  	[dreg:$0x0] =	wrdreg $0xFFFFFFFF;
	(pc) =	sbr.abs _section_cstart, $3  }
0xc0: {  	[dreg:$0x1] =	wrdreg $0xFFFFFFFF  }
0xc1: {  	_ =	task.clear_ibuf [dreg:s6], $0x2FFFF;
	_ =	strace $0x9FFFFFFF  }
0xc2: {  	(tm) =	ssettm $0x7FFFFFFF  }
0xc3: {  	_ =	shalt  }
tec
execute0_lowered:
.L_overlay_start_1:
0x0: {  	(tag) =	ssettag $0x1  }
0x1: {  	s6 =	rddreg [dreg:$0x0]  }
0x2: {  	s2 =	rddreg [dreg:$0x1]  }
0x3: {  	s0 =	rddreg [dreg:$0x2];
	s3 =	simm.s32 $0x0;
	s1 =	stileid.u32  }
0x4: {  	s8 =	srdreg.scid;
	s16 =	simm.s32 $0x2;
	s17 =	simm.s32 $0x500  }
0x5: {  	s18 =	simm.s32 $0xA00;
	s19 =	simm.s32 $0x1;
	s7 =	smul.u32 $0x140, s1  }
0x6: {  	s20 =	simm.s32 $0x0;
	[smem:$0x7FF] =	sst s3;
	s13 =	smul.u32 $0x320, s1  }
0x7: {  	s4 =	sadd.s32 $0x6BAA00, s6;
	s5 =	sadd.s32 $0x226C00, s6;
	s15 =	sand.u32 $0x1, s8  }
0x8: {  	s28 =	ssub.s32 $0xF9, s1;
	s9 =	smul.u32 $0x6400, s1;
	s30 =	ssub.s32 $0x4E1, s1  }
0x9: {  	_ =	strace $0x8000004D;
	s25 =	ssub.s32 $0x2, s15;
	s29 =	sshrl.u32 s28, $0x4  }
0xa: {  	s10 =	sshrl.u32 s30, $0x4;
	p0 =	sne.s32 s15, $0x0;
	s15 =	simm.s32 $0x5A00  }
.Ltmp0:
0xb: {  	s11 =	sadd.s32 s7, s6;
	s14 =	sadd.s32 s13, s6;
	(pc) =	sbr.rel .LBB2_1-.Ltmp0, $4  }
0xc: {  	s26 =	sshrl.u32 s25, $0x1;
	s31 =	sshrl.u32 s9, $0x2;
	s7 =	sadd.s32 $0x1, s29  }
0xd: {  	s9 =	sadd.s32 s13, s5;
	s10 =	sadd.s32 $0x1, s10;
	s13 =	sadd.s32 s13, s4  }
0xe: {  	s6 =	ssub.s32 s25, s26;
	s8 =	sadd.s32 s31, s2;
	s11 =	sadd.s32 $0x1C5000, s11  }
0xf: {  	s12 =	sadd.s32 $0x6EB800, s14;
	s14 =	sadd.s32 $0x71C600, s14;
	s6 =	smax.u32 s6, $0x1  }
.LBB2_15:
0x10: {  	[sflag:s16] =	ssyncadd.s32 $0xFFFFE700  }
.LBB2_16:
0x11: {  	s20 =	sadd.s32 $0x1, s20  }
0x12: {  	p1 =	sne.s32 s20, s6  }
.Ltmp1:
0x13: {  	_ = 	snop;
	(pc) =	sbr.rel @!p1 .LBB2_17-.Ltmp1, $1  }
0x14: {  	_ =	sdelay $0x3  }
.LBB2_1:
.Ltmp2:
0x15: {  	(pc) =	sbr.rel @p0 .LBB2_9-.Ltmp2, $1  }
0x16: {  	_ =	sdelay $0x3  }
0x17: {  	[tilespmem:s15], [sflag:$0x2] =	stream.linear.gather [hbm4b:s13+s3], $0x1900, $0x38;
	[tilespmem:$0x1F9A0] =	vst v63  }
0x18: {  	p1 =	seq.s32 s7, $0x1;
	_ =	swait.ge [sflag:s16], $0x1900  }
.Ltmp3:
0x19: {  	[sflag:s16] =	ssyncset.done $0x0;
	(pc) =	sbr.rel @p1 .LBB2_4-.Ltmp3, $4  }
0x1a: {  	[sflag:s16] =	ssyncadd.s32 $0xFFFFE700  }
0x1b: {  	[spmem:s8] =	stream.linear.scatter [tilespmem:s15], [sflag:$0x2], $0x1900, $0x38;
	[tilespmem:$0x1F9A0] =	vst v63  }
0x1c: {  	s21 =	sadd.s32 $0xFFFFFFFF, s7;
	_ =	swait.ge [sflag:s16], $0x1900  }
0x1d: {  	s22 =	smov.u32 s8;
	s23 =	smov.u32 s13;
	[sflag:s16] =	ssyncset.done $0x0  }
.LBB2_3:
0x1e: {  	[sflag:s16] =	ssyncadd.s32 $0xFFFFE700;
	s22 =	sadd.s32 $0x19000, s22;
	s23 =	sadd.s32 $0x3200, s23  }
0x1f: {  	[tilespmem:s15], [sflag:$0x2] =	stream.linear.gather [hbm4b:s23+s3], $0x1900, $0x38;
	[tilespmem:$0x1F9A0] =	vst v63  }
0x20: {  	p1 =	seq.s32 s21, $0x1;
	s21 =	sadd.s32 $0xFFFFFFFF, s21;
	_ =	swait.ge [sflag:s16], $0x1900  }
.Ltmp4:
0x21: {  	[sflag:s16] =	ssyncset.done $0x0;
	(pc) =	sbr.rel @!p1 .LBB2_3-.Ltmp4, $4  }
0x22: {  	[sflag:s16] =	ssyncadd.s32 $0xFFFFE700  }
0x23: {  	[spmem:s22] =	stream.linear.scatter [tilespmem:s15], [sflag:$0x2], $0x1900, $0x38;
	[tilespmem:$0x1F9A0] =	vst v63  }
0x24: {  	_ =	swait.ge [sflag:s16], $0x1900  }
0x25: {  	[sflag:s16] =	ssyncset.done $0x0  }
.LBB2_4:
0x26: {  	[sflag:s16] =	ssyncadd.s32 $0xFFFFE700  }
0x27: {  	[bflag:$0x0] =	sbarrier.arrive $0xFFFF  }
0x28: {  	[tilespmem:s3], [sflag:$0x2] =	stream.linear.gather [hbm4b:s11+s3], $0xA00, $0x38;
	[tilespmem:$0x1F9A0] =	vst v63  }
0x29: {  	_ =	swait.ge [sflag:s16], $0xA00  }
0x2a: {  	[sflag:s16] =	ssyncset.done $0x0  }
0x2b: {  	[sflag:s16] =	ssyncadd.s32 $0xFFFFF600  }
0x2c: {  	[tilespmem:s18], [sflag:$0x1] =	stream.indirect.gather [hbm4b:s4+s17], $0x10, s3, s17, $0xb8;
	[tilespmem:$0x1F9A0] =	vst v63  }
0x2d: {  	p1 =	sne.s32 s10, $0x1;
	_ =	swait.ge [sflag:s19], $0x5000  }
.Ltmp5:
0x2e: {  	[sflag:s19] =	ssyncset.done $0x0;
	(pc) =	sbr.rel @!p1 .LBB2_6-.Ltmp5, $4  }
0x2f: {  	[sflag:s19] =	ssyncadd.s32 $0xFFFFB000  }
0x30: {  	[spmem:s2] =	stream.indirect.scatter.add.f32 [tilespmem:s18], [sflag:$0x2], $0x10, s17, s17, $0xb8;
	[tilespmem:$0x1F9A0] =	vst v63  }
0x31: {  	_ =	swait.ge [sflag:s16], $0x5000  }
0x32: {  	s21 =	sadd.s32 $0xFFFFFFFF, s10;
	s22 =	smov.u32 s11;
	[sflag:s16] =	ssyncset.done $0x0  }
.LBB2_5:
0x33: {  	p1 =	sne.s32 s21, $0x1;
	[sflag:s16] =	ssyncadd.s32 $0xFFFFB000;
	s22 =	sadd.s32 $0x1400, s22  }
0x34: {  	[tilespmem:s3], [sflag:$0x2] =	stream.linear.gather [hbm4b:s22+s3], $0xA00, $0x38;
	[tilespmem:$0x1F9A0] =	vst v63  }
0x35: {  	s21 =	sadd.s32 $0xFFFFFFFF, s21;
	_ =	swait.ge [sflag:s16], $0xA00  }
0x36: {  	[sflag:s16] =	ssyncset.done $0x0  }
0x37: {  	[sflag:s16] =	ssyncadd.s32 $0xFFFFF600  }
0x38: {  	[tilespmem:s18], [sflag:$0x1] =	stream.indirect.gather [hbm4b:s4+s17], $0x10, s3, s17, $0xb8;
	[tilespmem:$0x1F9A0] =	vst v63  }
0x39: {  	_ =	swait.ge [sflag:s19], $0x5000  }
.Ltmp6:
0x3a: {  	[sflag:s19] =	ssyncset.done $0x0;
	(pc) =	sbr.rel @p1 .LBB2_5-.Ltmp6, $4  }
0x3b: {  	[sflag:s19] =	ssyncadd.s32 $0xFFFFB000  }
0x3c: {  	[spmem:s2] =	stream.indirect.scatter.add.f32 [tilespmem:s18], [sflag:$0x2], $0x10, s17, s17, $0xb8;
	[tilespmem:$0x1F9A0] =	vst v63  }
0x3d: {  	_ =	swait.ge [sflag:s16], $0x5000  }
0x3e: {  	[sflag:s16] =	ssyncset.done $0x0  }
.LBB2_6:
0x3f: {  	[sflag:s16] =	ssyncadd.s32 $0xFFFFB000  }
0x40: {  	[bflag:$0x0] =	sbarrier.arrive $0xFFFF  }
0x41: {  	[tilespmem:s15], [sflag:$0x2] =	stream.linear.gather [spmem:s8], $0x1900, $0x38;
	[tilespmem:$0x1F9A0] =	vst v63  }
0x42: {  	p1 =	seq.s32 s7, $0x1;
	_ =	swait.ge [sflag:s16], $0x1900  }
.Ltmp7:
0x43: {  	[sflag:s16] =	ssyncset.done $0x0;
	(pc) =	sbr.rel @p1 .LBB2_8-.Ltmp7, $4  }
0x44: {  	[sflag:s16] =	ssyncadd.s32 $0xFFFFE700  }
0x45: {  	[hbm4b:s14+s3] =	stream.linear.scatter [tilespmem:s15], [sflag:$0x2], $0x1900, $0x38;
	[tilespmem:$0x1F9A0] =	vst v63  }
0x46: {  	s21 =	sadd.s32 $0xFFFFFFFF, s7;
	_ =	swait.ge [sflag:s16], $0x1900  }
0x47: {  	s22 =	smov.u32 s14;
	s23 =	smov.u32 s8;
	[sflag:s16] =	ssyncset.done $0x0  }
.LBB2_7:
0x48: {  	[sflag:s16] =	ssyncadd.s32 $0xFFFFE700;
	s22 =	sadd.s32 $0x3200, s22;
	s23 =	sadd.s32 $0x19000, s23  }
0x49: {  	[tilespmem:s15], [sflag:$0x2] =	stream.linear.gather [spmem:s23], $0x1900, $0x38;
	[tilespmem:$0x1F9A0] =	vst v63  }
0x4a: {  	p1 =	seq.s32 s21, $0x1;
	s21 =	sadd.s32 $0xFFFFFFFF, s21;
	_ =	swait.ge [sflag:s16], $0x1900  }
.Ltmp8:
0x4b: {  	[sflag:s16] =	ssyncset.done $0x0;
	(pc) =	sbr.rel @!p1 .LBB2_7-.Ltmp8, $4  }
0x4c: {  	[sflag:s16] =	ssyncadd.s32 $0xFFFFE700  }
0x4d: {  	[hbm4b:s22+s3] =	stream.linear.scatter [tilespmem:s15], [sflag:$0x2], $0x1900, $0x38;
	[tilespmem:$0x1F9A0] =	vst v63  }
0x4e: {  	_ =	swait.ge [sflag:s16], $0x1900  }
0x4f: {  	[sflag:s16] =	ssyncset.done $0x0  }
.LBB2_8:
.Ltmp9:
0x50: {  	(pc) =	sbr.rel .LBB2_16-.Ltmp9, $2  }
0x51: {  	_ =	sdelay $0x2  }
0x52: {  	[sflag:s16] =	ssyncadd.s32 $0xFFFFE700  }
.LBB2_9:
0x53: {  	[tilespmem:s15], [sflag:$0x2] =	stream.linear.gather [hbm4b:s9+s3], $0x1900, $0x38;
	[tilespmem:$0x1F9A0] =	vst v63  }
0x54: {  	p1 =	sne.s32 s7, $0x1;
	_ =	swait.ge [sflag:s16], $0x1900  }
.Ltmp10:
0x55: {  	[sflag:s16] =	ssyncset.done $0x0;
	(pc) =	sbr.rel @!p1 .LBB2_11-.Ltmp10, $4  }
0x56: {  	[sflag:s16] =	ssyncadd.s32 $0xFFFFE700  }
0x57: {  	[spmem:s8] =	stream.linear.scatter [tilespmem:s15], [sflag:$0x2], $0x1900, $0x38;
	[tilespmem:$0x1F9A0] =	vst v63  }
0x58: {  	s21 =	sadd.s32 $0xFFFFFFFF, s7;
	_ =	swait.ge [sflag:s16], $0x1900  }
0x59: {  	s22 =	smov.u32 s8;
	s23 =	smov.u32 s9;
	[sflag:s16] =	ssyncset.done $0x0  }
.LBB2_10:
0x5a: {  	[sflag:s16] =	ssyncadd.s32 $0xFFFFE700;
	s22 =	sadd.s32 $0x19000, s22;
	s23 =	sadd.s32 $0x3200, s23  }
0x5b: {  	[tilespmem:s15], [sflag:$0x2] =	stream.linear.gather [hbm4b:s23+s3], $0x1900, $0x38;
	[tilespmem:$0x1F9A0] =	vst v63  }
0x5c: {  	p1 =	sne.s32 s21, $0x1;
	s21 =	sadd.s32 $0xFFFFFFFF, s21;
	_ =	swait.ge [sflag:s16], $0x1900  }
.Ltmp11:
0x5d: {  	[sflag:s16] =	ssyncset.done $0x0;
	(pc) =	sbr.rel @p1 .LBB2_10-.Ltmp11, $4  }
0x5e: {  	[sflag:s16] =	ssyncadd.s32 $0xFFFFE700  }
0x5f: {  	[spmem:s22] =	stream.linear.scatter [tilespmem:s15], [sflag:$0x2], $0x1900, $0x38;
	[tilespmem:$0x1F9A0] =	vst v63  }
0x60: {  	_ =	swait.ge [sflag:s16], $0x1900  }
0x61: {  	[sflag:s16] =	ssyncset.done $0x0  }
.LBB2_11:
0x62: {  	[sflag:s16] =	ssyncadd.s32 $0xFFFFE700  }
0x63: {  	[bflag:$0x0] =	sbarrier.arrive $0xFFFF  }
0x64: {  	[tilespmem:s3], [sflag:$0x2] =	stream.linear.gather [hbm4b:s11+s3], $0xA00, $0x38;
	[tilespmem:$0x1F9A0] =	vst v63  }
0x65: {  	_ =	swait.ge [sflag:s16], $0xA00  }
0x66: {  	[sflag:s16] =	ssyncset.done $0x0  }
0x67: {  	[sflag:s16] =	ssyncadd.s32 $0xFFFFF600  }
0x68: {  	[tilespmem:s18], [sflag:$0x1] =	stream.indirect.gather [hbm4b:s5+s17], $0x10, s3, s17, $0xb8;
	[tilespmem:$0x1F9A0] =	vst v63  }
0x69: {  	p1 =	seq.s32 s10, $0x1;
	_ =	swait.ge [sflag:s19], $0x5000  }
.Ltmp12:
0x6a: {  	[sflag:s19] =	ssyncset.done $0x0;
	(pc) =	sbr.rel @p1 .LBB2_13-.Ltmp12, $4  }
0x6b: {  	[sflag:s19] =	ssyncadd.s32 $0xFFFFB000  }
0x6c: {  	[spmem:s2] =	stream.indirect.scatter.add.f32 [tilespmem:s18], [sflag:$0x2], $0x10, s17, s17, $0xb8;
	[tilespmem:$0x1F9A0] =	vst v63  }
0x6d: {  	_ =	swait.ge [sflag:s16], $0x5000  }
0x6e: {  	s21 =	sadd.s32 $0xFFFFFFFF, s10;
	s22 =	smov.u32 s11;
	[sflag:s16] =	ssyncset.done $0x0  }
.LBB2_12:
0x6f: {  	p1 =	seq.s32 s21, $0x1;
	[sflag:s16] =	ssyncadd.s32 $0xFFFFB000;
	s22 =	sadd.s32 $0x1400, s22  }
0x70: {  	[tilespmem:s3], [sflag:$0x2] =	stream.linear.gather [hbm4b:s22+s3], $0xA00, $0x38;
	[tilespmem:$0x1F9A0] =	vst v63  }
0x71: {  	s21 =	sadd.s32 $0xFFFFFFFF, s21;
	_ =	swait.ge [sflag:s16], $0xA00  }
0x72: {  	[sflag:s16] =	ssyncset.done $0x0  }
0x73: {  	[sflag:s16] =	ssyncadd.s32 $0xFFFFF600  }
0x74: {  	[tilespmem:s18], [sflag:$0x1] =	stream.indirect.gather [hbm4b:s5+s17], $0x10, s3, s17, $0xb8;
	[tilespmem:$0x1F9A0] =	vst v63  }
0x75: {  	_ =	swait.ge [sflag:s19], $0x5000  }
.Ltmp13:
0x76: {  	[sflag:s19] =	ssyncset.done $0x0;
	(pc) =	sbr.rel @!p1 .LBB2_12-.Ltmp13, $4  }
0x77: {  	[sflag:s19] =	ssyncadd.s32 $0xFFFFB000  }
0x78: {  	[spmem:s2] =	stream.indirect.scatter.add.f32 [tilespmem:s18], [sflag:$0x2], $0x10, s17, s17, $0xb8;
	[tilespmem:$0x1F9A0] =	vst v63  }
0x79: {  	_ =	swait.ge [sflag:s16], $0x5000  }
0x7a: {  	[sflag:s16] =	ssyncset.done $0x0  }
.LBB2_13:
0x7b: {  	[sflag:s16] =	ssyncadd.s32 $0xFFFFB000  }
0x7c: {  	[bflag:$0x0] =	sbarrier.arrive $0xFFFF  }
0x7d: {  	[tilespmem:s15], [sflag:$0x2] =	stream.linear.gather [spmem:s8], $0x1900, $0x38;
	[tilespmem:$0x1F9A0] =	vst v63  }
0x7e: {  	p1 =	sne.s32 s7, $0x1;
	_ =	swait.ge [sflag:s16], $0x1900  }
.Ltmp14:
0x7f: {  	[sflag:s16] =	ssyncset.done $0x0;
	(pc) =	sbr.rel @!p1 .LBB2_15-.Ltmp14, $4  }
0x80: {  	[sflag:s16] =	ssyncadd.s32 $0xFFFFE700  }
0x81: {  	[hbm4b:s12+s3] =	stream.linear.scatter [tilespmem:s15], [sflag:$0x2], $0x1900, $0x38;
	[tilespmem:$0x1F9A0] =	vst v63  }
0x82: {  	s21 =	sadd.s32 $0xFFFFFFFF, s7;
	_ =	swait.ge [sflag:s16], $0x1900  }
0x83: {  	s22 =	smov.u32 s12;
	s23 =	smov.u32 s8;
	[sflag:s16] =	ssyncset.done $0x0  }
.LBB2_14:
0x84: {  	[sflag:s16] =	ssyncadd.s32 $0xFFFFE700;
	s22 =	sadd.s32 $0x3200, s22;
	s23 =	sadd.s32 $0x19000, s23  }
0x85: {  	[tilespmem:s15], [sflag:$0x2] =	stream.linear.gather [spmem:s23], $0x1900, $0x38;
	[tilespmem:$0x1F9A0] =	vst v63  }
0x86: {  	p1 =	sne.s32 s21, $0x1;
	s21 =	sadd.s32 $0xFFFFFFFF, s21;
	_ =	swait.ge [sflag:s16], $0x1900  }
.Ltmp15:
0x87: {  	[sflag:s16] =	ssyncset.done $0x0;
	(pc) =	sbr.rel @p1 .LBB2_14-.Ltmp15, $4  }
0x88: {  	[sflag:s16] =	ssyncadd.s32 $0xFFFFE700  }
0x89: {  	[hbm4b:s22+s3] =	stream.linear.scatter [tilespmem:s15], [sflag:$0x2], $0x1900, $0x38;
	[tilespmem:$0x1F9A0] =	vst v63  }
0x8a: {  	_ =	swait.ge [sflag:s16], $0x1900  }
0x8b: {  	[sflag:s16] =	ssyncset.done $0x0  }
.Ltmp16:
0x8c: {  	_ = 	snop;
	(pc) =	sbr.rel .LBB2_15-.Ltmp16, $1  }
0x8d: {  	_ =	sdelay $0x3  }
.LBB2_17:
0x8e: {  	_ =	sfence.sel $0x180000  }
0x8f: {  	[bflag:$0x0] =	sbarrier.arrive $0xFFFF  }
0x90: {  	p0 =	sne.s32 s1, $0x0;
	_ =	strace $0x9000004D  }
0x91: {  	s0 =	sadd.s32 @!p0 $0x100000, s0;
	[bflag:$0x2] =	sbarrier.arrive $0xFFFF  }
0x92: {  	[sflag:s0] =	ssyncadd.tile.s32 @!p0 $0x1;
	_ =	shalt  }
.Lfunc_end2:
_tile_overlayer_lowered:
.L_overlay_start_2:
0x93: {  	(tag) =	ssettag $0x2  }
0x94: {  	s0 =	rddreg [dreg:$0x0];
	s2 =	stileid.u32  }
0x95: {  	s1 =	rddreg [dreg:$0x1];
	p0 =	sne.s32 s2, $0x0  }
0x96: {  	s3 =	rddreg [dreg:$0x2];
	[bflag:$0x3] =	sbarrier.arrive $0xFFFF;
	s2 =	simm.s32 @!p0 $0x1C02  }
0x97: {  	[timem:s3], [sflag:s2] =	dma.local @!p0 [hbm:s0], s1  }
0x98: {  	s0 =	simm.s32 @!p0 $0x2  }
0x99: {  	_ =	swait.ge @!p0 [sflag:s0], s1  }
0x9a: {  	s1 =	ssub.s32 @!p0 $0x0, s1;
	[sflag:s0] =	ssyncset.done @!p0 $0x0  }
0x9b: {  	[sflag:s0] =	ssyncadd.s32 @!p0 s1  }
0x9c: {  	[bflag:$0x3] =	sbarrier.arrive $0xFFFF  }
0x9d: {  	_ =	shalt  }

// kernel: kernel.20.cloned.1.call-start
scs
__scs_entry_jumppad:
0x0: {  	(pc) =	sbr.rel $0x88, $3  }
0x1: {  	(tag) =	ssettag $0x0;
	lr =	simm.s32 $0x1  }
0x2: {  	[smem:$0x3F98] =	sst lr;
	_ =	strace $0xD0000000  }
0x3: {  	_ = 	snop  }
0x4: {  	_ = 	snop  }
0x5: {  	_ = 	snop  }
0x6: {  	_ = 	snop  }
0x7: {  	_ = 	snop  }
__scs_overlays_trampoline_lowered:
0x8: {  	[smem:$0x3FA7] =	sst s0  }
0x9: {  	[smem:$0x3FA8] =	sst s1  }
0xa: {  	[smem:$0x3FA9] =	sst s2  }
0xb: {  	[smem:$0x3FAA] =	sst s3  }
0xc: {  	[smem:$0x3FAB] =	sst s4  }
0xd: {  	[smem:$0x3FAC] =	sst s5  }
0xe: {  	[smem:$0x3FAD] =	sst s6  }
0xf: {  	[smem:$0x3FAE] =	sst s7  }
0x10: {  	[smem:$0x3FAF] =	sst s8  }
0x11: {  	[smem:$0x3FB0] =	sst s9;
	s0 =	simm.s32 @!p0 $0x0  }
0x12: {  	s1 =	sld [smem:$0x3F96];
	s0 =	simm.s32 @p0 $0x1  }
0x13: {  	[smem:$0x3FB1] =	sst s0;
	s0 =	simm.s32 @!p1 $0x0  }
0x14: {  	s2 =	sld [smem:$0x3F95];
	s0 =	simm.s32 @p1 $0x1  }
0x15: {  	[smem:$0x3FB2] =	sst s0;
	s0 =	simm.s32 @!p2 $0x0  }
0x16: {  	s3 =	sld [smem:$0x3FDB];
	s0 =	simm.s32 @p2 $0x1  }
0x17: {  	s4 =	simm.s32 $0x1BF5;
	[smem:$0x3FB4] =	sst s0  }
0x18: {  	s0 =	sld [smem:$0x3F97];
	_ =	swait.ge [sflag:s4], $0x0  }
0x19: {  	s7 =	sld [smem:$0x3F98]  }
0x1a: {  	s8 =	sadd.s32 $0xFFFFE003, lr  }
0x1b: {  	s9 =	sadd.s32 $0xFFFFFEF7, lr;
	s5 =	simm.s32 $0xFFFFFFFF;
	p2 =	slt.u32 s8, $0xFFFFF086  }
0x1c: {  	p1 =	slt.u32 s9, $0xF7A;
	s5 =	simm.s32 @!p2 $0x0  }
0x1d: {  	s5 =	simm.s32 @p1 $0x1;
	p0 =	seq.s32 s7, s2  }
0x1e: {  	s7 =	smul.u32 @!p0 $0xF7A, s2;
	p2 =	seq.s32 @!p0 s5, $0x0  }
0x1f: {  	s9 =	smul.u32 $0xF7A, s1;
	s8 =	simm.s32 @!p0 $0x1BF5;
	p2 =	por !p2, p0  }
0x20: {  	[sflag:s8] =	ssyncset.s32 @!p0 $0xFFFFF086;
	s6 =	sadd.s32 @!p0 s3, s7;
	s7 =	simm.s32 @!p0 $0x108  }
0x21: {  	s3 =	sadd.s32 s3, s9;
	s6 =	sadd.s32 @!p0 $0x88, s6;
	s7 =	simm.s32 @p2 $0x1082  }
0x22: {  	[simem:s7], [sflag:s8] =	dma.local @!p0 [hbm:s6], $0xF7A  }
0x23: {  	s9 =	sor.u32 $0xD0000000, s2;
	s6 =	simm.s32 $0x108;
	_ =	swait.ge @!p0 [sflag:s8], $0x0  }
0x24: {  	s3 =	sadd.s32 $0x88, s3;
	s6 =	simm.s32 @!p1 $0x1082;
	[sflag:s4] =	ssyncset.s32 $0xFFFFF086  }
0x25: {  	[simem:s6], [sflag:s4] =	dma.local [hbm:s3], $0xF7A  }
0x26: {  	[smem:$0x3F98] =	sst s1;
	(tag) =	ssettag s2;
	_ =	strace s9  }
0x27: {  	s1 =	sld [smem:$0x3FA8]  }
0x28: {  	s2 =	sld [smem:$0x3FA9]  }
0x29: {  	s4 =	sld [smem:$0x3FAB]  }
0x2a: {  	p0 =	seq.s32 s5, $0x0;
	s5 =	sld [smem:$0x3FAC]  }
0x2b: {  	s6 =	sld [smem:$0x3FAD]  }
0x2c: {  	s7 =	sld [smem:$0x3FAE]  }
0x2d: {  	s3 =	simm.s32 $0x108;
	s8 =	sld [smem:$0x3FAF]  }
0x2e: {  	s3 =	simm.s32 @!p0 $0x1082;
	s9 =	sld [smem:$0x3FB0]  }
0x2f: {  	lr =	sadd.s32 s0, s3;
	s0 =	sld [smem:$0x3FA7]  }
0x30: {  	s3 =	sld [smem:$0x3FAA]  }
0x31: {  	[smem:$0x3FB3] =	sst s10  }
0x32: {  	s10 =	sld [smem:$0x3FB1];
	_ =	sdelay $0x3  }
0x33: {  	p0 =	seq.s32 s10, $0x1;
	s10 =	sld [smem:$0x3FB3];
	_ =	sdelay $0x3  }
0x34: {  	[smem:$0x3FB3] =	sst s10  }
0x35: {  	s10 =	sld [smem:$0x3FB2];
	_ =	sdelay $0x3  }
0x36: {  	p1 =	seq.s32 s10, $0x1;
	s10 =	sld [smem:$0x3FB3];
	_ =	sdelay $0x3  }
0x37: {  	[smem:$0x3FB3] =	sst s10  }
0x38: {  	s10 =	sld [smem:$0x3FB4]  }
0x39: {  	_ = 	snop;
	(pc) =	sbr.ind lr, $3  }
0x3a: {  	_ = 	snop  }
0x3b: {  	_ = 	snop  }
0x3c: {  	p2 =	seq.s32 s10, $0x1;
	s10 =	sld [smem:$0x3FB3]  }
0x3d: {  	_ =	shalt  }
0x3e: {  	_ =	shalt  }
0x3f: {  	_ =	shalt  }
0x40: {  	_ =	shalt  }
0x41: {  	_ =	shalt  }
0x42: {  	_ =	shalt  }
0x43: {  	_ =	shalt  }
0x44: {  	_ =	shalt  }
0x45: {  	_ =	shalt  }
0x46: {  	_ =	shalt  }
0x47: {  	_ =	shalt  }
0x48: {  	_ =	shalt  }
0x49: {  	_ =	shalt  }
0x4a: {  	_ =	shalt  }
0x4b: {  	_ =	shalt  }
0x4c: {  	_ =	shalt  }
0x4d: {  	_ =	shalt  }
0x4e: {  	_ =	shalt  }
0x4f: {  	_ =	shalt  }
0x50: {  	_ =	shalt  }
0x51: {  	_ =	shalt  }
0x52: {  	_ =	shalt  }
0x53: {  	_ =	shalt  }
0x54: {  	_ =	shalt  }
0x55: {  	_ =	shalt  }
0x56: {  	_ =	shalt  }
0x57: {  	_ =	shalt  }
0x58: {  	_ =	shalt  }
0x59: {  	_ =	shalt  }
0x5a: {  	_ =	shalt  }
0x5b: {  	_ =	shalt  }
0x5c: {  	_ =	shalt  }
0x5d: {  	_ =	shalt  }
0x5e: {  	_ =	shalt  }
0x5f: {  	_ =	shalt  }
0x60: {  	_ =	shalt  }
0x61: {  	_ =	shalt  }
0x62: {  	_ =	shalt  }
0x63: {  	_ =	shalt  }
0x64: {  	_ =	shalt  }
0x65: {  	_ =	shalt  }
0x66: {  	_ =	shalt  }
0x67: {  	_ =	shalt  }
0x68: {  	_ =	shalt  }
0x69: {  	_ =	shalt  }
0x6a: {  	_ =	shalt  }
0x6b: {  	_ =	shalt  }
0x6c: {  	_ =	shalt  }
0x6d: {  	_ =	shalt  }
0x6e: {  	_ =	shalt  }
0x6f: {  	_ =	shalt  }
0x70: {  	_ =	shalt  }
0x71: {  	_ =	shalt  }
0x72: {  	_ =	shalt  }
0x73: {  	_ =	shalt  }
0x74: {  	_ =	shalt  }
0x75: {  	_ =	shalt  }
0x76: {  	_ =	shalt  }
0x77: {  	_ =	shalt  }
0x78: {  	_ =	shalt  }
0x79: {  	_ =	shalt  }
0x7a: {  	_ =	shalt  }
0x7b: {  	_ =	shalt  }
0x7c: {  	_ =	shalt  }
0x7d: {  	_ =	shalt  }
0x7e: {  	_ =	shalt  }
0x7f: {  	_ =	shalt  }
0x80: {  	_ =	shalt  }
0x81: {  	_ =	shalt  }
0x82: {  	_ =	shalt  }
0x83: {  	_ =	shalt  }
0x84: {  	_ =	shalt  }
0x85: {  	_ =	shalt  }
0x86: {  	_ =	shalt  }
0x87: {  	_ =	shalt  }
.Lfunc_end0:
.L_simem_size_0:
called_computation.3_lowered:
.L_overlay_start_0:
0x88: {  	s2 =	sld [smem:$0x3FD9]  }
0x89: {  	s3 =	sld [smem:$0x3FFE];
	_ =	sdelay $0x1  }
0x8a: {  	s1 =	srdreg.scid  }
0x8b: {  	s0 =	sand.u32 $0x1, s1  }
0x8c: {  	s16 =	sshll.u32 s0, $0xA;
	s2 =	sadd.s32 s3, s2  }
0x8d: {  	s2 =	sadd.s32 s2, s16  }
0x8e: {  	[smem:$0x3FBF] =	sst s2  }
0x8f: {  	_ = 	snop  }
0x90: {  	(tm) =	ssettm $0x1  }
0x91: {  	s17 =	sld [smem:$0x3FFB];
	_ =	sdelay $0x3  }
0x92: {  	_ =	strace s17  }
0x93: {  	s2 =	sld [smem:$0x3FFC];
	_ =	sdelay $0x3  }
0x94: {  	_ =	strace s2  }
0x95: {  	s2 =	sld [smem:$0x3FFD];
	_ =	sdelay $0x3  }
0x96: {  	_ =	strace s2  }
0x97: {  	_ =	strace $0x8FFFFFFF  }
0x98: {  	s18 =	sld [smem:$0x3FDB];
	_ =	sdelay $0x1  }
0x99: {  	s19 =	simm.s32 $_scs_section_size  }
0x9a: {  	s4 =	simm.s32 $_size__tile_overlayer_lowered;
	s5 =	simm.s32 $_tile_overlayer_lowered  }
0x9b: {  	s22 =	simm.s32 $0x1BFF;
	s21 =	sshll.u32 s5, $0x1;
	s2 =	sadd.s32 s19, s18  }
0x9c: {  	s6 =	simm.s32 $0x0;
	s20 =	sshll.u32 s4, $0x1;
	s4 =	sadd.s32 s21, s2  }
0x9d: {  	[timem:s6], [sflag:s22] =	dma.local [hbm:s4], s20  }
0x9e: {  	_ =	swait.ge [sflag:s22], s20  }
0x9f: {  	s3 =	ssub.s32 $0x0, s20;
	[sflag:s22] =	ssyncset.done $0x0  }
0xa0: {  	[sflag:s22] =	ssyncadd.s32 s3;
	_ =	sdelay $0x1  }
0xa1: {  	s23 =	simm.s32 $0x1B8B  }
0xa2: {  	_ =	swait.ge [sflag:s23], $0x1  }
0xa3: {  	[sflag:s23] =	ssyncset.done $0x0  }
0xa4: {  	s25 =	simm.s32 $0x1B8E;
	s24 =	sld [smem:$0x3FFE];
	[sflag:s23] =	ssyncadd.s32 $0xFFFFFFFF  }
0xa5: {  	s26 =	simm.s32 $execute0_lowered;
	[smem:$0x3FD2] =	sst s25  }
0xa6: {  	s4 =	sshll.u32 s26, $0x1;
	_ =	strace $0x8000004F;
	[dreg:$0x1] =	wrdreg $0xFFFFFFFF  }
0xa7: {  	s28 =	simm.s32 $_size_execute0_lowered;
	s2 =	sadd.s32 s2, s4;
	[dreg:$0x0] =	wrdreg $0x0  }
0xa8: {  	s4 =	sshll.u32 s28, $0x1;
	[dreg:$0x2] =	wrdreg s2  }
0xa9: {  	[dreg:$0x3] =	wrdreg s4  }
0xaa: {  	[dreg:$0x4] =	wrdreg $0xC0  }
0xab: {  	_ =	task [dreg:s6], $0x5FFFF  }
0xac: {  	[dreg:$0x1] =	wrdreg $0xFFFFFFFF  }
0xad: {  	[dreg:$0x0] =	wrdreg $0x60  }
0xae: {  	[dreg:$0x2] =	wrdreg s24  }
0xaf: {  	[dreg:$0x3] =	wrdreg $0x73000  }
0xb0: {  	[dreg:$0x4] =	wrdreg $0x9  }
0xb1: {  	_ =	task.clear_ibuf [dreg:s6], $0x5FFFF;
	_ =	strace $0x9000004F  }
0xb2: {  	s29 =	simm.s32 $0x9;
	_ =	strace $0x80000051  }
0xb3: {  	_ =	swait.ge [sflag:s29], $0x1  }
0xb4: {  	[sflag:s29] =	ssyncadd.s32 $0xFFFFFFFF  }
0xb5: {  	_ =	strace $0x90000051  }
0xb6: {  	_ =	sfence  }
0xb7: {  	s30 =	sld [smem:$0x0];
	_ =	sdelay $0x2  }
0xb8: {  	s31 =	sshll.u32 s1, $0xD;
	s1 =	sshrl.u32 s1, $0x2  }
0xb9: {  	s3 =	sand.u32 $0x4000, s31;
	s1 =	sadd.s32 s1, s30  }
0xba: {  	s0 =	sor.u32 s3, s0;
	s1 =	sshll.u32 s1, $0x11  }
0xbb: {  	s0 =	sor.u32 s1, s0  }
0xbc: {  	s0 =	sadd.s32 $0x8F2B, s0  }
0xbd: {  	[sflag:s0] =	ssyncadd.remote.s32 $0x1  }
0xbe: {  	_ =	sfence.sel $0xFFFF  }
0xbf: {  	[dreg:$0x0] =	wrdreg $0xFFFFFFFF;
	(pc) =	sbr.abs _section_cstart, $3  }
0xc0: {  	[dreg:$0x1] =	wrdreg $0xFFFFFFFF  }
0xc1: {  	_ =	task.clear_ibuf [dreg:s6], $0x2FFFF;
	_ =	strace $0x9FFFFFFF  }
0xc2: {  	(tm) =	ssettm $0x7FFFFFFF  }
0xc3: {  	_ =	shalt  }
tec
execute0_lowered:
.L_overlay_start_1:
0x0: {  	(tag) =	ssettag $0x1  }
0x1: {  	s6 =	rddreg [dreg:$0x0]  }
0x2: {  	s2 =	rddreg [dreg:$0x1]  }
0x3: {  	s0 =	rddreg [dreg:$0x2];
	s3 =	simm.s32 $0x0;
	s1 =	stileid.u32  }
0x4: {  	s8 =	srdreg.scid;
	s16 =	simm.s32 $0x2;
	s17 =	simm.s32 $0x500  }
0x5: {  	s18 =	simm.s32 $0xA00;
	s19 =	simm.s32 $0x1;
	s7 =	smul.u32 $0x140, s1  }
0x6: {  	s20 =	simm.s32 $0x0;
	[smem:$0x7FF] =	sst s3;
	s13 =	smul.u32 $0x320, s1  }
0x7: {  	s4 =	sadd.s32 $0x6BAA00, s6;
	s5 =	sadd.s32 $0x226C00, s6;
	s15 =	sand.u32 $0x1, s8  }
0x8: {  	s28 =	ssub.s32 $0xF9, s1;
	s9 =	smul.u32 $0x6400, s1;
	s30 =	ssub.s32 $0x4E1, s1  }
0x9: {  	_ =	strace $0x80000050;
	s25 =	ssub.s32 $0x2, s15;
	s29 =	sshrl.u32 s28, $0x4  }
0xa: {  	s10 =	sshrl.u32 s30, $0x4;
	p0 =	sne.s32 s15, $0x0;
	s15 =	simm.s32 $0x5A00  }
.Ltmp0:
0xb: {  	s11 =	sadd.s32 s7, s6;
	s14 =	sadd.s32 s13, s6;
	(pc) =	sbr.rel .LBB2_1-.Ltmp0, $4  }
0xc: {  	s26 =	sshrl.u32 s25, $0x1;
	s31 =	sshrl.u32 s9, $0x2;
	s7 =	sadd.s32 $0x1, s29  }
0xd: {  	s9 =	sadd.s32 s13, s5;
	s10 =	sadd.s32 $0x1, s10;
	s13 =	sadd.s32 s13, s4  }
0xe: {  	s6 =	ssub.s32 s25, s26;
	s8 =	sadd.s32 s31, s2;
	s11 =	sadd.s32 $0x1C5000, s11  }
0xf: {  	s12 =	sadd.s32 $0x6EB800, s14;
	s14 =	sadd.s32 $0x71C600, s14;
	s6 =	smax.u32 s6, $0x1  }
.LBB2_15:
0x10: {  	[sflag:s16] =	ssyncadd.s32 $0xFFFFE700  }
.LBB2_16:
0x11: {  	s20 =	sadd.s32 $0x1, s20  }
0x12: {  	p1 =	sne.s32 s20, s6  }
.Ltmp1:
0x13: {  	_ = 	snop;
	(pc) =	sbr.rel @!p1 .LBB2_17-.Ltmp1, $1  }
0x14: {  	_ =	sdelay $0x3  }
.LBB2_1:
.Ltmp2:
0x15: {  	(pc) =	sbr.rel @p0 .LBB2_9-.Ltmp2, $1  }
0x16: {  	_ =	sdelay $0x3  }
0x17: {  	[tilespmem:s15], [sflag:$0x2] =	stream.linear.gather [hbm4b:s13+s3], $0x1900, $0x38;
	[tilespmem:$0x1F9A0] =	vst v63  }
0x18: {  	p1 =	seq.s32 s7, $0x1;
	_ =	swait.ge [sflag:s16], $0x1900  }
.Ltmp3:
0x19: {  	[sflag:s16] =	ssyncset.done $0x0;
	(pc) =	sbr.rel @p1 .LBB2_4-.Ltmp3, $4  }
0x1a: {  	[sflag:s16] =	ssyncadd.s32 $0xFFFFE700  }
0x1b: {  	[spmem:s8] =	stream.linear.scatter [tilespmem:s15], [sflag:$0x2], $0x1900, $0x38;
	[tilespmem:$0x1F9A0] =	vst v63  }
0x1c: {  	s21 =	sadd.s32 $0xFFFFFFFF, s7;
	_ =	swait.ge [sflag:s16], $0x1900  }
0x1d: {  	s22 =	smov.u32 s8;
	s23 =	smov.u32 s13;
	[sflag:s16] =	ssyncset.done $0x0  }
.LBB2_3:
0x1e: {  	[sflag:s16] =	ssyncadd.s32 $0xFFFFE700;
	s22 =	sadd.s32 $0x19000, s22;
	s23 =	sadd.s32 $0x3200, s23  }
0x1f: {  	[tilespmem:s15], [sflag:$0x2] =	stream.linear.gather [hbm4b:s23+s3], $0x1900, $0x38;
	[tilespmem:$0x1F9A0] =	vst v63  }
0x20: {  	p1 =	seq.s32 s21, $0x1;
	s21 =	sadd.s32 $0xFFFFFFFF, s21;
	_ =	swait.ge [sflag:s16], $0x1900  }
.Ltmp4:
0x21: {  	[sflag:s16] =	ssyncset.done $0x0;
	(pc) =	sbr.rel @!p1 .LBB2_3-.Ltmp4, $4  }
0x22: {  	[sflag:s16] =	ssyncadd.s32 $0xFFFFE700  }
0x23: {  	[spmem:s22] =	stream.linear.scatter [tilespmem:s15], [sflag:$0x2], $0x1900, $0x38;
	[tilespmem:$0x1F9A0] =	vst v63  }
0x24: {  	_ =	swait.ge [sflag:s16], $0x1900  }
0x25: {  	[sflag:s16] =	ssyncset.done $0x0  }
.LBB2_4:
0x26: {  	[sflag:s16] =	ssyncadd.s32 $0xFFFFE700  }
0x27: {  	[bflag:$0x0] =	sbarrier.arrive $0xFFFF  }
0x28: {  	[tilespmem:s3], [sflag:$0x2] =	stream.linear.gather [hbm4b:s11+s3], $0xA00, $0x38;
	[tilespmem:$0x1F9A0] =	vst v63  }
0x29: {  	_ =	swait.ge [sflag:s16], $0xA00  }
0x2a: {  	[sflag:s16] =	ssyncset.done $0x0  }
0x2b: {  	[sflag:s16] =	ssyncadd.s32 $0xFFFFF600  }
0x2c: {  	[tilespmem:s18], [sflag:$0x1] =	stream.indirect.gather [hbm4b:s4+s17], $0x10, s3, s17, $0xb8;
	[tilespmem:$0x1F9A0] =	vst v63  }
0x2d: {  	p1 =	sne.s32 s10, $0x1;
	_ =	swait.ge [sflag:s19], $0x5000  }
.Ltmp5:
0x2e: {  	[sflag:s19] =	ssyncset.done $0x0;
	(pc) =	sbr.rel @!p1 .LBB2_6-.Ltmp5, $4  }
0x2f: {  	[sflag:s19] =	ssyncadd.s32 $0xFFFFB000  }
0x30: {  	[spmem:s2] =	stream.indirect.scatter.add.f32 [tilespmem:s18], [sflag:$0x2], $0x10, s17, s17, $0xb8;
	[tilespmem:$0x1F9A0] =	vst v63  }
0x31: {  	_ =	swait.ge [sflag:s16], $0x5000  }
0x32: {  	s21 =	sadd.s32 $0xFFFFFFFF, s10;
	s22 =	smov.u32 s11;
	[sflag:s16] =	ssyncset.done $0x0  }
.LBB2_5:
0x33: {  	p1 =	sne.s32 s21, $0x1;
	[sflag:s16] =	ssyncadd.s32 $0xFFFFB000;
	s22 =	sadd.s32 $0x1400, s22  }
0x34: {  	[tilespmem:s3], [sflag:$0x2] =	stream.linear.gather [hbm4b:s22+s3], $0xA00, $0x38;
	[tilespmem:$0x1F9A0] =	vst v63  }
0x35: {  	s21 =	sadd.s32 $0xFFFFFFFF, s21;
	_ =	swait.ge [sflag:s16], $0xA00  }
0x36: {  	[sflag:s16] =	ssyncset.done $0x0  }
0x37: {  	[sflag:s16] =	ssyncadd.s32 $0xFFFFF600  }
0x38: {  	[tilespmem:s18], [sflag:$0x1] =	stream.indirect.gather [hbm4b:s4+s17], $0x10, s3, s17, $0xb8;
	[tilespmem:$0x1F9A0] =	vst v63  }
0x39: {  	_ =	swait.ge [sflag:s19], $0x5000  }
.Ltmp6:
0x3a: {  	[sflag:s19] =	ssyncset.done $0x0;
	(pc) =	sbr.rel @p1 .LBB2_5-.Ltmp6, $4  }
0x3b: {  	[sflag:s19] =	ssyncadd.s32 $0xFFFFB000  }
0x3c: {  	[spmem:s2] =	stream.indirect.scatter.add.f32 [tilespmem:s18], [sflag:$0x2], $0x10, s17, s17, $0xb8;
	[tilespmem:$0x1F9A0] =	vst v63  }
0x3d: {  	_ =	swait.ge [sflag:s16], $0x5000  }
0x3e: {  	[sflag:s16] =	ssyncset.done $0x0  }
.LBB2_6:
0x3f: {  	[sflag:s16] =	ssyncadd.s32 $0xFFFFB000  }
0x40: {  	[bflag:$0x0] =	sbarrier.arrive $0xFFFF  }
0x41: {  	[tilespmem:s15], [sflag:$0x2] =	stream.linear.gather [spmem:s8], $0x1900, $0x38;
	[tilespmem:$0x1F9A0] =	vst v63  }
0x42: {  	p1 =	seq.s32 s7, $0x1;
	_ =	swait.ge [sflag:s16], $0x1900  }
.Ltmp7:
0x43: {  	[sflag:s16] =	ssyncset.done $0x0;
	(pc) =	sbr.rel @p1 .LBB2_8-.Ltmp7, $4  }
0x44: {  	[sflag:s16] =	ssyncadd.s32 $0xFFFFE700  }
0x45: {  	[hbm4b:s14+s3] =	stream.linear.scatter [tilespmem:s15], [sflag:$0x2], $0x1900, $0x38;
	[tilespmem:$0x1F9A0] =	vst v63  }
0x46: {  	s21 =	sadd.s32 $0xFFFFFFFF, s7;
	_ =	swait.ge [sflag:s16], $0x1900  }
0x47: {  	s22 =	smov.u32 s14;
	s23 =	smov.u32 s8;
	[sflag:s16] =	ssyncset.done $0x0  }
.LBB2_7:
0x48: {  	[sflag:s16] =	ssyncadd.s32 $0xFFFFE700;
	s22 =	sadd.s32 $0x3200, s22;
	s23 =	sadd.s32 $0x19000, s23  }
0x49: {  	[tilespmem:s15], [sflag:$0x2] =	stream.linear.gather [spmem:s23], $0x1900, $0x38;
	[tilespmem:$0x1F9A0] =	vst v63  }
0x4a: {  	p1 =	seq.s32 s21, $0x1;
	s21 =	sadd.s32 $0xFFFFFFFF, s21;
	_ =	swait.ge [sflag:s16], $0x1900  }
.Ltmp8:
0x4b: {  	[sflag:s16] =	ssyncset.done $0x0;
	(pc) =	sbr.rel @!p1 .LBB2_7-.Ltmp8, $4  }
0x4c: {  	[sflag:s16] =	ssyncadd.s32 $0xFFFFE700  }
0x4d: {  	[hbm4b:s22+s3] =	stream.linear.scatter [tilespmem:s15], [sflag:$0x2], $0x1900, $0x38;
	[tilespmem:$0x1F9A0] =	vst v63  }
0x4e: {  	_ =	swait.ge [sflag:s16], $0x1900  }
0x4f: {  	[sflag:s16] =	ssyncset.done $0x0  }
.LBB2_8:
.Ltmp9:
0x50: {  	(pc) =	sbr.rel .LBB2_16-.Ltmp9, $2  }
0x51: {  	_ =	sdelay $0x2  }
0x52: {  	[sflag:s16] =	ssyncadd.s32 $0xFFFFE700  }
.LBB2_9:
0x53: {  	[tilespmem:s15], [sflag:$0x2] =	stream.linear.gather [hbm4b:s9+s3], $0x1900, $0x38;
	[tilespmem:$0x1F9A0] =	vst v63  }
0x54: {  	p1 =	sne.s32 s7, $0x1;
	_ =	swait.ge [sflag:s16], $0x1900  }
.Ltmp10:
0x55: {  	[sflag:s16] =	ssyncset.done $0x0;
	(pc) =	sbr.rel @!p1 .LBB2_11-.Ltmp10, $4  }
0x56: {  	[sflag:s16] =	ssyncadd.s32 $0xFFFFE700  }
0x57: {  	[spmem:s8] =	stream.linear.scatter [tilespmem:s15], [sflag:$0x2], $0x1900, $0x38;
	[tilespmem:$0x1F9A0] =	vst v63  }
0x58: {  	s21 =	sadd.s32 $0xFFFFFFFF, s7;
	_ =	swait.ge [sflag:s16], $0x1900  }
0x59: {  	s22 =	smov.u32 s8;
	s23 =	smov.u32 s9;
	[sflag:s16] =	ssyncset.done $0x0  }
.LBB2_10:
0x5a: {  	[sflag:s16] =	ssyncadd.s32 $0xFFFFE700;
	s22 =	sadd.s32 $0x19000, s22;
	s23 =	sadd.s32 $0x3200, s23  }
0x5b: {  	[tilespmem:s15], [sflag:$0x2] =	stream.linear.gather [hbm4b:s23+s3], $0x1900, $0x38;
	[tilespmem:$0x1F9A0] =	vst v63  }
0x5c: {  	p1 =	sne.s32 s21, $0x1;
	s21 =	sadd.s32 $0xFFFFFFFF, s21;
	_ =	swait.ge [sflag:s16], $0x1900  }
.Ltmp11:
0x5d: {  	[sflag:s16] =	ssyncset.done $0x0;
	(pc) =	sbr.rel @p1 .LBB2_10-.Ltmp11, $4  }
0x5e: {  	[sflag:s16] =	ssyncadd.s32 $0xFFFFE700  }
0x5f: {  	[spmem:s22] =	stream.linear.scatter [tilespmem:s15], [sflag:$0x2], $0x1900, $0x38;
	[tilespmem:$0x1F9A0] =	vst v63  }
0x60: {  	_ =	swait.ge [sflag:s16], $0x1900  }
0x61: {  	[sflag:s16] =	ssyncset.done $0x0  }
.LBB2_11:
0x62: {  	[sflag:s16] =	ssyncadd.s32 $0xFFFFE700  }
0x63: {  	[bflag:$0x0] =	sbarrier.arrive $0xFFFF  }
0x64: {  	[tilespmem:s3], [sflag:$0x2] =	stream.linear.gather [hbm4b:s11+s3], $0xA00, $0x38;
	[tilespmem:$0x1F9A0] =	vst v63  }
0x65: {  	_ =	swait.ge [sflag:s16], $0xA00  }
0x66: {  	[sflag:s16] =	ssyncset.done $0x0  }
0x67: {  	[sflag:s16] =	ssyncadd.s32 $0xFFFFF600  }
0x68: {  	[tilespmem:s18], [sflag:$0x1] =	stream.indirect.gather [hbm4b:s5+s17], $0x10, s3, s17, $0xb8;
	[tilespmem:$0x1F9A0] =	vst v63  }
0x69: {  	p1 =	seq.s32 s10, $0x1;
	_ =	swait.ge [sflag:s19], $0x5000  }
.Ltmp12:
0x6a: {  	[sflag:s19] =	ssyncset.done $0x0;
	(pc) =	sbr.rel @p1 .LBB2_13-.Ltmp12, $4  }
0x6b: {  	[sflag:s19] =	ssyncadd.s32 $0xFFFFB000  }
0x6c: {  	[spmem:s2] =	stream.indirect.scatter.add.f32 [tilespmem:s18], [sflag:$0x2], $0x10, s17, s17, $0xb8;
	[tilespmem:$0x1F9A0] =	vst v63  }
0x6d: {  	_ =	swait.ge [sflag:s16], $0x5000  }
0x6e: {  	s21 =	sadd.s32 $0xFFFFFFFF, s10;
	s22 =	smov.u32 s11;
	[sflag:s16] =	ssyncset.done $0x0  }
.LBB2_12:
0x6f: {  	p1 =	seq.s32 s21, $0x1;
	[sflag:s16] =	ssyncadd.s32 $0xFFFFB000;
	s22 =	sadd.s32 $0x1400, s22  }
0x70: {  	[tilespmem:s3], [sflag:$0x2] =	stream.linear.gather [hbm4b:s22+s3], $0xA00, $0x38;
	[tilespmem:$0x1F9A0] =	vst v63  }
0x71: {  	s21 =	sadd.s32 $0xFFFFFFFF, s21;
	_ =	swait.ge [sflag:s16], $0xA00  }
0x72: {  	[sflag:s16] =	ssyncset.done $0x0  }
0x73: {  	[sflag:s16] =	ssyncadd.s32 $0xFFFFF600  }
0x74: {  	[tilespmem:s18], [sflag:$0x1] =	stream.indirect.gather [hbm4b:s5+s17], $0x10, s3, s17, $0xb8;
	[tilespmem:$0x1F9A0] =	vst v63  }
0x75: {  	_ =	swait.ge [sflag:s19], $0x5000  }
.Ltmp13:
0x76: {  	[sflag:s19] =	ssyncset.done $0x0;
	(pc) =	sbr.rel @!p1 .LBB2_12-.Ltmp13, $4  }
0x77: {  	[sflag:s19] =	ssyncadd.s32 $0xFFFFB000  }
0x78: {  	[spmem:s2] =	stream.indirect.scatter.add.f32 [tilespmem:s18], [sflag:$0x2], $0x10, s17, s17, $0xb8;
	[tilespmem:$0x1F9A0] =	vst v63  }
0x79: {  	_ =	swait.ge [sflag:s16], $0x5000  }
0x7a: {  	[sflag:s16] =	ssyncset.done $0x0  }
.LBB2_13:
0x7b: {  	[sflag:s16] =	ssyncadd.s32 $0xFFFFB000  }
0x7c: {  	[bflag:$0x0] =	sbarrier.arrive $0xFFFF  }
0x7d: {  	[tilespmem:s15], [sflag:$0x2] =	stream.linear.gather [spmem:s8], $0x1900, $0x38;
	[tilespmem:$0x1F9A0] =	vst v63  }
0x7e: {  	p1 =	sne.s32 s7, $0x1;
	_ =	swait.ge [sflag:s16], $0x1900  }
.Ltmp14:
0x7f: {  	[sflag:s16] =	ssyncset.done $0x0;
	(pc) =	sbr.rel @!p1 .LBB2_15-.Ltmp14, $4  }
0x80: {  	[sflag:s16] =	ssyncadd.s32 $0xFFFFE700  }
0x81: {  	[hbm4b:s12+s3] =	stream.linear.scatter [tilespmem:s15], [sflag:$0x2], $0x1900, $0x38;
	[tilespmem:$0x1F9A0] =	vst v63  }
0x82: {  	s21 =	sadd.s32 $0xFFFFFFFF, s7;
	_ =	swait.ge [sflag:s16], $0x1900  }
0x83: {  	s22 =	smov.u32 s12;
	s23 =	smov.u32 s8;
	[sflag:s16] =	ssyncset.done $0x0  }
.LBB2_14:
0x84: {  	[sflag:s16] =	ssyncadd.s32 $0xFFFFE700;
	s22 =	sadd.s32 $0x3200, s22;
	s23 =	sadd.s32 $0x19000, s23  }
0x85: {  	[tilespmem:s15], [sflag:$0x2] =	stream.linear.gather [spmem:s23], $0x1900, $0x38;
	[tilespmem:$0x1F9A0] =	vst v63  }
0x86: {  	p1 =	sne.s32 s21, $0x1;
	s21 =	sadd.s32 $0xFFFFFFFF, s21;
	_ =	swait.ge [sflag:s16], $0x1900  }
.Ltmp15:
0x87: {  	[sflag:s16] =	ssyncset.done $0x0;
	(pc) =	sbr.rel @p1 .LBB2_14-.Ltmp15, $4  }
0x88: {  	[sflag:s16] =	ssyncadd.s32 $0xFFFFE700  }
0x89: {  	[hbm4b:s22+s3] =	stream.linear.scatter [tilespmem:s15], [sflag:$0x2], $0x1900, $0x38;
	[tilespmem:$0x1F9A0] =	vst v63  }
0x8a: {  	_ =	swait.ge [sflag:s16], $0x1900  }
0x8b: {  	[sflag:s16] =	ssyncset.done $0x0  }
.Ltmp16:
0x8c: {  	_ = 	snop;
	(pc) =	sbr.rel .LBB2_15-.Ltmp16, $1  }
0x8d: {  	_ =	sdelay $0x3  }
.LBB2_17:
0x8e: {  	_ =	sfence.sel $0x180000  }
0x8f: {  	[bflag:$0x0] =	sbarrier.arrive $0xFFFF  }
0x90: {  	p0 =	sne.s32 s1, $0x0;
	_ =	strace $0x90000050  }
0x91: {  	s0 =	sadd.s32 @!p0 $0x100000, s0;
	[bflag:$0x2] =	sbarrier.arrive $0xFFFF  }
0x92: {  	[sflag:s0] =	ssyncadd.tile.s32 @!p0 $0x1;
	_ =	shalt  }
.Lfunc_end2:
_tile_overlayer_lowered:
.L_overlay_start_2:
0x93: {  	(tag) =	ssettag $0x2  }
0x94: {  	s0 =	rddreg [dreg:$0x0];
	s2 =	stileid.u32  }
0x95: {  	s1 =	rddreg [dreg:$0x1];
	p0 =	sne.s32 s2, $0x0  }
0x96: {  	s3 =	rddreg [dreg:$0x2];
	[bflag:$0x3] =	sbarrier.arrive $0xFFFF;
	s2 =	simm.s32 @!p0 $0x1C02  }
0x97: {  	[timem:s3], [sflag:s2] =	dma.local @!p0 [hbm:s0], s1  }
0x98: {  	s0 =	simm.s32 @!p0 $0x2  }
0x99: {  	_ =	swait.ge @!p0 [sflag:s0], s1  }
0x9a: {  	s1 =	ssub.s32 @!p0 $0x0, s1;
	[sflag:s0] =	ssyncset.done @!p0 $0x0  }
0x9b: {  	[sflag:s0] =	ssyncadd.s32 @!p0 s1  }
0x9c: {  	[bflag:$0x3] =	sbarrier.arrive $0xFFFF  }
0x9d: {  	_ =	shalt  }

// kernel: kernel.23.cloned.1.call-start
scs
__scs_entry_jumppad:
0x0: {  	(pc) =	sbr.rel $0x88, $3  }
0x1: {  	(tag) =	ssettag $0x0;
	lr =	simm.s32 $0x1  }
0x2: {  	[smem:$0x3F98] =	sst lr;
	_ =	strace $0xD0000000  }
0x3: {  	_ = 	snop  }
0x4: {  	_ = 	snop  }
0x5: {  	_ = 	snop  }
0x6: {  	_ = 	snop  }
0x7: {  	_ = 	snop  }
__scs_overlays_trampoline_lowered:
0x8: {  	[smem:$0x3FA7] =	sst s0  }
0x9: {  	[smem:$0x3FA8] =	sst s1  }
0xa: {  	[smem:$0x3FA9] =	sst s2  }
0xb: {  	[smem:$0x3FAA] =	sst s3  }
0xc: {  	[smem:$0x3FAB] =	sst s4  }
0xd: {  	[smem:$0x3FAC] =	sst s5  }
0xe: {  	[smem:$0x3FAD] =	sst s6  }
0xf: {  	[smem:$0x3FAE] =	sst s7  }
0x10: {  	[smem:$0x3FAF] =	sst s8  }
0x11: {  	[smem:$0x3FB0] =	sst s9;
	s0 =	simm.s32 @!p0 $0x0  }
0x12: {  	s1 =	sld [smem:$0x3F96];
	s0 =	simm.s32 @p0 $0x1  }
0x13: {  	[smem:$0x3FB1] =	sst s0;
	s0 =	simm.s32 @!p1 $0x0  }
0x14: {  	s2 =	sld [smem:$0x3F95];
	s0 =	simm.s32 @p1 $0x1  }
0x15: {  	[smem:$0x3FB2] =	sst s0;
	s0 =	simm.s32 @!p2 $0x0  }
0x16: {  	s3 =	sld [smem:$0x3FDB];
	s0 =	simm.s32 @p2 $0x1  }
0x17: {  	s4 =	simm.s32 $0x1BF5;
	[smem:$0x3FB4] =	sst s0  }
0x18: {  	s0 =	sld [smem:$0x3F97];
	_ =	swait.ge [sflag:s4], $0x0  }
0x19: {  	s7 =	sld [smem:$0x3F98]  }
0x1a: {  	s8 =	sadd.s32 $0xFFFFE003, lr  }
0x1b: {  	s9 =	sadd.s32 $0xFFFFFEF7, lr;
	s5 =	simm.s32 $0xFFFFFFFF;
	p2 =	slt.u32 s8, $0xFFFFF086  }
0x1c: {  	p1 =	slt.u32 s9, $0xF7A;
	s5 =	simm.s32 @!p2 $0x0  }
0x1d: {  	s5 =	simm.s32 @p1 $0x1;
	p0 =	seq.s32 s7, s2  }
0x1e: {  	s7 =	smul.u32 @!p0 $0xF7A, s2;
	p2 =	seq.s32 @!p0 s5, $0x0  }
0x1f: {  	s9 =	smul.u32 $0xF7A, s1;
	s8 =	simm.s32 @!p0 $0x1BF5;
	p2 =	por !p2, p0  }
0x20: {  	[sflag:s8] =	ssyncset.s32 @!p0 $0xFFFFF086;
	s6 =	sadd.s32 @!p0 s3, s7;
	s7 =	simm.s32 @!p0 $0x108  }
0x21: {  	s3 =	sadd.s32 s3, s9;
	s6 =	sadd.s32 @!p0 $0x88, s6;
	s7 =	simm.s32 @p2 $0x1082  }
0x22: {  	[simem:s7], [sflag:s8] =	dma.local @!p0 [hbm:s6], $0xF7A  }
0x23: {  	s9 =	sor.u32 $0xD0000000, s2;
	s6 =	simm.s32 $0x108;
	_ =	swait.ge @!p0 [sflag:s8], $0x0  }
0x24: {  	s3 =	sadd.s32 $0x88, s3;
	s6 =	simm.s32 @!p1 $0x1082;
	[sflag:s4] =	ssyncset.s32 $0xFFFFF086  }
0x25: {  	[simem:s6], [sflag:s4] =	dma.local [hbm:s3], $0xF7A  }
0x26: {  	[smem:$0x3F98] =	sst s1;
	(tag) =	ssettag s2;
	_ =	strace s9  }
0x27: {  	s1 =	sld [smem:$0x3FA8]  }
0x28: {  	s2 =	sld [smem:$0x3FA9]  }
0x29: {  	s4 =	sld [smem:$0x3FAB]  }
0x2a: {  	p0 =	seq.s32 s5, $0x0;
	s5 =	sld [smem:$0x3FAC]  }
0x2b: {  	s6 =	sld [smem:$0x3FAD]  }
0x2c: {  	s7 =	sld [smem:$0x3FAE]  }
0x2d: {  	s3 =	simm.s32 $0x108;
	s8 =	sld [smem:$0x3FAF]  }
0x2e: {  	s3 =	simm.s32 @!p0 $0x1082;
	s9 =	sld [smem:$0x3FB0]  }
0x2f: {  	lr =	sadd.s32 s0, s3;
	s0 =	sld [smem:$0x3FA7]  }
0x30: {  	s3 =	sld [smem:$0x3FAA]  }
0x31: {  	[smem:$0x3FB3] =	sst s10  }
0x32: {  	s10 =	sld [smem:$0x3FB1];
	_ =	sdelay $0x3  }
0x33: {  	p0 =	seq.s32 s10, $0x1;
	s10 =	sld [smem:$0x3FB3];
	_ =	sdelay $0x3  }
0x34: {  	[smem:$0x3FB3] =	sst s10  }
0x35: {  	s10 =	sld [smem:$0x3FB2];
	_ =	sdelay $0x3  }
0x36: {  	p1 =	seq.s32 s10, $0x1;
	s10 =	sld [smem:$0x3FB3];
	_ =	sdelay $0x3  }
0x37: {  	[smem:$0x3FB3] =	sst s10  }
0x38: {  	s10 =	sld [smem:$0x3FB4]  }
0x39: {  	_ = 	snop;
	(pc) =	sbr.ind lr, $3  }
0x3a: {  	_ = 	snop  }
0x3b: {  	_ = 	snop  }
0x3c: {  	p2 =	seq.s32 s10, $0x1;
	s10 =	sld [smem:$0x3FB3]  }
0x3d: {  	_ =	shalt  }
0x3e: {  	_ =	shalt  }
0x3f: {  	_ =	shalt  }
0x40: {  	_ =	shalt  }
0x41: {  	_ =	shalt  }
0x42: {  	_ =	shalt  }
0x43: {  	_ =	shalt  }
0x44: {  	_ =	shalt  }
0x45: {  	_ =	shalt  }
0x46: {  	_ =	shalt  }
0x47: {  	_ =	shalt  }
0x48: {  	_ =	shalt  }
0x49: {  	_ =	shalt  }
0x4a: {  	_ =	shalt  }
0x4b: {  	_ =	shalt  }
0x4c: {  	_ =	shalt  }
0x4d: {  	_ =	shalt  }
0x4e: {  	_ =	shalt  }
0x4f: {  	_ =	shalt  }
0x50: {  	_ =	shalt  }
0x51: {  	_ =	shalt  }
0x52: {  	_ =	shalt  }
0x53: {  	_ =	shalt  }
0x54: {  	_ =	shalt  }
0x55: {  	_ =	shalt  }
0x56: {  	_ =	shalt  }
0x57: {  	_ =	shalt  }
0x58: {  	_ =	shalt  }
0x59: {  	_ =	shalt  }
0x5a: {  	_ =	shalt  }
0x5b: {  	_ =	shalt  }
0x5c: {  	_ =	shalt  }
0x5d: {  	_ =	shalt  }
0x5e: {  	_ =	shalt  }
0x5f: {  	_ =	shalt  }
0x60: {  	_ =	shalt  }
0x61: {  	_ =	shalt  }
0x62: {  	_ =	shalt  }
0x63: {  	_ =	shalt  }
0x64: {  	_ =	shalt  }
0x65: {  	_ =	shalt  }
0x66: {  	_ =	shalt  }
0x67: {  	_ =	shalt  }
0x68: {  	_ =	shalt  }
0x69: {  	_ =	shalt  }
0x6a: {  	_ =	shalt  }
0x6b: {  	_ =	shalt  }
0x6c: {  	_ =	shalt  }
0x6d: {  	_ =	shalt  }
0x6e: {  	_ =	shalt  }
0x6f: {  	_ =	shalt  }
0x70: {  	_ =	shalt  }
0x71: {  	_ =	shalt  }
0x72: {  	_ =	shalt  }
0x73: {  	_ =	shalt  }
0x74: {  	_ =	shalt  }
0x75: {  	_ =	shalt  }
0x76: {  	_ =	shalt  }
0x77: {  	_ =	shalt  }
0x78: {  	_ =	shalt  }
0x79: {  	_ =	shalt  }
0x7a: {  	_ =	shalt  }
0x7b: {  	_ =	shalt  }
0x7c: {  	_ =	shalt  }
0x7d: {  	_ =	shalt  }
0x7e: {  	_ =	shalt  }
0x7f: {  	_ =	shalt  }
0x80: {  	_ =	shalt  }
0x81: {  	_ =	shalt  }
0x82: {  	_ =	shalt  }
0x83: {  	_ =	shalt  }
0x84: {  	_ =	shalt  }
0x85: {  	_ =	shalt  }
0x86: {  	_ =	shalt  }
0x87: {  	_ =	shalt  }
.Lfunc_end0:
.L_simem_size_0:
called_computation.4_lowered:
.L_overlay_start_0:
0x88: {  	s2 =	sld [smem:$0x3FD9]  }
0x89: {  	s3 =	sld [smem:$0x3FFE];
	_ =	sdelay $0x1  }
0x8a: {  	s1 =	srdreg.scid  }
0x8b: {  	s0 =	sand.u32 $0x1, s1  }
0x8c: {  	s17 =	sshll.u32 s0, $0xA;
	s2 =	sadd.s32 s3, s2  }
0x8d: {  	s2 =	sadd.s32 s2, s17  }
0x8e: {  	[smem:$0x3FBF] =	sst s2  }
0x8f: {  	_ = 	snop  }
0x90: {  	s2 =	sld [smem:$0x3FC7]  }
0x91: {  	s18 =	sld [smem:$0x3FD0];
	(tm) =	ssettm $0x1  }
0x92: {  	s4 =	sld [smem:$0x3FFB];
	_ =	sdelay $0x3  }
0x93: {  	_ =	strace s4  }
0x94: {  	s4 =	sld [smem:$0x3FFC];
	_ =	sdelay $0x3  }
0x95: {  	_ =	strace s4  }
0x96: {  	s4 =	sld [smem:$0x3FFD];
	_ =	sdelay $0x3  }
0x97: {  	_ =	strace s4  }
0x98: {  	_ =	strace $0x8FFFFFFF  }
0x99: {  	s19 =	sld [smem:$0x3FDB];
	_ =	sdelay $0x1  }
0x9a: {  	s5 =	simm.s32 $_scs_section_size  }
0x9b: {  	s6 =	simm.s32 $_size__tile_overlayer_lowered;
	s7 =	simm.s32 $_tile_overlayer_lowered  }
0x9c: {  	s22 =	simm.s32 $0x1BFF;
	s21 =	sshll.u32 s7, $0x1;
	s4 =	sadd.s32 s5, s19  }
0x9d: {  	s8 =	simm.s32 $0x0;
	s20 =	sshll.u32 s6, $0x1;
	s6 =	sadd.s32 s21, s4  }
0x9e: {  	[timem:s8], [sflag:s22] =	dma.local [hbm:s6], s20  }
0x9f: {  	_ =	swait.ge [sflag:s22], s20  }
0xa0: {  	s5 =	ssub.s32 $0x0, s20;
	[sflag:s22] =	ssyncset.done $0x0  }
0xa1: {  	[sflag:s22] =	ssyncadd.s32 s5;
	_ =	sdelay $0x1  }
0xa2: {  	s23 =	simm.s32 $0x1B8B  }
0xa3: {  	_ =	swait.ge [sflag:s23], $0x1  }
0xa4: {  	[sflag:s23] =	ssyncset.done $0x0  }
0xa5: {  	s25 =	simm.s32 $0x1B8E;
	s24 =	sld [smem:$0x3FFE];
	[sflag:s23] =	ssyncadd.s32 $0xFFFFFFFF  }
0xa6: {  	s26 =	simm.s32 $execute0_lowered;
	[smem:$0x3FD2] =	sst s25  }
0xa7: {  	s6 =	sshll.u32 s26, $0x1;
	_ =	strace $0x80000052;
	[dreg:$0x1] =	wrdreg $0xFFFFFFFF  }
0xa8: {  	s28 =	simm.s32 $_size_execute0_lowered;
	s4 =	sadd.s32 s4, s6;
	[dreg:$0x0] =	wrdreg $0x0  }
0xa9: {  	s6 =	sshll.u32 s28, $0x1;
	[dreg:$0x2] =	wrdreg s4  }
0xaa: {  	[dreg:$0x3] =	wrdreg s6  }
0xab: {  	[dreg:$0x4] =	wrdreg $0xC0  }
0xac: {  	_ =	task [dreg:s8], $0x5FFFF  }
0xad: {  	[dreg:$0x1] =	wrdreg $0xFFFFFFFF  }
0xae: {  	[dreg:$0x0] =	wrdreg $0x60  }
0xaf: {  	[dreg:$0x2] =	wrdreg s24  }
0xb0: {  	[dreg:$0x3] =	wrdreg s2  }
0xb1: {  	[dreg:$0x4] =	wrdreg s18  }
0xb2: {  	[dreg:$0x5] =	wrdreg $0x57400  }
0xb3: {  	[dreg:$0x6] =	wrdreg $0x5B400  }
0xb4: {  	[dreg:$0x7] =	wrdreg $0x9  }
0xb5: {  	_ =	task.clear_ibuf [dreg:s8], $0x8FFFF;
	_ =	strace $0x90000052  }
0xb6: {  	s29 =	simm.s32 $0x9;
	_ =	strace $0x80000054  }
0xb7: {  	_ =	swait.ge [sflag:s29], $0x1  }
0xb8: {  	[sflag:s29] =	ssyncadd.s32 $0xFFFFFFFF  }
0xb9: {  	_ =	strace $0x90000054  }
0xba: {  	_ =	sfence  }
0xbb: {  	s30 =	sld [smem:$0x0];
	_ =	sdelay $0x2  }
0xbc: {  	s31 =	sshll.u32 s1, $0xD;
	s1 =	sshrl.u32 s1, $0x2  }
0xbd: {  	s3 =	sand.u32 $0x4000, s31;
	s1 =	sadd.s32 s1, s30  }
0xbe: {  	s0 =	sor.u32 s3, s0;
	s1 =	sshll.u32 s1, $0x11  }
0xbf: {  	s0 =	sor.u32 s1, s0  }
0xc0: {  	s0 =	sadd.s32 $0x8F2B, s0  }
0xc1: {  	[sflag:s0] =	ssyncadd.remote.s32 $0x1  }
0xc2: {  	_ =	sfence.sel $0xFFFF  }
0xc3: {  	[dreg:$0x0] =	wrdreg $0xFFFFFFFF;
	(pc) =	sbr.abs _section_cstart, $3  }
0xc4: {  	[dreg:$0x1] =	wrdreg $0xFFFFFFFF  }
0xc5: {  	_ =	task.clear_ibuf [dreg:s8], $0x2FFFF;
	_ =	strace $0x9FFFFFFF  }
0xc6: {  	(tm) =	ssettm $0x7FFFFFFF  }
0xc7: {  	_ =	shalt  }
tec
execute0_lowered:
.L_overlay_start_1:
0x0: {  	(tag) =	ssettag $0x1  }
0x1: {  	s14 =	rddreg [dreg:$0x0]  }
0x2: {  	s1 =	rddreg [dreg:$0x1]  }
0x3: {  	s2 =	rddreg [dreg:$0x2]  }
0x4: {  	s3 =	rddreg [dreg:$0x3]  }
0x5: {  	s4 =	rddreg [dreg:$0x4]  }
0x6: {  	s0 =	rddreg [dreg:$0x5];
	s5 =	simm.s32 $0x0  }
0x7: {  	s11 =	srdreg.scid;
	s19 =	stileid.u32;
	s21 =	simm.s32 $0x1520  }
0x8: {  	s22 =	simm.s32 $0x80;
	[smem:$0x7FF] =	sst s5;
	s6 =	sadd.s32 $0x4200, s14  }
0x9: {  	s7 =	sadd.s32 $0x65E00, s14;
	s8 =	sadd.s32 $0x66000, s14;
	s9 =	sadd.s32 $0x66A00, s14  }
0xa: {  	s10 =	sadd.s32 $0x66200, s14;
	s18 =	sand.u32 $0x1, s11;
	s11 =	sadd.s32 $0x67200, s14  }
0xb: {  	s12 =	sadd.s32 $0x67400, s14;
	s16 =	sshll.u32 s19, $0x1;
	p0 =	seq.s32 s19, $0x0  }
0xc: {  	s14 =	sadd.s32 $0x65C00, s14;
	s17 =	sshll.u32 s19, $0x8;
	s31 =	sshll.u32 s19, $0xA  }
0xd: {  	_ =	strace $0x80000053;
	s13 =	ssub.s32 $0x2, s18;
	s23 =	sor.u32 s18, s16  }
0xe: {  	p1 =	seq.s32 s18, $0x1;
	s24 =	sor.u32 s18, s19;
	s20 =	sshll.u32 s18, $0x7  }
0xf: {  	s18 =	sshll.u32 s18, $0x9;
	s15 =	sshrl.u32 s13, $0x1;
	p0 =	por !p0, !p1  }
0x10: {  	s16 =	ssub.s32 $0x30C, s23;
	s17 =	sor.u32 s20, s17;
	s18 =	sor.u32 s18, s31  }
0x11: {  	p1 =	sne.s32 s19, $0x0;
	s19 =	simm.s32 $0x1080;
	s20 =	simm.s32 $0x1  }
0x12: {  	p2 =	sne.s32 s23, $0x0;
	p3 =	sne.s32 s24, $0x0;
	s23 =	simm.s32 $0x0  }
0x13: {  	s15 =	ssub.s32 s13, s15;
	s13 =	sadd.s32 $0x30D0, s1;
	s16 =	sshrl.u32 s16, $0x5  }
0x14: {  	p0 =	por !p0, !p0;
	s15 =	smax.u32 s15, $0x1;
	s16 =	sxor.u32 $0xFFFFFFFF, s16  }
.LBB2_1:
0x15: {  	[tilespmem:s19], [sflag:$0x1] =	stream.linear.gather [hbm4b:s8+s5], $0x80, $0x38;
	[tilespmem:$0x5B60] =	vst v63  }
0x16: {  	_ =	swait.ge [sflag:s20], $0x80  }
0x17: {  	[sflag:s20] =	ssyncset.done $0x0  }
0x18: {  	[sflag:s20] =	ssyncadd.s32 $0xFFFFFF80  }
0x19: {  	[tilespmem:s21], [sflag:$0x1] =	stream.linear.gather [hbm4b:s8+s5], $0x20, $0x38;
	[tilespmem:$0x5B60] =	vst v63  }
0x1a: {  	_ =	swait.ge [sflag:s20], $0x20  }
0x1b: {  	s28 =	simm.s32 @!p1 $0x0;
	[sflag:s20] =	ssyncset.done $0x0  }
0x1c: {  	s25 =	simm.s32 @!p1 $0x1540;
	s24 =	simm.s32 @!p1 $0x1;
	[sflag:s20] =	ssyncadd.s32 $0xFFFFFFE0  }
0x1d: {  	[tilespmem:s25], [sflag:$0x1] =	stream.linear.gather @!p1 [hbm4b:s2+s28], $0x4000, $0x38;
	[tilespmem:$0x5B60] =	vst v63  }
0x1e: {  	_ =	swait.ge @!p1 [sflag:s24], $0x4000  }
0x1f: {  	[sflag:s24] =	ssyncset.done @!p1 $0x0  }
0x20: {  	s26 =	simm.s32 @!p1 $0x5540;
	[sflag:s24] =	ssyncadd.s32 @!p1 $0xFFFFC000  }
0x21: {  	[tilespmem:s26], [sflag:$0x1] =	stream.linear.gather @!p1 [hbm4b:s7+s28], $0x200, $0x38;
	[tilespmem:$0x5B60] =	vst v63  }
0x22: {  	_ =	swait.ge @!p1 [sflag:s24], $0x200  }
0x23: {  	[sflag:s24] =	ssyncset.done @!p1 $0x0  }
0x24: {  	[sflag:s24] =	ssyncadd.s32 @!p1 $0xFFFFFE00  }
0x25: {  	[spmem:s3] =	stream.linear.scatter @!p1 [tilespmem:s25], [sflag:$0x1], $0x4000, $0x38;
	[tilespmem:$0x5B60] =	vst v63  }
0x26: {  	_ =	swait.ge @!p1 [sflag:s24], $0x4000  }
0x27: {  	s28 =	sadd.s32 $0x1, s16;
	[sflag:s24] =	ssyncset.done @!p1 $0x0  }
0x28: {  	p5 =	seq.s32 s28, $0x0;
	[sflag:s24] =	ssyncadd.s32 @!p1 $0xFFFFC000  }
0x29: {  	[spmem:s4] =	stream.linear.scatter @!p1 [tilespmem:s26], [sflag:$0x1], $0x200, $0x38;
	[tilespmem:$0x5B60] =	vst v63  }
.Ltmp0:
0x2a: {  	_ =	swait.ge @!p1 [sflag:s24], $0x200;
	(pc) =	sbr.rel @p5 .LBB2_2-.Ltmp0, $4  }
0x2b: {  	[sflag:s24] =	ssyncset.done @!p1 $0x0  }
0x2c: {  	[sflag:s24] =	ssyncadd.s32 @!p1 $0xFFFFFE00  }
0x2d: {  	[bflag:$0x0] =	sbarrier.arrive $0xFFFF  }
0x2e: {  	s31 =	sshrl.u32 s17, $0x3;
	p4 =	por $0x0, $0x0  }
0x2f: {  	s29 =	sadd.s32 s1, s31  }
0x30: {  	[tilespmem:s5], [sflag:$0x1] =	stream.linear.gather [hbm4b:s29+s5], $0x80, $0x38;
	[tilespmem:$0x5B60] =	vst v63  }
0x31: {  	_ =	swait.ge [sflag:s20], $0x80  }
0x32: {  	s29 =	sand.u32 $0x1FFFFE00, s18;
	[sflag:s20] =	ssyncset.done $0x0  }
0x33: {  	s29 =	sadd.s32 s6, s29;
	[sflag:s20] =	ssyncadd.s32 $0xFFFFFF80  }
0x34: {  	[tilespmem:s22], [sflag:$0x1] =	stream.linear.gather [hbm4b:s29+s5], $0x1000, $0x38;
	[tilespmem:$0x5B60] =	vst v63  }
0x35: {  	_ =	swait.ge [sflag:s20], $0x1000  }
0x36: {  	[sflag:s20] =	ssyncset.done $0x0  }
0x37: {  	s29 =	sadd.s32 $0x1, s28;
	[sflag:s20] =	ssyncadd.s32 $0xFFFFF000  }
0x38: {  	[spmem:s3] =	stream.indirect.scatter.add.f32 [tilespmem:s22], [sflag:$0x1], $0x20, s5, s22, $0xb8;
	[tilespmem:$0x5B60] =	vst v63  }
0x39: {  	p5 =	seq.s32 s29, $0x0;
	_ =	swait.ge [sflag:s20], $0x1000  }
.Ltmp1:
0x3a: {  	[sflag:s20] =	ssyncset.done $0x0;
	(pc) =	sbr.rel @p5 .LBB2_5-.Ltmp1, $4  }
0x3b: {  	[sflag:s20] =	ssyncadd.s32 $0xFFFFF000  }
0x3c: {  	[spmem:s4] =	stream.indirect.scatter.add.f32 [tilespmem:s19], [sflag:$0x1], $0x1, s5, s22, $0xb8;
	[tilespmem:$0x5B60] =	vst v63  }
0x3d: {  	s30 =	sadd.s32 $0x1000, s17;
	p4 =	por $0x1, $0x1;
	_ =	swait.ge [sflag:s20], $0x80  }
0x3e: {  	s31 =	sshrl.u32 s30, $0x3;
	s28 =	sadd.s32 $0x4000, s18;
	[sflag:s20] =	ssyncset.done $0x0  }
.LBB2_4:
0x3f: {  	s29 =	sadd.s32 $0x1, s29;
	s31 =	sadd.s32 s1, s31;
	[sflag:s20] =	ssyncadd.s32 $0xFFFFFF80  }
0x40: {  	[tilespmem:s5], [sflag:$0x1] =	stream.linear.gather [hbm4b:s31+s5], $0x80, $0x38;
	[tilespmem:$0x5B60] =	vst v63  }
0x41: {  	p5 =	seq.s32 s29, $0x0;
	_ =	swait.ge [sflag:s20], $0x80  }
0x42: {  	s31 =	sand.u32 $0x1FFFFE00, s28;
	[sflag:s20] =	ssyncset.done $0x0  }
0x43: {  	s31 =	sadd.s32 s6, s31;
	[sflag:s20] =	ssyncadd.s32 $0xFFFFFF80  }
0x44: {  	[tilespmem:s22], [sflag:$0x1] =	stream.linear.gather [hbm4b:s31+s5], $0x1000, $0x38;
	[tilespmem:$0x5B60] =	vst v63  }
0x45: {  	_ =	swait.ge [sflag:s20], $0x1000  }
0x46: {  	[sflag:s20] =	ssyncset.done $0x0  }
0x47: {  	[sflag:s20] =	ssyncadd.s32 $0xFFFFF000  }
0x48: {  	[spmem:s3] =	stream.indirect.scatter.add.f32 [tilespmem:s22], [sflag:$0x1], $0x20, s5, s22, $0xb8;
	[tilespmem:$0x5B60] =	vst v63  }
0x49: {  	_ =	swait.ge [sflag:s20], $0x1000  }
.Ltmp2:
0x4a: {  	[sflag:s20] =	ssyncset.done $0x0;
	(pc) =	sbr.rel @!p5 .LBB2_4-.Ltmp2, $4  }
0x4b: {  	[sflag:s20] =	ssyncadd.s32 $0xFFFFF000  }
0x4c: {  	[spmem:s4] =	stream.indirect.scatter.add.f32 [tilespmem:s19], [sflag:$0x1], $0x1, s5, s22, $0xb8;
	[tilespmem:$0x5B60] =	vst v63  }
0x4d: {  	s30 =	sadd.s32 $0x1000, s30;
	_ =	swait.ge [sflag:s20], $0x80  }
0x4e: {  	s28 =	sadd.s32 $0x4000, s28;
	s31 =	sshrl.u32 s30, $0x3;
	[sflag:s20] =	ssyncset.done $0x0  }
.LBB2_5:
0x4f: {  	s29 =	sadd.s32 s1, s31;
	[sflag:s20] =	ssyncadd.s32 @p4 $0xFFFFFF80  }
0x50: {  	[tilespmem:s5], [sflag:$0x1] =	stream.linear.gather [hbm4b:s29+s5], $0x80, $0x38;
	[tilespmem:$0x5B60] =	vst v63  }
0x51: {  	_ =	swait.ge [sflag:s20], $0x80  }
0x52: {  	s28 =	sand.u32 $0x1FFFFE00, s28;
	[sflag:s20] =	ssyncset.done $0x0  }
0x53: {  	s28 =	sadd.s32 s6, s28;
	[sflag:s20] =	ssyncadd.s32 $0xFFFFFF80  }
0x54: {  	[tilespmem:s22], [sflag:$0x1] =	stream.linear.gather [hbm4b:s28+s5], $0x1000, $0x38;
	[tilespmem:$0x5B60] =	vst v63  }
0x55: {  	_ =	swait.ge [sflag:s20], $0x1000  }
0x56: {  	[sflag:s20] =	ssyncset.done $0x0  }
0x57: {  	[sflag:s20] =	ssyncadd.s32 $0xFFFFF000  }
0x58: {  	[spmem:s3] =	stream.indirect.scatter.add.f32 [tilespmem:s22], [sflag:$0x1], $0x20, s5, s22, $0xb8;
	[tilespmem:$0x5B60] =	vst v63  }
0x59: {  	_ =	swait.ge [sflag:s20], $0x1000  }
0x5a: {  	[sflag:s20] =	ssyncset.done $0x0  }
0x5b: {  	[sflag:s20] =	ssyncadd.s32 $0xFFFFF000  }
0x5c: {  	[spmem:s4] =	stream.indirect.scatter.add.f32 [tilespmem:s19], [sflag:$0x1], $0x1, s5, s22, $0xb8;
	[tilespmem:$0x5B60] =	vst v63  }
0x5d: {  	_ =	swait.ge [sflag:s20], $0x80  }
0x5e: {  	s30 =	simm.s32 @!p2 $0x1;
	[sflag:s20] =	ssyncset.done $0x0  }
0x5f: {  	s29 =	simm.s32 @!p2 $0x1100;
	s28 =	simm.s32 @!p2 $0x0;
	[sflag:s20] =	ssyncadd.s32 $0xFFFFFF80  }
0x60: {  	[tilespmem:s29], [sflag:$0x1] =	stream.linear.gather @!p2 [hbm4b:s13+s28], $0x20, $0x38;
	[tilespmem:$0x5B60] =	vst v63  }
0x61: {  	_ =	swait.ge @!p2 [sflag:s30], $0x20  }
0x62: {  	[sflag:s30] =	ssyncset.done @!p2 $0x0  }
0x63: {  	s31 =	simm.s32 @!p2 $0x1120;
	[sflag:s30] =	ssyncadd.s32 @!p2 $0xFFFFFFE0  }
0x64: {  	[tilespmem:s31], [sflag:$0x1] =	stream.linear.gather @!p2 [hbm4b:s14+s28], $0x400, $0x38;
	[tilespmem:$0x5B60] =	vst v63  }
0x65: {  	_ =	swait.ge @!p2 [sflag:s30], $0x400  }
0x66: {  	[sflag:s30] =	ssyncset.done @!p2 $0x0  }
0x67: {  	s28 =	simm.s32 @!p2 $0x20;
	[sflag:s30] =	ssyncadd.s32 @!p2 $0xFFFFFC00  }
0x68: {  	[spmem:s3] =	stream.indirect.scatter.add.f32 @!p2 [tilespmem:s31], [sflag:$0x1], $0x20, s29, s28, $0xb8;
	[tilespmem:$0x5B60] =	vst v63  }
0x69: {  	_ =	swait.ge @!p2 [sflag:s30], $0x400  }
0x6a: {  	[sflag:s30] =	ssyncset.done @!p2 $0x0  }
0x6b: {  	s31 =	simm.s32 @!p2 $0x1520;
	[sflag:s30] =	ssyncadd.s32 @!p2 $0xFFFFFC00  }
0x6c: {  	[spmem:s4] =	stream.indirect.scatter.add.f32 @!p2 [tilespmem:s31], [sflag:$0x1], $0x1, s29, s28, $0xb8;
	[tilespmem:$0x5B60] =	vst v63  }
0x6d: {  	_ =	swait.ge @!p2 [sflag:s30], $0x20  }
0x6e: {  	[sflag:s30] =	ssyncset.done @!p2 $0x0  }
0x6f: {  	[sflag:s30] =	ssyncadd.s32 @!p2 $0xFFFFFFE0  }
0x70: {  	[bflag:$0x0] =	sbarrier.arrive $0xFFFF  }
0x71: {  	[tilespmem:s25], [sflag:$0x1] =	stream.linear.gather @!p1 [spmem:s3], $0x4000, $0x38;
	[tilespmem:$0x5B60] =	vst v63  }
0x72: {  	_ =	swait.ge @!p1 [sflag:s24], $0x4000  }
0x73: {  	[sflag:s24] =	ssyncset.done @!p1 $0x0  }
0x74: {  	[sflag:s24] =	ssyncadd.s32 @!p1 $0xFFFFC000  }
0x75: {  	[tilespmem:s26], [sflag:$0x1] =	stream.linear.gather @!p1 [spmem:s4], $0x200, $0x38;
	[tilespmem:$0x5B60] =	vst v63  }
0x76: {  	_ =	swait.ge @!p1 [sflag:s24], $0x200  }
0x77: {  	[sflag:s24] =	ssyncset.done @!p1 $0x0  }
0x78: {  	s25 =	simm.s32 @!p3 $0x1540;
	[sflag:s24] =	ssyncadd.s32 @!p1 $0xFFFFFE00;
	s24 =	simm.s32 @!p3 $0x0  }
0x79: {  	[hbm4b:s9+s24] =	stream.linear.scatter @!p3 [tilespmem:s25], [sflag:$0x1], $0x4000, $0x38;
	[tilespmem:$0x5B60] =	vst v63  }
0x7a: {  	s25 =	simm.s32 @!p3 $0x1  }
0x7b: {  	_ =	swait.ge @!p3 [sflag:s25], $0x4000  }
0x7c: {  	[sflag:s25] =	ssyncset.done @!p3 $0x0  }
0x7d: {  	s26 =	simm.s32 @!p3 $0x5540;
	[sflag:s25] =	ssyncadd.s32 @!p3 $0xFFFFC000  }
0x7e: {  	[hbm4b:s11+s24] =	stream.linear.scatter @!p3 [tilespmem:s26], [sflag:$0x1], $0x200, $0x38;
	[tilespmem:$0x5B60] =	vst v63  }
0x7f: {  	_ =	swait.ge @!p3 [sflag:s25], $0x200  }
0x80: {  	[sflag:s25] =	ssyncset.done @!p3 $0x0  }
0x81: {  	s24 =	simm.s32 @p0 $0x0;
	[sflag:s25] =	ssyncadd.s32 @!p3 $0xFFFFFE00;
	s25 =	simm.s32 @p0 $0x1540  }
0x82: {  	[hbm4b:s10+s24] =	stream.linear.scatter @p0 [tilespmem:s25], [sflag:$0x1], $0x4000, $0x38;
	[tilespmem:$0x5B60] =	vst v63  }
0x83: {  	s25 =	simm.s32 @p0 $0x1  }
0x84: {  	_ =	swait.ge @p0 [sflag:s25], $0x4000  }
0x85: {  	s23 =	sadd.s32 $0x1, s23;
	[sflag:s25] =	ssyncset.done @p0 $0x0  }
0x86: {  	p4 =	sne.s32 s23, s15;
	s26 =	simm.s32 @p0 $0x5540;
	[sflag:s25] =	ssyncadd.s32 @p0 $0xFFFFC000  }
0x87: {  	[hbm4b:s12+s24] =	stream.linear.scatter @p0 [tilespmem:s26], [sflag:$0x1], $0x200, $0x38;
	[tilespmem:$0x5B60] =	vst v63  }
.Ltmp3:
0x88: {  	_ = 	snop;
	(pc) =	sbr.rel @p4 .LBB2_1-.Ltmp3, $4  }
.Ltmp4:
0x89: {  	_ = 	snop;
	(pc) =	sbr.rel @!p4 .LBB2_6-.Ltmp4, $4  }
0x8a: {  	_ =	swait.ge @p0 [sflag:s25], $0x200  }
0x8b: {  	[sflag:s25] =	ssyncset.done @p0 $0x0  }
0x8c: {  	[sflag:s25] =	ssyncadd.s32 @p0 $0xFFFFFE00  }
0x8d: {  	_ = 	snop  }
.LBB2_2:
.Ltmp5:
0x8e: {  	(pc) =	sbr.rel .LBB2_5-.Ltmp5, $2  }
0x8f: {  	_ =	sdelay $0x2  }
0x90: {  	s28 =	smov.u32 s18  }
.LBB2_6:
0x91: {  	_ =	sfence.sel $0x180000  }
0x92: {  	[bflag:$0x0] =	sbarrier.arrive $0xFFFF  }
0x93: {  	_ =	strace $0x90000053  }
0x94: {  	s0 =	sadd.s32 @!p1 $0x100000, s0;
	[bflag:$0x2] =	sbarrier.arrive $0xFFFF  }
0x95: {  	[sflag:s0] =	ssyncadd.tile.s32 @!p1 $0x1;
	_ =	shalt  }
.Lfunc_end2:
_tile_overlayer_lowered:
.L_overlay_start_2:
0x96: {  	(tag) =	ssettag $0x2  }
0x97: {  	s0 =	rddreg [dreg:$0x0];
	s2 =	stileid.u32  }
0x98: {  	s1 =	rddreg [dreg:$0x1];
	p0 =	sne.s32 s2, $0x0  }
0x99: {  	s3 =	rddreg [dreg:$0x2];
	[bflag:$0x3] =	sbarrier.arrive $0xFFFF;
	s2 =	simm.s32 @!p0 $0x1C01  }
0x9a: {  	[timem:s3], [sflag:s2] =	dma.local @!p0 [hbm:s0], s1  }
0x9b: {  	s0 =	simm.s32 @!p0 $0x1  }
0x9c: {  	_ =	swait.ge @!p0 [sflag:s0], s1  }
0x9d: {  	s1 =	ssub.s32 @!p0 $0x0, s1;
	[sflag:s0] =	ssyncset.done @!p0 $0x0  }
0x9e: {  	[sflag:s0] =	ssyncadd.s32 @!p0 s1  }
0x9f: {  	[bflag:$0x3] =	sbarrier.arrive $0xFFFF  }
0xa0: {  	_ =	shalt  }

</sc_bundles>
